<compile_context>
chip_gen: v7x
topology: tpu7x:2x2x1
jax: 0.10.2.dev20260603
libtpu: 0.0.44.dev20260713+nightly
codegen_flags: <defaults>
</compile_context>

<pallas_src>
import functools

import jax
import jax.numpy as jnp
from jax import lax
from jax.experimental import pallas as pl
from jax.experimental.pallas import tpu as pltpu
from jax.experimental.pallas import tpu_sc as plsc

N = 10000
E = 160000
D = 256
DE = 16
H = 128
NC = 2
NS = 16
LANES = 16

K = 64
NCHUNKS = E // K
CH = NCHUNKS // NS
NEXTRA = NCHUNKS - CH * NS
R_A = 632
R_B = N - (NS - 1) * R_A


def _edge_proj_body(ea_ref, we_ref, be_ref, x_ref, eq_ref, xs_ref):
    eq_ref[...] = (
        lax.dot_general(ea_ref[...], we_ref[...],
                        (((0,), (0,)), ((), ())),
                        preferred_element_type=jnp.float32)
        + be_ref[0]
    )
    xs_ref[...] = x_ref[...]


BE = 6400
NBE = E // BE
BXN = N // NBE


def _edge_proj(edge_attr_t, W_edge, b_edge, x):
    b3d = b_edge.reshape(NC, 1, H)
    return pl.pallas_call(
        _edge_proj_body,
        grid=(NC, NBE),
        in_specs=[
            pl.BlockSpec((DE, BE), lambda c, j: (0, j)),
            pl.BlockSpec((DE, H), lambda c, j: (0, c)),
            pl.BlockSpec((1, 1, H), lambda c, j: (c, 0, 0)),
            pl.BlockSpec((BXN, H), lambda c, j: (j, c)),
        ],
        out_specs=[
            pl.BlockSpec((BE, H), lambda c, j: (c * NBE + j, 0)),
            pl.BlockSpec((BXN, H), lambda c, j: (c * NBE + j, 0)),
        ],
        out_shape=[
            jax.ShapeDtypeStruct((NC * E, H), jnp.float32),
            jax.ShapeDtypeStruct((NC * N, H), jnp.float32),
        ],
    )(edge_attr_t, W_edge, b3d, x)


def _sc_aggregate_body(x_hbm, eq_hbm, src_hbm, dst_hbm, out_hbm,
                       accum, *rest):
    sidx = rest[0:3]
    didx = rest[3:6]
    bmsg = rest[6:9]
    bep = rest[9:12]
    gsem = rest[12:15]
    esem = rest[15:18]
    ssem = rest[18:21]
    isem = rest[21:24]
    dsem = rest[24:27]
    cid = lax.axis_index("c")
    sid = lax.axis_index("s")

    row0 = sid * R_A

    @pl.when(sid < NS - 1)
    def _():
        pltpu.sync_copy(x_hbm.at[pl.ds(cid * N + row0, R_A)],
                        accum.at[pl.ds(row0, R_A)])

    @pl.when(sid == NS - 1)
    def _():
        pltpu.sync_copy(x_hbm.at[pl.ds(cid * N + row0, R_B)],
                        accum.at[pl.ds(row0, R_B)])

    plsc.subcore_barrier()

    def load_sidx(c, b):
        pltpu.async_copy(src_hbm.at[pl.ds(cid * E + c * K, K)], sidx[b],
                         isem[b])

    def wait_sidx(b):
        pltpu.make_async_copy(src_hbm.at[pl.ds(0, K)], sidx[b],
                              isem[b]).wait()

    def load_didx(c, b):
        pltpu.async_copy(dst_hbm.at[pl.ds(c * K, K)], didx[b], dsem[b])

    def wait_didx(b):
        pltpu.make_async_copy(dst_hbm.at[pl.ds(0, K)], didx[b],
                              dsem[b]).wait()

    def load_main(c, b):
        pltpu.async_copy(x_hbm.at[sidx[b]], bmsg[b], gsem[b])
        pltpu.async_copy(eq_hbm.at[pl.ds(cid * E + c * K, K)],
                         bep[b], esem[b])

    def wait_main(b):
        pltpu.make_async_copy(x_hbm.at[sidx[b]], bmsg[b], gsem[b]).wait()
        pltpu.make_async_copy(eq_hbm.at[pl.ds(0, K)], bep[b],
                              esem[b]).wait()

    def issue_scatter(b):
        pltpu.async_copy(bmsg[b], accum.at[didx[b]], ssem[b], add=True)

    def wait_scatter(b):
        pltpu.make_async_copy(bmsg[b], accum.at[didx[b]], ssem[b]).wait()

    def compute(b):
        @plsc.parallel_loop(0, K, 1, unroll=4)
        def _(r):
            for g in range(H // LANES):
                sl = pl.ds(g * LANES, LANES)
                bmsg[b][r, sl] = jnp.maximum(bmsg[b][r, sl] + bep[b][r, sl],
                                             0.0)

    def slot(c, b, prologue_slot):
        b1 = (b + 1) % 3
        b2 = (b + 2) % 3
        if not prologue_slot:
            wait_scatter(b1)
        load_didx(c + 1, b1)
        load_sidx(c + 2, b2)
        wait_sidx(b1)
        load_main(c + 1, b1)
        wait_main(b)
        compute(b)
        wait_didx(b)
        issue_scatter(b)

    c0 = sid * CH
    load_sidx(c0, 0)
    load_sidx(c0 + 1, 1)
    load_didx(c0, 0)
    wait_sidx(0)
    load_main(c0, 0)
    slot(c0, 0, True)
    slot(c0 + 1, 1, True)
    slot(c0 + 2, 2, False)

    def loop_body(t, carry):
        c = c0 + 3 + 3 * t
        slot(c, 0, False)
        slot(c + 1, 1, False)
        slot(c + 2, 2, False)
        return carry

    lax.fori_loop(0, (CH - 3) // 3, loop_body, 0)

    wait_scatter((CH - 2) % 3)
    wait_scatter((CH - 1) % 3)
    wait_main(CH % 3)
    wait_didx(CH % 3)
    wait_sidx((CH + 1) % 3)

    @pl.when(sid < NEXTRA)
    def _():
        c = NS * CH + sid
        load_sidx(c, 0)
        load_didx(c, 0)
        wait_sidx(0)
        load_main(c, 0)
        wait_main(0)
        compute(0)
        wait_didx(0)
        issue_scatter(0)
        wait_scatter(0)

    plsc.subcore_barrier()

    @pl.when(sid < NS - 1)
    def _():
        pltpu.sync_copy(accum.at[pl.ds(row0, R_A)],
                        out_hbm.at[pl.ds(cid * N + row0, R_A)])

    @pl.when(sid == NS - 1)
    def _():
        pltpu.sync_copy(accum.at[pl.ds(row0, R_B)],
                        out_hbm.at[pl.ds(cid * N + row0, R_B)])


_sc_aggregate = functools.partial(
    pl.kernel,
    out_type=jax.ShapeDtypeStruct((NC * N, H), jnp.float32),
    mesh=plsc.VectorSubcoreMesh(core_axis_name="c", subcore_axis_name="s",
                                num_cores=NC, num_subcores=NS),
    scratch_types=(
        [pltpu.VMEM_SHARED((N, H), jnp.float32)]
        + [pltpu.VMEM((K,), jnp.int32) for _ in range(6)]
        + [pltpu.VMEM((K, H), jnp.float32) for _ in range(6)]
        + [pltpu.SemaphoreType.DMA for _ in range(15)]
    ),
)(_sc_aggregate_body)


def _mlp_body(h0_ref, h1_ref, w1_ref, b1_ref, w2_ref, b2_ref, out_ref):
    w1 = w1_ref[...]
    t = (
        jnp.dot(h0_ref[...], w1[0:H, :], preferred_element_type=jnp.float32)
        + jnp.dot(h1_ref[...], w1[H:D, :], preferred_element_type=jnp.float32)
        + b1_ref[...]
    )
    t = jnp.maximum(t, 0.0)
    out_ref[...] = (
        jnp.dot(t, w2_ref[...], preferred_element_type=jnp.float32)
        + b2_ref[...]
    )


BN = 1000
NBN = N // BN


def _mlp(h_split, W1, b1, W2, b2):
    return pl.pallas_call(
        _mlp_body,
        grid=(NBN,),
        in_specs=[
            pl.BlockSpec((BN, H), lambda i: (i, 0)),
            pl.BlockSpec((BN, H), lambda i: (NBN + i, 0)),
            pl.BlockSpec((D, 2 * D), lambda i: (0, 0)),
            pl.BlockSpec((1, 2 * D), lambda i: (0, 0)),
            pl.BlockSpec((2 * D, D), lambda i: (0, 0)),
            pl.BlockSpec((1, D), lambda i: (0, 0)),
        ],
        out_specs=pl.BlockSpec((BN, D), lambda i: (i, 0)),
        out_shape=jax.ShapeDtypeStruct((N, D), jnp.float32),
    )(h_split, h_split, W1, b1.reshape(1, 2 * D), W2, b2.reshape(1, D))


def kernel(x, edge_index, edge_attr, W_edge, b_edge, W1, b1, W2, b2):
    src = edge_index[0]
    dst = edge_index[1]
    src2 = jnp.concatenate([src, src + N])
    eq, x_split = _edge_proj(edge_attr.T, W_edge, b_edge, x)
    h_split = _sc_aggregate(x_split, eq, src2, dst)
    return _mlp(h_split, W1, b1, W2, b2)

# --- scband reference (transcript-rebuilt; emitter-appended) ---
"""Pipeline reference for scband-gine-65687229825298 (READ-ONLY COPY).

The authoritative reference and input builder live on the scoring server;
editing this copy changes nothing except your own understanding.
"""

import jax, jax.numpy as jnp
import numpy as np

N = 10000
E = 160000
D = 256
DE = 16


def setup_inputs(seed: int = 0) -> dict:
    key = jax.random.key(seed)
    ks = jax.random.split(key, 9)
    x = jax.random.normal(ks[0], (N, D), dtype=jnp.float32)
    edge_index = jax.random.randint(ks[1], (2, E), 0, N, dtype=jnp.int32)
    edge_attr = jax.random.normal(ks[2], (E, DE), dtype=jnp.float32)
    # lin_edge: Linear(edge_dim=16 -> in_dim=256)
    W_edge = jax.random.normal(ks[3], (DE, D), dtype=jnp.float32) * (1.0 / np.sqrt(DE))
    b_edge = jnp.zeros((D,), dtype=jnp.float32)
    # mlp: Linear(256 -> 512), ReLU, Linear(512 -> 256)
    W1 = jax.random.normal(ks[4], (D, 2 * D), dtype=jnp.float32) * (1.0 / np.sqrt(D))
    b1 = jnp.zeros((2 * D,), dtype=jnp.float32)
    W2 = jax.random.normal(ks[5], (2 * D, D), dtype=jnp.float32) * (1.0 / np.sqrt(2 * D))
    b2 = jnp.zeros((D,), dtype=jnp.float32)
    return {"x": x, "edge_index": edge_index, "edge_attr": edge_attr,
            "W_edge": W_edge, "b_edge": b_edge, "W1": W1, "b1": b1, "W2": W2, "b2": b2}


def reference(x, edge_index, edge_attr, W_edge, b_edge, W1, b1, W2, b2):
    # gather source node features along edges
    src = jnp.take(x, edge_index[0], axis=0)                 # [E, D]
    # project edge features and form messages
    e_proj = edge_attr @ W_edge + b_edge                     # [E, D]
    msg = jax.nn.relu(src + e_proj)                          # act = ReLU
    # scatter-add messages to destination nodes
    aggr = jax.ops.segment_sum(msg, edge_index[1], num_segments=x.shape[0])  # [N, D]
    # dropout p=0.0 -> identity
    h = x + aggr
    # MLP: Linear -> ReLU -> Linear
    h_out = jax.nn.relu(h @ W1 + b1) @ W2 + b2
    return h_out

if __name__ == "__main__":
    import jax
    _d = setup_inputs()
    print(jax.jit(kernel)(*tuple(_d.values())))

</pallas_src>

<mosaic_0001>
#map = affine_map<(d0, d1) -> (0, 0)>
#map1 = affine_map<(d0, d1) -> (0)>
module attributes {stable_mosaic.version = 14 : i64} {
  func.func @_sc_aggregate_body(%arg0: i32, %arg1: i32, %arg2: memref<20000x128xf32, #tpu.memory_space<hbm>>, %arg3: memref<320000x128xf32, #tpu.memory_space<hbm>>, %arg4: memref<320000xi32, #tpu.memory_space<hbm>>, %arg5: memref<160000xi32, #tpu.memory_space<hbm>>, %arg6: memref<20000x128xf32, #tpu.memory_space<hbm>>, %arg7: memref<10000x128xf32, #tpu.memory_space<vmem_shared>>, %arg8: memref<64xi32, #tpu.memory_space<vmem>>, %arg9: memref<64xi32, #tpu.memory_space<vmem>>, %arg10: memref<64xi32, #tpu.memory_space<vmem>>, %arg11: memref<64xi32, #tpu.memory_space<vmem>>, %arg12: memref<64xi32, #tpu.memory_space<vmem>>, %arg13: memref<64xi32, #tpu.memory_space<vmem>>, %arg14: memref<64x128xf32, #tpu.memory_space<vmem>>, %arg15: memref<64x128xf32, #tpu.memory_space<vmem>>, %arg16: memref<64x128xf32, #tpu.memory_space<vmem>>, %arg17: memref<64x128xf32, #tpu.memory_space<vmem>>, %arg18: memref<64x128xf32, #tpu.memory_space<vmem>>, %arg19: memref<64x128xf32, #tpu.memory_space<vmem>>, %arg20: memref<!tpu.dma_semaphore, #tpu.memory_space<semaphore_mem>>, %arg21: memref<!tpu.dma_semaphore, #tpu.memory_space<semaphore_mem>>, %arg22: memref<!tpu.dma_semaphore, #tpu.memory_space<semaphore_mem>>, %arg23: memref<!tpu.dma_semaphore, #tpu.memory_space<semaphore_mem>>, %arg24: memref<!tpu.dma_semaphore, #tpu.memory_space<semaphore_mem>>, %arg25: memref<!tpu.dma_semaphore, #tpu.memory_space<semaphore_mem>>, %arg26: memref<!tpu.dma_semaphore, #tpu.memory_space<semaphore_mem>>, %arg27: memref<!tpu.dma_semaphore, #tpu.memory_space<semaphore_mem>>, %arg28: memref<!tpu.dma_semaphore, #tpu.memory_space<semaphore_mem>>, %arg29: memref<!tpu.dma_semaphore, #tpu.memory_space<semaphore_mem>>, %arg30: memref<!tpu.dma_semaphore, #tpu.memory_space<semaphore_mem>>, %arg31: memref<!tpu.dma_semaphore, #tpu.memory_space<semaphore_mem>>, %arg32: memref<!tpu.dma_semaphore, #tpu.memory_space<semaphore_mem>>, %arg33: memref<!tpu.dma_semaphore, #tpu.memory_space<semaphore_mem>>, %arg34: memref<!tpu.dma_semaphore, #tpu.memory_space<semaphore_mem>>) attributes {dimension_semantics = [#tpu.dimension_semantics<core_parallel>, #tpu.dimension_semantics<subcore_parallel>], iteration_bounds = array<i64: 2, 16>, scalar_prefetch = 0 : i64, scratch_operands = 28 : i64, tpu.core_type = #tpu.core_type<sc_vector_subcore>, window_params = [{transform_indices = #map}, {transform_indices = #map}, {transform_indices = #map1}, {transform_indices = #map1}, {transform_indices = #map}]} {
    %mul3A = arith.constant 632 : i32
    %mul3A_0 = arith.muli %arg1, %mul3A : i32
    %lt3A = arith.constant 15 : i32
    %lt3A_1 = arith.cmpi slt, %arg1, %lt3A : i32
    %convert_element_type3A = arith.extui %lt3A_1 : i1 to i32
    %cond3A = arith.constant 0 : i32
    %cond3A_2 = arith.cmpi ne, %convert_element_type3A, %cond3A : i32
    scf.if %cond3A_2 {
      %mul3A_248 = arith.constant 10000 : i32
      %mul3A_249 = arith.muli %arg0, %mul3A_248 : i32
      %add3A_250 = arith.addi %mul3A_249, %mul3A_0 : i32
      "tpu.region"() ({
        %run_scoped3A = tpu.sem_alloc : memref<!tpu.dma_semaphore, #tpu.memory_space<semaphore_mem>>
        %dma_start3A_251 = arith.constant 0 : i32
        %dma_start3A_252 = tpu.memref_slice %arg7[%mul3A_0, %dma_start3A_251] : memref<10000x128xf32, #tpu.memory_space<vmem_shared>> -> memref<632x128xf32, #tpu.memory_space<vmem_shared>>
        %dma_start3A_253 = arith.constant 0 : i32
        %dma_start3A_254 = tpu.memref_slice %arg2[%add3A_250, %dma_start3A_253] : memref<20000x128xf32, #tpu.memory_space<hbm>> -> memref<632x128xf32, #tpu.memory_space<hbm>>
        tpu.enqueue_dma source(%dma_start3A_254 : memref<632x128xf32, #tpu.memory_space<hbm>>) target(%dma_start3A_252 : memref<632x128xf32, #tpu.memory_space<vmem_shared>>) target_semaphore(%run_scoped3A : memref<!tpu.dma_semaphore, #tpu.memory_space<semaphore_mem>>)
        %dma_wait3A_255 = arith.constant 0 : i32
        %dma_wait3A_256 = tpu.memref_slice %arg7[%mul3A_0, %dma_wait3A_255] : memref<10000x128xf32, #tpu.memory_space<vmem_shared>> -> memref<632x128xf32, #tpu.memory_space<vmem_shared>>
        %dma_wait3A_257 = arith.constant 0 : i32
        %dma_wait3A_258 = tpu.memref_slice %arg2[%add3A_250, %dma_wait3A_257] : memref<20000x128xf32, #tpu.memory_space<hbm>> -> memref<632x128xf32, #tpu.memory_space<hbm>>
        tpu.wait_dma2 semaphore(%run_scoped3A : memref<!tpu.dma_semaphore, #tpu.memory_space<semaphore_mem>>) src(%dma_wait3A_258 : memref<632x128xf32, #tpu.memory_space<hbm>>) dst(%dma_wait3A_256 : memref<632x128xf32, #tpu.memory_space<vmem_shared>>)
        tpu.yield
      }) : () -> ()
    } else {
    }
    %eq3A = arith.constant 15 : i32
    %eq3A_3 = arith.cmpi eq, %arg1, %eq3A : i32
    %convert_element_type3A_4 = arith.extui %eq3A_3 : i1 to i32
    %cond3A_5 = arith.constant 0 : i32
    %cond3A_6 = arith.cmpi ne, %convert_element_type3A_4, %cond3A_5 : i32
    scf.if %cond3A_6 {
      %mul3A_248 = arith.constant 10000 : i32
      %mul3A_249 = arith.muli %arg0, %mul3A_248 : i32
      %add3A_250 = arith.addi %mul3A_249, %mul3A_0 : i32
      "tpu.region"() ({
        %run_scoped3A = tpu.sem_alloc : memref<!tpu.dma_semaphore, #tpu.memory_space<semaphore_mem>>
        %dma_start3A_251 = arith.constant 0 : i32
        %dma_start3A_252 = tpu.memref_slice %arg7[%mul3A_0, %dma_start3A_251] : memref<10000x128xf32, #tpu.memory_space<vmem_shared>> -> memref<520x128xf32, #tpu.memory_space<vmem_shared>>
        %dma_start3A_253 = arith.constant 0 : i32
        %dma_start3A_254 = tpu.memref_slice %arg2[%add3A_250, %dma_start3A_253] : memref<20000x128xf32, #tpu.memory_space<hbm>> -> memref<520x128xf32, #tpu.memory_space<hbm>>
        tpu.enqueue_dma source(%dma_start3A_254 : memref<520x128xf32, #tpu.memory_space<hbm>>) target(%dma_start3A_252 : memref<520x128xf32, #tpu.memory_space<vmem_shared>>) target_semaphore(%run_scoped3A : memref<!tpu.dma_semaphore, #tpu.memory_space<semaphore_mem>>)
        %dma_wait3A_255 = arith.constant 0 : i32
        %dma_wait3A_256 = tpu.memref_slice %arg7[%mul3A_0, %dma_wait3A_255] : memref<10000x128xf32, #tpu.memory_space<vmem_shared>> -> memref<520x128xf32, #tpu.memory_space<vmem_shared>>
        %dma_wait3A_257 = arith.constant 0 : i32
        %dma_wait3A_258 = tpu.memref_slice %arg2[%add3A_250, %dma_wait3A_257] : memref<20000x128xf32, #tpu.memory_space<hbm>> -> memref<520x128xf32, #tpu.memory_space<hbm>>
        tpu.wait_dma2 semaphore(%run_scoped3A : memref<!tpu.dma_semaphore, #tpu.memory_space<semaphore_mem>>) src(%dma_wait3A_258 : memref<520x128xf32, #tpu.memory_space<hbm>>) dst(%dma_wait3A_256 : memref<520x128xf32, #tpu.memory_space<vmem_shared>>)
        tpu.yield
      }) : () -> ()
    } else {
    }
    %barrier3A = arith.constant 0 : index
    tpu.barrier barrier_id(%barrier3A)
    %mul3A_7 = arith.constant 156 : i32
    %mul3A_8 = arith.muli %arg1, %mul3A_7 : i32
    %mul3A_9 = arith.constant 160000 : i32
    %mul3A_10 = arith.muli %arg0, %mul3A_9 : i32
    %mul3A_11 = arith.constant 64 : i32
    %mul3A_12 = arith.muli %mul3A_8, %mul3A_11 : i32
    %add3A = arith.addi %mul3A_10, %mul3A_12 : i32
    %dma_start3A = tpu.memref_slice %arg4[%add3A] : memref<320000xi32, #tpu.memory_space<hbm>> -> memref<64xi32, #tpu.memory_space<hbm>>
    %dma_start3A_13 = tpu.memref_slice %arg4[%add3A] : memref<320000xi32, #tpu.memory_space<hbm>> -> memref<64xi32, #tpu.memory_space<hbm>>
    tpu.enqueue_dma source(%dma_start3A_13 : memref<64xi32, #tpu.memory_space<hbm>>) target(%arg8 : memref<64xi32, #tpu.memory_space<vmem>>) target_semaphore(%arg29 : memref<!tpu.dma_semaphore, #tpu.memory_space<semaphore_mem>>)
    %add3A_14 = arith.constant 1 : i32
    %add3A_15 = arith.addi %mul3A_8, %add3A_14 : i32
    %mul3A_16 = arith.constant 160000 : i32
    %mul3A_17 = arith.muli %arg0, %mul3A_16 : i32
    %mul3A_18 = arith.constant 64 : i32
    %mul3A_19 = arith.muli %add3A_15, %mul3A_18 : i32
    %add3A_20 = arith.addi %mul3A_17, %mul3A_19 : i32
    %dma_start3A_21 = tpu.memref_slice %arg4[%add3A_20] : memref<320000xi32, #tpu.memory_space<hbm>> -> memref<64xi32, #tpu.memory_space<hbm>>
    %dma_start3A_22 = tpu.memref_slice %arg4[%add3A_20] : memref<320000xi32, #tpu.memory_space<hbm>> -> memref<64xi32, #tpu.memory_space<hbm>>
    tpu.enqueue_dma source(%dma_start3A_22 : memref<64xi32, #tpu.memory_space<hbm>>) target(%arg9 : memref<64xi32, #tpu.memory_space<vmem>>) target_semaphore(%arg30 : memref<!tpu.dma_semaphore, #tpu.memory_space<semaphore_mem>>)
    %mul3A_23 = arith.constant 64 : i32
    %mul3A_24 = arith.muli %mul3A_8, %mul3A_23 : i32
    %dma_start3A_25 = tpu.memref_slice %arg5[%mul3A_24] : memref<160000xi32, #tpu.memory_space<hbm>> -> memref<64xi32, #tpu.memory_space<hbm>>
    %dma_start3A_26 = tpu.memref_slice %arg5[%mul3A_24] : memref<160000xi32, #tpu.memory_space<hbm>> -> memref<64xi32, #tpu.memory_space<hbm>>
    tpu.enqueue_dma source(%dma_start3A_26 : memref<64xi32, #tpu.memory_space<hbm>>) target(%arg11 : memref<64xi32, #tpu.memory_space<vmem>>) target_semaphore(%arg32 : memref<!tpu.dma_semaphore, #tpu.memory_space<semaphore_mem>>)
    %dma_wait3A = arith.constant 0 : i32
    %dma_wait3A_27 = tpu.memref_slice %arg4[%dma_wait3A] : memref<320000xi32, #tpu.memory_space<hbm>> -> memref<64xi32, #tpu.memory_space<hbm>>
    %dma_wait3A_28 = arith.constant 0 : i32
    %dma_wait3A_29 = tpu.memref_slice %arg4[%dma_wait3A_28] : memref<320000xi32, #tpu.memory_space<hbm>> -> memref<64xi32, #tpu.memory_space<hbm>>
    tpu.wait_dma2 semaphore(%arg29 : memref<!tpu.dma_semaphore, #tpu.memory_space<semaphore_mem>>) src(%dma_wait3A_29 : memref<64xi32, #tpu.memory_space<hbm>>) dst(%arg8 : memref<64xi32, #tpu.memory_space<vmem>>)
    %dma_start3A_30 = arith.constant 0 : i32
    %dma_start3A_31 = arith.constant 0 : i32
    %dma_start3A_32 = tpu.memref_slice %arg2[%dma_start3A_30, %dma_start3A_31] : memref<20000x128xf32, #tpu.memory_space<hbm>> -> memref<20000x128xf32, #tpu.memory_space<hbm>>
    tpu.enqueue_indirect_dma source(%dma_start3A_32 : memref<20000x128xf32, #tpu.memory_space<hbm>>) target(%arg14 : memref<64x128xf32, #tpu.memory_space<vmem>>) offsets(%arg8 : memref<64xi32, #tpu.memory_space<vmem>>) semaphore(%arg20 : memref<!tpu.dma_semaphore, #tpu.memory_space<semaphore_mem>>)
    %mul3A_33 = arith.constant 160000 : i32
    %mul3A_34 = arith.muli %arg0, %mul3A_33 : i32
    %mul3A_35 = arith.constant 64 : i32
    %mul3A_36 = arith.muli %mul3A_8, %mul3A_35 : i32
    %add3A_37 = arith.addi %mul3A_34, %mul3A_36 : i32
    %dma_start3A_38 = arith.constant 0 : i32
    %dma_start3A_39 = tpu.memref_slice %arg3[%add3A_37, %dma_start3A_38] : memref<320000x128xf32, #tpu.memory_space<hbm>> -> memref<64x128xf32, #tpu.memory_space<hbm>>
    %dma_start3A_40 = arith.constant 0 : i32
    %dma_start3A_41 = tpu.memref_slice %arg3[%add3A_37, %dma_start3A_40] : memref<320000x128xf32, #tpu.memory_space<hbm>> -> memref<64x128xf32, #tpu.memory_space<hbm>>
    tpu.enqueue_dma source(%dma_start3A_41 : memref<64x128xf32, #tpu.memory_space<hbm>>) target(%arg17 : memref<64x128xf32, #tpu.memory_space<vmem>>) target_semaphore(%arg23 : memref<!tpu.dma_semaphore, #tpu.memory_space<semaphore_mem>>)
    %add3A_42 = arith.constant 1 : i32
    %add3A_43 = arith.addi %mul3A_8, %add3A_42 : i32
    %mul3A_44 = arith.constant 64 : i32
    %mul3A_45 = arith.muli %add3A_43, %mul3A_44 : i32
    %dma_start3A_46 = tpu.memref_slice %arg5[%mul3A_45] : memref<160000xi32, #tpu.memory_space<hbm>> -> memref<64xi32, #tpu.memory_space<hbm>>
    %dma_start3A_47 = tpu.memref_slice %arg5[%mul3A_45] : memref<160000xi32, #tpu.memory_space<hbm>> -> memref<64xi32, #tpu.memory_space<hbm>>
    tpu.enqueue_dma source(%dma_start3A_47 : memref<64xi32, #tpu.memory_space<hbm>>) target(%arg12 : memref<64xi32, #tpu.memory_space<vmem>>) target_semaphore(%arg33 : memref<!tpu.dma_semaphore, #tpu.memory_space<semaphore_mem>>)
    %add3A_48 = arith.constant 2 : i32
    %add3A_49 = arith.addi %mul3A_8, %add3A_48 : i32
    %mul3A_50 = arith.constant 160000 : i32
    %mul3A_51 = arith.muli %arg0, %mul3A_50 : i32
    %mul3A_52 = arith.constant 64 : i32
    %mul3A_53 = arith.muli %add3A_49, %mul3A_52 : i32
    %add3A_54 = arith.addi %mul3A_51, %mul3A_53 : i32
    %dma_start3A_55 = tpu.memref_slice %arg4[%add3A_54] : memref<320000xi32, #tpu.memory_space<hbm>> -> memref<64xi32, #tpu.memory_space<hbm>>
    %dma_start3A_56 = tpu.memref_slice %arg4[%add3A_54] : memref<320000xi32, #tpu.memory_space<hbm>> -> memref<64xi32, #tpu.memory_space<hbm>>
    tpu.enqueue_dma source(%dma_start3A_56 : memref<64xi32, #tpu.memory_space<hbm>>) target(%arg10 : memref<64xi32, #tpu.memory_space<vmem>>) target_semaphore(%arg31 : memref<!tpu.dma_semaphore, #tpu.memory_space<semaphore_mem>>)
    %dma_wait3A_57 = arith.constant 0 : i32
    %dma_wait3A_58 = tpu.memref_slice %arg4[%dma_wait3A_57] : memref<320000xi32, #tpu.memory_space<hbm>> -> memref<64xi32, #tpu.memory_space<hbm>>
    %dma_wait3A_59 = arith.constant 0 : i32
    %dma_wait3A_60 = tpu.memref_slice %arg4[%dma_wait3A_59] : memref<320000xi32, #tpu.memory_space<hbm>> -> memref<64xi32, #tpu.memory_space<hbm>>
    tpu.wait_dma2 semaphore(%arg30 : memref<!tpu.dma_semaphore, #tpu.memory_space<semaphore_mem>>) src(%dma_wait3A_60 : memref<64xi32, #tpu.memory_space<hbm>>) dst(%arg9 : memref<64xi32, #tpu.memory_space<vmem>>)
    %add3A_61 = arith.constant 1 : i32
    %add3A_62 = arith.addi %mul3A_8, %add3A_61 : i32
    %dma_start3A_63 = arith.constant 0 : i32
    %dma_start3A_64 = arith.constant 0 : i32
    %dma_start3A_65 = tpu.memref_slice %arg2[%dma_start3A_63, %dma_start3A_64] : memref<20000x128xf32, #tpu.memory_space<hbm>> -> memref<20000x128xf32, #tpu.memory_space<hbm>>
    tpu.enqueue_indirect_dma source(%dma_start3A_65 : memref<20000x128xf32, #tpu.memory_space<hbm>>) target(%arg15 : memref<64x128xf32, #tpu.memory_space<vmem>>) offsets(%arg9 : memref<64xi32, #tpu.memory_space<vmem>>) semaphore(%arg21 : memref<!tpu.dma_semaphore, #tpu.memory_space<semaphore_mem>>)
    %mul3A_66 = arith.constant 160000 : i32
    %mul3A_67 = arith.muli %arg0, %mul3A_66 : i32
    %mul3A_68 = arith.constant 64 : i32
    %mul3A_69 = arith.muli %add3A_62, %mul3A_68 : i32
    %add3A_70 = arith.addi %mul3A_67, %mul3A_69 : i32
    %dma_start3A_71 = arith.constant 0 : i32
    %dma_start3A_72 = tpu.memref_slice %arg3[%add3A_70, %dma_start3A_71] : memref<320000x128xf32, #tpu.memory_space<hbm>> -> memref<64x128xf32, #tpu.memory_space<hbm>>
    %dma_start3A_73 = arith.constant 0 : i32
    %dma_start3A_74 = tpu.memref_slice %arg3[%add3A_70, %dma_start3A_73] : memref<320000x128xf32, #tpu.memory_space<hbm>> -> memref<64x128xf32, #tpu.memory_space<hbm>>
    tpu.enqueue_dma source(%dma_start3A_74 : memref<64x128xf32, #tpu.memory_space<hbm>>) target(%arg18 : memref<64x128xf32, #tpu.memory_space<vmem>>) target_semaphore(%arg24 : memref<!tpu.dma_semaphore, #tpu.memory_space<semaphore_mem>>)
    %dma_wait3A_75 = arith.constant 0 : i32
    %dma_wait3A_76 = arith.constant 0 : i32
    %dma_wait3A_77 = tpu.memref_slice %arg2[%dma_wait3A_75, %dma_wait3A_76] : memref<20000x128xf32, #tpu.memory_space<hbm>> -> memref<20000x128xf32, #tpu.memory_space<hbm>>
    tpu.wait_indirect_dma semaphore(%arg20 : memref<!tpu.dma_semaphore, #tpu.memory_space<semaphore_mem>>) src(%dma_wait3A_77 : memref<20000x128xf32, #tpu.memory_space<hbm>>) dst(%arg14 : memref<64x128xf32, #tpu.memory_space<vmem>>)
    %dma_wait3A_78 = arith.constant 0 : i32
    %dma_wait3A_79 = arith.constant 0 : i32
    %dma_wait3A_80 = tpu.memref_slice %arg3[%dma_wait3A_78, %dma_wait3A_79] : memref<320000x128xf32, #tpu.memory_space<hbm>> -> memref<64x128xf32, #tpu.memory_space<hbm>>
    %dma_wait3A_81 = arith.constant 0 : i32
    %dma_wait3A_82 = arith.constant 0 : i32
    %dma_wait3A_83 = tpu.memref_slice %arg3[%dma_wait3A_81, %dma_wait3A_82] : memref<320000x128xf32, #tpu.memory_space<hbm>> -> memref<64x128xf32, #tpu.memory_space<hbm>>
    tpu.wait_dma2 semaphore(%arg23 : memref<!tpu.dma_semaphore, #tpu.memory_space<semaphore_mem>>) src(%dma_wait3A_83 : memref<64x128xf32, #tpu.memory_space<hbm>>) dst(%arg17 : memref<64x128xf32, #tpu.memory_space<vmem>>)
    %parallel_loop3A = arith.constant 0 : i32
    %parallel_loop3A_84 = arith.constant 64 : i32
    %parallel_loop3A_85 = arith.constant 1 : i32
    scf.for %parallel_loop3A_248 = %parallel_loop3A to %parallel_loop3A_84 step %parallel_loop3A_85  : i32 {
      %parallel_loop3A_249 = arith.index_cast %parallel_loop3A_248 : i32 to index
      %parallel_loop3A_250 = arith.constant 0 : index
      %parallel_loop3A_251 = tpu.vector_load %arg14[%parallel_loop3A_249, %parallel_loop3A_250] {strides = array<i32>} : memref<64x128xf32, #tpu.memory_space<vmem>>, vector<1x16xf32>,
      %parallel_loop3A_252 = vector.shape_cast %parallel_loop3A_251 : vector<1x16xf32> to vector<16xf32>
      %parallel_loop3A_253 = arith.index_cast %parallel_loop3A_248 : i32 to index
      %parallel_loop3A_254 = arith.constant 0 : index
      %parallel_loop3A_255 = tpu.vector_load %arg17[%parallel_loop3A_253, %parallel_loop3A_254] {strides = array<i32>} : memref<64x128xf32, #tpu.memory_space<vmem>>, vector<1x16xf32>,
      %parallel_loop3A_256 = vector.shape_cast %parallel_loop3A_255 : vector<1x16xf32> to vector<16xf32>
      %parallel_loop3A_257 = arith.addf %parallel_loop3A_252, %parallel_loop3A_256 : vector<16xf32>
      %parallel_loop3A_258 = arith.constant 0.000000e+00 : f32
      %parallel_loop3A_259 = vector.broadcast %parallel_loop3A_258 : f32 to vector<16xf32>
      %parallel_loop3A_260 = arith.maximumf %parallel_loop3A_257, %parallel_loop3A_259 : vector<16xf32>
      %parallel_loop3A_261 = arith.index_cast %parallel_loop3A_248 : i32 to index
      %parallel_loop3A_262 = arith.constant 0 : index
      %parallel_loop3A_263 = tpu.vector_load %arg14[%parallel_loop3A_261, %parallel_loop3A_262] {strides = array<i32>} : memref<64x128xf32, #tpu.memory_space<vmem>>, vector<1x16xf32>,
      %parallel_loop3A_264 = vector.shape_cast %parallel_loop3A_263 : vector<1x16xf32> to vector<16xf32>
      %parallel_loop3A_265 = vector.shape_cast %parallel_loop3A_260 : vector<16xf32> to vector<1x16xf32>
      tpu.vector_store %arg14[%parallel_loop3A_261, %parallel_loop3A_262], %parallel_loop3A_265 {strides = array<i32>} : memref<64x128xf32, #tpu.memory_space<vmem>>, vector<1x16xf32>,
      %parallel_loop3A_266 = arith.index_cast %parallel_loop3A_248 : i32 to index
      %parallel_loop3A_267 = arith.constant 16 : index
      %parallel_loop3A_268 = tpu.vector_load %arg14[%parallel_loop3A_266, %parallel_loop3A_267] {strides = array<i32>} : memref<64x128xf32, #tpu.memory_space<vmem>>, vector<1x16xf32>,
      %parallel_loop3A_269 = vector.shape_cast %parallel_loop3A_268 : vector<1x16xf32> to vector<16xf32>
      %parallel_loop3A_270 = arith.index_cast %parallel_loop3A_248 : i32 to index
      %parallel_loop3A_271 = arith.constant 16 : index
      %parallel_loop3A_272 = tpu.vector_load %arg17[%parallel_loop3A_270, %parallel_loop3A_271] {strides = array<i32>} : memref<64x128xf32, #tpu.memory_space<vmem>>, vector<1x16xf32>,
      %parallel_loop3A_273 = vector.shape_cast %parallel_loop3A_272 : vector<1x16xf32> to vector<16xf32>
      %parallel_loop3A_274 = arith.addf %parallel_loop3A_269, %parallel_loop3A_273 : vector<16xf32>
      %parallel_loop3A_275 = arith.constant 0.000000e+00 : f32
      %parallel_loop3A_276 = vector.broadcast %parallel_loop3A_275 : f32 to vector<16xf32>
      %parallel_loop3A_277 = arith.maximumf %parallel_loop3A_274, %parallel_loop3A_276 : vector<16xf32>
      %parallel_loop3A_278 = arith.index_cast %parallel_loop3A_248 : i32 to index
      %parallel_loop3A_279 = arith.constant 16 : index
      %parallel_loop3A_280 = tpu.vector_load %arg14[%parallel_loop3A_278, %parallel_loop3A_279] {strides = array<i32>} : memref<64x128xf32, #tpu.memory_space<vmem>>, vector<1x16xf32>,
      %parallel_loop3A_281 = vector.shape_cast %parallel_loop3A_280 : vector<1x16xf32> to vector<16xf32>
      %parallel_loop3A_282 = vector.shape_cast %parallel_loop3A_277 : vector<16xf32> to vector<1x16xf32>
      tpu.vector_store %arg14[%parallel_loop3A_278, %parallel_loop3A_279], %parallel_loop3A_282 {strides = array<i32>} : memref<64x128xf32, #tpu.memory_space<vmem>>, vector<1x16xf32>,
      %parallel_loop3A_283 = arith.index_cast %parallel_loop3A_248 : i32 to index
      %parallel_loop3A_284 = arith.constant 32 : index
      %parallel_loop3A_285 = tpu.vector_load %arg14[%parallel_loop3A_283, %parallel_loop3A_284] {strides = array<i32>} : memref<64x128xf32, #tpu.memory_space<vmem>>, vector<1x16xf32>,
      %parallel_loop3A_286 = vector.shape_cast %parallel_loop3A_285 : vector<1x16xf32> to vector<16xf32>
      %parallel_loop3A_287 = arith.index_cast %parallel_loop3A_248 : i32 to index
      %parallel_loop3A_288 = arith.constant 32 : index
      %parallel_loop3A_289 = tpu.vector_load %arg17[%parallel_loop3A_287, %parallel_loop3A_288] {strides = array<i32>} : memref<64x128xf32, #tpu.memory_space<vmem>>, vector<1x16xf32>,
      %parallel_loop3A_290 = vector.shape_cast %parallel_loop3A_289 : vector<1x16xf32> to vector<16xf32>
      %parallel_loop3A_291 = arith.addf %parallel_loop3A_286, %parallel_loop3A_290 : vector<16xf32>
      %parallel_loop3A_292 = arith.constant 0.000000e+00 : f32
      %parallel_loop3A_293 = vector.broadcast %parallel_loop3A_292 : f32 to vector<16xf32>
      %parallel_loop3A_294 = arith.maximumf %parallel_loop3A_291, %parallel_loop3A_293 : vector<16xf32>
      %parallel_loop3A_295 = arith.index_cast %parallel_loop3A_248 : i32 to index
      %parallel_loop3A_296 = arith.constant 32 : index
      %parallel_loop3A_297 = tpu.vector_load %arg14[%parallel_loop3A_295, %parallel_loop3A_296] {strides = array<i32>} : memref<64x128xf32, #tpu.memory_space<vmem>>, vector<1x16xf32>,
      %parallel_loop3A_298 = vector.shape_cast %parallel_loop3A_297 : vector<1x16xf32> to vector<16xf32>
      %parallel_loop3A_299 = vector.shape_cast %parallel_loop3A_294 : vector<16xf32> to vector<1x16xf32>
      tpu.vector_store %arg14[%parallel_loop3A_295, %parallel_loop3A_296], %parallel_loop3A_299 {strides = array<i32>} : memref<64x128xf32, #tpu.memory_space<vmem>>, vector<1x16xf32>,
      %parallel_loop3A_300 = arith.index_cast %parallel_loop3A_248 : i32 to index
      %parallel_loop3A_301 = arith.constant 48 : index
      %parallel_loop3A_302 = tpu.vector_load %arg14[%parallel_loop3A_300, %parallel_loop3A_301] {strides = array<i32>} : memref<64x128xf32, #tpu.memory_space<vmem>>, vector<1x16xf32>,
      %parallel_loop3A_303 = vector.shape_cast %parallel_loop3A_302 : vector<1x16xf32> to vector<16xf32>
      %parallel_loop3A_304 = arith.index_cast %parallel_loop3A_248 : i32 to index
      %parallel_loop3A_305 = arith.constant 48 : index
      %parallel_loop3A_306 = tpu.vector_load %arg17[%parallel_loop3A_304, %parallel_loop3A_305] {strides = array<i32>} : memref<64x128xf32, #tpu.memory_space<vmem>>, vector<1x16xf32>,
      %parallel_loop3A_307 = vector.shape_cast %parallel_loop3A_306 : vector<1x16xf32> to vector<16xf32>
      %parallel_loop3A_308 = arith.addf %parallel_loop3A_303, %parallel_loop3A_307 : vector<16xf32>
      %parallel_loop3A_309 = arith.constant 0.000000e+00 : f32
      %parallel_loop3A_310 = vector.broadcast %parallel_loop3A_309 : f32 to vector<16xf32>
      %parallel_loop3A_311 = arith.maximumf %parallel_loop3A_308, %parallel_loop3A_310 : vector<16xf32>
      %parallel_loop3A_312 = arith.index_cast %parallel_loop3A_248 : i32 to index
      %parallel_loop3A_313 = arith.constant 48 : index
      %parallel_loop3A_314 = tpu.vector_load %arg14[%parallel_loop3A_312, %parallel_loop3A_313] {strides = array<i32>} : memref<64x128xf32, #tpu.memory_space<vmem>>, vector<1x16xf32>,
      %parallel_loop3A_315 = vector.shape_cast %parallel_loop3A_314 : vector<1x16xf32> to vector<16xf32>
      %parallel_loop3A_316 = vector.shape_cast %parallel_loop3A_311 : vector<16xf32> to vector<1x16xf32>
      tpu.vector_store %arg14[%parallel_loop3A_312, %parallel_loop3A_313], %parallel_loop3A_316 {strides = array<i32>} : memref<64x128xf32, #tpu.memory_space<vmem>>, vector<1x16xf32>,
      %parallel_loop3A_317 = arith.index_cast %parallel_loop3A_248 : i32 to index
      %parallel_loop3A_318 = arith.constant 64 : index
      %parallel_loop3A_319 = tpu.vector_load %arg14[%parallel_loop3A_317, %parallel_loop3A_318] {strides = array<i32>} : memref<64x128xf32, #tpu.memory_space<vmem>>, vector<1x16xf32>,
      %parallel_loop3A_320 = vector.shape_cast %parallel_loop3A_319 : vector<1x16xf32> to vector<16xf32>
      %parallel_loop3A_321 = arith.index_cast %parallel_loop3A_248 : i32 to index
      %parallel_loop3A_322 = arith.constant 64 : index
      %parallel_loop3A_323 = tpu.vector_load %arg17[%parallel_loop3A_321, %parallel_loop3A_322] {strides = array<i32>} : memref<64x128xf32, #tpu.memory_space<vmem>>, vector<1x16xf32>,
      %parallel_loop3A_324 = vector.shape_cast %parallel_loop3A_323 : vector<1x16xf32> to vector<16xf32>
      %parallel_loop3A_325 = arith.addf %parallel_loop3A_320, %parallel_loop3A_324 : vector<16xf32>
      %parallel_loop3A_326 = arith.constant 0.000000e+00 : f32
      %parallel_loop3A_327 = vector.broadcast %parallel_loop3A_326 : f32 to vector<16xf32>
      %parallel_loop3A_328 = arith.maximumf %parallel_loop3A_325, %parallel_loop3A_327 : vector<16xf32>
      %parallel_loop3A_329 = arith.index_cast %parallel_loop3A_248 : i32 to index
      %parallel_loop3A_330 = arith.constant 64 : index
      %parallel_loop3A_331 = tpu.vector_load %arg14[%parallel_loop3A_329, %parallel_loop3A_330] {strides = array<i32>} : memref<64x128xf32, #tpu.memory_space<vmem>>, vector<1x16xf32>,
      %parallel_loop3A_332 = vector.shape_cast %parallel_loop3A_331 : vector<1x16xf32> to vector<16xf32>
      %parallel_loop3A_333 = vector.shape_cast %parallel_loop3A_328 : vector<16xf32> to vector<1x16xf32>
      tpu.vector_store %arg14[%parallel_loop3A_329, %parallel_loop3A_330], %parallel_loop3A_333 {strides = array<i32>} : memref<64x128xf32, #tpu.memory_space<vmem>>, vector<1x16xf32>,
      %parallel_loop3A_334 = arith.index_cast %parallel_loop3A_248 : i32 to index
      %parallel_loop3A_335 = arith.constant 80 : index
      %parallel_loop3A_336 = tpu.vector_load %arg14[%parallel_loop3A_334, %parallel_loop3A_335] {strides = array<i32>} : memref<64x128xf32, #tpu.memory_space<vmem>>, vector<1x16xf32>,
      %parallel_loop3A_337 = vector.shape_cast %parallel_loop3A_336 : vector<1x16xf32> to vector<16xf32>
      %parallel_loop3A_338 = arith.index_cast %parallel_loop3A_248 : i32 to index
      %parallel_loop3A_339 = arith.constant 80 : index
      %parallel_loop3A_340 = tpu.vector_load %arg17[%parallel_loop3A_338, %parallel_loop3A_339] {strides = array<i32>} : memref<64x128xf32, #tpu.memory_space<vmem>>, vector<1x16xf32>,
      %parallel_loop3A_341 = vector.shape_cast %parallel_loop3A_340 : vector<1x16xf32> to vector<16xf32>
      %parallel_loop3A_342 = arith.addf %parallel_loop3A_337, %parallel_loop3A_341 : vector<16xf32>
      %parallel_loop3A_343 = arith.constant 0.000000e+00 : f32
      %parallel_loop3A_344 = vector.broadcast %parallel_loop3A_343 : f32 to vector<16xf32>
      %parallel_loop3A_345 = arith.maximumf %parallel_loop3A_342, %parallel_loop3A_344 : vector<16xf32>
      %parallel_loop3A_346 = arith.index_cast %parallel_loop3A_248 : i32 to index
      %parallel_loop3A_347 = arith.constant 80 : index
      %parallel_loop3A_348 = tpu.vector_load %arg14[%parallel_loop3A_346, %parallel_loop3A_347] {strides = array<i32>} : memref<64x128xf32, #tpu.memory_space<vmem>>, vector<1x16xf32>,
      %parallel_loop3A_349 = vector.shape_cast %parallel_loop3A_348 : vector<1x16xf32> to vector<16xf32>
      %parallel_loop3A_350 = vector.shape_cast %parallel_loop3A_345 : vector<16xf32> to vector<1x16xf32>
      tpu.vector_store %arg14[%parallel_loop3A_346, %parallel_loop3A_347], %parallel_loop3A_350 {strides = array<i32>} : memref<64x128xf32, #tpu.memory_space<vmem>>, vector<1x16xf32>,
      %parallel_loop3A_351 = arith.index_cast %parallel_loop3A_248 : i32 to index
      %parallel_loop3A_352 = arith.constant 96 : index
      %parallel_loop3A_353 = tpu.vector_load %arg14[%parallel_loop3A_351, %parallel_loop3A_352] {strides = array<i32>} : memref<64x128xf32, #tpu.memory_space<vmem>>, vector<1x16xf32>,
      %parallel_loop3A_354 = vector.shape_cast %parallel_loop3A_353 : vector<1x16xf32> to vector<16xf32>
      %parallel_loop3A_355 = arith.index_cast %parallel_loop3A_248 : i32 to index
      %parallel_loop3A_356 = arith.constant 96 : index
      %parallel_loop3A_357 = tpu.vector_load %arg17[%parallel_loop3A_355, %parallel_loop3A_356] {strides = array<i32>} : memref<64x128xf32, #tpu.memory_space<vmem>>, vector<1x16xf32>,
      %parallel_loop3A_358 = vector.shape_cast %parallel_loop3A_357 : vector<1x16xf32> to vector<16xf32>
      %parallel_loop3A_359 = arith.addf %parallel_loop3A_354, %parallel_loop3A_358 : vector<16xf32>
      %parallel_loop3A_360 = arith.constant 0.000000e+00 : f32
      %parallel_loop3A_361 = vector.broadcast %parallel_loop3A_360 : f32 to vector<16xf32>
      %parallel_loop3A_362 = arith.maximumf %parallel_loop3A_359, %parallel_loop3A_361 : vector<16xf32>
      %parallel_loop3A_363 = arith.index_cast %parallel_loop3A_248 : i32 to index
      %parallel_loop3A_364 = arith.constant 96 : index
      %parallel_loop3A_365 = tpu.vector_load %arg14[%parallel_loop3A_363, %parallel_loop3A_364] {strides = array<i32>} : memref<64x128xf32, #tpu.memory_space<vmem>>, vector<1x16xf32>,
      %parallel_loop3A_366 = vector.shape_cast %parallel_loop3A_365 : vector<1x16xf32> to vector<16xf32>
      %parallel_loop3A_367 = vector.shape_cast %parallel_loop3A_362 : vector<16xf32> to vector<1x16xf32>
      tpu.vector_store %arg14[%parallel_loop3A_363, %parallel_loop3A_364], %parallel_loop3A_367 {strides = array<i32>} : memref<64x128xf32, #tpu.memory_space<vmem>>, vector<1x16xf32>,
      %parallel_loop3A_368 = arith.index_cast %parallel_loop3A_248 : i32 to index
      %parallel_loop3A_369 = arith.constant 112 : index
      %parallel_loop3A_370 = tpu.vector_load %arg14[%parallel_loop3A_368, %parallel_loop3A_369] {strides = array<i32>} : memref<64x128xf32, #tpu.memory_space<vmem>>, vector<1x16xf32>,
      %parallel_loop3A_371 = vector.shape_cast %parallel_loop3A_370 : vector<1x16xf32> to vector<16xf32>
      %parallel_loop3A_372 = arith.index_cast %parallel_loop3A_248 : i32 to index
      %parallel_loop3A_373 = arith.constant 112 : index
      %parallel_loop3A_374 = tpu.vector_load %arg17[%parallel_loop3A_372, %parallel_loop3A_373] {strides = array<i32>} : memref<64x128xf32, #tpu.memory_space<vmem>>, vector<1x16xf32>,
      %parallel_loop3A_375 = vector.shape_cast %parallel_loop3A_374 : vector<1x16xf32> to vector<16xf32>
      %parallel_loop3A_376 = arith.addf %parallel_loop3A_371, %parallel_loop3A_375 : vector<16xf32>
      %parallel_loop3A_377 = arith.constant 0.000000e+00 : f32
      %parallel_loop3A_378 = vector.broadcast %parallel_loop3A_377 : f32 to vector<16xf32>
      %parallel_loop3A_379 = arith.maximumf %parallel_loop3A_376, %parallel_loop3A_378 : vector<16xf32>
      %parallel_loop3A_380 = arith.index_cast %parallel_loop3A_248 : i32 to index
      %parallel_loop3A_381 = arith.constant 112 : index
      %parallel_loop3A_382 = tpu.vector_load %arg14[%parallel_loop3A_380, %parallel_loop3A_381] {strides = array<i32>} : memref<64x128xf32, #tpu.memory_space<vmem>>, vector<1x16xf32>,
      %parallel_loop3A_383 = vector.shape_cast %parallel_loop3A_382 : vector<1x16xf32> to vector<16xf32>
      %parallel_loop3A_384 = vector.shape_cast %parallel_loop3A_379 : vector<16xf32> to vector<1x16xf32>
      tpu.vector_store %arg14[%parallel_loop3A_380, %parallel_loop3A_381], %parallel_loop3A_384 {strides = array<i32>} : memref<64x128xf32, #tpu.memory_space<vmem>>, vector<1x16xf32>,
    } {sc.loop_unroll_factor = 4 : i64, sc.parallel_access}
    %dma_wait3A_86 = arith.constant 0 : i32
    %dma_wait3A_87 = tpu.memref_slice %arg5[%dma_wait3A_86] : memref<160000xi32, #tpu.memory_space<hbm>> -> memref<64xi32, #tpu.memory_space<hbm>>
    %dma_wait3A_88 = arith.constant 0 : i32
    %dma_wait3A_89 = tpu.memref_slice %arg5[%dma_wait3A_88] : memref<160000xi32, #tpu.memory_space<hbm>> -> memref<64xi32, #tpu.memory_space<hbm>>
    tpu.wait_dma2 semaphore(%arg32 : memref<!tpu.dma_semaphore, #tpu.memory_space<semaphore_mem>>) src(%dma_wait3A_89 : memref<64xi32, #tpu.memory_space<hbm>>) dst(%arg11 : memref<64xi32, #tpu.memory_space<vmem>>)
    %dma_start3A_90 = arith.constant 0 : i32
    %dma_start3A_91 = arith.constant 0 : i32
    %dma_start3A_92 = tpu.memref_slice %arg7[%dma_start3A_90, %dma_start3A_91] : memref<10000x128xf32, #tpu.memory_space<vmem_shared>> -> memref<10000x128xf32, #tpu.memory_space<vmem_shared>>
    tpu.enqueue_indirect_dma source(%arg14 : memref<64x128xf32, #tpu.memory_space<vmem>>) target(%dma_start3A_92 : memref<10000x128xf32, #tpu.memory_space<vmem_shared>>) offsets(%arg11 : memref<64xi32, #tpu.memory_space<vmem>>) semaphore(%arg26 : memref<!tpu.dma_semaphore, #tpu.memory_space<semaphore_mem>>) {add = true}
    %add3A_93 = arith.constant 1 : i32
    %add3A_94 = arith.addi %mul3A_8, %add3A_93 : i32
    %add3A_95 = arith.constant 1 : i32
    %add3A_96 = arith.addi %add3A_94, %add3A_95 : i32
    %mul3A_97 = arith.constant 64 : i32
    %mul3A_98 = arith.muli %add3A_96, %mul3A_97 : i32
    %dma_start3A_99 = tpu.memref_slice %arg5[%mul3A_98] : memref<160000xi32, #tpu.memory_space<hbm>> -> memref<64xi32, #tpu.memory_space<hbm>>
    %dma_start3A_100 = tpu.memref_slice %arg5[%mul3A_98] : memref<160000xi32, #tpu.memory_space<hbm>> -> memref<64xi32, #tpu.memory_space<hbm>>
    tpu.enqueue_dma source(%dma_start3A_100 : memref<64xi32, #tpu.memory_space<hbm>>) target(%arg13 : memref<64xi32, #tpu.memory_space<vmem>>) target_semaphore(%arg34 : memref<!tpu.dma_semaphore, #tpu.memory_space<semaphore_mem>>)
    %add3A_101 = arith.constant 2 : i32
    %add3A_102 = arith.addi %add3A_94, %add3A_101 : i32
    %mul3A_103 = arith.constant 160000 : i32
    %mul3A_104 = arith.muli %arg0, %mul3A_103 : i32
    %mul3A_105 = arith.constant 64 : i32
    %mul3A_106 = arith.muli %add3A_102, %mul3A_105 : i32
    %add3A_107 = arith.addi %mul3A_104, %mul3A_106 : i32
    %dma_start3A_108 = tpu.memref_slice %arg4[%add3A_107] : memref<320000xi32, #tpu.memory_space<hbm>> -> memref<64xi32, #tpu.memory_space<hbm>>
    %dma_start3A_109 = tpu.memref_slice %arg4[%add3A_107] : memref<320000xi32, #tpu.memory_space<hbm>> -> memref<64xi32, #tpu.memory_space<hbm>>
    tpu.enqueue_dma source(%dma_start3A_109 : memref<64xi32, #tpu.memory_space<hbm>>) target(%arg8 : memref<64xi32, #tpu.memory_space<vmem>>) target_semaphore(%arg29 : memref<!tpu.dma_semaphore, #tpu.memory_space<semaphore_mem>>)
    %dma_wait3A_110 = arith.constant 0 : i32
    %dma_wait3A_111 = tpu.memref_slice %arg4[%dma_wait3A_110] : memref<320000xi32, #tpu.memory_space<hbm>> -> memref<64xi32, #tpu.memory_space<hbm>>
    %dma_wait3A_112 = arith.constant 0 : i32
    %dma_wait3A_113 = tpu.memref_slice %arg4[%dma_wait3A_112] : memref<320000xi32, #tpu.memory_space<hbm>> -> memref<64xi32, #tpu.memory_space<hbm>>
    tpu.wait_dma2 semaphore(%arg31 : memref<!tpu.dma_semaphore, #tpu.memory_space<semaphore_mem>>) src(%dma_wait3A_113 : memref<64xi32, #tpu.memory_space<hbm>>) dst(%arg10 : memref<64xi32, #tpu.memory_space<vmem>>)
    %add3A_114 = arith.constant 1 : i32
    %add3A_115 = arith.addi %add3A_94, %add3A_114 : i32
    %dma_start3A_116 = arith.constant 0 : i32
    %dma_start3A_117 = arith.constant 0 : i32
    %dma_start3A_118 = tpu.memref_slice %arg2[%dma_start3A_116, %dma_start3A_117] : memref<20000x128xf32, #tpu.memory_space<hbm>> -> memref<20000x128xf32, #tpu.memory_space<hbm>>
    tpu.enqueue_indirect_dma source(%dma_start3A_118 : memref<20000x128xf32, #tpu.memory_space<hbm>>) target(%arg16 : memref<64x128xf32, #tpu.memory_space<vmem>>) offsets(%arg10 : memref<64xi32, #tpu.memory_space<vmem>>) semaphore(%arg22 : memref<!tpu.dma_semaphore, #tpu.memory_space<semaphore_mem>>)
    %mul3A_119 = arith.constant 160000 : i32
    %mul3A_120 = arith.muli %arg0, %mul3A_119 : i32
    %mul3A_121 = arith.constant 64 : i32
    %mul3A_122 = arith.muli %add3A_115, %mul3A_121 : i32
    %add3A_123 = arith.addi %mul3A_120, %mul3A_122 : i32
    %dma_start3A_124 = arith.constant 0 : i32
    %dma_start3A_125 = tpu.memref_slice %arg3[%add3A_123, %dma_start3A_124] : memref<320000x128xf32, #tpu.memory_space<hbm>> -> memref<64x128xf32, #tpu.memory_space<hbm>>
    %dma_start3A_126 = arith.constant 0 : i32
    %dma_start3A_127 = tpu.memref_slice %arg3[%add3A_123, %dma_start3A_126] : memref<320000x128xf32, #tpu.memory_space<hbm>> -> memref<64x128xf32, #tpu.memory_space<hbm>>
    tpu.enqueue_dma source(%dma_start3A_127 : memref<64x128xf32, #tpu.memory_space<hbm>>) target(%arg19 : memref<64x128xf32, #tpu.memory_space<vmem>>) target_semaphore(%arg25 : memref<!tpu.dma_semaphore, #tpu.memory_space<semaphore_mem>>)
    %dma_wait3A_128 = arith.constant 0 : i32
    %dma_wait3A_129 = arith.constant 0 : i32
    %dma_wait3A_130 = tpu.memref_slice %arg2[%dma_wait3A_128, %dma_wait3A_129] : memref<20000x128xf32, #tpu.memory_space<hbm>> -> memref<20000x128xf32, #tpu.memory_space<hbm>>
    tpu.wait_indirect_dma semaphore(%arg21 : memref<!tpu.dma_semaphore, #tpu.memory_space<semaphore_mem>>) src(%dma_wait3A_130 : memref<20000x128xf32, #tpu.memory_space<hbm>>) dst(%arg15 : memref<64x128xf32, #tpu.memory_space<vmem>>)
    %dma_wait3A_131 = arith.constant 0 : i32
    %dma_wait3A_132 = arith.constant 0 : i32
    %dma_wait3A_133 = tpu.memref_slice %arg3[%dma_wait3A_131, %dma_wait3A_132] : memref<320000x128xf32, #tpu.memory_space<hbm>> -> memref<64x128xf32, #tpu.memory_space<hbm>>
    %dma_wait3A_134 = arith.constant 0 : i32
    %dma_wait3A_135 = arith.constant 0 : i32
    %dma_wait3A_136 = tpu.memref_slice %arg3[%dma_wait3A_134, %dma_wait3A_135] : memref<320000x128xf32, #tpu.memory_space<hbm>> -> memref<64x128xf32, #tpu.memory_space<hbm>>
    tpu.wait_dma2 semaphore(%arg24 : memref<!tpu.dma_semaphore, #tpu.memory_space<semaphore_mem>>) src(%dma_wait3A_136 : memref<64x128xf32, #tpu.memory_space<hbm>>) dst(%arg18 : memref<64x128xf32, #tpu.memory_space<vmem>>)
    %parallel_loop3A_137 = arith.constant 0 : i32
    %parallel_loop3A_138 = arith.constant 64 : i32
    %parallel_loop3A_139 = arith.constant 1 : i32
    scf.for %parallel_loop3A_248 = %parallel_loop3A_137 to %parallel_loop3A_138 step %parallel_loop3A_139  : i32 {
      %parallel_loop3A_249 = arith.index_cast %parallel_loop3A_248 : i32 to index
      %parallel_loop3A_250 = arith.constant 0 : index
      %parallel_loop3A_251 = tpu.vector_load %arg15[%parallel_loop3A_249, %parallel_loop3A_250] {strides = array<i32>} : memref<64x128xf32, #tpu.memory_space<vmem>>, vector<1x16xf32>,
      %parallel_loop3A_252 = vector.shape_cast %parallel_loop3A_251 : vector<1x16xf32> to vector<16xf32>
      %parallel_loop3A_253 = arith.index_cast %parallel_loop3A_248 : i32 to index
      %parallel_loop3A_254 = arith.constant 0 : index
      %parallel_loop3A_255 = tpu.vector_load %arg18[%parallel_loop3A_253, %parallel_loop3A_254] {strides = array<i32>} : memref<64x128xf32, #tpu.memory_space<vmem>>, vector<1x16xf32>,
      %parallel_loop3A_256 = vector.shape_cast %parallel_loop3A_255 : vector<1x16xf32> to vector<16xf32>
      %parallel_loop3A_257 = arith.addf %parallel_loop3A_252, %parallel_loop3A_256 : vector<16xf32>
      %parallel_loop3A_258 = arith.constant 0.000000e+00 : f32
      %parallel_loop3A_259 = vector.broadcast %parallel_loop3A_258 : f32 to vector<16xf32>
      %parallel_loop3A_260 = arith.maximumf %parallel_loop3A_257, %parallel_loop3A_259 : vector<16xf32>
      %parallel_loop3A_261 = arith.index_cast %parallel_loop3A_248 : i32 to index
      %parallel_loop3A_262 = arith.constant 0 : index
      %parallel_loop3A_263 = tpu.vector_load %arg15[%parallel_loop3A_261, %parallel_loop3A_262] {strides = array<i32>} : memref<64x128xf32, #tpu.memory_space<vmem>>, vector<1x16xf32>,
      %parallel_loop3A_264 = vector.shape_cast %parallel_loop3A_263 : vector<1x16xf32> to vector<16xf32>
      %parallel_loop3A_265 = vector.shape_cast %parallel_loop3A_260 : vector<16xf32> to vector<1x16xf32>
      tpu.vector_store %arg15[%parallel_loop3A_261, %parallel_loop3A_262], %parallel_loop3A_265 {strides = array<i32>} : memref<64x128xf32, #tpu.memory_space<vmem>>, vector<1x16xf32>,
      %parallel_loop3A_266 = arith.index_cast %parallel_loop3A_248 : i32 to index
      %parallel_loop3A_267 = arith.constant 16 : index
      %parallel_loop3A_268 = tpu.vector_load %arg15[%parallel_loop3A_266, %parallel_loop3A_267] {strides = array<i32>} : memref<64x128xf32, #tpu.memory_space<vmem>>, vector<1x16xf32>,
      %parallel_loop3A_269 = vector.shape_cast %parallel_loop3A_268 : vector<1x16xf32> to vector<16xf32>
      %parallel_loop3A_270 = arith.index_cast %parallel_loop3A_248 : i32 to index
      %parallel_loop3A_271 = arith.constant 16 : index
      %parallel_loop3A_272 = tpu.vector_load %arg18[%parallel_loop3A_270, %parallel_loop3A_271] {strides = array<i32>} : memref<64x128xf32, #tpu.memory_space<vmem>>, vector<1x16xf32>,
      %parallel_loop3A_273 = vector.shape_cast %parallel_loop3A_272 : vector<1x16xf32> to vector<16xf32>
      %parallel_loop3A_274 = arith.addf %parallel_loop3A_269, %parallel_loop3A_273 : vector<16xf32>
      %parallel_loop3A_275 = arith.constant 0.000000e+00 : f32
      %parallel_loop3A_276 = vector.broadcast %parallel_loop3A_275 : f32 to vector<16xf32>
      %parallel_loop3A_277 = arith.maximumf %parallel_loop3A_274, %parallel_loop3A_276 : vector<16xf32>
      %parallel_loop3A_278 = arith.index_cast %parallel_loop3A_248 : i32 to index
      %parallel_loop3A_279 = arith.constant 16 : index
      %parallel_loop3A_280 = tpu.vector_load %arg15[%parallel_loop3A_278, %parallel_loop3A_279] {strides = array<i32>} : memref<64x128xf32, #tpu.memory_space<vmem>>, vector<1x16xf32>,
      %parallel_loop3A_281 = vector.shape_cast %parallel_loop3A_280 : vector<1x16xf32> to vector<16xf32>
      %parallel_loop3A_282 = vector.shape_cast %parallel_loop3A_277 : vector<16xf32> to vector<1x16xf32>
      tpu.vector_store %arg15[%parallel_loop3A_278, %parallel_loop3A_279], %parallel_loop3A_282 {strides = array<i32>} : memref<64x128xf32, #tpu.memory_space<vmem>>, vector<1x16xf32>,
      %parallel_loop3A_283 = arith.index_cast %parallel_loop3A_248 : i32 to index
      %parallel_loop3A_284 = arith.constant 32 : index
      %parallel_loop3A_285 = tpu.vector_load %arg15[%parallel_loop3A_283, %parallel_loop3A_284] {strides = array<i32>} : memref<64x128xf32, #tpu.memory_space<vmem>>, vector<1x16xf32>,
      %parallel_loop3A_286 = vector.shape_cast %parallel_loop3A_285 : vector<1x16xf32> to vector<16xf32>
      %parallel_loop3A_287 = arith.index_cast %parallel_loop3A_248 : i32 to index
      %parallel_loop3A_288 = arith.constant 32 : index
      %parallel_loop3A_289 = tpu.vector_load %arg18[%parallel_loop3A_287, %parallel_loop3A_288] {strides = array<i32>} : memref<64x128xf32, #tpu.memory_space<vmem>>, vector<1x16xf32>,
      %parallel_loop3A_290 = vector.shape_cast %parallel_loop3A_289 : vector<1x16xf32> to vector<16xf32>
      %parallel_loop3A_291 = arith.addf %parallel_loop3A_286, %parallel_loop3A_290 : vector<16xf32>
      %parallel_loop3A_292 = arith.constant 0.000000e+00 : f32
      %parallel_loop3A_293 = vector.broadcast %parallel_loop3A_292 : f32 to vector<16xf32>
      %parallel_loop3A_294 = arith.maximumf %parallel_loop3A_291, %parallel_loop3A_293 : vector<16xf32>
      %parallel_loop3A_295 = arith.index_cast %parallel_loop3A_248 : i32 to index
      %parallel_loop3A_296 = arith.constant 32 : index
      %parallel_loop3A_297 = tpu.vector_load %arg15[%parallel_loop3A_295, %parallel_loop3A_296] {strides = array<i32>} : memref<64x128xf32, #tpu.memory_space<vmem>>, vector<1x16xf32>,
      %parallel_loop3A_298 = vector.shape_cast %parallel_loop3A_297 : vector<1x16xf32> to vector<16xf32>
      %parallel_loop3A_299 = vector.shape_cast %parallel_loop3A_294 : vector<16xf32> to vector<1x16xf32>
      tpu.vector_store %arg15[%parallel_loop3A_295, %parallel_loop3A_296], %parallel_loop3A_299 {strides = array<i32>} : memref<64x128xf32, #tpu.memory_space<vmem>>, vector<1x16xf32>,
      %parallel_loop3A_300 = arith.index_cast %parallel_loop3A_248 : i32 to index
      %parallel_loop3A_301 = arith.constant 48 : index
      %parallel_loop3A_302 = tpu.vector_load %arg15[%parallel_loop3A_300, %parallel_loop3A_301] {strides = array<i32>} : memref<64x128xf32, #tpu.memory_space<vmem>>, vector<1x16xf32>,
      %parallel_loop3A_303 = vector.shape_cast %parallel_loop3A_302 : vector<1x16xf32> to vector<16xf32>
      %parallel_loop3A_304 = arith.index_cast %parallel_loop3A_248 : i32 to index
      %parallel_loop3A_305 = arith.constant 48 : index
      %parallel_loop3A_306 = tpu.vector_load %arg18[%parallel_loop3A_304, %parallel_loop3A_305] {strides = array<i32>} : memref<64x128xf32, #tpu.memory_space<vmem>>, vector<1x16xf32>,
      %parallel_loop3A_307 = vector.shape_cast %parallel_loop3A_306 : vector<1x16xf32> to vector<16xf32>
      %parallel_loop3A_308 = arith.addf %parallel_loop3A_303, %parallel_loop3A_307 : vector<16xf32>
      %parallel_loop3A_309 = arith.constant 0.000000e+00 : f32
      %parallel_loop3A_310 = vector.broadcast %parallel_loop3A_309 : f32 to vector<16xf32>
      %parallel_loop3A_311 = arith.maximumf %parallel_loop3A_308, %parallel_loop3A_310 : vector<16xf32>
      %parallel_loop3A_312 = arith.index_cast %parallel_loop3A_248 : i32 to index
      %parallel_loop3A_313 = arith.constant 48 : index
      %parallel_loop3A_314 = tpu.vector_load %arg15[%parallel_loop3A_312, %parallel_loop3A_313] {strides = array<i32>} : memref<64x128xf32, #tpu.memory_space<vmem>>, vector<1x16xf32>,
      %parallel_loop3A_315 = vector.shape_cast %parallel_loop3A_314 : vector<1x16xf32> to vector<16xf32>
      %parallel_loop3A_316 = vector.shape_cast %parallel_loop3A_311 : vector<16xf32> to vector<1x16xf32>
      tpu.vector_store %arg15[%parallel_loop3A_312, %parallel_loop3A_313], %parallel_loop3A_316 {strides = array<i32>} : memref<64x128xf32, #tpu.memory_space<vmem>>, vector<1x16xf32>,
      %parallel_loop3A_317 = arith.index_cast %parallel_loop3A_248 : i32 to index
      %parallel_loop3A_318 = arith.constant 64 : index
      %parallel_loop3A_319 = tpu.vector_load %arg15[%parallel_loop3A_317, %parallel_loop3A_318] {strides = array<i32>} : memref<64x128xf32, #tpu.memory_space<vmem>>, vector<1x16xf32>,
      %parallel_loop3A_320 = vector.shape_cast %parallel_loop3A_319 : vector<1x16xf32> to vector<16xf32>
      %parallel_loop3A_321 = arith.index_cast %parallel_loop3A_248 : i32 to index
      %parallel_loop3A_322 = arith.constant 64 : index
      %parallel_loop3A_323 = tpu.vector_load %arg18[%parallel_loop3A_321, %parallel_loop3A_322] {strides = array<i32>} : memref<64x128xf32, #tpu.memory_space<vmem>>, vector<1x16xf32>,
      %parallel_loop3A_324 = vector.shape_cast %parallel_loop3A_323 : vector<1x16xf32> to vector<16xf32>
      %parallel_loop3A_325 = arith.addf %parallel_loop3A_320, %parallel_loop3A_324 : vector<16xf32>
      %parallel_loop3A_326 = arith.constant 0.000000e+00 : f32
      %parallel_loop3A_327 = vector.broadcast %parallel_loop3A_326 : f32 to vector<16xf32>
      %parallel_loop3A_328 = arith.maximumf %parallel_loop3A_325, %parallel_loop3A_327 : vector<16xf32>
      %parallel_loop3A_329 = arith.index_cast %parallel_loop3A_248 : i32 to index
      %parallel_loop3A_330 = arith.constant 64 : index
      %parallel_loop3A_331 = tpu.vector_load %arg15[%parallel_loop3A_329, %parallel_loop3A_330] {strides = array<i32>} : memref<64x128xf32, #tpu.memory_space<vmem>>, vector<1x16xf32>,
      %parallel_loop3A_332 = vector.shape_cast %parallel_loop3A_331 : vector<1x16xf32> to vector<16xf32>
      %parallel_loop3A_333 = vector.shape_cast %parallel_loop3A_328 : vector<16xf32> to vector<1x16xf32>
      tpu.vector_store %arg15[%parallel_loop3A_329, %parallel_loop3A_330], %parallel_loop3A_333 {strides = array<i32>} : memref<64x128xf32, #tpu.memory_space<vmem>>, vector<1x16xf32>,
      %parallel_loop3A_334 = arith.index_cast %parallel_loop3A_248 : i32 to index
      %parallel_loop3A_335 = arith.constant 80 : index
      %parallel_loop3A_336 = tpu.vector_load %arg15[%parallel_loop3A_334, %parallel_loop3A_335] {strides = array<i32>} : memref<64x128xf32, #tpu.memory_space<vmem>>, vector<1x16xf32>,
      %parallel_loop3A_337 = vector.shape_cast %parallel_loop3A_336 : vector<1x16xf32> to vector<16xf32>
      %parallel_loop3A_338 = arith.index_cast %parallel_loop3A_248 : i32 to index
      %parallel_loop3A_339 = arith.constant 80 : index
      %parallel_loop3A_340 = tpu.vector_load %arg18[%parallel_loop3A_338, %parallel_loop3A_339] {strides = array<i32>} : memref<64x128xf32, #tpu.memory_space<vmem>>, vector<1x16xf32>,
      %parallel_loop3A_341 = vector.shape_cast %parallel_loop3A_340 : vector<1x16xf32> to vector<16xf32>
      %parallel_loop3A_342 = arith.addf %parallel_loop3A_337, %parallel_loop3A_341 : vector<16xf32>
      %parallel_loop3A_343 = arith.constant 0.000000e+00 : f32
      %parallel_loop3A_344 = vector.broadcast %parallel_loop3A_343 : f32 to vector<16xf32>
      %parallel_loop3A_345 = arith.maximumf %parallel_loop3A_342, %parallel_loop3A_344 : vector<16xf32>
      %parallel_loop3A_346 = arith.index_cast %parallel_loop3A_248 : i32 to index
      %parallel_loop3A_347 = arith.constant 80 : index
      %parallel_loop3A_348 = tpu.vector_load %arg15[%parallel_loop3A_346, %parallel_loop3A_347] {strides = array<i32>} : memref<64x128xf32, #tpu.memory_space<vmem>>, vector<1x16xf32>,
      %parallel_loop3A_349 = vector.shape_cast %parallel_loop3A_348 : vector<1x16xf32> to vector<16xf32>
      %parallel_loop3A_350 = vector.shape_cast %parallel_loop3A_345 : vector<16xf32> to vector<1x16xf32>
      tpu.vector_store %arg15[%parallel_loop3A_346, %parallel_loop3A_347], %parallel_loop3A_350 {strides = array<i32>} : memref<64x128xf32, #tpu.memory_space<vmem>>, vector<1x16xf32>,
      %parallel_loop3A_351 = arith.index_cast %parallel_loop3A_248 : i32 to index
      %parallel_loop3A_352 = arith.constant 96 : index
      %parallel_loop3A_353 = tpu.vector_load %arg15[%parallel_loop3A_351, %parallel_loop3A_352] {strides = array<i32>} : memref<64x128xf32, #tpu.memory_space<vmem>>, vector<1x16xf32>,
      %parallel_loop3A_354 = vector.shape_cast %parallel_loop3A_353 : vector<1x16xf32> to vector<16xf32>
      %parallel_loop3A_355 = arith.index_cast %parallel_loop3A_248 : i32 to index
      %parallel_loop3A_356 = arith.constant 96 : index
      %parallel_loop3A_357 = tpu.vector_load %arg18[%parallel_loop3A_355, %parallel_loop3A_356] {strides = array<i32>} : memref<64x128xf32, #tpu.memory_space<vmem>>, vector<1x16xf32>,
      %parallel_loop3A_358 = vector.shape_cast %parallel_loop3A_357 : vector<1x16xf32> to vector<16xf32>
      %parallel_loop3A_359 = arith.addf %parallel_loop3A_354, %parallel_loop3A_358 : vector<16xf32>
      %parallel_loop3A_360 = arith.constant 0.000000e+00 : f32
      %parallel_loop3A_361 = vector.broadcast %parallel_loop3A_360 : f32 to vector<16xf32>
      %parallel_loop3A_362 = arith.maximumf %parallel_loop3A_359, %parallel_loop3A_361 : vector<16xf32>
      %parallel_loop3A_363 = arith.index_cast %parallel_loop3A_248 : i32 to index
      %parallel_loop3A_364 = arith.constant 96 : index
      %parallel_loop3A_365 = tpu.vector_load %arg15[%parallel_loop3A_363, %parallel_loop3A_364] {strides = array<i32>} : memref<64x128xf32, #tpu.memory_space<vmem>>, vector<1x16xf32>,
      %parallel_loop3A_366 = vector.shape_cast %parallel_loop3A_365 : vector<1x16xf32> to vector<16xf32>
      %parallel_loop3A_367 = vector.shape_cast %parallel_loop3A_362 : vector<16xf32> to vector<1x16xf32>
      tpu.vector_store %arg15[%parallel_loop3A_363, %parallel_loop3A_364], %parallel_loop3A_367 {strides = array<i32>} : memref<64x128xf32, #tpu.memory_space<vmem>>, vector<1x16xf32>,
      %parallel_loop3A_368 = arith.index_cast %parallel_loop3A_248 : i32 to index
      %parallel_loop3A_369 = arith.constant 112 : index
      %parallel_loop3A_370 = tpu.vector_load %arg15[%parallel_loop3A_368, %parallel_loop3A_369] {strides = array<i32>} : memref<64x128xf32, #tpu.memory_space<vmem>>, vector<1x16xf32>,
      %parallel_loop3A_371 = vector.shape_cast %parallel_loop3A_370 : vector<1x16xf32> to vector<16xf32>
      %parallel_loop3A_372 = arith.index_cast %parallel_loop3A_248 : i32 to index
      %parallel_loop3A_373 = arith.constant 112 : index
      %parallel_loop3A_374 = tpu.vector_load %arg18[%parallel_loop3A_372, %parallel_loop3A_373] {strides = array<i32>} : memref<64x128xf32, #tpu.memory_space<vmem>>, vector<1x16xf32>,
      %parallel_loop3A_375 = vector.shape_cast %parallel_loop3A_374 : vector<1x16xf32> to vector<16xf32>
      %parallel_loop3A_376 = arith.addf %parallel_loop3A_371, %parallel_loop3A_375 : vector<16xf32>
      %parallel_loop3A_377 = arith.constant 0.000000e+00 : f32
      %parallel_loop3A_378 = vector.broadcast %parallel_loop3A_377 : f32 to vector<16xf32>
      %parallel_loop3A_379 = arith.maximumf %parallel_loop3A_376, %parallel_loop3A_378 : vector<16xf32>
      %parallel_loop3A_380 = arith.index_cast %parallel_loop3A_248 : i32 to index
      %parallel_loop3A_381 = arith.constant 112 : index
      %parallel_loop3A_382 = tpu.vector_load %arg15[%parallel_loop3A_380, %parallel_loop3A_381] {strides = array<i32>} : memref<64x128xf32, #tpu.memory_space<vmem>>, vector<1x16xf32>,
      %parallel_loop3A_383 = vector.shape_cast %parallel_loop3A_382 : vector<1x16xf32> to vector<16xf32>
      %parallel_loop3A_384 = vector.shape_cast %parallel_loop3A_379 : vector<16xf32> to vector<1x16xf32>
      tpu.vector_store %arg15[%parallel_loop3A_380, %parallel_loop3A_381], %parallel_loop3A_384 {strides = array<i32>} : memref<64x128xf32, #tpu.memory_space<vmem>>, vector<1x16xf32>,
    } {sc.loop_unroll_factor = 4 : i64, sc.parallel_access}
    %dma_wait3A_140 = arith.constant 0 : i32
    %dma_wait3A_141 = tpu.memref_slice %arg5[%dma_wait3A_140] : memref<160000xi32, #tpu.memory_space<hbm>> -> memref<64xi32, #tpu.memory_space<hbm>>
    %dma_wait3A_142 = arith.constant 0 : i32
    %dma_wait3A_143 = tpu.memref_slice %arg5[%dma_wait3A_142] : memref<160000xi32, #tpu.memory_space<hbm>> -> memref<64xi32, #tpu.memory_space<hbm>>
    tpu.wait_dma2 semaphore(%arg33 : memref<!tpu.dma_semaphore, #tpu.memory_space<semaphore_mem>>) src(%dma_wait3A_143 : memref<64xi32, #tpu.memory_space<hbm>>) dst(%arg12 : memref<64xi32, #tpu.memory_space<vmem>>)
    %dma_start3A_144 = arith.constant 0 : i32
    %dma_start3A_145 = arith.constant 0 : i32
    %dma_start3A_146 = tpu.memref_slice %arg7[%dma_start3A_144, %dma_start3A_145] : memref<10000x128xf32, #tpu.memory_space<vmem_shared>> -> memref<10000x128xf32, #tpu.memory_space<vmem_shared>>
    tpu.enqueue_indirect_dma source(%arg15 : memref<64x128xf32, #tpu.memory_space<vmem>>) target(%dma_start3A_146 : memref<10000x128xf32, #tpu.memory_space<vmem_shared>>) offsets(%arg12 : memref<64xi32, #tpu.memory_space<vmem>>) semaphore(%arg27 : memref<!tpu.dma_semaphore, #tpu.memory_space<semaphore_mem>>) {add = true}
    %add3A_147 = arith.constant 2 : i32
    %add3A_148 = arith.addi %mul3A_8, %add3A_147 : i32
    %dma_wait3A_149 = arith.constant 0 : i32
    %dma_wait3A_150 = arith.constant 0 : i32
    %dma_wait3A_151 = tpu.memref_slice %arg7[%dma_wait3A_149, %dma_wait3A_150] : memref<10000x128xf32, #tpu.memory_space<vmem_shared>> -> memref<10000x128xf32, #tpu.memory_space<vmem_shared>>
    tpu.wait_indirect_dma semaphore(%arg26 : memref<!tpu.dma_semaphore, #tpu.memory_space<semaphore_mem>>) src(%arg14 : memref<64x128xf32, #tpu.memory_space<vmem>>) dst(%dma_wait3A_151 : memref<10000x128xf32, #tpu.memory_space<vmem_shared>>)
    %add3A_152 = arith.constant 1 : i32
    %add3A_153 = arith.addi %add3A_148, %add3A_152 : i32
    %mul3A_154 = arith.constant 64 : i32
    %mul3A_155 = arith.muli %add3A_153, %mul3A_154 : i32
    %dma_start3A_156 = tpu.memref_slice %arg5[%mul3A_155] : memref<160000xi32, #tpu.memory_space<hbm>> -> memref<64xi32, #tpu.memory_space<hbm>>
    %dma_start3A_157 = tpu.memref_slice %arg5[%mul3A_155] : memref<160000xi32, #tpu.memory_space<hbm>> -> memref<64xi32, #tpu.memory_space<hbm>>
    tpu.enqueue_dma source(%dma_start3A_157 : memref<64xi32, #tpu.memory_space<hbm>>) target(%arg11 : memref<64xi32, #tpu.memory_space<vmem>>) target_semaphore(%arg32 : memref<!tpu.dma_semaphore, #tpu.memory_space<semaphore_mem>>)
    %add3A_158 = arith.constant 2 : i32
    %add3A_159 = arith.addi %add3A_148, %add3A_158 : i32
    %mul3A_160 = arith.constant 160000 : i32
    %mul3A_161 = arith.muli %arg0, %mul3A_160 : i32
    %mul3A_162 = arith.constant 64 : i32
    %mul3A_163 = arith.muli %add3A_159, %mul3A_162 : i32
    %add3A_164 = arith.addi %mul3A_161, %mul3A_163 : i32
    %dma_start3A_165 = tpu.memref_slice %arg4[%add3A_164] : memref<320000xi32, #tpu.memory_space<hbm>> -> memref<64xi32, #tpu.memory_space<hbm>>
    %dma_start3A_166 = tpu.memref_slice %arg4[%add3A_164] : memref<320000xi32, #tpu.memory_space<hbm>> -> memref<64xi32, #tpu.memory_space<hbm>>
    tpu.enqueue_dma source(%dma_start3A_166 : memref<64xi32, #tpu.memory_space<hbm>>) target(%arg9 : memref<64xi32, #tpu.memory_space<vmem>>) target_semaphore(%arg30 : memref<!tpu.dma_semaphore, #tpu.memory_space<semaphore_mem>>)
    %dma_wait3A_167 = arith.constant 0 : i32
    %dma_wait3A_168 = tpu.memref_slice %arg4[%dma_wait3A_167] : memref<320000xi32, #tpu.memory_space<hbm>> -> memref<64xi32, #tpu.memory_space<hbm>>
    %dma_wait3A_169 = arith.constant 0 : i32
    %dma_wait3A_170 = tpu.memref_slice %arg4[%dma_wait3A_169] : memref<320000xi32, #tpu.memory_space<hbm>> -> memref<64xi32, #tpu.memory_space<hbm>>
    tpu.wait_dma2 semaphore(%arg29 : memref<!tpu.dma_semaphore, #tpu.memory_space<semaphore_mem>>) src(%dma_wait3A_170 : memref<64xi32, #tpu.memory_space<hbm>>) dst(%arg8 : memref<64xi32, #tpu.memory_space<vmem>>)
    %add3A_171 = arith.constant 1 : i32
    %add3A_172 = arith.addi %add3A_148, %add3A_171 : i32
    %dma_start3A_173 = arith.constant 0 : i32
    %dma_start3A_174 = arith.constant 0 : i32
    %dma_start3A_175 = tpu.memref_slice %arg2[%dma_start3A_173, %dma_start3A_174] : memref<20000x128xf32, #tpu.memory_space<hbm>> -> memref<20000x128xf32, #tpu.memory_space<hbm>>
    tpu.enqueue_indirect_dma source(%dma_start3A_175 : memref<20000x128xf32, #tpu.memory_space<hbm>>) target(%arg14 : memref<64x128xf32, #tpu.memory_space<vmem>>) offsets(%arg8 : memref<64xi32, #tpu.memory_space<vmem>>) semaphore(%arg20 : memref<!tpu.dma_semaphore, #tpu.memory_space<semaphore_mem>>)
    %mul3A_176 = arith.constant 160000 : i32
    %mul3A_177 = arith.muli %arg0, %mul3A_176 : i32
    %mul3A_178 = arith.constant 64 : i32
    %mul3A_179 = arith.muli %add3A_172, %mul3A_178 : i32
    %add3A_180 = arith.addi %mul3A_177, %mul3A_179 : i32
    %dma_start3A_181 = arith.constant 0 : i32
    %dma_start3A_182 = tpu.memref_slice %arg3[%add3A_180, %dma_start3A_181] : memref<320000x128xf32, #tpu.memory_space<hbm>> -> memref<64x128xf32, #tpu.memory_space<hbm>>
    %dma_start3A_183 = arith.constant 0 : i32
    %dma_start3A_184 = tpu.memref_slice %arg3[%add3A_180, %dma_start3A_183] : memref<320000x128xf32, #tpu.memory_space<hbm>> -> memref<64x128xf32, #tpu.memory_space<hbm>>
    tpu.enqueue_dma source(%dma_start3A_184 : memref<64x128xf32, #tpu.memory_space<hbm>>) target(%arg17 : memref<64x128xf32, #tpu.memory_space<vmem>>) target_semaphore(%arg23 : memref<!tpu.dma_semaphore, #tpu.memory_space<semaphore_mem>>)
    %dma_wait3A_185 = arith.constant 0 : i32
    %dma_wait3A_186 = arith.constant 0 : i32
    %dma_wait3A_187 = tpu.memref_slice %arg2[%dma_wait3A_185, %dma_wait3A_186] : memref<20000x128xf32, #tpu.memory_space<hbm>> -> memref<20000x128xf32, #tpu.memory_space<hbm>>
    tpu.wait_indirect_dma semaphore(%arg22 : memref<!tpu.dma_semaphore, #tpu.memory_space<semaphore_mem>>) src(%dma_wait3A_187 : memref<20000x128xf32, #tpu.memory_space<hbm>>) dst(%arg16 : memref<64x128xf32, #tpu.memory_space<vmem>>)
    %dma_wait3A_188 = arith.constant 0 : i32
    %dma_wait3A_189 = arith.constant 0 : i32
    %dma_wait3A_190 = tpu.memref_slice %arg3[%dma_wait3A_188, %dma_wait3A_189] : memref<320000x128xf32, #tpu.memory_space<hbm>> -> memref<64x128xf32, #tpu.memory_space<hbm>>
    %dma_wait3A_191 = arith.constant 0 : i32
    %dma_wait3A_192 = arith.constant 0 : i32
    %dma_wait3A_193 = tpu.memref_slice %arg3[%dma_wait3A_191, %dma_wait3A_192] : memref<320000x128xf32, #tpu.memory_space<hbm>> -> memref<64x128xf32, #tpu.memory_space<hbm>>
    tpu.wait_dma2 semaphore(%arg25 : memref<!tpu.dma_semaphore, #tpu.memory_space<semaphore_mem>>) src(%dma_wait3A_193 : memref<64x128xf32, #tpu.memory_space<hbm>>) dst(%arg19 : memref<64x128xf32, #tpu.memory_space<vmem>>)
    %parallel_loop3A_194 = arith.constant 0 : i32
    %parallel_loop3A_195 = arith.constant 64 : i32
    %parallel_loop3A_196 = arith.constant 1 : i32
    scf.for %parallel_loop3A_248 = %parallel_loop3A_194 to %parallel_loop3A_195 step %parallel_loop3A_196  : i32 {
      %parallel_loop3A_249 = arith.index_cast %parallel_loop3A_248 : i32 to index
      %parallel_loop3A_250 = arith.constant 0 : index
      %parallel_loop3A_251 = tpu.vector_load %arg16[%parallel_loop3A_249, %parallel_loop3A_250] {strides = array<i32>} : memref<64x128xf32, #tpu.memory_space<vmem>>, vector<1x16xf32>,
      %parallel_loop3A_252 = vector.shape_cast %parallel_loop3A_251 : vector<1x16xf32> to vector<16xf32>
      %parallel_loop3A_253 = arith.index_cast %parallel_loop3A_248 : i32 to index
      %parallel_loop3A_254 = arith.constant 0 : index
      %parallel_loop3A_255 = tpu.vector_load %arg19[%parallel_loop3A_253, %parallel_loop3A_254] {strides = array<i32>} : memref<64x128xf32, #tpu.memory_space<vmem>>, vector<1x16xf32>,
      %parallel_loop3A_256 = vector.shape_cast %parallel_loop3A_255 : vector<1x16xf32> to vector<16xf32>
      %parallel_loop3A_257 = arith.addf %parallel_loop3A_252, %parallel_loop3A_256 : vector<16xf32>
      %parallel_loop3A_258 = arith.constant 0.000000e+00 : f32
      %parallel_loop3A_259 = vector.broadcast %parallel_loop3A_258 : f32 to vector<16xf32>
      %parallel_loop3A_260 = arith.maximumf %parallel_loop3A_257, %parallel_loop3A_259 : vector<16xf32>
      %parallel_loop3A_261 = arith.index_cast %parallel_loop3A_248 : i32 to index
      %parallel_loop3A_262 = arith.constant 0 : index
      %parallel_loop3A_263 = tpu.vector_load %arg16[%parallel_loop3A_261, %parallel_loop3A_262] {strides = array<i32>} : memref<64x128xf32, #tpu.memory_space<vmem>>, vector<1x16xf32>,
      %parallel_loop3A_264 = vector.shape_cast %parallel_loop3A_263 : vector<1x16xf32> to vector<16xf32>
      %parallel_loop3A_265 = vector.shape_cast %parallel_loop3A_260 : vector<16xf32> to vector<1x16xf32>
      tpu.vector_store %arg16[%parallel_loop3A_261, %parallel_loop3A_262], %parallel_loop3A_265 {strides = array<i32>} : memref<64x128xf32, #tpu.memory_space<vmem>>, vector<1x16xf32>,
      %parallel_loop3A_266 = arith.index_cast %parallel_loop3A_248 : i32 to index
      %parallel_loop3A_267 = arith.constant 16 : index
      %parallel_loop3A_268 = tpu.vector_load %arg16[%parallel_loop3A_266, %parallel_loop3A_267] {strides = array<i32>} : memref<64x128xf32, #tpu.memory_space<vmem>>, vector<1x16xf32>,
      %parallel_loop3A_269 = vector.shape_cast %parallel_loop3A_268 : vector<1x16xf32> to vector<16xf32>
      %parallel_loop3A_270 = arith.index_cast %parallel_loop3A_248 : i32 to index
      %parallel_loop3A_271 = arith.constant 16 : index
      %parallel_loop3A_272 = tpu.vector_load %arg19[%parallel_loop3A_270, %parallel_loop3A_271] {strides = array<i32>} : memref<64x128xf32, #tpu.memory_space<vmem>>, vector<1x16xf32>,
      %parallel_loop3A_273 = vector.shape_cast %parallel_loop3A_272 : vector<1x16xf32> to vector<16xf32>
      %parallel_loop3A_274 = arith.addf %parallel_loop3A_269, %parallel_loop3A_273 : vector<16xf32>
      %parallel_loop3A_275 = arith.constant 0.000000e+00 : f32
      %parallel_loop3A_276 = vector.broadcast %parallel_loop3A_275 : f32 to vector<16xf32>
      %parallel_loop3A_277 = arith.maximumf %parallel_loop3A_274, %parallel_loop3A_276 : vector<16xf32>
      %parallel_loop3A_278 = arith.index_cast %parallel_loop3A_248 : i32 to index
      %parallel_loop3A_279 = arith.constant 16 : index
      %parallel_loop3A_280 = tpu.vector_load %arg16[%parallel_loop3A_278, %parallel_loop3A_279] {strides = array<i32>} : memref<64x128xf32, #tpu.memory_space<vmem>>, vector<1x16xf32>,
      %parallel_loop3A_281 = vector.shape_cast %parallel_loop3A_280 : vector<1x16xf32> to vector<16xf32>
      %parallel_loop3A_282 = vector.shape_cast %parallel_loop3A_277 : vector<16xf32> to vector<1x16xf32>
      tpu.vector_store %arg16[%parallel_loop3A_278, %parallel_loop3A_279], %parallel_loop3A_282 {strides = array<i32>} : memref<64x128xf32, #tpu.memory_space<vmem>>, vector<1x16xf32>,
      %parallel_loop3A_283 = arith.index_cast %parallel_loop3A_248 : i32 to index
      %parallel_loop3A_284 = arith.constant 32 : index
      %parallel_loop3A_285 = tpu.vector_load %arg16[%parallel_loop3A_283, %parallel_loop3A_284] {strides = array<i32>} : memref<64x128xf32, #tpu.memory_space<vmem>>, vector<1x16xf32>,
      %parallel_loop3A_286 = vector.shape_cast %parallel_loop3A_285 : vector<1x16xf32> to vector<16xf32>
      %parallel_loop3A_287 = arith.index_cast %parallel_loop3A_248 : i32 to index
      %parallel_loop3A_288 = arith.constant 32 : index
      %parallel_loop3A_289 = tpu.vector_load %arg19[%parallel_loop3A_287, %parallel_loop3A_288] {strides = array<i32>} : memref<64x128xf32, #tpu.memory_space<vmem>>, vector<1x16xf32>,
      %parallel_loop3A_290 = vector.shape_cast %parallel_loop3A_289 : vector<1x16xf32> to vector<16xf32>
      %parallel_loop3A_291 = arith.addf %parallel_loop3A_286, %parallel_loop3A_290 : vector<16xf32>
      %parallel_loop3A_292 = arith.constant 0.000000e+00 : f32
      %parallel_loop3A_293 = vector.broadcast %parallel_loop3A_292 : f32 to vector<16xf32>
      %parallel_loop3A_294 = arith.maximumf %parallel_loop3A_291, %parallel_loop3A_293 : vector<16xf32>
      %parallel_loop3A_295 = arith.index_cast %parallel_loop3A_248 : i32 to index
      %parallel_loop3A_296 = arith.constant 32 : index
      %parallel_loop3A_297 = tpu.vector_load %arg16[%parallel_loop3A_295, %parallel_loop3A_296] {strides = array<i32>} : memref<64x128xf32, #tpu.memory_space<vmem>>, vector<1x16xf32>,
      %parallel_loop3A_298 = vector.shape_cast %parallel_loop3A_297 : vector<1x16xf32> to vector<16xf32>
      %parallel_loop3A_299 = vector.shape_cast %parallel_loop3A_294 : vector<16xf32> to vector<1x16xf32>
      tpu.vector_store %arg16[%parallel_loop3A_295, %parallel_loop3A_296], %parallel_loop3A_299 {strides = array<i32>} : memref<64x128xf32, #tpu.memory_space<vmem>>, vector<1x16xf32>,
      %parallel_loop3A_300 = arith.index_cast %parallel_loop3A_248 : i32 to index
      %parallel_loop3A_301 = arith.constant 48 : index
      %parallel_loop3A_302 = tpu.vector_load %arg16[%parallel_loop3A_300, %parallel_loop3A_301] {strides = array<i32>} : memref<64x128xf32, #tpu.memory_space<vmem>>, vector<1x16xf32>,
      %parallel_loop3A_303 = vector.shape_cast %parallel_loop3A_302 : vector<1x16xf32> to vector<16xf32>
      %parallel_loop3A_304 = arith.index_cast %parallel_loop3A_248 : i32 to index
      %parallel_loop3A_305 = arith.constant 48 : index
      %parallel_loop3A_306 = tpu.vector_load %arg19[%parallel_loop3A_304, %parallel_loop3A_305] {strides = array<i32>} : memref<64x128xf32, #tpu.memory_space<vmem>>, vector<1x16xf32>,
      %parallel_loop3A_307 = vector.shape_cast %parallel_loop3A_306 : vector<1x16xf32> to vector<16xf32>
      %parallel_loop3A_308 = arith.addf %parallel_loop3A_303, %parallel_loop3A_307 : vector<16xf32>
      %parallel_loop3A_309 = arith.constant 0.000000e+00 : f32
      %parallel_loop3A_310 = vector.broadcast %parallel_loop3A_309 : f32 to vector<16xf32>
      %parallel_loop3A_311 = arith.maximumf %parallel_loop3A_308, %parallel_loop3A_310 : vector<16xf32>
      %parallel_loop3A_312 = arith.index_cast %parallel_loop3A_248 : i32 to index
      %parallel_loop3A_313 = arith.constant 48 : index
      %parallel_loop3A_314 = tpu.vector_load %arg16[%parallel_loop3A_312, %parallel_loop3A_313] {strides = array<i32>} : memref<64x128xf32, #tpu.memory_space<vmem>>, vector<1x16xf32>,
      %parallel_loop3A_315 = vector.shape_cast %parallel_loop3A_314 : vector<1x16xf32> to vector<16xf32>
      %parallel_loop3A_316 = vector.shape_cast %parallel_loop3A_311 : vector<16xf32> to vector<1x16xf32>
      tpu.vector_store %arg16[%parallel_loop3A_312, %parallel_loop3A_313], %parallel_loop3A_316 {strides = array<i32>} : memref<64x128xf32, #tpu.memory_space<vmem>>, vector<1x16xf32>,
      %parallel_loop3A_317 = arith.index_cast %parallel_loop3A_248 : i32 to index
      %parallel_loop3A_318 = arith.constant 64 : index
      %parallel_loop3A_319 = tpu.vector_load %arg16[%parallel_loop3A_317, %parallel_loop3A_318] {strides = array<i32>} : memref<64x128xf32, #tpu.memory_space<vmem>>, vector<1x16xf32>,
      %parallel_loop3A_320 = vector.shape_cast %parallel_loop3A_319 : vector<1x16xf32> to vector<16xf32>
      %parallel_loop3A_321 = arith.index_cast %parallel_loop3A_248 : i32 to index
      %parallel_loop3A_322 = arith.constant 64 : index
      %parallel_loop3A_323 = tpu.vector_load %arg19[%parallel_loop3A_321, %parallel_loop3A_322] {strides = array<i32>} : memref<64x128xf32, #tpu.memory_space<vmem>>, vector<1x16xf32>,
      %parallel_loop3A_324 = vector.shape_cast %parallel_loop3A_323 : vector<1x16xf32> to vector<16xf32>
      %parallel_loop3A_325 = arith.addf %parallel_loop3A_320, %parallel_loop3A_324 : vector<16xf32>
      %parallel_loop3A_326 = arith.constant 0.000000e+00 : f32
      %parallel_loop3A_327 = vector.broadcast %parallel_loop3A_326 : f32 to vector<16xf32>
      %parallel_loop3A_328 = arith.maximumf %parallel_loop3A_325, %parallel_loop3A_327 : vector<16xf32>
      %parallel_loop3A_329 = arith.index_cast %parallel_loop3A_248 : i32 to index
      %parallel_loop3A_330 = arith.constant 64 : index
      %parallel_loop3A_331 = tpu.vector_load %arg16[%parallel_loop3A_329, %parallel_loop3A_330] {strides = array<i32>} : memref<64x128xf32, #tpu.memory_space<vmem>>, vector<1x16xf32>,
      %parallel_loop3A_332 = vector.shape_cast %parallel_loop3A_331 : vector<1x16xf32> to vector<16xf32>
      %parallel_loop3A_333 = vector.shape_cast %parallel_loop3A_328 : vector<16xf32> to vector<1x16xf32>
      tpu.vector_store %arg16[%parallel_loop3A_329, %parallel_loop3A_330], %parallel_loop3A_333 {strides = array<i32>} : memref<64x128xf32, #tpu.memory_space<vmem>>, vector<1x16xf32>,
      %parallel_loop3A_334 = arith.index_cast %parallel_loop3A_248 : i32 to index
      %parallel_loop3A_335 = arith.constant 80 : index
      %parallel_loop3A_336 = tpu.vector_load %arg16[%parallel_loop3A_334, %parallel_loop3A_335] {strides = array<i32>} : memref<64x128xf32, #tpu.memory_space<vmem>>, vector<1x16xf32>,
      %parallel_loop3A_337 = vector.shape_cast %parallel_loop3A_336 : vector<1x16xf32> to vector<16xf32>
      %parallel_loop3A_338 = arith.index_cast %parallel_loop3A_248 : i32 to index
      %parallel_loop3A_339 = arith.constant 80 : index
      %parallel_loop3A_340 = tpu.vector_load %arg19[%parallel_loop3A_338, %parallel_loop3A_339] {strides = array<i32>} : memref<64x128xf32, #tpu.memory_space<vmem>>, vector<1x16xf32>,
      %parallel_loop3A_341 = vector.shape_cast %parallel_loop3A_340 : vector<1x16xf32> to vector<16xf32>
      %parallel_loop3A_342 = arith.addf %parallel_loop3A_337, %parallel_loop3A_341 : vector<16xf32>
      %parallel_loop3A_343 = arith.constant 0.000000e+00 : f32
      %parallel_loop3A_344 = vector.broadcast %parallel_loop3A_343 : f32 to vector<16xf32>
      %parallel_loop3A_345 = arith.maximumf %parallel_loop3A_342, %parallel_loop3A_344 : vector<16xf32>
      %parallel_loop3A_346 = arith.index_cast %parallel_loop3A_248 : i32 to index
      %parallel_loop3A_347 = arith.constant 80 : index
      %parallel_loop3A_348 = tpu.vector_load %arg16[%parallel_loop3A_346, %parallel_loop3A_347] {strides = array<i32>} : memref<64x128xf32, #tpu.memory_space<vmem>>, vector<1x16xf32>,
      %parallel_loop3A_349 = vector.shape_cast %parallel_loop3A_348 : vector<1x16xf32> to vector<16xf32>
      %parallel_loop3A_350 = vector.shape_cast %parallel_loop3A_345 : vector<16xf32> to vector<1x16xf32>
      tpu.vector_store %arg16[%parallel_loop3A_346, %parallel_loop3A_347], %parallel_loop3A_350 {strides = array<i32>} : memref<64x128xf32, #tpu.memory_space<vmem>>, vector<1x16xf32>,
      %parallel_loop3A_351 = arith.index_cast %parallel_loop3A_248 : i32 to index
      %parallel_loop3A_352 = arith.constant 96 : index
      %parallel_loop3A_353 = tpu.vector_load %arg16[%parallel_loop3A_351, %parallel_loop3A_352] {strides = array<i32>} : memref<64x128xf32, #tpu.memory_space<vmem>>, vector<1x16xf32>,
      %parallel_loop3A_354 = vector.shape_cast %parallel_loop3A_353 : vector<1x16xf32> to vector<16xf32>
      %parallel_loop3A_355 = arith.index_cast %parallel_loop3A_248 : i32 to index
      %parallel_loop3A_356 = arith.constant 96 : index
      %parallel_loop3A_357 = tpu.vector_load %arg19[%parallel_loop3A_355, %parallel_loop3A_356] {strides = array<i32>} : memref<64x128xf32, #tpu.memory_space<vmem>>, vector<1x16xf32>,
      %parallel_loop3A_358 = vector.shape_cast %parallel_loop3A_357 : vector<1x16xf32> to vector<16xf32>
      %parallel_loop3A_359 = arith.addf %parallel_loop3A_354, %parallel_loop3A_358 : vector<16xf32>
      %parallel_loop3A_360 = arith.constant 0.000000e+00 : f32
      %parallel_loop3A_361 = vector.broadcast %parallel_loop3A_360 : f32 to vector<16xf32>
      %parallel_loop3A_362 = arith.maximumf %parallel_loop3A_359, %parallel_loop3A_361 : vector<16xf32>
      %parallel_loop3A_363 = arith.index_cast %parallel_loop3A_248 : i32 to index
      %parallel_loop3A_364 = arith.constant 96 : index
      %parallel_loop3A_365 = tpu.vector_load %arg16[%parallel_loop3A_363, %parallel_loop3A_364] {strides = array<i32>} : memref<64x128xf32, #tpu.memory_space<vmem>>, vector<1x16xf32>,
      %parallel_loop3A_366 = vector.shape_cast %parallel_loop3A_365 : vector<1x16xf32> to vector<16xf32>
      %parallel_loop3A_367 = vector.shape_cast %parallel_loop3A_362 : vector<16xf32> to vector<1x16xf32>
      tpu.vector_store %arg16[%parallel_loop3A_363, %parallel_loop3A_364], %parallel_loop3A_367 {strides = array<i32>} : memref<64x128xf32, #tpu.memory_space<vmem>>, vector<1x16xf32>,
      %parallel_loop3A_368 = arith.index_cast %parallel_loop3A_248 : i32 to index
      %parallel_loop3A_369 = arith.constant 112 : index
      %parallel_loop3A_370 = tpu.vector_load %arg16[%parallel_loop3A_368, %parallel_loop3A_369] {strides = array<i32>} : memref<64x128xf32, #tpu.memory_space<vmem>>, vector<1x16xf32>,
      %parallel_loop3A_371 = vector.shape_cast %parallel_loop3A_370 : vector<1x16xf32> to vector<16xf32>
      %parallel_loop3A_372 = arith.index_cast %parallel_loop3A_248 : i32 to index
      %parallel_loop3A_373 = arith.constant 112 : index
      %parallel_loop3A_374 = tpu.vector_load %arg19[%parallel_loop3A_372, %parallel_loop3A_373] {strides = array<i32>} : memref<64x128xf32, #tpu.memory_space<vmem>>, vector<1x16xf32>,
      %parallel_loop3A_375 = vector.shape_cast %parallel_loop3A_374 : vector<1x16xf32> to vector<16xf32>
      %parallel_loop3A_376 = arith.addf %parallel_loop3A_371, %parallel_loop3A_375 : vector<16xf32>
      %parallel_loop3A_377 = arith.constant 0.000000e+00 : f32
      %parallel_loop3A_378 = vector.broadcast %parallel_loop3A_377 : f32 to vector<16xf32>
      %parallel_loop3A_379 = arith.maximumf %parallel_loop3A_376, %parallel_loop3A_378 : vector<16xf32>
      %parallel_loop3A_380 = arith.index_cast %parallel_loop3A_248 : i32 to index
      %parallel_loop3A_381 = arith.constant 112 : index
      %parallel_loop3A_382 = tpu.vector_load %arg16[%parallel_loop3A_380, %parallel_loop3A_381] {strides = array<i32>} : memref<64x128xf32, #tpu.memory_space<vmem>>, vector<1x16xf32>,
      %parallel_loop3A_383 = vector.shape_cast %parallel_loop3A_382 : vector<1x16xf32> to vector<16xf32>
      %parallel_loop3A_384 = vector.shape_cast %parallel_loop3A_379 : vector<16xf32> to vector<1x16xf32>
      tpu.vector_store %arg16[%parallel_loop3A_380, %parallel_loop3A_381], %parallel_loop3A_384 {strides = array<i32>} : memref<64x128xf32, #tpu.memory_space<vmem>>, vector<1x16xf32>,
    } {sc.loop_unroll_factor = 4 : i64, sc.parallel_access}
    %dma_wait3A_197 = arith.constant 0 : i32
    %dma_wait3A_198 = tpu.memref_slice %arg5[%dma_wait3A_197] : memref<160000xi32, #tpu.memory_space<hbm>> -> memref<64xi32, #tpu.memory_space<hbm>>
    %dma_wait3A_199 = arith.constant 0 : i32
    %dma_wait3A_200 = tpu.memref_slice %arg5[%dma_wait3A_199] : memref<160000xi32, #tpu.memory_space<hbm>> -> memref<64xi32, #tpu.memory_space<hbm>>
    tpu.wait_dma2 semaphore(%arg34 : memref<!tpu.dma_semaphore, #tpu.memory_space<semaphore_mem>>) src(%dma_wait3A_200 : memref<64xi32, #tpu.memory_space<hbm>>) dst(%arg13 : memref<64xi32, #tpu.memory_space<vmem>>)
    %dma_start3A_201 = arith.constant 0 : i32
    %dma_start3A_202 = arith.constant 0 : i32
    %dma_start3A_203 = tpu.memref_slice %arg7[%dma_start3A_201, %dma_start3A_202] : memref<10000x128xf32, #tpu.memory_space<vmem_shared>> -> memref<10000x128xf32, #tpu.memory_space<vmem_shared>>
    tpu.enqueue_indirect_dma source(%arg16 : memref<64x128xf32, #tpu.memory_space<vmem>>) target(%dma_start3A_203 : memref<10000x128xf32, #tpu.memory_space<vmem_shared>>) offsets(%arg13 : memref<64xi32, #tpu.memory_space<vmem>>) semaphore(%arg28 : memref<!tpu.dma_semaphore, #tpu.memory_space<semaphore_mem>>) {add = true}
    %scan3A = arith.constant 0 : i32
    %scan3A_204 = arith.constant 0 : i32
    %scan3A_205 = arith.constant 51 : i32
    %scan3A_206 = arith.addi %scan3A_204, %scan3A_205 : i32
    %scan3A_207 = arith.constant 1 : i32
    scf.for %scan3A_248 = %scan3A_204 to %scan3A_206 step %scan3A_207  : i32 {
      %add3A_249 = arith.constant 3 : i32
      %add3A_250 = arith.addi %mul3A_8, %add3A_249 : i32
      %mul3A_251 = arith.constant 3 : i32
      %mul3A_252 = arith.muli %mul3A_251, %scan3A_248 : i32
      %add3A_253 = arith.addi %add3A_250, %mul3A_252 : i32
      %dma_wait3A_254 = arith.constant 0 : i32
      %dma_wait3A_255 = arith.constant 0 : i32
      %dma_wait3A_256 = tpu.memref_slice %arg7[%dma_wait3A_254, %dma_wait3A_255] : memref<10000x128xf32, #tpu.memory_space<vmem_shared>> -> memref<10000x128xf32, #tpu.memory_space<vmem_shared>>
      tpu.wait_indirect_dma semaphore(%arg27 : memref<!tpu.dma_semaphore, #tpu.memory_space<semaphore_mem>>) src(%arg15 : memref<64x128xf32, #tpu.memory_space<vmem>>) dst(%dma_wait3A_256 : memref<10000x128xf32, #tpu.memory_space<vmem_shared>>)
      %add3A_257 = arith.constant 1 : i32
      %add3A_258 = arith.addi %add3A_253, %add3A_257 : i32
      %mul3A_259 = arith.constant 64 : i32
      %mul3A_260 = arith.muli %add3A_258, %mul3A_259 : i32
      %dma_start3A_261 = tpu.memref_slice %arg5[%mul3A_260] : memref<160000xi32, #tpu.memory_space<hbm>> -> memref<64xi32, #tpu.memory_space<hbm>>
      %dma_start3A_262 = tpu.memref_slice %arg5[%mul3A_260] : memref<160000xi32, #tpu.memory_space<hbm>> -> memref<64xi32, #tpu.memory_space<hbm>>
      tpu.enqueue_dma source(%dma_start3A_262 : memref<64xi32, #tpu.memory_space<hbm>>) target(%arg12 : memref<64xi32, #tpu.memory_space<vmem>>) target_semaphore(%arg33 : memref<!tpu.dma_semaphore, #tpu.memory_space<semaphore_mem>>)
      %add3A_263 = arith.constant 2 : i32
      %add3A_264 = arith.addi %add3A_253, %add3A_263 : i32
      %mul3A_265 = arith.constant 160000 : i32
      %mul3A_266 = arith.muli %arg0, %mul3A_265 : i32
      %mul3A_267 = arith.constant 64 : i32
      %mul3A_268 = arith.muli %add3A_264, %mul3A_267 : i32
      %add3A_269 = arith.addi %mul3A_266, %mul3A_268 : i32
      %dma_start3A_270 = tpu.memref_slice %arg4[%add3A_269] : memref<320000xi32, #tpu.memory_space<hbm>> -> memref<64xi32, #tpu.memory_space<hbm>>
      %dma_start3A_271 = tpu.memref_slice %arg4[%add3A_269] : memref<320000xi32, #tpu.memory_space<hbm>> -> memref<64xi32, #tpu.memory_space<hbm>>
      tpu.enqueue_dma source(%dma_start3A_271 : memref<64xi32, #tpu.memory_space<hbm>>) target(%arg10 : memref<64xi32, #tpu.memory_space<vmem>>) target_semaphore(%arg31 : memref<!tpu.dma_semaphore, #tpu.memory_space<semaphore_mem>>)
      %dma_wait3A_272 = arith.constant 0 : i32
      %dma_wait3A_273 = tpu.memref_slice %arg4[%dma_wait3A_272] : memref<320000xi32, #tpu.memory_space<hbm>> -> memref<64xi32, #tpu.memory_space<hbm>>
      %dma_wait3A_274 = arith.constant 0 : i32
      %dma_wait3A_275 = tpu.memref_slice %arg4[%dma_wait3A_274] : memref<320000xi32, #tpu.memory_space<hbm>> -> memref<64xi32, #tpu.memory_space<hbm>>
      tpu.wait_dma2 semaphore(%arg30 : memref<!tpu.dma_semaphore, #tpu.memory_space<semaphore_mem>>) src(%dma_wait3A_275 : memref<64xi32, #tpu.memory_space<hbm>>) dst(%arg9 : memref<64xi32, #tpu.memory_space<vmem>>)
      %add3A_276 = arith.constant 1 : i32
      %add3A_277 = arith.addi %add3A_253, %add3A_276 : i32
      %dma_start3A_278 = arith.constant 0 : i32
      %dma_start3A_279 = arith.constant 0 : i32
      %dma_start3A_280 = tpu.memref_slice %arg2[%dma_start3A_278, %dma_start3A_279] : memref<20000x128xf32, #tpu.memory_space<hbm>> -> memref<20000x128xf32, #tpu.memory_space<hbm>>
      tpu.enqueue_indirect_dma source(%dma_start3A_280 : memref<20000x128xf32, #tpu.memory_space<hbm>>) target(%arg15 : memref<64x128xf32, #tpu.memory_space<vmem>>) offsets(%arg9 : memref<64xi32, #tpu.memory_space<vmem>>) semaphore(%arg21 : memref<!tpu.dma_semaphore, #tpu.memory_space<semaphore_mem>>)
      %mul3A_281 = arith.constant 160000 : i32
      %mul3A_282 = arith.muli %arg0, %mul3A_281 : i32
      %mul3A_283 = arith.constant 64 : i32
      %mul3A_284 = arith.muli %add3A_277, %mul3A_283 : i32
      %add3A_285 = arith.addi %mul3A_282, %mul3A_284 : i32
      %dma_start3A_286 = arith.constant 0 : i32
      %dma_start3A_287 = tpu.memref_slice %arg3[%add3A_285, %dma_start3A_286] : memref<320000x128xf32, #tpu.memory_space<hbm>> -> memref<64x128xf32, #tpu.memory_space<hbm>>
      %dma_start3A_288 = arith.constant 0 : i32
      %dma_start3A_289 = tpu.memref_slice %arg3[%add3A_285, %dma_start3A_288] : memref<320000x128xf32, #tpu.memory_space<hbm>> -> memref<64x128xf32, #tpu.memory_space<hbm>>
      tpu.enqueue_dma source(%dma_start3A_289 : memref<64x128xf32, #tpu.memory_space<hbm>>) target(%arg18 : memref<64x128xf32, #tpu.memory_space<vmem>>) target_semaphore(%arg24 : memref<!tpu.dma_semaphore, #tpu.memory_space<semaphore_mem>>)
      %dma_wait3A_290 = arith.constant 0 : i32
      %dma_wait3A_291 = arith.constant 0 : i32
      %dma_wait3A_292 = tpu.memref_slice %arg2[%dma_wait3A_290, %dma_wait3A_291] : memref<20000x128xf32, #tpu.memory_space<hbm>> -> memref<20000x128xf32, #tpu.memory_space<hbm>>
      tpu.wait_indirect_dma semaphore(%arg20 : memref<!tpu.dma_semaphore, #tpu.memory_space<semaphore_mem>>) src(%dma_wait3A_292 : memref<20000x128xf32, #tpu.memory_space<hbm>>) dst(%arg14 : memref<64x128xf32, #tpu.memory_space<vmem>>)
      %dma_wait3A_293 = arith.constant 0 : i32
      %dma_wait3A_294 = arith.constant 0 : i32
      %dma_wait3A_295 = tpu.memref_slice %arg3[%dma_wait3A_293, %dma_wait3A_294] : memref<320000x128xf32, #tpu.memory_space<hbm>> -> memref<64x128xf32, #tpu.memory_space<hbm>>
      %dma_wait3A_296 = arith.constant 0 : i32
      %dma_wait3A_297 = arith.constant 0 : i32
      %dma_wait3A_298 = tpu.memref_slice %arg3[%dma_wait3A_296, %dma_wait3A_297] : memref<320000x128xf32, #tpu.memory_space<hbm>> -> memref<64x128xf32, #tpu.memory_space<hbm>>
      tpu.wait_dma2 semaphore(%arg23 : memref<!tpu.dma_semaphore, #tpu.memory_space<semaphore_mem>>) src(%dma_wait3A_298 : memref<64x128xf32, #tpu.memory_space<hbm>>) dst(%arg17 : memref<64x128xf32, #tpu.memory_space<vmem>>)
      %parallel_loop3A_299 = arith.constant 0 : i32
      %parallel_loop3A_300 = arith.constant 64 : i32
      %parallel_loop3A_301 = arith.constant 1 : i32
      scf.for %parallel_loop3A_423 = %parallel_loop3A_299 to %parallel_loop3A_300 step %parallel_loop3A_301  : i32 {
        %parallel_loop3A_424 = arith.index_cast %parallel_loop3A_423 : i32 to index
        %parallel_loop3A_425 = arith.constant 0 : index
        %parallel_loop3A_426 = tpu.vector_load %arg14[%parallel_loop3A_424, %parallel_loop3A_425] {strides = array<i32>} : memref<64x128xf32, #tpu.memory_space<vmem>>, vector<1x16xf32>,
        %parallel_loop3A_427 = vector.shape_cast %parallel_loop3A_426 : vector<1x16xf32> to vector<16xf32>
        %parallel_loop3A_428 = arith.index_cast %parallel_loop3A_423 : i32 to index
        %parallel_loop3A_429 = arith.constant 0 : index
        %parallel_loop3A_430 = tpu.vector_load %arg17[%parallel_loop3A_428, %parallel_loop3A_429] {strides = array<i32>} : memref<64x128xf32, #tpu.memory_space<vmem>>, vector<1x16xf32>,
        %parallel_loop3A_431 = vector.shape_cast %parallel_loop3A_430 : vector<1x16xf32> to vector<16xf32>
        %parallel_loop3A_432 = arith.addf %parallel_loop3A_427, %parallel_loop3A_431 : vector<16xf32>
        %parallel_loop3A_433 = arith.constant 0.000000e+00 : f32
        %parallel_loop3A_434 = vector.broadcast %parallel_loop3A_433 : f32 to vector<16xf32>
        %parallel_loop3A_435 = arith.maximumf %parallel_loop3A_432, %parallel_loop3A_434 : vector<16xf32>
        %parallel_loop3A_436 = arith.index_cast %parallel_loop3A_423 : i32 to index
        %parallel_loop3A_437 = arith.constant 0 : index
        %parallel_loop3A_438 = tpu.vector_load %arg14[%parallel_loop3A_436, %parallel_loop3A_437] {strides = array<i32>} : memref<64x128xf32, #tpu.memory_space<vmem>>, vector<1x16xf32>,
        %parallel_loop3A_439 = vector.shape_cast %parallel_loop3A_438 : vector<1x16xf32> to vector<16xf32>
        %parallel_loop3A_440 = vector.shape_cast %parallel_loop3A_435 : vector<16xf32> to vector<1x16xf32>
        tpu.vector_store %arg14[%parallel_loop3A_436, %parallel_loop3A_437], %parallel_loop3A_440 {strides = array<i32>} : memref<64x128xf32, #tpu.memory_space<vmem>>, vector<1x16xf32>,
        %parallel_loop3A_441 = arith.index_cast %parallel_loop3A_423 : i32 to index
        %parallel_loop3A_442 = arith.constant 16 : index
        %parallel_loop3A_443 = tpu.vector_load %arg14[%parallel_loop3A_441, %parallel_loop3A_442] {strides = array<i32>} : memref<64x128xf32, #tpu.memory_space<vmem>>, vector<1x16xf32>,
        %parallel_loop3A_444 = vector.shape_cast %parallel_loop3A_443 : vector<1x16xf32> to vector<16xf32>
        %parallel_loop3A_445 = arith.index_cast %parallel_loop3A_423 : i32 to index
        %parallel_loop3A_446 = arith.constant 16 : index
        %parallel_loop3A_447 = tpu.vector_load %arg17[%parallel_loop3A_445, %parallel_loop3A_446] {strides = array<i32>} : memref<64x128xf32, #tpu.memory_space<vmem>>, vector<1x16xf32>,
        %parallel_loop3A_448 = vector.shape_cast %parallel_loop3A_447 : vector<1x16xf32> to vector<16xf32>
        %parallel_loop3A_449 = arith.addf %parallel_loop3A_444, %parallel_loop3A_448 : vector<16xf32>
        %parallel_loop3A_450 = arith.constant 0.000000e+00 : f32
        %parallel_loop3A_451 = vector.broadcast %parallel_loop3A_450 : f32 to vector<16xf32>
        %parallel_loop3A_452 = arith.maximumf %parallel_loop3A_449, %parallel_loop3A_451 : vector<16xf32>
        %parallel_loop3A_453 = arith.index_cast %parallel_loop3A_423 : i32 to index
        %parallel_loop3A_454 = arith.constant 16 : index
        %parallel_loop3A_455 = tpu.vector_load %arg14[%parallel_loop3A_453, %parallel_loop3A_454] {strides = array<i32>} : memref<64x128xf32, #tpu.memory_space<vmem>>, vector<1x16xf32>,
        %parallel_loop3A_456 = vector.shape_cast %parallel_loop3A_455 : vector<1x16xf32> to vector<16xf32>
        %parallel_loop3A_457 = vector.shape_cast %parallel_loop3A_452 : vector<16xf32> to vector<1x16xf32>
        tpu.vector_store %arg14[%parallel_loop3A_453, %parallel_loop3A_454], %parallel_loop3A_457 {strides = array<i32>} : memref<64x128xf32, #tpu.memory_space<vmem>>, vector<1x16xf32>,
        %parallel_loop3A_458 = arith.index_cast %parallel_loop3A_423 : i32 to index
        %parallel_loop3A_459 = arith.constant 32 : index
        %parallel_loop3A_460 = tpu.vector_load %arg14[%parallel_loop3A_458, %parallel_loop3A_459] {strides = array<i32>} : memref<64x128xf32, #tpu.memory_space<vmem>>, vector<1x16xf32>,
        %parallel_loop3A_461 = vector.shape_cast %parallel_loop3A_460 : vector<1x16xf32> to vector<16xf32>
        %parallel_loop3A_462 = arith.index_cast %parallel_loop3A_423 : i32 to index
        %parallel_loop3A_463 = arith.constant 32 : index
        %parallel_loop3A_464 = tpu.vector_load %arg17[%parallel_loop3A_462, %parallel_loop3A_463] {strides = array<i32>} : memref<64x128xf32, #tpu.memory_space<vmem>>, vector<1x16xf32>,
        %parallel_loop3A_465 = vector.shape_cast %parallel_loop3A_464 : vector<1x16xf32> to vector<16xf32>
        %parallel_loop3A_466 = arith.addf %parallel_loop3A_461, %parallel_loop3A_465 : vector<16xf32>
        %parallel_loop3A_467 = arith.constant 0.000000e+00 : f32
        %parallel_loop3A_468 = vector.broadcast %parallel_loop3A_467 : f32 to vector<16xf32>
        %parallel_loop3A_469 = arith.maximumf %parallel_loop3A_466, %parallel_loop3A_468 : vector<16xf32>
        %parallel_loop3A_470 = arith.index_cast %parallel_loop3A_423 : i32 to index
        %parallel_loop3A_471 = arith.constant 32 : index
        %parallel_loop3A_472 = tpu.vector_load %arg14[%parallel_loop3A_470, %parallel_loop3A_471] {strides = array<i32>} : memref<64x128xf32, #tpu.memory_space<vmem>>, vector<1x16xf32>,
        %parallel_loop3A_473 = vector.shape_cast %parallel_loop3A_472 : vector<1x16xf32> to vector<16xf32>
        %parallel_loop3A_474 = vector.shape_cast %parallel_loop3A_469 : vector<16xf32> to vector<1x16xf32>
        tpu.vector_store %arg14[%parallel_loop3A_470, %parallel_loop3A_471], %parallel_loop3A_474 {strides = array<i32>} : memref<64x128xf32, #tpu.memory_space<vmem>>, vector<1x16xf32>,
        %parallel_loop3A_475 = arith.index_cast %parallel_loop3A_423 : i32 to index
        %parallel_loop3A_476 = arith.constant 48 : index
        %parallel_loop3A_477 = tpu.vector_load %arg14[%parallel_loop3A_475, %parallel_loop3A_476] {strides = array<i32>} : memref<64x128xf32, #tpu.memory_space<vmem>>, vector<1x16xf32>,
        %parallel_loop3A_478 = vector.shape_cast %parallel_loop3A_477 : vector<1x16xf32> to vector<16xf32>
        %parallel_loop3A_479 = arith.index_cast %parallel_loop3A_423 : i32 to index
        %parallel_loop3A_480 = arith.constant 48 : index
        %parallel_loop3A_481 = tpu.vector_load %arg17[%parallel_loop3A_479, %parallel_loop3A_480] {strides = array<i32>} : memref<64x128xf32, #tpu.memory_space<vmem>>, vector<1x16xf32>,
        %parallel_loop3A_482 = vector.shape_cast %parallel_loop3A_481 : vector<1x16xf32> to vector<16xf32>
        %parallel_loop3A_483 = arith.addf %parallel_loop3A_478, %parallel_loop3A_482 : vector<16xf32>
        %parallel_loop3A_484 = arith.constant 0.000000e+00 : f32
        %parallel_loop3A_485 = vector.broadcast %parallel_loop3A_484 : f32 to vector<16xf32>
        %parallel_loop3A_486 = arith.maximumf %parallel_loop3A_483, %parallel_loop3A_485 : vector<16xf32>
        %parallel_loop3A_487 = arith.index_cast %parallel_loop3A_423 : i32 to index
        %parallel_loop3A_488 = arith.constant 48 : index
        %parallel_loop3A_489 = tpu.vector_load %arg14[%parallel_loop3A_487, %parallel_loop3A_488] {strides = array<i32>} : memref<64x128xf32, #tpu.memory_space<vmem>>, vector<1x16xf32>,
        %parallel_loop3A_490 = vector.shape_cast %parallel_loop3A_489 : vector<1x16xf32> to vector<16xf32>
        %parallel_loop3A_491 = vector.shape_cast %parallel_loop3A_486 : vector<16xf32> to vector<1x16xf32>
        tpu.vector_store %arg14[%parallel_loop3A_487, %parallel_loop3A_488], %parallel_loop3A_491 {strides = array<i32>} : memref<64x128xf32, #tpu.memory_space<vmem>>, vector<1x16xf32>,
        %parallel_loop3A_492 = arith.index_cast %parallel_loop3A_423 : i32 to index
        %parallel_loop3A_493 = arith.constant 64 : index
        %parallel_loop3A_494 = tpu.vector_load %arg14[%parallel_loop3A_492, %parallel_loop3A_493] {strides = array<i32>} : memref<64x128xf32, #tpu.memory_space<vmem>>, vector<1x16xf32>,
        %parallel_loop3A_495 = vector.shape_cast %parallel_loop3A_494 : vector<1x16xf32> to vector<16xf32>
        %parallel_loop3A_496 = arith.index_cast %parallel_loop3A_423 : i32 to index
        %parallel_loop3A_497 = arith.constant 64 : index
        %parallel_loop3A_498 = tpu.vector_load %arg17[%parallel_loop3A_496, %parallel_loop3A_497] {strides = array<i32>} : memref<64x128xf32, #tpu.memory_space<vmem>>, vector<1x16xf32>,
        %parallel_loop3A_499 = vector.shape_cast %parallel_loop3A_498 : vector<1x16xf32> to vector<16xf32>
        %parallel_loop3A_500 = arith.addf %parallel_loop3A_495, %parallel_loop3A_499 : vector<16xf32>
        %parallel_loop3A_501 = arith.constant 0.000000e+00 : f32
        %parallel_loop3A_502 = vector.broadcast %parallel_loop3A_501 : f32 to vector<16xf32>
        %parallel_loop3A_503 = arith.maximumf %parallel_loop3A_500, %parallel_loop3A_502 : vector<16xf32>
        %parallel_loop3A_504 = arith.index_cast %parallel_loop3A_423 : i32 to index
        %parallel_loop3A_505 = arith.constant 64 : index
        %parallel_loop3A_506 = tpu.vector_load %arg14[%parallel_loop3A_504, %parallel_loop3A_505] {strides = array<i32>} : memref<64x128xf32, #tpu.memory_space<vmem>>, vector<1x16xf32>,
        %parallel_loop3A_507 = vector.shape_cast %parallel_loop3A_506 : vector<1x16xf32> to vector<16xf32>
        %parallel_loop3A_508 = vector.shape_cast %parallel_loop3A_503 : vector<16xf32> to vector<1x16xf32>
        tpu.vector_store %arg14[%parallel_loop3A_504, %parallel_loop3A_505], %parallel_loop3A_508 {strides = array<i32>} : memref<64x128xf32, #tpu.memory_space<vmem>>, vector<1x16xf32>,
        %parallel_loop3A_509 = arith.index_cast %parallel_loop3A_423 : i32 to index
        %parallel_loop3A_510 = arith.constant 80 : index
        %parallel_loop3A_511 = tpu.vector_load %arg14[%parallel_loop3A_509, %parallel_loop3A_510] {strides = array<i32>} : memref<64x128xf32, #tpu.memory_space<vmem>>, vector<1x16xf32>,
        %parallel_loop3A_512 = vector.shape_cast %parallel_loop3A_511 : vector<1x16xf32> to vector<16xf32>
        %parallel_loop3A_513 = arith.index_cast %parallel_loop3A_423 : i32 to index
        %parallel_loop3A_514 = arith.constant 80 : index
        %parallel_loop3A_515 = tpu.vector_load %arg17[%parallel_loop3A_513, %parallel_loop3A_514] {strides = array<i32>} : memref<64x128xf32, #tpu.memory_space<vmem>>, vector<1x16xf32>,
        %parallel_loop3A_516 = vector.shape_cast %parallel_loop3A_515 : vector<1x16xf32> to vector<16xf32>
        %parallel_loop3A_517 = arith.addf %parallel_loop3A_512, %parallel_loop3A_516 : vector<16xf32>
        %parallel_loop3A_518 = arith.constant 0.000000e+00 : f32
        %parallel_loop3A_519 = vector.broadcast %parallel_loop3A_518 : f32 to vector<16xf32>
        %parallel_loop3A_520 = arith.maximumf %parallel_loop3A_517, %parallel_loop3A_519 : vector<16xf32>
        %parallel_loop3A_521 = arith.index_cast %parallel_loop3A_423 : i32 to index
        %parallel_loop3A_522 = arith.constant 80 : index
        %parallel_loop3A_523 = tpu.vector_load %arg14[%parallel_loop3A_521, %parallel_loop3A_522] {strides = array<i32>} : memref<64x128xf32, #tpu.memory_space<vmem>>, vector<1x16xf32>,
        %parallel_loop3A_524 = vector.shape_cast %parallel_loop3A_523 : vector<1x16xf32> to vector<16xf32>
        %parallel_loop3A_525 = vector.shape_cast %parallel_loop3A_520 : vector<16xf32> to vector<1x16xf32>
        tpu.vector_store %arg14[%parallel_loop3A_521, %parallel_loop3A_522], %parallel_loop3A_525 {strides = array<i32>} : memref<64x128xf32, #tpu.memory_space<vmem>>, vector<1x16xf32>,
        %parallel_loop3A_526 = arith.index_cast %parallel_loop3A_423 : i32 to index
        %parallel_loop3A_527 = arith.constant 96 : index
        %parallel_loop3A_528 = tpu.vector_load %arg14[%parallel_loop3A_526, %parallel_loop3A_527] {strides = array<i32>} : memref<64x128xf32, #tpu.memory_space<vmem>>, vector<1x16xf32>,
        %parallel_loop3A_529 = vector.shape_cast %parallel_loop3A_528 : vector<1x16xf32> to vector<16xf32>
        %parallel_loop3A_530 = arith.index_cast %parallel_loop3A_423 : i32 to index
        %parallel_loop3A_531 = arith.constant 96 : index
        %parallel_loop3A_532 = tpu.vector_load %arg17[%parallel_loop3A_530, %parallel_loop3A_531] {strides = array<i32>} : memref<64x128xf32, #tpu.memory_space<vmem>>, vector<1x16xf32>,
        %parallel_loop3A_533 = vector.shape_cast %parallel_loop3A_532 : vector<1x16xf32> to vector<16xf32>
        %parallel_loop3A_534 = arith.addf %parallel_loop3A_529, %parallel_loop3A_533 : vector<16xf32>
        %parallel_loop3A_535 = arith.constant 0.000000e+00 : f32
        %parallel_loop3A_536 = vector.broadcast %parallel_loop3A_535 : f32 to vector<16xf32>
        %parallel_loop3A_537 = arith.maximumf %parallel_loop3A_534, %parallel_loop3A_536 : vector<16xf32>
        %parallel_loop3A_538 = arith.index_cast %parallel_loop3A_423 : i32 to index
        %parallel_loop3A_539 = arith.constant 96 : index
        %parallel_loop3A_540 = tpu.vector_load %arg14[%parallel_loop3A_538, %parallel_loop3A_539] {strides = array<i32>} : memref<64x128xf32, #tpu.memory_space<vmem>>, vector<1x16xf32>,
        %parallel_loop3A_541 = vector.shape_cast %parallel_loop3A_540 : vector<1x16xf32> to vector<16xf32>
        %parallel_loop3A_542 = vector.shape_cast %parallel_loop3A_537 : vector<16xf32> to vector<1x16xf32>
        tpu.vector_store %arg14[%parallel_loop3A_538, %parallel_loop3A_539], %parallel_loop3A_542 {strides = array<i32>} : memref<64x128xf32, #tpu.memory_space<vmem>>, vector<1x16xf32>,
        %parallel_loop3A_543 = arith.index_cast %parallel_loop3A_423 : i32 to index
        %parallel_loop3A_544 = arith.constant 112 : index
        %parallel_loop3A_545 = tpu.vector_load %arg14[%parallel_loop3A_543, %parallel_loop3A_544] {strides = array<i32>} : memref<64x128xf32, #tpu.memory_space<vmem>>, vector<1x16xf32>,
        %parallel_loop3A_546 = vector.shape_cast %parallel_loop3A_545 : vector<1x16xf32> to vector<16xf32>
        %parallel_loop3A_547 = arith.index_cast %parallel_loop3A_423 : i32 to index
        %parallel_loop3A_548 = arith.constant 112 : index
        %parallel_loop3A_549 = tpu.vector_load %arg17[%parallel_loop3A_547, %parallel_loop3A_548] {strides = array<i32>} : memref<64x128xf32, #tpu.memory_space<vmem>>, vector<1x16xf32>,
        %parallel_loop3A_550 = vector.shape_cast %parallel_loop3A_549 : vector<1x16xf32> to vector<16xf32>
        %parallel_loop3A_551 = arith.addf %parallel_loop3A_546, %parallel_loop3A_550 : vector<16xf32>
        %parallel_loop3A_552 = arith.constant 0.000000e+00 : f32
        %parallel_loop3A_553 = vector.broadcast %parallel_loop3A_552 : f32 to vector<16xf32>
        %parallel_loop3A_554 = arith.maximumf %parallel_loop3A_551, %parallel_loop3A_553 : vector<16xf32>
        %parallel_loop3A_555 = arith.index_cast %parallel_loop3A_423 : i32 to index
        %parallel_loop3A_556 = arith.constant 112 : index
        %parallel_loop3A_557 = tpu.vector_load %arg14[%parallel_loop3A_555, %parallel_loop3A_556] {strides = array<i32>} : memref<64x128xf32, #tpu.memory_space<vmem>>, vector<1x16xf32>,
        %parallel_loop3A_558 = vector.shape_cast %parallel_loop3A_557 : vector<1x16xf32> to vector<16xf32>
        %parallel_loop3A_559 = vector.shape_cast %parallel_loop3A_554 : vector<16xf32> to vector<1x16xf32>
        tpu.vector_store %arg14[%parallel_loop3A_555, %parallel_loop3A_556], %parallel_loop3A_559 {strides = array<i32>} : memref<64x128xf32, #tpu.memory_space<vmem>>, vector<1x16xf32>,
      } {sc.loop_unroll_factor = 4 : i64, sc.parallel_access}
      %dma_wait3A_302 = arith.constant 0 : i32
      %dma_wait3A_303 = tpu.memref_slice %arg5[%dma_wait3A_302] : memref<160000xi32, #tpu.memory_space<hbm>> -> memref<64xi32, #tpu.memory_space<hbm>>
      %dma_wait3A_304 = arith.constant 0 : i32
      %dma_wait3A_305 = tpu.memref_slice %arg5[%dma_wait3A_304] : memref<160000xi32, #tpu.memory_space<hbm>> -> memref<64xi32, #tpu.memory_space<hbm>>
      tpu.wait_dma2 semaphore(%arg32 : memref<!tpu.dma_semaphore, #tpu.memory_space<semaphore_mem>>) src(%dma_wait3A_305 : memref<64xi32, #tpu.memory_space<hbm>>) dst(%arg11 : memref<64xi32, #tpu.memory_space<vmem>>)
      %dma_start3A_306 = arith.constant 0 : i32
      %dma_start3A_307 = arith.constant 0 : i32
      %dma_start3A_308 = tpu.memref_slice %arg7[%dma_start3A_306, %dma_start3A_307] : memref<10000x128xf32, #tpu.memory_space<vmem_shared>> -> memref<10000x128xf32, #tpu.memory_space<vmem_shared>>
      tpu.enqueue_indirect_dma source(%arg14 : memref<64x128xf32, #tpu.memory_space<vmem>>) target(%dma_start3A_308 : memref<10000x128xf32, #tpu.memory_space<vmem_shared>>) offsets(%arg11 : memref<64xi32, #tpu.memory_space<vmem>>) semaphore(%arg26 : memref<!tpu.dma_semaphore, #tpu.memory_space<semaphore_mem>>) {add = true}
      %add3A_309 = arith.constant 1 : i32
      %add3A_310 = arith.addi %add3A_253, %add3A_309 : i32
      %dma_wait3A_311 = arith.constant 0 : i32
      %dma_wait3A_312 = arith.constant 0 : i32
      %dma_wait3A_313 = tpu.memref_slice %arg7[%dma_wait3A_311, %dma_wait3A_312] : memref<10000x128xf32, #tpu.memory_space<vmem_shared>> -> memref<10000x128xf32, #tpu.memory_space<vmem_shared>>
      tpu.wait_indirect_dma semaphore(%arg28 : memref<!tpu.dma_semaphore, #tpu.memory_space<semaphore_mem>>) src(%arg16 : memref<64x128xf32, #tpu.memory_space<vmem>>) dst(%dma_wait3A_313 : memref<10000x128xf32, #tpu.memory_space<vmem_shared>>)
      %add3A_314 = arith.constant 1 : i32
      %add3A_315 = arith.addi %add3A_310, %add3A_314 : i32
      %mul3A_316 = arith.constant 64 : i32
      %mul3A_317 = arith.muli %add3A_315, %mul3A_316 : i32
      %dma_start3A_318 = tpu.memref_slice %arg5[%mul3A_317] : memref<160000xi32, #tpu.memory_space<hbm>> -> memref<64xi32, #tpu.memory_space<hbm>>
      %dma_start3A_319 = tpu.memref_slice %arg5[%mul3A_317] : memref<160000xi32, #tpu.memory_space<hbm>> -> memref<64xi32, #tpu.memory_space<hbm>>
      tpu.enqueue_dma source(%dma_start3A_319 : memref<64xi32, #tpu.memory_space<hbm>>) target(%arg13 : memref<64xi32, #tpu.memory_space<vmem>>) target_semaphore(%arg34 : memref<!tpu.dma_semaphore, #tpu.memory_space<semaphore_mem>>)
      %add3A_320 = arith.constant 2 : i32
      %add3A_321 = arith.addi %add3A_310, %add3A_320 : i32
      %mul3A_322 = arith.constant 160000 : i32
      %mul3A_323 = arith.muli %arg0, %mul3A_322 : i32
      %mul3A_324 = arith.constant 64 : i32
      %mul3A_325 = arith.muli %add3A_321, %mul3A_324 : i32
      %add3A_326 = arith.addi %mul3A_323, %mul3A_325 : i32
      %dma_start3A_327 = tpu.memref_slice %arg4[%add3A_326] : memref<320000xi32, #tpu.memory_space<hbm>> -> memref<64xi32, #tpu.memory_space<hbm>>
      %dma_start3A_328 = tpu.memref_slice %arg4[%add3A_326] : memref<320000xi32, #tpu.memory_space<hbm>> -> memref<64xi32, #tpu.memory_space<hbm>>
      tpu.enqueue_dma source(%dma_start3A_328 : memref<64xi32, #tpu.memory_space<hbm>>) target(%arg8 : memref<64xi32, #tpu.memory_space<vmem>>) target_semaphore(%arg29 : memref<!tpu.dma_semaphore, #tpu.memory_space<semaphore_mem>>)
      %dma_wait3A_329 = arith.constant 0 : i32
      %dma_wait3A_330 = tpu.memref_slice %arg4[%dma_wait3A_329] : memref<320000xi32, #tpu.memory_space<hbm>> -> memref<64xi32, #tpu.memory_space<hbm>>
      %dma_wait3A_331 = arith.constant 0 : i32
      %dma_wait3A_332 = tpu.memref_slice %arg4[%dma_wait3A_331] : memref<320000xi32, #tpu.memory_space<hbm>> -> memref<64xi32, #tpu.memory_space<hbm>>
      tpu.wait_dma2 semaphore(%arg31 : memref<!tpu.dma_semaphore, #tpu.memory_space<semaphore_mem>>) src(%dma_wait3A_332 : memref<64xi32, #tpu.memory_space<hbm>>) dst(%arg10 : memref<64xi32, #tpu.memory_space<vmem>>)
      %add3A_333 = arith.constant 1 : i32
      %add3A_334 = arith.addi %add3A_310, %add3A_333 : i32
      %dma_start3A_335 = arith.constant 0 : i32
      %dma_start3A_336 = arith.constant 0 : i32
      %dma_start3A_337 = tpu.memref_slice %arg2[%dma_start3A_335, %dma_start3A_336] : memref<20000x128xf32, #tpu.memory_space<hbm>> -> memref<20000x128xf32, #tpu.memory_space<hbm>>
      tpu.enqueue_indirect_dma source(%dma_start3A_337 : memref<20000x128xf32, #tpu.memory_space<hbm>>) target(%arg16 : memref<64x128xf32, #tpu.memory_space<vmem>>) offsets(%arg10 : memref<64xi32, #tpu.memory_space<vmem>>) semaphore(%arg22 : memref<!tpu.dma_semaphore, #tpu.memory_space<semaphore_mem>>)
      %mul3A_338 = arith.constant 160000 : i32
      %mul3A_339 = arith.muli %arg0, %mul3A_338 : i32
      %mul3A_340 = arith.constant 64 : i32
      %mul3A_341 = arith.muli %add3A_334, %mul3A_340 : i32
      %add3A_342 = arith.addi %mul3A_339, %mul3A_341 : i32
      %dma_start3A_343 = arith.constant 0 : i32
      %dma_start3A_344 = tpu.memref_slice %arg3[%add3A_342, %dma_start3A_343] : memref<320000x128xf32, #tpu.memory_space<hbm>> -> memref<64x128xf32, #tpu.memory_space<hbm>>
      %dma_start3A_345 = arith.constant 0 : i32
      %dma_start3A_346 = tpu.memref_slice %arg3[%add3A_342, %dma_start3A_345] : memref<320000x128xf32, #tpu.memory_space<hbm>> -> memref<64x128xf32, #tpu.memory_space<hbm>>
      tpu.enqueue_dma source(%dma_start3A_346 : memref<64x128xf32, #tpu.memory_space<hbm>>) target(%arg19 : memref<64x128xf32, #tpu.memory_space<vmem>>) target_semaphore(%arg25 : memref<!tpu.dma_semaphore, #tpu.memory_space<semaphore_mem>>)
      %dma_wait3A_347 = arith.constant 0 : i32
      %dma_wait3A_348 = arith.constant 0 : i32
      %dma_wait3A_349 = tpu.memref_slice %arg2[%dma_wait3A_347, %dma_wait3A_348] : memref<20000x128xf32, #tpu.memory_space<hbm>> -> memref<20000x128xf32, #tpu.memory_space<hbm>>
      tpu.wait_indirect_dma semaphore(%arg21 : memref<!tpu.dma_semaphore, #tpu.memory_space<semaphore_mem>>) src(%dma_wait3A_349 : memref<20000x128xf32, #tpu.memory_space<hbm>>) dst(%arg15 : memref<64x128xf32, #tpu.memory_space<vmem>>)
      %dma_wait3A_350 = arith.constant 0 : i32
      %dma_wait3A_351 = arith.constant 0 : i32
      %dma_wait3A_352 = tpu.memref_slice %arg3[%dma_wait3A_350, %dma_wait3A_351] : memref<320000x128xf32, #tpu.memory_space<hbm>> -> memref<64x128xf32, #tpu.memory_space<hbm>>
      %dma_wait3A_353 = arith.constant 0 : i32
      %dma_wait3A_354 = arith.constant 0 : i32
      %dma_wait3A_355 = tpu.memref_slice %arg3[%dma_wait3A_353, %dma_wait3A_354] : memref<320000x128xf32, #tpu.memory_space<hbm>> -> memref<64x128xf32, #tpu.memory_space<hbm>>
      tpu.wait_dma2 semaphore(%arg24 : memref<!tpu.dma_semaphore, #tpu.memory_space<semaphore_mem>>) src(%dma_wait3A_355 : memref<64x128xf32, #tpu.memory_space<hbm>>) dst(%arg18 : memref<64x128xf32, #tpu.memory_space<vmem>>)
      %parallel_loop3A_356 = arith.constant 0 : i32
      %parallel_loop3A_357 = arith.constant 64 : i32
      %parallel_loop3A_358 = arith.constant 1 : i32
      scf.for %parallel_loop3A_423 = %parallel_loop3A_356 to %parallel_loop3A_357 step %parallel_loop3A_358  : i32 {
        %parallel_loop3A_424 = arith.index_cast %parallel_loop3A_423 : i32 to index
        %parallel_loop3A_425 = arith.constant 0 : index
        %parallel_loop3A_426 = tpu.vector_load %arg15[%parallel_loop3A_424, %parallel_loop3A_425] {strides = array<i32>} : memref<64x128xf32, #tpu.memory_space<vmem>>, vector<1x16xf32>,
        %parallel_loop3A_427 = vector.shape_cast %parallel_loop3A_426 : vector<1x16xf32> to vector<16xf32>
        %parallel_loop3A_428 = arith.index_cast %parallel_loop3A_423 : i32 to index
        %parallel_loop3A_429 = arith.constant 0 : index
        %parallel_loop3A_430 = tpu.vector_load %arg18[%parallel_loop3A_428, %parallel_loop3A_429] {strides = array<i32>} : memref<64x128xf32, #tpu.memory_space<vmem>>, vector<1x16xf32>,
        %parallel_loop3A_431 = vector.shape_cast %parallel_loop3A_430 : vector<1x16xf32> to vector<16xf32>
        %parallel_loop3A_432 = arith.addf %parallel_loop3A_427, %parallel_loop3A_431 : vector<16xf32>
        %parallel_loop3A_433 = arith.constant 0.000000e+00 : f32
        %parallel_loop3A_434 = vector.broadcast %parallel_loop3A_433 : f32 to vector<16xf32>
        %parallel_loop3A_435 = arith.maximumf %parallel_loop3A_432, %parallel_loop3A_434 : vector<16xf32>
        %parallel_loop3A_436 = arith.index_cast %parallel_loop3A_423 : i32 to index
        %parallel_loop3A_437 = arith.constant 0 : index
        %parallel_loop3A_438 = tpu.vector_load %arg15[%parallel_loop3A_436, %parallel_loop3A_437] {strides = array<i32>} : memref<64x128xf32, #tpu.memory_space<vmem>>, vector<1x16xf32>,
        %parallel_loop3A_439 = vector.shape_cast %parallel_loop3A_438 : vector<1x16xf32> to vector<16xf32>
        %parallel_loop3A_440 = vector.shape_cast %parallel_loop3A_435 : vector<16xf32> to vector<1x16xf32>
        tpu.vector_store %arg15[%parallel_loop3A_436, %parallel_loop3A_437], %parallel_loop3A_440 {strides = array<i32>} : memref<64x128xf32, #tpu.memory_space<vmem>>, vector<1x16xf32>,
        %parallel_loop3A_441 = arith.index_cast %parallel_loop3A_423 : i32 to index
        %parallel_loop3A_442 = arith.constant 16 : index
        %parallel_loop3A_443 = tpu.vector_load %arg15[%parallel_loop3A_441, %parallel_loop3A_442] {strides = array<i32>} : memref<64x128xf32, #tpu.memory_space<vmem>>, vector<1x16xf32>,
        %parallel_loop3A_444 = vector.shape_cast %parallel_loop3A_443 : vector<1x16xf32> to vector<16xf32>
        %parallel_loop3A_445 = arith.index_cast %parallel_loop3A_423 : i32 to index
        %parallel_loop3A_446 = arith.constant 16 : index
        %parallel_loop3A_447 = tpu.vector_load %arg18[%parallel_loop3A_445, %parallel_loop3A_446] {strides = array<i32>} : memref<64x128xf32, #tpu.memory_space<vmem>>, vector<1x16xf32>,
        %parallel_loop3A_448 = vector.shape_cast %parallel_loop3A_447 : vector<1x16xf32> to vector<16xf32>
        %parallel_loop3A_449 = arith.addf %parallel_loop3A_444, %parallel_loop3A_448 : vector<16xf32>
        %parallel_loop3A_450 = arith.constant 0.000000e+00 : f32
        %parallel_loop3A_451 = vector.broadcast %parallel_loop3A_450 : f32 to vector<16xf32>
        %parallel_loop3A_452 = arith.maximumf %parallel_loop3A_449, %parallel_loop3A_451 : vector<16xf32>
        %parallel_loop3A_453 = arith.index_cast %parallel_loop3A_423 : i32 to index
        %parallel_loop3A_454 = arith.constant 16 : index
        %parallel_loop3A_455 = tpu.vector_load %arg15[%parallel_loop3A_453, %parallel_loop3A_454] {strides = array<i32>} : memref<64x128xf32, #tpu.memory_space<vmem>>, vector<1x16xf32>,
        %parallel_loop3A_456 = vector.shape_cast %parallel_loop3A_455 : vector<1x16xf32> to vector<16xf32>
        %parallel_loop3A_457 = vector.shape_cast %parallel_loop3A_452 : vector<16xf32> to vector<1x16xf32>
        tpu.vector_store %arg15[%parallel_loop3A_453, %parallel_loop3A_454], %parallel_loop3A_457 {strides = array<i32>} : memref<64x128xf32, #tpu.memory_space<vmem>>, vector<1x16xf32>,
        %parallel_loop3A_458 = arith.index_cast %parallel_loop3A_423 : i32 to index
        %parallel_loop3A_459 = arith.constant 32 : index
        %parallel_loop3A_460 = tpu.vector_load %arg15[%parallel_loop3A_458, %parallel_loop3A_459] {strides = array<i32>} : memref<64x128xf32, #tpu.memory_space<vmem>>, vector<1x16xf32>,
        %parallel_loop3A_461 = vector.shape_cast %parallel_loop3A_460 : vector<1x16xf32> to vector<16xf32>
        %parallel_loop3A_462 = arith.index_cast %parallel_loop3A_423 : i32 to index
        %parallel_loop3A_463 = arith.constant 32 : index
        %parallel_loop3A_464 = tpu.vector_load %arg18[%parallel_loop3A_462, %parallel_loop3A_463] {strides = array<i32>} : memref<64x128xf32, #tpu.memory_space<vmem>>, vector<1x16xf32>,
        %parallel_loop3A_465 = vector.shape_cast %parallel_loop3A_464 : vector<1x16xf32> to vector<16xf32>
        %parallel_loop3A_466 = arith.addf %parallel_loop3A_461, %parallel_loop3A_465 : vector<16xf32>
        %parallel_loop3A_467 = arith.constant 0.000000e+00 : f32
        %parallel_loop3A_468 = vector.broadcast %parallel_loop3A_467 : f32 to vector<16xf32>
        %parallel_loop3A_469 = arith.maximumf %parallel_loop3A_466, %parallel_loop3A_468 : vector<16xf32>
        %parallel_loop3A_470 = arith.index_cast %parallel_loop3A_423 : i32 to index
        %parallel_loop3A_471 = arith.constant 32 : index
        %parallel_loop3A_472 = tpu.vector_load %arg15[%parallel_loop3A_470, %parallel_loop3A_471] {strides = array<i32>} : memref<64x128xf32, #tpu.memory_space<vmem>>, vector<1x16xf32>,
        %parallel_loop3A_473 = vector.shape_cast %parallel_loop3A_472 : vector<1x16xf32> to vector<16xf32>
        %parallel_loop3A_474 = vector.shape_cast %parallel_loop3A_469 : vector<16xf32> to vector<1x16xf32>
        tpu.vector_store %arg15[%parallel_loop3A_470, %parallel_loop3A_471], %parallel_loop3A_474 {strides = array<i32>} : memref<64x128xf32, #tpu.memory_space<vmem>>, vector<1x16xf32>,
        %parallel_loop3A_475 = arith.index_cast %parallel_loop3A_423 : i32 to index
        %parallel_loop3A_476 = arith.constant 48 : index
        %parallel_loop3A_477 = tpu.vector_load %arg15[%parallel_loop3A_475, %parallel_loop3A_476] {strides = array<i32>} : memref<64x128xf32, #tpu.memory_space<vmem>>, vector<1x16xf32>,
        %parallel_loop3A_478 = vector.shape_cast %parallel_loop3A_477 : vector<1x16xf32> to vector<16xf32>
        %parallel_loop3A_479 = arith.index_cast %parallel_loop3A_423 : i32 to index
        %parallel_loop3A_480 = arith.constant 48 : index
        %parallel_loop3A_481 = tpu.vector_load %arg18[%parallel_loop3A_479, %parallel_loop3A_480] {strides = array<i32>} : memref<64x128xf32, #tpu.memory_space<vmem>>, vector<1x16xf32>,
        %parallel_loop3A_482 = vector.shape_cast %parallel_loop3A_481 : vector<1x16xf32> to vector<16xf32>
        %parallel_loop3A_483 = arith.addf %parallel_loop3A_478, %parallel_loop3A_482 : vector<16xf32>
        %parallel_loop3A_484 = arith.constant 0.000000e+00 : f32
        %parallel_loop3A_485 = vector.broadcast %parallel_loop3A_484 : f32 to vector<16xf32>
        %parallel_loop3A_486 = arith.maximumf %parallel_loop3A_483, %parallel_loop3A_485 : vector<16xf32>
        %parallel_loop3A_487 = arith.index_cast %parallel_loop3A_423 : i32 to index
        %parallel_loop3A_488 = arith.constant 48 : index
        %parallel_loop3A_489 = tpu.vector_load %arg15[%parallel_loop3A_487, %parallel_loop3A_488] {strides = array<i32>} : memref<64x128xf32, #tpu.memory_space<vmem>>, vector<1x16xf32>,
        %parallel_loop3A_490 = vector.shape_cast %parallel_loop3A_489 : vector<1x16xf32> to vector<16xf32>
        %parallel_loop3A_491 = vector.shape_cast %parallel_loop3A_486 : vector<16xf32> to vector<1x16xf32>
        tpu.vector_store %arg15[%parallel_loop3A_487, %parallel_loop3A_488], %parallel_loop3A_491 {strides = array<i32>} : memref<64x128xf32, #tpu.memory_space<vmem>>, vector<1x16xf32>,
        %parallel_loop3A_492 = arith.index_cast %parallel_loop3A_423 : i32 to index
        %parallel_loop3A_493 = arith.constant 64 : index
        %parallel_loop3A_494 = tpu.vector_load %arg15[%parallel_loop3A_492, %parallel_loop3A_493] {strides = array<i32>} : memref<64x128xf32, #tpu.memory_space<vmem>>, vector<1x16xf32>,
        %parallel_loop3A_495 = vector.shape_cast %parallel_loop3A_494 : vector<1x16xf32> to vector<16xf32>
        %parallel_loop3A_496 = arith.index_cast %parallel_loop3A_423 : i32 to index
        %parallel_loop3A_497 = arith.constant 64 : index
        %parallel_loop3A_498 = tpu.vector_load %arg18[%parallel_loop3A_496, %parallel_loop3A_497] {strides = array<i32>} : memref<64x128xf32, #tpu.memory_space<vmem>>, vector<1x16xf32>,
        %parallel_loop3A_499 = vector.shape_cast %parallel_loop3A_498 : vector<1x16xf32> to vector<16xf32>
        %parallel_loop3A_500 = arith.addf %parallel_loop3A_495, %parallel_loop3A_499 : vector<16xf32>
        %parallel_loop3A_501 = arith.constant 0.000000e+00 : f32
        %parallel_loop3A_502 = vector.broadcast %parallel_loop3A_501 : f32 to vector<16xf32>
        %parallel_loop3A_503 = arith.maximumf %parallel_loop3A_500, %parallel_loop3A_502 : vector<16xf32>
        %parallel_loop3A_504 = arith.index_cast %parallel_loop3A_423 : i32 to index
        %parallel_loop3A_505 = arith.constant 64 : index
        %parallel_loop3A_506 = tpu.vector_load %arg15[%parallel_loop3A_504, %parallel_loop3A_505] {strides = array<i32>} : memref<64x128xf32, #tpu.memory_space<vmem>>, vector<1x16xf32>,
        %parallel_loop3A_507 = vector.shape_cast %parallel_loop3A_506 : vector<1x16xf32> to vector<16xf32>
        %parallel_loop3A_508 = vector.shape_cast %parallel_loop3A_503 : vector<16xf32> to vector<1x16xf32>
        tpu.vector_store %arg15[%parallel_loop3A_504, %parallel_loop3A_505], %parallel_loop3A_508 {strides = array<i32>} : memref<64x128xf32, #tpu.memory_space<vmem>>, vector<1x16xf32>,
        %parallel_loop3A_509 = arith.index_cast %parallel_loop3A_423 : i32 to index
        %parallel_loop3A_510 = arith.constant 80 : index
        %parallel_loop3A_511 = tpu.vector_load %arg15[%parallel_loop3A_509, %parallel_loop3A_510] {strides = array<i32>} : memref<64x128xf32, #tpu.memory_space<vmem>>, vector<1x16xf32>,
        %parallel_loop3A_512 = vector.shape_cast %parallel_loop3A_511 : vector<1x16xf32> to vector<16xf32>
        %parallel_loop3A_513 = arith.index_cast %parallel_loop3A_423 : i32 to index
        %parallel_loop3A_514 = arith.constant 80 : index
        %parallel_loop3A_515 = tpu.vector_load %arg18[%parallel_loop3A_513, %parallel_loop3A_514] {strides = array<i32>} : memref<64x128xf32, #tpu.memory_space<vmem>>, vector<1x16xf32>,
        %parallel_loop3A_516 = vector.shape_cast %parallel_loop3A_515 : vector<1x16xf32> to vector<16xf32>
        %parallel_loop3A_517 = arith.addf %parallel_loop3A_512, %parallel_loop3A_516 : vector<16xf32>
        %parallel_loop3A_518 = arith.constant 0.000000e+00 : f32
        %parallel_loop3A_519 = vector.broadcast %parallel_loop3A_518 : f32 to vector<16xf32>
        %parallel_loop3A_520 = arith.maximumf %parallel_loop3A_517, %parallel_loop3A_519 : vector<16xf32>
        %parallel_loop3A_521 = arith.index_cast %parallel_loop3A_423 : i32 to index
        %parallel_loop3A_522 = arith.constant 80 : index
        %parallel_loop3A_523 = tpu.vector_load %arg15[%parallel_loop3A_521, %parallel_loop3A_522] {strides = array<i32>} : memref<64x128xf32, #tpu.memory_space<vmem>>, vector<1x16xf32>,
        %parallel_loop3A_524 = vector.shape_cast %parallel_loop3A_523 : vector<1x16xf32> to vector<16xf32>
        %parallel_loop3A_525 = vector.shape_cast %parallel_loop3A_520 : vector<16xf32> to vector<1x16xf32>
        tpu.vector_store %arg15[%parallel_loop3A_521, %parallel_loop3A_522], %parallel_loop3A_525 {strides = array<i32>} : memref<64x128xf32, #tpu.memory_space<vmem>>, vector<1x16xf32>,
        %parallel_loop3A_526 = arith.index_cast %parallel_loop3A_423 : i32 to index
        %parallel_loop3A_527 = arith.constant 96 : index
        %parallel_loop3A_528 = tpu.vector_load %arg15[%parallel_loop3A_526, %parallel_loop3A_527] {strides = array<i32>} : memref<64x128xf32, #tpu.memory_space<vmem>>, vector<1x16xf32>,
        %parallel_loop3A_529 = vector.shape_cast %parallel_loop3A_528 : vector<1x16xf32> to vector<16xf32>
        %parallel_loop3A_530 = arith.index_cast %parallel_loop3A_423 : i32 to index
        %parallel_loop3A_531 = arith.constant 96 : index
        %parallel_loop3A_532 = tpu.vector_load %arg18[%parallel_loop3A_530, %parallel_loop3A_531] {strides = array<i32>} : memref<64x128xf32, #tpu.memory_space<vmem>>, vector<1x16xf32>,
        %parallel_loop3A_533 = vector.shape_cast %parallel_loop3A_532 : vector<1x16xf32> to vector<16xf32>
        %parallel_loop3A_534 = arith.addf %parallel_loop3A_529, %parallel_loop3A_533 : vector<16xf32>
        %parallel_loop3A_535 = arith.constant 0.000000e+00 : f32
        %parallel_loop3A_536 = vector.broadcast %parallel_loop3A_535 : f32 to vector<16xf32>
        %parallel_loop3A_537 = arith.maximumf %parallel_loop3A_534, %parallel_loop3A_536 : vector<16xf32>
        %parallel_loop3A_538 = arith.index_cast %parallel_loop3A_423 : i32 to index
        %parallel_loop3A_539 = arith.constant 96 : index
        %parallel_loop3A_540 = tpu.vector_load %arg15[%parallel_loop3A_538, %parallel_loop3A_539] {strides = array<i32>} : memref<64x128xf32, #tpu.memory_space<vmem>>, vector<1x16xf32>,
        %parallel_loop3A_541 = vector.shape_cast %parallel_loop3A_540 : vector<1x16xf32> to vector<16xf32>
        %parallel_loop3A_542 = vector.shape_cast %parallel_loop3A_537 : vector<16xf32> to vector<1x16xf32>
        tpu.vector_store %arg15[%parallel_loop3A_538, %parallel_loop3A_539], %parallel_loop3A_542 {strides = array<i32>} : memref<64x128xf32, #tpu.memory_space<vmem>>, vector<1x16xf32>,
        %parallel_loop3A_543 = arith.index_cast %parallel_loop3A_423 : i32 to index
        %parallel_loop3A_544 = arith.constant 112 : index
        %parallel_loop3A_545 = tpu.vector_load %arg15[%parallel_loop3A_543, %parallel_loop3A_544] {strides = array<i32>} : memref<64x128xf32, #tpu.memory_space<vmem>>, vector<1x16xf32>,
        %parallel_loop3A_546 = vector.shape_cast %parallel_loop3A_545 : vector<1x16xf32> to vector<16xf32>
        %parallel_loop3A_547 = arith.index_cast %parallel_loop3A_423 : i32 to index
        %parallel_loop3A_548 = arith.constant 112 : index
        %parallel_loop3A_549 = tpu.vector_load %arg18[%parallel_loop3A_547, %parallel_loop3A_548] {strides = array<i32>} : memref<64x128xf32, #tpu.memory_space<vmem>>, vector<1x16xf32>,
        %parallel_loop3A_550 = vector.shape_cast %parallel_loop3A_549 : vector<1x16xf32> to vector<16xf32>
        %parallel_loop3A_551 = arith.addf %parallel_loop3A_546, %parallel_loop3A_550 : vector<16xf32>
        %parallel_loop3A_552 = arith.constant 0.000000e+00 : f32
        %parallel_loop3A_553 = vector.broadcast %parallel_loop3A_552 : f32 to vector<16xf32>
        %parallel_loop3A_554 = arith.maximumf %parallel_loop3A_551, %parallel_loop3A_553 : vector<16xf32>
        %parallel_loop3A_555 = arith.index_cast %parallel_loop3A_423 : i32 to index
        %parallel_loop3A_556 = arith.constant 112 : index
        %parallel_loop3A_557 = tpu.vector_load %arg15[%parallel_loop3A_555, %parallel_loop3A_556] {strides = array<i32>} : memref<64x128xf32, #tpu.memory_space<vmem>>, vector<1x16xf32>,
        %parallel_loop3A_558 = vector.shape_cast %parallel_loop3A_557 : vector<1x16xf32> to vector<16xf32>
        %parallel_loop3A_559 = vector.shape_cast %parallel_loop3A_554 : vector<16xf32> to vector<1x16xf32>
        tpu.vector_store %arg15[%parallel_loop3A_555, %parallel_loop3A_556], %parallel_loop3A_559 {strides = array<i32>} : memref<64x128xf32, #tpu.memory_space<vmem>>, vector<1x16xf32>,
      } {sc.loop_unroll_factor = 4 : i64, sc.parallel_access}
      %dma_wait3A_359 = arith.constant 0 : i32
      %dma_wait3A_360 = tpu.memref_slice %arg5[%dma_wait3A_359] : memref<160000xi32, #tpu.memory_space<hbm>> -> memref<64xi32, #tpu.memory_space<hbm>>
      %dma_wait3A_361 = arith.constant 0 : i32
      %dma_wait3A_362 = tpu.memref_slice %arg5[%dma_wait3A_361] : memref<160000xi32, #tpu.memory_space<hbm>> -> memref<64xi32, #tpu.memory_space<hbm>>
      tpu.wait_dma2 semaphore(%arg33 : memref<!tpu.dma_semaphore, #tpu.memory_space<semaphore_mem>>) src(%dma_wait3A_362 : memref<64xi32, #tpu.memory_space<hbm>>) dst(%arg12 : memref<64xi32, #tpu.memory_space<vmem>>)
      %dma_start3A_363 = arith.constant 0 : i32
      %dma_start3A_364 = arith.constant 0 : i32
      %dma_start3A_365 = tpu.memref_slice %arg7[%dma_start3A_363, %dma_start3A_364] : memref<10000x128xf32, #tpu.memory_space<vmem_shared>> -> memref<10000x128xf32, #tpu.memory_space<vmem_shared>>
      tpu.enqueue_indirect_dma source(%arg15 : memref<64x128xf32, #tpu.memory_space<vmem>>) target(%dma_start3A_365 : memref<10000x128xf32, #tpu.memory_space<vmem_shared>>) offsets(%arg12 : memref<64xi32, #tpu.memory_space<vmem>>) semaphore(%arg27 : memref<!tpu.dma_semaphore, #tpu.memory_space<semaphore_mem>>) {add = true}
      %add3A_366 = arith.constant 2 : i32
      %add3A_367 = arith.addi %add3A_253, %add3A_366 : i32
      %dma_wait3A_368 = arith.constant 0 : i32
      %dma_wait3A_369 = arith.constant 0 : i32
      %dma_wait3A_370 = tpu.memref_slice %arg7[%dma_wait3A_368, %dma_wait3A_369] : memref<10000x128xf32, #tpu.memory_space<vmem_shared>> -> memref<10000x128xf32, #tpu.memory_space<vmem_shared>>
      tpu.wait_indirect_dma semaphore(%arg26 : memref<!tpu.dma_semaphore, #tpu.memory_space<semaphore_mem>>) src(%arg14 : memref<64x128xf32, #tpu.memory_space<vmem>>) dst(%dma_wait3A_370 : memref<10000x128xf32, #tpu.memory_space<vmem_shared>>)
      %add3A_371 = arith.constant 1 : i32
      %add3A_372 = arith.addi %add3A_367, %add3A_371 : i32
      %mul3A_373 = arith.constant 64 : i32
      %mul3A_374 = arith.muli %add3A_372, %mul3A_373 : i32
      %dma_start3A_375 = tpu.memref_slice %arg5[%mul3A_374] : memref<160000xi32, #tpu.memory_space<hbm>> -> memref<64xi32, #tpu.memory_space<hbm>>
      %dma_start3A_376 = tpu.memref_slice %arg5[%mul3A_374] : memref<160000xi32, #tpu.memory_space<hbm>> -> memref<64xi32, #tpu.memory_space<hbm>>
      tpu.enqueue_dma source(%dma_start3A_376 : memref<64xi32, #tpu.memory_space<hbm>>) target(%arg11 : memref<64xi32, #tpu.memory_space<vmem>>) target_semaphore(%arg32 : memref<!tpu.dma_semaphore, #tpu.memory_space<semaphore_mem>>)
      %add3A_377 = arith.constant 2 : i32
      %add3A_378 = arith.addi %add3A_367, %add3A_377 : i32
      %mul3A_379 = arith.constant 160000 : i32
      %mul3A_380 = arith.muli %arg0, %mul3A_379 : i32
      %mul3A_381 = arith.constant 64 : i32
      %mul3A_382 = arith.muli %add3A_378, %mul3A_381 : i32
      %add3A_383 = arith.addi %mul3A_380, %mul3A_382 : i32
      %dma_start3A_384 = tpu.memref_slice %arg4[%add3A_383] : memref<320000xi32, #tpu.memory_space<hbm>> -> memref<64xi32, #tpu.memory_space<hbm>>
      %dma_start3A_385 = tpu.memref_slice %arg4[%add3A_383] : memref<320000xi32, #tpu.memory_space<hbm>> -> memref<64xi32, #tpu.memory_space<hbm>>
      tpu.enqueue_dma source(%dma_start3A_385 : memref<64xi32, #tpu.memory_space<hbm>>) target(%arg9 : memref<64xi32, #tpu.memory_space<vmem>>) target_semaphore(%arg30 : memref<!tpu.dma_semaphore, #tpu.memory_space<semaphore_mem>>)
      %dma_wait3A_386 = arith.constant 0 : i32
      %dma_wait3A_387 = tpu.memref_slice %arg4[%dma_wait3A_386] : memref<320000xi32, #tpu.memory_space<hbm>> -> memref<64xi32, #tpu.memory_space<hbm>>
      %dma_wait3A_388 = arith.constant 0 : i32
      %dma_wait3A_389 = tpu.memref_slice %arg4[%dma_wait3A_388] : memref<320000xi32, #tpu.memory_space<hbm>> -> memref<64xi32, #tpu.memory_space<hbm>>
      tpu.wait_dma2 semaphore(%arg29 : memref<!tpu.dma_semaphore, #tpu.memory_space<semaphore_mem>>) src(%dma_wait3A_389 : memref<64xi32, #tpu.memory_space<hbm>>) dst(%arg8 : memref<64xi32, #tpu.memory_space<vmem>>)
      %add3A_390 = arith.constant 1 : i32
      %add3A_391 = arith.addi %add3A_367, %add3A_390 : i32
      %dma_start3A_392 = arith.constant 0 : i32
      %dma_start3A_393 = arith.constant 0 : i32
      %dma_start3A_394 = tpu.memref_slice %arg2[%dma_start3A_392, %dma_start3A_393] : memref<20000x128xf32, #tpu.memory_space<hbm>> -> memref<20000x128xf32, #tpu.memory_space<hbm>>
      tpu.enqueue_indirect_dma source(%dma_start3A_394 : memref<20000x128xf32, #tpu.memory_space<hbm>>) target(%arg14 : memref<64x128xf32, #tpu.memory_space<vmem>>) offsets(%arg8 : memref<64xi32, #tpu.memory_space<vmem>>) semaphore(%arg20 : memref<!tpu.dma_semaphore, #tpu.memory_space<semaphore_mem>>)
      %mul3A_395 = arith.constant 160000 : i32
      %mul3A_396 = arith.muli %arg0, %mul3A_395 : i32
      %mul3A_397 = arith.constant 64 : i32
      %mul3A_398 = arith.muli %add3A_391, %mul3A_397 : i32
      %add3A_399 = arith.addi %mul3A_396, %mul3A_398 : i32
      %dma_start3A_400 = arith.constant 0 : i32
      %dma_start3A_401 = tpu.memref_slice %arg3[%add3A_399, %dma_start3A_400] : memref<320000x128xf32, #tpu.memory_space<hbm>> -> memref<64x128xf32, #tpu.memory_space<hbm>>
      %dma_start3A_402 = arith.constant 0 : i32
      %dma_start3A_403 = tpu.memref_slice %arg3[%add3A_399, %dma_start3A_402] : memref<320000x128xf32, #tpu.memory_space<hbm>> -> memref<64x128xf32, #tpu.memory_space<hbm>>
      tpu.enqueue_dma source(%dma_start3A_403 : memref<64x128xf32, #tpu.memory_space<hbm>>) target(%arg17 : memref<64x128xf32, #tpu.memory_space<vmem>>) target_semaphore(%arg23 : memref<!tpu.dma_semaphore, #tpu.memory_space<semaphore_mem>>)
      %dma_wait3A_404 = arith.constant 0 : i32
      %dma_wait3A_405 = arith.constant 0 : i32
      %dma_wait3A_406 = tpu.memref_slice %arg2[%dma_wait3A_404, %dma_wait3A_405] : memref<20000x128xf32, #tpu.memory_space<hbm>> -> memref<20000x128xf32, #tpu.memory_space<hbm>>
      tpu.wait_indirect_dma semaphore(%arg22 : memref<!tpu.dma_semaphore, #tpu.memory_space<semaphore_mem>>) src(%dma_wait3A_406 : memref<20000x128xf32, #tpu.memory_space<hbm>>) dst(%arg16 : memref<64x128xf32, #tpu.memory_space<vmem>>)
      %dma_wait3A_407 = arith.constant 0 : i32
      %dma_wait3A_408 = arith.constant 0 : i32
      %dma_wait3A_409 = tpu.memref_slice %arg3[%dma_wait3A_407, %dma_wait3A_408] : memref<320000x128xf32, #tpu.memory_space<hbm>> -> memref<64x128xf32, #tpu.memory_space<hbm>>
      %dma_wait3A_410 = arith.constant 0 : i32
      %dma_wait3A_411 = arith.constant 0 : i32
      %dma_wait3A_412 = tpu.memref_slice %arg3[%dma_wait3A_410, %dma_wait3A_411] : memref<320000x128xf32, #tpu.memory_space<hbm>> -> memref<64x128xf32, #tpu.memory_space<hbm>>
      tpu.wait_dma2 semaphore(%arg25 : memref<!tpu.dma_semaphore, #tpu.memory_space<semaphore_mem>>) src(%dma_wait3A_412 : memref<64x128xf32, #tpu.memory_space<hbm>>) dst(%arg19 : memref<64x128xf32, #tpu.memory_space<vmem>>)
      %parallel_loop3A_413 = arith.constant 0 : i32
      %parallel_loop3A_414 = arith.constant 64 : i32
      %parallel_loop3A_415 = arith.constant 1 : i32
      scf.for %parallel_loop3A_423 = %parallel_loop3A_413 to %parallel_loop3A_414 step %parallel_loop3A_415  : i32 {
        %parallel_loop3A_424 = arith.index_cast %parallel_loop3A_423 : i32 to index
        %parallel_loop3A_425 = arith.constant 0 : index
        %parallel_loop3A_426 = tpu.vector_load %arg16[%parallel_loop3A_424, %parallel_loop3A_425] {strides = array<i32>} : memref<64x128xf32, #tpu.memory_space<vmem>>, vector<1x16xf32>,
        %parallel_loop3A_427 = vector.shape_cast %parallel_loop3A_426 : vector<1x16xf32> to vector<16xf32>
        %parallel_loop3A_428 = arith.index_cast %parallel_loop3A_423 : i32 to index
        %parallel_loop3A_429 = arith.constant 0 : index
        %parallel_loop3A_430 = tpu.vector_load %arg19[%parallel_loop3A_428, %parallel_loop3A_429] {strides = array<i32>} : memref<64x128xf32, #tpu.memory_space<vmem>>, vector<1x16xf32>,
        %parallel_loop3A_431 = vector.shape_cast %parallel_loop3A_430 : vector<1x16xf32> to vector<16xf32>
        %parallel_loop3A_432 = arith.addf %parallel_loop3A_427, %parallel_loop3A_431 : vector<16xf32>
        %parallel_loop3A_433 = arith.constant 0.000000e+00 : f32
        %parallel_loop3A_434 = vector.broadcast %parallel_loop3A_433 : f32 to vector<16xf32>
        %parallel_loop3A_435 = arith.maximumf %parallel_loop3A_432, %parallel_loop3A_434 : vector<16xf32>
        %parallel_loop3A_436 = arith.index_cast %parallel_loop3A_423 : i32 to index
        %parallel_loop3A_437 = arith.constant 0 : index
        %parallel_loop3A_438 = tpu.vector_load %arg16[%parallel_loop3A_436, %parallel_loop3A_437] {strides = array<i32>} : memref<64x128xf32, #tpu.memory_space<vmem>>, vector<1x16xf32>,
        %parallel_loop3A_439 = vector.shape_cast %parallel_loop3A_438 : vector<1x16xf32> to vector<16xf32>
        %parallel_loop3A_440 = vector.shape_cast %parallel_loop3A_435 : vector<16xf32> to vector<1x16xf32>
        tpu.vector_store %arg16[%parallel_loop3A_436, %parallel_loop3A_437], %parallel_loop3A_440 {strides = array<i32>} : memref<64x128xf32, #tpu.memory_space<vmem>>, vector<1x16xf32>,
        %parallel_loop3A_441 = arith.index_cast %parallel_loop3A_423 : i32 to index
        %parallel_loop3A_442 = arith.constant 16 : index
        %parallel_loop3A_443 = tpu.vector_load %arg16[%parallel_loop3A_441, %parallel_loop3A_442] {strides = array<i32>} : memref<64x128xf32, #tpu.memory_space<vmem>>, vector<1x16xf32>,
        %parallel_loop3A_444 = vector.shape_cast %parallel_loop3A_443 : vector<1x16xf32> to vector<16xf32>
        %parallel_loop3A_445 = arith.index_cast %parallel_loop3A_423 : i32 to index
        %parallel_loop3A_446 = arith.constant 16 : index
        %parallel_loop3A_447 = tpu.vector_load %arg19[%parallel_loop3A_445, %parallel_loop3A_446] {strides = array<i32>} : memref<64x128xf32, #tpu.memory_space<vmem>>, vector<1x16xf32>,
        %parallel_loop3A_448 = vector.shape_cast %parallel_loop3A_447 : vector<1x16xf32> to vector<16xf32>
        %parallel_loop3A_449 = arith.addf %parallel_loop3A_444, %parallel_loop3A_448 : vector<16xf32>
        %parallel_loop3A_450 = arith.constant 0.000000e+00 : f32
        %parallel_loop3A_451 = vector.broadcast %parallel_loop3A_450 : f32 to vector<16xf32>
        %parallel_loop3A_452 = arith.maximumf %parallel_loop3A_449, %parallel_loop3A_451 : vector<16xf32>
        %parallel_loop3A_453 = arith.index_cast %parallel_loop3A_423 : i32 to index
        %parallel_loop3A_454 = arith.constant 16 : index
        %parallel_loop3A_455 = tpu.vector_load %arg16[%parallel_loop3A_453, %parallel_loop3A_454] {strides = array<i32>} : memref<64x128xf32, #tpu.memory_space<vmem>>, vector<1x16xf32>,
        %parallel_loop3A_456 = vector.shape_cast %parallel_loop3A_455 : vector<1x16xf32> to vector<16xf32>
        %parallel_loop3A_457 = vector.shape_cast %parallel_loop3A_452 : vector<16xf32> to vector<1x16xf32>
        tpu.vector_store %arg16[%parallel_loop3A_453, %parallel_loop3A_454], %parallel_loop3A_457 {strides = array<i32>} : memref<64x128xf32, #tpu.memory_space<vmem>>, vector<1x16xf32>,
        %parallel_loop3A_458 = arith.index_cast %parallel_loop3A_423 : i32 to index
        %parallel_loop3A_459 = arith.constant 32 : index
        %parallel_loop3A_460 = tpu.vector_load %arg16[%parallel_loop3A_458, %parallel_loop3A_459] {strides = array<i32>} : memref<64x128xf32, #tpu.memory_space<vmem>>, vector<1x16xf32>,
        %parallel_loop3A_461 = vector.shape_cast %parallel_loop3A_460 : vector<1x16xf32> to vector<16xf32>
        %parallel_loop3A_462 = arith.index_cast %parallel_loop3A_423 : i32 to index
        %parallel_loop3A_463 = arith.constant 32 : index
        %parallel_loop3A_464 = tpu.vector_load %arg19[%parallel_loop3A_462, %parallel_loop3A_463] {strides = array<i32>} : memref<64x128xf32, #tpu.memory_space<vmem>>, vector<1x16xf32>,
        %parallel_loop3A_465 = vector.shape_cast %parallel_loop3A_464 : vector<1x16xf32> to vector<16xf32>
        %parallel_loop3A_466 = arith.addf %parallel_loop3A_461, %parallel_loop3A_465 : vector<16xf32>
        %parallel_loop3A_467 = arith.constant 0.000000e+00 : f32
        %parallel_loop3A_468 = vector.broadcast %parallel_loop3A_467 : f32 to vector<16xf32>
        %parallel_loop3A_469 = arith.maximumf %parallel_loop3A_466, %parallel_loop3A_468 : vector<16xf32>
        %parallel_loop3A_470 = arith.index_cast %parallel_loop3A_423 : i32 to index
        %parallel_loop3A_471 = arith.constant 32 : index
        %parallel_loop3A_472 = tpu.vector_load %arg16[%parallel_loop3A_470, %parallel_loop3A_471] {strides = array<i32>} : memref<64x128xf32, #tpu.memory_space<vmem>>, vector<1x16xf32>,
        %parallel_loop3A_473 = vector.shape_cast %parallel_loop3A_472 : vector<1x16xf32> to vector<16xf32>
        %parallel_loop3A_474 = vector.shape_cast %parallel_loop3A_469 : vector<16xf32> to vector<1x16xf32>
        tpu.vector_store %arg16[%parallel_loop3A_470, %parallel_loop3A_471], %parallel_loop3A_474 {strides = array<i32>} : memref<64x128xf32, #tpu.memory_space<vmem>>, vector<1x16xf32>,
        %parallel_loop3A_475 = arith.index_cast %parallel_loop3A_423 : i32 to index
        %parallel_loop3A_476 = arith.constant 48 : index
        %parallel_loop3A_477 = tpu.vector_load %arg16[%parallel_loop3A_475, %parallel_loop3A_476] {strides = array<i32>} : memref<64x128xf32, #tpu.memory_space<vmem>>, vector<1x16xf32>,
        %parallel_loop3A_478 = vector.shape_cast %parallel_loop3A_477 : vector<1x16xf32> to vector<16xf32>
        %parallel_loop3A_479 = arith.index_cast %parallel_loop3A_423 : i32 to index
        %parallel_loop3A_480 = arith.constant 48 : index
        %parallel_loop3A_481 = tpu.vector_load %arg19[%parallel_loop3A_479, %parallel_loop3A_480] {strides = array<i32>} : memref<64x128xf32, #tpu.memory_space<vmem>>, vector<1x16xf32>,
        %parallel_loop3A_482 = vector.shape_cast %parallel_loop3A_481 : vector<1x16xf32> to vector<16xf32>
        %parallel_loop3A_483 = arith.addf %parallel_loop3A_478, %parallel_loop3A_482 : vector<16xf32>
        %parallel_loop3A_484 = arith.constant 0.000000e+00 : f32
        %parallel_loop3A_485 = vector.broadcast %parallel_loop3A_484 : f32 to vector<16xf32>
        %parallel_loop3A_486 = arith.maximumf %parallel_loop3A_483, %parallel_loop3A_485 : vector<16xf32>
        %parallel_loop3A_487 = arith.index_cast %parallel_loop3A_423 : i32 to index
        %parallel_loop3A_488 = arith.constant 48 : index
        %parallel_loop3A_489 = tpu.vector_load %arg16[%parallel_loop3A_487, %parallel_loop3A_488] {strides = array<i32>} : memref<64x128xf32, #tpu.memory_space<vmem>>, vector<1x16xf32>,
        %parallel_loop3A_490 = vector.shape_cast %parallel_loop3A_489 : vector<1x16xf32> to vector<16xf32>
        %parallel_loop3A_491 = vector.shape_cast %parallel_loop3A_486 : vector<16xf32> to vector<1x16xf32>
        tpu.vector_store %arg16[%parallel_loop3A_487, %parallel_loop3A_488], %parallel_loop3A_491 {strides = array<i32>} : memref<64x128xf32, #tpu.memory_space<vmem>>, vector<1x16xf32>,
        %parallel_loop3A_492 = arith.index_cast %parallel_loop3A_423 : i32 to index
        %parallel_loop3A_493 = arith.constant 64 : index
        %parallel_loop3A_494 = tpu.vector_load %arg16[%parallel_loop3A_492, %parallel_loop3A_493] {strides = array<i32>} : memref<64x128xf32, #tpu.memory_space<vmem>>, vector<1x16xf32>,
        %parallel_loop3A_495 = vector.shape_cast %parallel_loop3A_494 : vector<1x16xf32> to vector<16xf32>
        %parallel_loop3A_496 = arith.index_cast %parallel_loop3A_423 : i32 to index
        %parallel_loop3A_497 = arith.constant 64 : index
        %parallel_loop3A_498 = tpu.vector_load %arg19[%parallel_loop3A_496, %parallel_loop3A_497] {strides = array<i32>} : memref<64x128xf32, #tpu.memory_space<vmem>>, vector<1x16xf32>,
        %parallel_loop3A_499 = vector.shape_cast %parallel_loop3A_498 : vector<1x16xf32> to vector<16xf32>
        %parallel_loop3A_500 = arith.addf %parallel_loop3A_495, %parallel_loop3A_499 : vector<16xf32>
        %parallel_loop3A_501 = arith.constant 0.000000e+00 : f32
        %parallel_loop3A_502 = vector.broadcast %parallel_loop3A_501 : f32 to vector<16xf32>
        %parallel_loop3A_503 = arith.maximumf %parallel_loop3A_500, %parallel_loop3A_502 : vector<16xf32>
        %parallel_loop3A_504 = arith.index_cast %parallel_loop3A_423 : i32 to index
        %parallel_loop3A_505 = arith.constant 64 : index
        %parallel_loop3A_506 = tpu.vector_load %arg16[%parallel_loop3A_504, %parallel_loop3A_505] {strides = array<i32>} : memref<64x128xf32, #tpu.memory_space<vmem>>, vector<1x16xf32>,
        %parallel_loop3A_507 = vector.shape_cast %parallel_loop3A_506 : vector<1x16xf32> to vector<16xf32>
        %parallel_loop3A_508 = vector.shape_cast %parallel_loop3A_503 : vector<16xf32> to vector<1x16xf32>
        tpu.vector_store %arg16[%parallel_loop3A_504, %parallel_loop3A_505], %parallel_loop3A_508 {strides = array<i32>} : memref<64x128xf32, #tpu.memory_space<vmem>>, vector<1x16xf32>,
        %parallel_loop3A_509 = arith.index_cast %parallel_loop3A_423 : i32 to index
        %parallel_loop3A_510 = arith.constant 80 : index
        %parallel_loop3A_511 = tpu.vector_load %arg16[%parallel_loop3A_509, %parallel_loop3A_510] {strides = array<i32>} : memref<64x128xf32, #tpu.memory_space<vmem>>, vector<1x16xf32>,
        %parallel_loop3A_512 = vector.shape_cast %parallel_loop3A_511 : vector<1x16xf32> to vector<16xf32>
        %parallel_loop3A_513 = arith.index_cast %parallel_loop3A_423 : i32 to index
        %parallel_loop3A_514 = arith.constant 80 : index
        %parallel_loop3A_515 = tpu.vector_load %arg19[%parallel_loop3A_513, %parallel_loop3A_514] {strides = array<i32>} : memref<64x128xf32, #tpu.memory_space<vmem>>, vector<1x16xf32>,
        %parallel_loop3A_516 = vector.shape_cast %parallel_loop3A_515 : vector<1x16xf32> to vector<16xf32>
        %parallel_loop3A_517 = arith.addf %parallel_loop3A_512, %parallel_loop3A_516 : vector<16xf32>
        %parallel_loop3A_518 = arith.constant 0.000000e+00 : f32
        %parallel_loop3A_519 = vector.broadcast %parallel_loop3A_518 : f32 to vector<16xf32>
        %parallel_loop3A_520 = arith.maximumf %parallel_loop3A_517, %parallel_loop3A_519 : vector<16xf32>
        %parallel_loop3A_521 = arith.index_cast %parallel_loop3A_423 : i32 to index
        %parallel_loop3A_522 = arith.constant 80 : index
        %parallel_loop3A_523 = tpu.vector_load %arg16[%parallel_loop3A_521, %parallel_loop3A_522] {strides = array<i32>} : memref<64x128xf32, #tpu.memory_space<vmem>>, vector<1x16xf32>,
        %parallel_loop3A_524 = vector.shape_cast %parallel_loop3A_523 : vector<1x16xf32> to vector<16xf32>
        %parallel_loop3A_525 = vector.shape_cast %parallel_loop3A_520 : vector<16xf32> to vector<1x16xf32>
        tpu.vector_store %arg16[%parallel_loop3A_521, %parallel_loop3A_522], %parallel_loop3A_525 {strides = array<i32>} : memref<64x128xf32, #tpu.memory_space<vmem>>, vector<1x16xf32>,
        %parallel_loop3A_526 = arith.index_cast %parallel_loop3A_423 : i32 to index
        %parallel_loop3A_527 = arith.constant 96 : index
        %parallel_loop3A_528 = tpu.vector_load %arg16[%parallel_loop3A_526, %parallel_loop3A_527] {strides = array<i32>} : memref<64x128xf32, #tpu.memory_space<vmem>>, vector<1x16xf32>,
        %parallel_loop3A_529 = vector.shape_cast %parallel_loop3A_528 : vector<1x16xf32> to vector<16xf32>
        %parallel_loop3A_530 = arith.index_cast %parallel_loop3A_423 : i32 to index
        %parallel_loop3A_531 = arith.constant 96 : index
        %parallel_loop3A_532 = tpu.vector_load %arg19[%parallel_loop3A_530, %parallel_loop3A_531] {strides = array<i32>} : memref<64x128xf32, #tpu.memory_space<vmem>>, vector<1x16xf32>,
        %parallel_loop3A_533 = vector.shape_cast %parallel_loop3A_532 : vector<1x16xf32> to vector<16xf32>
        %parallel_loop3A_534 = arith.addf %parallel_loop3A_529, %parallel_loop3A_533 : vector<16xf32>
        %parallel_loop3A_535 = arith.constant 0.000000e+00 : f32
        %parallel_loop3A_536 = vector.broadcast %parallel_loop3A_535 : f32 to vector<16xf32>
        %parallel_loop3A_537 = arith.maximumf %parallel_loop3A_534, %parallel_loop3A_536 : vector<16xf32>
        %parallel_loop3A_538 = arith.index_cast %parallel_loop3A_423 : i32 to index
        %parallel_loop3A_539 = arith.constant 96 : index
        %parallel_loop3A_540 = tpu.vector_load %arg16[%parallel_loop3A_538, %parallel_loop3A_539] {strides = array<i32>} : memref<64x128xf32, #tpu.memory_space<vmem>>, vector<1x16xf32>,
        %parallel_loop3A_541 = vector.shape_cast %parallel_loop3A_540 : vector<1x16xf32> to vector<16xf32>
        %parallel_loop3A_542 = vector.shape_cast %parallel_loop3A_537 : vector<16xf32> to vector<1x16xf32>
        tpu.vector_store %arg16[%parallel_loop3A_538, %parallel_loop3A_539], %parallel_loop3A_542 {strides = array<i32>} : memref<64x128xf32, #tpu.memory_space<vmem>>, vector<1x16xf32>,
        %parallel_loop3A_543 = arith.index_cast %parallel_loop3A_423 : i32 to index
        %parallel_loop3A_544 = arith.constant 112 : index
        %parallel_loop3A_545 = tpu.vector_load %arg16[%parallel_loop3A_543, %parallel_loop3A_544] {strides = array<i32>} : memref<64x128xf32, #tpu.memory_space<vmem>>, vector<1x16xf32>,
        %parallel_loop3A_546 = vector.shape_cast %parallel_loop3A_545 : vector<1x16xf32> to vector<16xf32>
        %parallel_loop3A_547 = arith.index_cast %parallel_loop3A_423 : i32 to index
        %parallel_loop3A_548 = arith.constant 112 : index
        %parallel_loop3A_549 = tpu.vector_load %arg19[%parallel_loop3A_547, %parallel_loop3A_548] {strides = array<i32>} : memref<64x128xf32, #tpu.memory_space<vmem>>, vector<1x16xf32>,
        %parallel_loop3A_550 = vector.shape_cast %parallel_loop3A_549 : vector<1x16xf32> to vector<16xf32>
        %parallel_loop3A_551 = arith.addf %parallel_loop3A_546, %parallel_loop3A_550 : vector<16xf32>
        %parallel_loop3A_552 = arith.constant 0.000000e+00 : f32
        %parallel_loop3A_553 = vector.broadcast %parallel_loop3A_552 : f32 to vector<16xf32>
        %parallel_loop3A_554 = arith.maximumf %parallel_loop3A_551, %parallel_loop3A_553 : vector<16xf32>
        %parallel_loop3A_555 = arith.index_cast %parallel_loop3A_423 : i32 to index
        %parallel_loop3A_556 = arith.constant 112 : index
        %parallel_loop3A_557 = tpu.vector_load %arg16[%parallel_loop3A_555, %parallel_loop3A_556] {strides = array<i32>} : memref<64x128xf32, #tpu.memory_space<vmem>>, vector<1x16xf32>,
        %parallel_loop3A_558 = vector.shape_cast %parallel_loop3A_557 : vector<1x16xf32> to vector<16xf32>
        %parallel_loop3A_559 = vector.shape_cast %parallel_loop3A_554 : vector<16xf32> to vector<1x16xf32>
        tpu.vector_store %arg16[%parallel_loop3A_555, %parallel_loop3A_556], %parallel_loop3A_559 {strides = array<i32>} : memref<64x128xf32, #tpu.memory_space<vmem>>, vector<1x16xf32>,
      } {sc.loop_unroll_factor = 4 : i64, sc.parallel_access}
      %dma_wait3A_416 = arith.constant 0 : i32
      %dma_wait3A_417 = tpu.memref_slice %arg5[%dma_wait3A_416] : memref<160000xi32, #tpu.memory_space<hbm>> -> memref<64xi32, #tpu.memory_space<hbm>>
      %dma_wait3A_418 = arith.constant 0 : i32
      %dma_wait3A_419 = tpu.memref_slice %arg5[%dma_wait3A_418] : memref<160000xi32, #tpu.memory_space<hbm>> -> memref<64xi32, #tpu.memory_space<hbm>>
      tpu.wait_dma2 semaphore(%arg34 : memref<!tpu.dma_semaphore, #tpu.memory_space<semaphore_mem>>) src(%dma_wait3A_419 : memref<64xi32, #tpu.memory_space<hbm>>) dst(%arg13 : memref<64xi32, #tpu.memory_space<vmem>>)
      %dma_start3A_420 = arith.constant 0 : i32
      %dma_start3A_421 = arith.constant 0 : i32
      %dma_start3A_422 = tpu.memref_slice %arg7[%dma_start3A_420, %dma_start3A_421] : memref<10000x128xf32, #tpu.memory_space<vmem_shared>> -> memref<10000x128xf32, #tpu.memory_space<vmem_shared>>
      tpu.enqueue_indirect_dma source(%arg16 : memref<64x128xf32, #tpu.memory_space<vmem>>) target(%dma_start3A_422 : memref<10000x128xf32, #tpu.memory_space<vmem_shared>>) offsets(%arg13 : memref<64xi32, #tpu.memory_space<vmem>>) semaphore(%arg28 : memref<!tpu.dma_semaphore, #tpu.memory_space<semaphore_mem>>) {add = true}
    }
    %scan3A_208 = arith.constant 51 : i32
    %dma_wait3A_209 = arith.constant 0 : i32
    %dma_wait3A_210 = arith.constant 0 : i32
    %dma_wait3A_211 = tpu.memref_slice %arg7[%dma_wait3A_209, %dma_wait3A_210] : memref<10000x128xf32, #tpu.memory_space<vmem_shared>> -> memref<10000x128xf32, #tpu.memory_space<vmem_shared>>
    tpu.wait_indirect_dma semaphore(%arg27 : memref<!tpu.dma_semaphore, #tpu.memory_space<semaphore_mem>>) src(%arg15 : memref<64x128xf32, #tpu.memory_space<vmem>>) dst(%dma_wait3A_211 : memref<10000x128xf32, #tpu.memory_space<vmem_shared>>)
    %dma_wait3A_212 = arith.constant 0 : i32
    %dma_wait3A_213 = arith.constant 0 : i32
    %dma_wait3A_214 = tpu.memref_slice %arg7[%dma_wait3A_212, %dma_wait3A_213] : memref<10000x128xf32, #tpu.memory_space<vmem_shared>> -> memref<10000x128xf32, #tpu.memory_space<vmem_shared>>
    tpu.wait_indirect_dma semaphore(%arg28 : memref<!tpu.dma_semaphore, #tpu.memory_space<semaphore_mem>>) src(%arg16 : memref<64x128xf32, #tpu.memory_space<vmem>>) dst(%dma_wait3A_214 : memref<10000x128xf32, #tpu.memory_space<vmem_shared>>)
    %dma_wait3A_215 = arith.constant 0 : i32
    %dma_wait3A_216 = arith.constant 0 : i32
    %dma_wait3A_217 = tpu.memref_slice %arg2[%dma_wait3A_215, %dma_wait3A_216] : memref<20000x128xf32, #tpu.memory_space<hbm>> -> memref<20000x128xf32, #tpu.memory_space<hbm>>
    tpu.wait_indirect_dma semaphore(%arg20 : memref<!tpu.dma_semaphore, #tpu.memory_space<semaphore_mem>>) src(%dma_wait3A_217 : memref<20000x128xf32, #tpu.memory_space<hbm>>) dst(%arg14 : memref<64x128xf32, #tpu.memory_space<vmem>>)
    %dma_wait3A_218 = arith.constant 0 : i32
    %dma_wait3A_219 = arith.constant 0 : i32
    %dma_wait3A_220 = tpu.memref_slice %arg3[%dma_wait3A_218, %dma_wait3A_219] : memref<320000x128xf32, #tpu.memory_space<hbm>> -> memref<64x128xf32, #tpu.memory_space<hbm>>
    %dma_wait3A_221 = arith.constant 0 : i32
    %dma_wait3A_222 = arith.constant 0 : i32
    %dma_wait3A_223 = tpu.memref_slice %arg3[%dma_wait3A_221, %dma_wait3A_222] : memref<320000x128xf32, #tpu.memory_space<hbm>> -> memref<64x128xf32, #tpu.memory_space<hbm>>
    tpu.wait_dma2 semaphore(%arg23 : memref<!tpu.dma_semaphore, #tpu.memory_space<semaphore_mem>>) src(%dma_wait3A_223 : memref<64x128xf32, #tpu.memory_space<hbm>>) dst(%arg17 : memref<64x128xf32, #tpu.memory_space<vmem>>)
    %dma_wait3A_224 = arith.constant 0 : i32
    %dma_wait3A_225 = tpu.memref_slice %arg5[%dma_wait3A_224] : memref<160000xi32, #tpu.memory_space<hbm>> -> memref<64xi32, #tpu.memory_space<hbm>>
    %dma_wait3A_226 = arith.constant 0 : i32
    %dma_wait3A_227 = tpu.memref_slice %arg5[%dma_wait3A_226] : memref<160000xi32, #tpu.memory_space<hbm>> -> memref<64xi32, #tpu.memory_space<hbm>>
    tpu.wait_dma2 semaphore(%arg32 : memref<!tpu.dma_semaphore, #tpu.memory_space<semaphore_mem>>) src(%dma_wait3A_227 : memref<64xi32, #tpu.memory_space<hbm>>) dst(%arg11 : memref<64xi32, #tpu.memory_space<vmem>>)
    %dma_wait3A_228 = arith.constant 0 : i32
    %dma_wait3A_229 = tpu.memref_slice %arg4[%dma_wait3A_228] : memref<320000xi32, #tpu.memory_space<hbm>> -> memref<64xi32, #tpu.memory_space<hbm>>
    %dma_wait3A_230 = arith.constant 0 : i32
    %dma_wait3A_231 = tpu.memref_slice %arg4[%dma_wait3A_230] : memref<320000xi32, #tpu.memory_space<hbm>> -> memref<64xi32, #tpu.memory_space<hbm>>
    tpu.wait_dma2 semaphore(%arg30 : memref<!tpu.dma_semaphore, #tpu.memory_space<semaphore_mem>>) src(%dma_wait3A_231 : memref<64xi32, #tpu.memory_space<hbm>>) dst(%arg9 : memref<64xi32, #tpu.memory_space<vmem>>)
    %lt3A_232 = arith.constant 4 : i32
    %lt3A_233 = arith.cmpi slt, %arg1, %lt3A_232 : i32
    %convert_element_type3A_234 = arith.extui %lt3A_233 : i1 to i32
    %cond3A_235 = arith.constant 0 : i32
    %cond3A_236 = arith.cmpi ne, %convert_element_type3A_234, %cond3A_235 : i32
    scf.if %cond3A_236 {
      %add3A_248 = arith.constant 2496 : i32
      %add3A_249 = arith.addi %add3A_248, %arg1 : i32
      %mul3A_250 = arith.constant 160000 : i32
      %mul3A_251 = arith.muli %arg0, %mul3A_250 : i32
      %mul3A_252 = arith.constant 64 : i32
      %mul3A_253 = arith.muli %add3A_249, %mul3A_252 : i32
      %add3A_254 = arith.addi %mul3A_251, %mul3A_253 : i32
      %dma_start3A_255 = tpu.memref_slice %arg4[%add3A_254] : memref<320000xi32, #tpu.memory_space<hbm>> -> memref<64xi32, #tpu.memory_space<hbm>>
      %dma_start3A_256 = tpu.memref_slice %arg4[%add3A_254] : memref<320000xi32, #tpu.memory_space<hbm>> -> memref<64xi32, #tpu.memory_space<hbm>>
      tpu.enqueue_dma source(%dma_start3A_256 : memref<64xi32, #tpu.memory_space<hbm>>) target(%arg8 : memref<64xi32, #tpu.memory_space<vmem>>) target_semaphore(%arg29 : memref<!tpu.dma_semaphore, #tpu.memory_space<semaphore_mem>>)
      %mul3A_257 = arith.constant 64 : i32
      %mul3A_258 = arith.muli %add3A_249, %mul3A_257 : i32
      %dma_start3A_259 = tpu.memref_slice %arg5[%mul3A_258] : memref<160000xi32, #tpu.memory_space<hbm>> -> memref<64xi32, #tpu.memory_space<hbm>>
      %dma_start3A_260 = tpu.memref_slice %arg5[%mul3A_258] : memref<160000xi32, #tpu.memory_space<hbm>> -> memref<64xi32, #tpu.memory_space<hbm>>
      tpu.enqueue_dma source(%dma_start3A_260 : memref<64xi32, #tpu.memory_space<hbm>>) target(%arg11 : memref<64xi32, #tpu.memory_space<vmem>>) target_semaphore(%arg32 : memref<!tpu.dma_semaphore, #tpu.memory_space<semaphore_mem>>)
      %dma_wait3A_261 = arith.constant 0 : i32
      %dma_wait3A_262 = tpu.memref_slice %arg4[%dma_wait3A_261] : memref<320000xi32, #tpu.memory_space<hbm>> -> memref<64xi32, #tpu.memory_space<hbm>>
      %dma_wait3A_263 = arith.constant 0 : i32
      %dma_wait3A_264 = tpu.memref_slice %arg4[%dma_wait3A_263] : memref<320000xi32, #tpu.memory_space<hbm>> -> memref<64xi32, #tpu.memory_space<hbm>>
      tpu.wait_dma2 semaphore(%arg29 : memref<!tpu.dma_semaphore, #tpu.memory_space<semaphore_mem>>) src(%dma_wait3A_264 : memref<64xi32, #tpu.memory_space<hbm>>) dst(%arg8 : memref<64xi32, #tpu.memory_space<vmem>>)
      %dma_start3A_265 = arith.constant 0 : i32
      %dma_start3A_266 = arith.constant 0 : i32
      %dma_start3A_267 = tpu.memref_slice %arg2[%dma_start3A_265, %dma_start3A_266] : memref<20000x128xf32, #tpu.memory_space<hbm>> -> memref<20000x128xf32, #tpu.memory_space<hbm>>
      tpu.enqueue_indirect_dma source(%dma_start3A_267 : memref<20000x128xf32, #tpu.memory_space<hbm>>) target(%arg14 : memref<64x128xf32, #tpu.memory_space<vmem>>) offsets(%arg8 : memref<64xi32, #tpu.memory_space<vmem>>) semaphore(%arg20 : memref<!tpu.dma_semaphore, #tpu.memory_space<semaphore_mem>>)
      %mul3A_268 = arith.constant 160000 : i32
      %mul3A_269 = arith.muli %arg0, %mul3A_268 : i32
      %mul3A_270 = arith.constant 64 : i32
      %mul3A_271 = arith.muli %add3A_249, %mul3A_270 : i32
      %add3A_272 = arith.addi %mul3A_269, %mul3A_271 : i32
      %dma_start3A_273 = arith.constant 0 : i32
      %dma_start3A_274 = tpu.memref_slice %arg3[%add3A_272, %dma_start3A_273] : memref<320000x128xf32, #tpu.memory_space<hbm>> -> memref<64x128xf32, #tpu.memory_space<hbm>>
      %dma_start3A_275 = arith.constant 0 : i32
      %dma_start3A_276 = tpu.memref_slice %arg3[%add3A_272, %dma_start3A_275] : memref<320000x128xf32, #tpu.memory_space<hbm>> -> memref<64x128xf32, #tpu.memory_space<hbm>>
      tpu.enqueue_dma source(%dma_start3A_276 : memref<64x128xf32, #tpu.memory_space<hbm>>) target(%arg17 : memref<64x128xf32, #tpu.memory_space<vmem>>) target_semaphore(%arg23 : memref<!tpu.dma_semaphore, #tpu.memory_space<semaphore_mem>>)
      %dma_wait3A_277 = arith.constant 0 : i32
      %dma_wait3A_278 = arith.constant 0 : i32
      %dma_wait3A_279 = tpu.memref_slice %arg2[%dma_wait3A_277, %dma_wait3A_278] : memref<20000x128xf32, #tpu.memory_space<hbm>> -> memref<20000x128xf32, #tpu.memory_space<hbm>>
      tpu.wait_indirect_dma semaphore(%arg20 : memref<!tpu.dma_semaphore, #tpu.memory_space<semaphore_mem>>) src(%dma_wait3A_279 : memref<20000x128xf32, #tpu.memory_space<hbm>>) dst(%arg14 : memref<64x128xf32, #tpu.memory_space<vmem>>)
      %dma_wait3A_280 = arith.constant 0 : i32
      %dma_wait3A_281 = arith.constant 0 : i32
      %dma_wait3A_282 = tpu.memref_slice %arg3[%dma_wait3A_280, %dma_wait3A_281] : memref<320000x128xf32, #tpu.memory_space<hbm>> -> memref<64x128xf32, #tpu.memory_space<hbm>>
      %dma_wait3A_283 = arith.constant 0 : i32
      %dma_wait3A_284 = arith.constant 0 : i32
      %dma_wait3A_285 = tpu.memref_slice %arg3[%dma_wait3A_283, %dma_wait3A_284] : memref<320000x128xf32, #tpu.memory_space<hbm>> -> memref<64x128xf32, #tpu.memory_space<hbm>>
      tpu.wait_dma2 semaphore(%arg23 : memref<!tpu.dma_semaphore, #tpu.memory_space<semaphore_mem>>) src(%dma_wait3A_285 : memref<64x128xf32, #tpu.memory_space<hbm>>) dst(%arg17 : memref<64x128xf32, #tpu.memory_space<vmem>>)
      %parallel_loop3A_286 = arith.constant 0 : i32
      %parallel_loop3A_287 = arith.constant 64 : i32
      %parallel_loop3A_288 = arith.constant 1 : i32
      scf.for %parallel_loop3A_299 = %parallel_loop3A_286 to %parallel_loop3A_287 step %parallel_loop3A_288  : i32 {
        %parallel_loop3A_300 = arith.index_cast %parallel_loop3A_299 : i32 to index
        %parallel_loop3A_301 = arith.constant 0 : index
        %parallel_loop3A_302 = tpu.vector_load %arg14[%parallel_loop3A_300, %parallel_loop3A_301] {strides = array<i32>} : memref<64x128xf32, #tpu.memory_space<vmem>>, vector<1x16xf32>,
        %parallel_loop3A_303 = vector.shape_cast %parallel_loop3A_302 : vector<1x16xf32> to vector<16xf32>
        %parallel_loop3A_304 = arith.index_cast %parallel_loop3A_299 : i32 to index
        %parallel_loop3A_305 = arith.constant 0 : index
        %parallel_loop3A_306 = tpu.vector_load %arg17[%parallel_loop3A_304, %parallel_loop3A_305] {strides = array<i32>} : memref<64x128xf32, #tpu.memory_space<vmem>>, vector<1x16xf32>,
        %parallel_loop3A_307 = vector.shape_cast %parallel_loop3A_306 : vector<1x16xf32> to vector<16xf32>
        %parallel_loop3A_308 = arith.addf %parallel_loop3A_303, %parallel_loop3A_307 : vector<16xf32>
        %parallel_loop3A_309 = arith.constant 0.000000e+00 : f32
        %parallel_loop3A_310 = vector.broadcast %parallel_loop3A_309 : f32 to vector<16xf32>
        %parallel_loop3A_311 = arith.maximumf %parallel_loop3A_308, %parallel_loop3A_310 : vector<16xf32>
        %parallel_loop3A_312 = arith.index_cast %parallel_loop3A_299 : i32 to index
        %parallel_loop3A_313 = arith.constant 0 : index
        %parallel_loop3A_314 = tpu.vector_load %arg14[%parallel_loop3A_312, %parallel_loop3A_313] {strides = array<i32>} : memref<64x128xf32, #tpu.memory_space<vmem>>, vector<1x16xf32>,
        %parallel_loop3A_315 = vector.shape_cast %parallel_loop3A_314 : vector<1x16xf32> to vector<16xf32>
        %parallel_loop3A_316 = vector.shape_cast %parallel_loop3A_311 : vector<16xf32> to vector<1x16xf32>
        tpu.vector_store %arg14[%parallel_loop3A_312, %parallel_loop3A_313], %parallel_loop3A_316 {strides = array<i32>} : memref<64x128xf32, #tpu.memory_space<vmem>>, vector<1x16xf32>,
        %parallel_loop3A_317 = arith.index_cast %parallel_loop3A_299 : i32 to index
        %parallel_loop3A_318 = arith.constant 16 : index
        %parallel_loop3A_319 = tpu.vector_load %arg14[%parallel_loop3A_317, %parallel_loop3A_318] {strides = array<i32>} : memref<64x128xf32, #tpu.memory_space<vmem>>, vector<1x16xf32>,
        %parallel_loop3A_320 = vector.shape_cast %parallel_loop3A_319 : vector<1x16xf32> to vector<16xf32>
        %parallel_loop3A_321 = arith.index_cast %parallel_loop3A_299 : i32 to index
        %parallel_loop3A_322 = arith.constant 16 : index
        %parallel_loop3A_323 = tpu.vector_load %arg17[%parallel_loop3A_321, %parallel_loop3A_322] {strides = array<i32>} : memref<64x128xf32, #tpu.memory_space<vmem>>, vector<1x16xf32>,
        %parallel_loop3A_324 = vector.shape_cast %parallel_loop3A_323 : vector<1x16xf32> to vector<16xf32>
        %parallel_loop3A_325 = arith.addf %parallel_loop3A_320, %parallel_loop3A_324 : vector<16xf32>
        %parallel_loop3A_326 = arith.constant 0.000000e+00 : f32
        %parallel_loop3A_327 = vector.broadcast %parallel_loop3A_326 : f32 to vector<16xf32>
        %parallel_loop3A_328 = arith.maximumf %parallel_loop3A_325, %parallel_loop3A_327 : vector<16xf32>
        %parallel_loop3A_329 = arith.index_cast %parallel_loop3A_299 : i32 to index
        %parallel_loop3A_330 = arith.constant 16 : index
        %parallel_loop3A_331 = tpu.vector_load %arg14[%parallel_loop3A_329, %parallel_loop3A_330] {strides = array<i32>} : memref<64x128xf32, #tpu.memory_space<vmem>>, vector<1x16xf32>,
        %parallel_loop3A_332 = vector.shape_cast %parallel_loop3A_331 : vector<1x16xf32> to vector<16xf32>
        %parallel_loop3A_333 = vector.shape_cast %parallel_loop3A_328 : vector<16xf32> to vector<1x16xf32>
        tpu.vector_store %arg14[%parallel_loop3A_329, %parallel_loop3A_330], %parallel_loop3A_333 {strides = array<i32>} : memref<64x128xf32, #tpu.memory_space<vmem>>, vector<1x16xf32>,
        %parallel_loop3A_334 = arith.index_cast %parallel_loop3A_299 : i32 to index
        %parallel_loop3A_335 = arith.constant 32 : index
        %parallel_loop3A_336 = tpu.vector_load %arg14[%parallel_loop3A_334, %parallel_loop3A_335] {strides = array<i32>} : memref<64x128xf32, #tpu.memory_space<vmem>>, vector<1x16xf32>,
        %parallel_loop3A_337 = vector.shape_cast %parallel_loop3A_336 : vector<1x16xf32> to vector<16xf32>
        %parallel_loop3A_338 = arith.index_cast %parallel_loop3A_299 : i32 to index
        %parallel_loop3A_339 = arith.constant 32 : index
        %parallel_loop3A_340 = tpu.vector_load %arg17[%parallel_loop3A_338, %parallel_loop3A_339] {strides = array<i32>} : memref<64x128xf32, #tpu.memory_space<vmem>>, vector<1x16xf32>,
        %parallel_loop3A_341 = vector.shape_cast %parallel_loop3A_340 : vector<1x16xf32> to vector<16xf32>
        %parallel_loop3A_342 = arith.addf %parallel_loop3A_337, %parallel_loop3A_341 : vector<16xf32>
        %parallel_loop3A_343 = arith.constant 0.000000e+00 : f32
        %parallel_loop3A_344 = vector.broadcast %parallel_loop3A_343 : f32 to vector<16xf32>
        %parallel_loop3A_345 = arith.maximumf %parallel_loop3A_342, %parallel_loop3A_344 : vector<16xf32>
        %parallel_loop3A_346 = arith.index_cast %parallel_loop3A_299 : i32 to index
        %parallel_loop3A_347 = arith.constant 32 : index
        %parallel_loop3A_348 = tpu.vector_load %arg14[%parallel_loop3A_346, %parallel_loop3A_347] {strides = array<i32>} : memref<64x128xf32, #tpu.memory_space<vmem>>, vector<1x16xf32>,
        %parallel_loop3A_349 = vector.shape_cast %parallel_loop3A_348 : vector<1x16xf32> to vector<16xf32>
        %parallel_loop3A_350 = vector.shape_cast %parallel_loop3A_345 : vector<16xf32> to vector<1x16xf32>
        tpu.vector_store %arg14[%parallel_loop3A_346, %parallel_loop3A_347], %parallel_loop3A_350 {strides = array<i32>} : memref<64x128xf32, #tpu.memory_space<vmem>>, vector<1x16xf32>,
        %parallel_loop3A_351 = arith.index_cast %parallel_loop3A_299 : i32 to index
        %parallel_loop3A_352 = arith.constant 48 : index
        %parallel_loop3A_353 = tpu.vector_load %arg14[%parallel_loop3A_351, %parallel_loop3A_352] {strides = array<i32>} : memref<64x128xf32, #tpu.memory_space<vmem>>, vector<1x16xf32>,
        %parallel_loop3A_354 = vector.shape_cast %parallel_loop3A_353 : vector<1x16xf32> to vector<16xf32>
        %parallel_loop3A_355 = arith.index_cast %parallel_loop3A_299 : i32 to index
        %parallel_loop3A_356 = arith.constant 48 : index
        %parallel_loop3A_357 = tpu.vector_load %arg17[%parallel_loop3A_355, %parallel_loop3A_356] {strides = array<i32>} : memref<64x128xf32, #tpu.memory_space<vmem>>, vector<1x16xf32>,
        %parallel_loop3A_358 = vector.shape_cast %parallel_loop3A_357 : vector<1x16xf32> to vector<16xf32>
        %parallel_loop3A_359 = arith.addf %parallel_loop3A_354, %parallel_loop3A_358 : vector<16xf32>
        %parallel_loop3A_360 = arith.constant 0.000000e+00 : f32
        %parallel_loop3A_361 = vector.broadcast %parallel_loop3A_360 : f32 to vector<16xf32>
        %parallel_loop3A_362 = arith.maximumf %parallel_loop3A_359, %parallel_loop3A_361 : vector<16xf32>
        %parallel_loop3A_363 = arith.index_cast %parallel_loop3A_299 : i32 to index
        %parallel_loop3A_364 = arith.constant 48 : index
        %parallel_loop3A_365 = tpu.vector_load %arg14[%parallel_loop3A_363, %parallel_loop3A_364] {strides = array<i32>} : memref<64x128xf32, #tpu.memory_space<vmem>>, vector<1x16xf32>,
        %parallel_loop3A_366 = vector.shape_cast %parallel_loop3A_365 : vector<1x16xf32> to vector<16xf32>
        %parallel_loop3A_367 = vector.shape_cast %parallel_loop3A_362 : vector<16xf32> to vector<1x16xf32>
        tpu.vector_store %arg14[%parallel_loop3A_363, %parallel_loop3A_364], %parallel_loop3A_367 {strides = array<i32>} : memref<64x128xf32, #tpu.memory_space<vmem>>, vector<1x16xf32>,
        %parallel_loop3A_368 = arith.index_cast %parallel_loop3A_299 : i32 to index
        %parallel_loop3A_369 = arith.constant 64 : index
        %parallel_loop3A_370 = tpu.vector_load %arg14[%parallel_loop3A_368, %parallel_loop3A_369] {strides = array<i32>} : memref<64x128xf32, #tpu.memory_space<vmem>>, vector<1x16xf32>,
        %parallel_loop3A_371 = vector.shape_cast %parallel_loop3A_370 : vector<1x16xf32> to vector<16xf32>
        %parallel_loop3A_372 = arith.index_cast %parallel_loop3A_299 : i32 to index
        %parallel_loop3A_373 = arith.constant 64 : index
        %parallel_loop3A_374 = tpu.vector_load %arg17[%parallel_loop3A_372, %parallel_loop3A_373] {strides = array<i32>} : memref<64x128xf32, #tpu.memory_space<vmem>>, vector<1x16xf32>,
        %parallel_loop3A_375 = vector.shape_cast %parallel_loop3A_374 : vector<1x16xf32> to vector<16xf32>
        %parallel_loop3A_376 = arith.addf %parallel_loop3A_371, %parallel_loop3A_375 : vector<16xf32>
        %parallel_loop3A_377 = arith.constant 0.000000e+00 : f32
        %parallel_loop3A_378 = vector.broadcast %parallel_loop3A_377 : f32 to vector<16xf32>
        %parallel_loop3A_379 = arith.maximumf %parallel_loop3A_376, %parallel_loop3A_378 : vector<16xf32>
        %parallel_loop3A_380 = arith.index_cast %parallel_loop3A_299 : i32 to index
        %parallel_loop3A_381 = arith.constant 64 : index
        %parallel_loop3A_382 = tpu.vector_load %arg14[%parallel_loop3A_380, %parallel_loop3A_381] {strides = array<i32>} : memref<64x128xf32, #tpu.memory_space<vmem>>, vector<1x16xf32>,
        %parallel_loop3A_383 = vector.shape_cast %parallel_loop3A_382 : vector<1x16xf32> to vector<16xf32>
        %parallel_loop3A_384 = vector.shape_cast %parallel_loop3A_379 : vector<16xf32> to vector<1x16xf32>
        tpu.vector_store %arg14[%parallel_loop3A_380, %parallel_loop3A_381], %parallel_loop3A_384 {strides = array<i32>} : memref<64x128xf32, #tpu.memory_space<vmem>>, vector<1x16xf32>,
        %parallel_loop3A_385 = arith.index_cast %parallel_loop3A_299 : i32 to index
        %parallel_loop3A_386 = arith.constant 80 : index
        %parallel_loop3A_387 = tpu.vector_load %arg14[%parallel_loop3A_385, %parallel_loop3A_386] {strides = array<i32>} : memref<64x128xf32, #tpu.memory_space<vmem>>, vector<1x16xf32>,
        %parallel_loop3A_388 = vector.shape_cast %parallel_loop3A_387 : vector<1x16xf32> to vector<16xf32>
        %parallel_loop3A_389 = arith.index_cast %parallel_loop3A_299 : i32 to index
        %parallel_loop3A_390 = arith.constant 80 : index
        %parallel_loop3A_391 = tpu.vector_load %arg17[%parallel_loop3A_389, %parallel_loop3A_390] {strides = array<i32>} : memref<64x128xf32, #tpu.memory_space<vmem>>, vector<1x16xf32>,
        %parallel_loop3A_392 = vector.shape_cast %parallel_loop3A_391 : vector<1x16xf32> to vector<16xf32>
        %parallel_loop3A_393 = arith.addf %parallel_loop3A_388, %parallel_loop3A_392 : vector<16xf32>
        %parallel_loop3A_394 = arith.constant 0.000000e+00 : f32
        %parallel_loop3A_395 = vector.broadcast %parallel_loop3A_394 : f32 to vector<16xf32>
        %parallel_loop3A_396 = arith.maximumf %parallel_loop3A_393, %parallel_loop3A_395 : vector<16xf32>
        %parallel_loop3A_397 = arith.index_cast %parallel_loop3A_299 : i32 to index
        %parallel_loop3A_398 = arith.constant 80 : index
        %parallel_loop3A_399 = tpu.vector_load %arg14[%parallel_loop3A_397, %parallel_loop3A_398] {strides = array<i32>} : memref<64x128xf32, #tpu.memory_space<vmem>>, vector<1x16xf32>,
        %parallel_loop3A_400 = vector.shape_cast %parallel_loop3A_399 : vector<1x16xf32> to vector<16xf32>
        %parallel_loop3A_401 = vector.shape_cast %parallel_loop3A_396 : vector<16xf32> to vector<1x16xf32>
        tpu.vector_store %arg14[%parallel_loop3A_397, %parallel_loop3A_398], %parallel_loop3A_401 {strides = array<i32>} : memref<64x128xf32, #tpu.memory_space<vmem>>, vector<1x16xf32>,
        %parallel_loop3A_402 = arith.index_cast %parallel_loop3A_299 : i32 to index
        %parallel_loop3A_403 = arith.constant 96 : index
        %parallel_loop3A_404 = tpu.vector_load %arg14[%parallel_loop3A_402, %parallel_loop3A_403] {strides = array<i32>} : memref<64x128xf32, #tpu.memory_space<vmem>>, vector<1x16xf32>,
        %parallel_loop3A_405 = vector.shape_cast %parallel_loop3A_404 : vector<1x16xf32> to vector<16xf32>
        %parallel_loop3A_406 = arith.index_cast %parallel_loop3A_299 : i32 to index
        %parallel_loop3A_407 = arith.constant 96 : index
        %parallel_loop3A_408 = tpu.vector_load %arg17[%parallel_loop3A_406, %parallel_loop3A_407] {strides = array<i32>} : memref<64x128xf32, #tpu.memory_space<vmem>>, vector<1x16xf32>,
        %parallel_loop3A_409 = vector.shape_cast %parallel_loop3A_408 : vector<1x16xf32> to vector<16xf32>
        %parallel_loop3A_410 = arith.addf %parallel_loop3A_405, %parallel_loop3A_409 : vector<16xf32>
        %parallel_loop3A_411 = arith.constant 0.000000e+00 : f32
        %parallel_loop3A_412 = vector.broadcast %parallel_loop3A_411 : f32 to vector<16xf32>
        %parallel_loop3A_413 = arith.maximumf %parallel_loop3A_410, %parallel_loop3A_412 : vector<16xf32>
        %parallel_loop3A_414 = arith.index_cast %parallel_loop3A_299 : i32 to index
        %parallel_loop3A_415 = arith.constant 96 : index
        %parallel_loop3A_416 = tpu.vector_load %arg14[%parallel_loop3A_414, %parallel_loop3A_415] {strides = array<i32>} : memref<64x128xf32, #tpu.memory_space<vmem>>, vector<1x16xf32>,
        %parallel_loop3A_417 = vector.shape_cast %parallel_loop3A_416 : vector<1x16xf32> to vector<16xf32>
        %parallel_loop3A_418 = vector.shape_cast %parallel_loop3A_413 : vector<16xf32> to vector<1x16xf32>
        tpu.vector_store %arg14[%parallel_loop3A_414, %parallel_loop3A_415], %parallel_loop3A_418 {strides = array<i32>} : memref<64x128xf32, #tpu.memory_space<vmem>>, vector<1x16xf32>,
        %parallel_loop3A_419 = arith.index_cast %parallel_loop3A_299 : i32 to index
        %parallel_loop3A_420 = arith.constant 112 : index
        %parallel_loop3A_421 = tpu.vector_load %arg14[%parallel_loop3A_419, %parallel_loop3A_420] {strides = array<i32>} : memref<64x128xf32, #tpu.memory_space<vmem>>, vector<1x16xf32>,
        %parallel_loop3A_422 = vector.shape_cast %parallel_loop3A_421 : vector<1x16xf32> to vector<16xf32>
        %parallel_loop3A_423 = arith.index_cast %parallel_loop3A_299 : i32 to index
        %parallel_loop3A_424 = arith.constant 112 : index
        %parallel_loop3A_425 = tpu.vector_load %arg17[%parallel_loop3A_423, %parallel_loop3A_424] {strides = array<i32>} : memref<64x128xf32, #tpu.memory_space<vmem>>, vector<1x16xf32>,
        %parallel_loop3A_426 = vector.shape_cast %parallel_loop3A_425 : vector<1x16xf32> to vector<16xf32>
        %parallel_loop3A_427 = arith.addf %parallel_loop3A_422, %parallel_loop3A_426 : vector<16xf32>
        %parallel_loop3A_428 = arith.constant 0.000000e+00 : f32
        %parallel_loop3A_429 = vector.broadcast %parallel_loop3A_428 : f32 to vector<16xf32>
        %parallel_loop3A_430 = arith.maximumf %parallel_loop3A_427, %parallel_loop3A_429 : vector<16xf32>
        %parallel_loop3A_431 = arith.index_cast %parallel_loop3A_299 : i32 to index
        %parallel_loop3A_432 = arith.constant 112 : index
        %parallel_loop3A_433 = tpu.vector_load %arg14[%parallel_loop3A_431, %parallel_loop3A_432] {strides = array<i32>} : memref<64x128xf32, #tpu.memory_space<vmem>>, vector<1x16xf32>,
        %parallel_loop3A_434 = vector.shape_cast %parallel_loop3A_433 : vector<1x16xf32> to vector<16xf32>
        %parallel_loop3A_435 = vector.shape_cast %parallel_loop3A_430 : vector<16xf32> to vector<1x16xf32>
        tpu.vector_store %arg14[%parallel_loop3A_431, %parallel_loop3A_432], %parallel_loop3A_435 {strides = array<i32>} : memref<64x128xf32, #tpu.memory_space<vmem>>, vector<1x16xf32>,
      } {sc.loop_unroll_factor = 4 : i64, sc.parallel_access}
      %dma_wait3A_289 = arith.constant 0 : i32
      %dma_wait3A_290 = tpu.memref_slice %arg5[%dma_wait3A_289] : memref<160000xi32, #tpu.memory_space<hbm>> -> memref<64xi32, #tpu.memory_space<hbm>>
      %dma_wait3A_291 = arith.constant 0 : i32
      %dma_wait3A_292 = tpu.memref_slice %arg5[%dma_wait3A_291] : memref<160000xi32, #tpu.memory_space<hbm>> -> memref<64xi32, #tpu.memory_space<hbm>>
      tpu.wait_dma2 semaphore(%arg32 : memref<!tpu.dma_semaphore, #tpu.memory_space<semaphore_mem>>) src(%dma_wait3A_292 : memref<64xi32, #tpu.memory_space<hbm>>) dst(%arg11 : memref<64xi32, #tpu.memory_space<vmem>>)
      %dma_start3A_293 = arith.constant 0 : i32
      %dma_start3A_294 = arith.constant 0 : i32
      %dma_start3A_295 = tpu.memref_slice %arg7[%dma_start3A_293, %dma_start3A_294] : memref<10000x128xf32, #tpu.memory_space<vmem_shared>> -> memref<10000x128xf32, #tpu.memory_space<vmem_shared>>
      tpu.enqueue_indirect_dma source(%arg14 : memref<64x128xf32, #tpu.memory_space<vmem>>) target(%dma_start3A_295 : memref<10000x128xf32, #tpu.memory_space<vmem_shared>>) offsets(%arg11 : memref<64xi32, #tpu.memory_space<vmem>>) semaphore(%arg26 : memref<!tpu.dma_semaphore, #tpu.memory_space<semaphore_mem>>) {add = true}
      %dma_wait3A_296 = arith.constant 0 : i32
      %dma_wait3A_297 = arith.constant 0 : i32
      %dma_wait3A_298 = tpu.memref_slice %arg7[%dma_wait3A_296, %dma_wait3A_297] : memref<10000x128xf32, #tpu.memory_space<vmem_shared>> -> memref<10000x128xf32, #tpu.memory_space<vmem_shared>>
      tpu.wait_indirect_dma semaphore(%arg26 : memref<!tpu.dma_semaphore, #tpu.memory_space<semaphore_mem>>) src(%arg14 : memref<64x128xf32, #tpu.memory_space<vmem>>) dst(%dma_wait3A_298 : memref<10000x128xf32, #tpu.memory_space<vmem_shared>>)
    } else {
    }
    %barrier3A_237 = arith.constant 0 : index
    tpu.barrier barrier_id(%barrier3A_237)
    %lt3A_238 = arith.constant 15 : i32
    %lt3A_239 = arith.cmpi slt, %arg1, %lt3A_238 : i32
    %convert_element_type3A_240 = arith.extui %lt3A_239 : i1 to i32
    %cond3A_241 = arith.constant 0 : i32
    %cond3A_242 = arith.cmpi ne, %convert_element_type3A_240, %cond3A_241 : i32
    scf.if %cond3A_242 {
      %mul3A_248 = arith.constant 10000 : i32
      %mul3A_249 = arith.muli %arg0, %mul3A_248 : i32
      %add3A_250 = arith.addi %mul3A_249, %mul3A_0 : i32
      "tpu.region"() ({
        %run_scoped3A = tpu.sem_alloc : memref<!tpu.dma_semaphore, #tpu.memory_space<semaphore_mem>>
        %dma_start3A_251 = arith.constant 0 : i32
        %dma_start3A_252 = tpu.memref_slice %arg6[%add3A_250, %dma_start3A_251] : memref<20000x128xf32, #tpu.memory_space<hbm>> -> memref<632x128xf32, #tpu.memory_space<hbm>>
        %dma_start3A_253 = arith.constant 0 : i32
        %dma_start3A_254 = tpu.memref_slice %arg7[%mul3A_0, %dma_start3A_253] : memref<10000x128xf32, #tpu.memory_space<vmem_shared>> -> memref<632x128xf32, #tpu.memory_space<vmem_shared>>
        tpu.enqueue_dma source(%dma_start3A_254 : memref<632x128xf32, #tpu.memory_space<vmem_shared>>) target(%dma_start3A_252 : memref<632x128xf32, #tpu.memory_space<hbm>>) target_semaphore(%run_scoped3A : memref<!tpu.dma_semaphore, #tpu.memory_space<semaphore_mem>>)
        %dma_wait3A_255 = arith.constant 0 : i32
        %dma_wait3A_256 = tpu.memref_slice %arg6[%add3A_250, %dma_wait3A_255] : memref<20000x128xf32, #tpu.memory_space<hbm>> -> memref<632x128xf32, #tpu.memory_space<hbm>>
        %dma_wait3A_257 = arith.constant 0 : i32
        %dma_wait3A_258 = tpu.memref_slice %arg7[%mul3A_0, %dma_wait3A_257] : memref<10000x128xf32, #tpu.memory_space<vmem_shared>> -> memref<632x128xf32, #tpu.memory_space<vmem_shared>>
        tpu.wait_dma2 semaphore(%run_scoped3A : memref<!tpu.dma_semaphore, #tpu.memory_space<semaphore_mem>>) src(%dma_wait3A_258 : memref<632x128xf32, #tpu.memory_space<vmem_shared>>) dst(%dma_wait3A_256 : memref<632x128xf32, #tpu.memory_space<hbm>>)
        tpu.yield
      }) : () -> ()
    } else {
    }
    %eq3A_243 = arith.constant 15 : i32
    %eq3A_244 = arith.cmpi eq, %arg1, %eq3A_243 : i32
    %convert_element_type3A_245 = arith.extui %eq3A_244 : i1 to i32
    %cond3A_246 = arith.constant 0 : i32
    %cond3A_247 = arith.cmpi ne, %convert_element_type3A_245, %cond3A_246 : i32
    scf.if %cond3A_247 {
      %mul3A_248 = arith.constant 10000 : i32
      %mul3A_249 = arith.muli %arg0, %mul3A_248 : i32
      %add3A_250 = arith.addi %mul3A_249, %mul3A_0 : i32
      "tpu.region"() ({
        %run_scoped3A = tpu.sem_alloc : memref<!tpu.dma_semaphore, #tpu.memory_space<semaphore_mem>>
        %dma_start3A_251 = arith.constant 0 : i32
        %dma_start3A_252 = tpu.memref_slice %arg6[%add3A_250, %dma_start3A_251] : memref<20000x128xf32, #tpu.memory_space<hbm>> -> memref<520x128xf32, #tpu.memory_space<hbm>>
        %dma_start3A_253 = arith.constant 0 : i32
        %dma_start3A_254 = tpu.memref_slice %arg7[%mul3A_0, %dma_start3A_253] : memref<10000x128xf32, #tpu.memory_space<vmem_shared>> -> memref<520x128xf32, #tpu.memory_space<vmem_shared>>
        tpu.enqueue_dma source(%dma_start3A_254 : memref<520x128xf32, #tpu.memory_space<vmem_shared>>) target(%dma_start3A_252 : memref<520x128xf32, #tpu.memory_space<hbm>>) target_semaphore(%run_scoped3A : memref<!tpu.dma_semaphore, #tpu.memory_space<semaphore_mem>>)
        %dma_wait3A_255 = arith.constant 0 : i32
        %dma_wait3A_256 = tpu.memref_slice %arg6[%add3A_250, %dma_wait3A_255] : memref<20000x128xf32, #tpu.memory_space<hbm>> -> memref<520x128xf32, #tpu.memory_space<hbm>>
        %dma_wait3A_257 = arith.constant 0 : i32
        %dma_wait3A_258 = tpu.memref_slice %arg7[%mul3A_0, %dma_wait3A_257] : memref<10000x128xf32, #tpu.memory_space<vmem_shared>> -> memref<520x128xf32, #tpu.memory_space<vmem_shared>>
        tpu.wait_dma2 semaphore(%run_scoped3A : memref<!tpu.dma_semaphore, #tpu.memory_space<semaphore_mem>>) src(%dma_wait3A_258 : memref<520x128xf32, #tpu.memory_space<vmem_shared>>) dst(%dma_wait3A_256 : memref<520x128xf32, #tpu.memory_space<hbm>>)
        tpu.yield
      }) : () -> ()
    } else {
    }
    return
  }
}

module attributes {stable_mosaic.version = 14 : i64} {
  func.func @_edge_proj_body(%arg0: i32, %arg1: i32, %arg2: memref<16x6400xf32, #tpu.memory_space<vmem>>, %arg3: memref<16x128xf32, #tpu.memory_space<vmem>>, %arg4: memref<1x1x128xf32, #tpu.memory_space<vmem>>, %arg5: memref<400x128xf32, #tpu.memory_space<vmem>>, %arg6: memref<6400x128xf32, #tpu.memory_space<vmem>>, %arg7: memref<400x128xf32, #tpu.memory_space<vmem>>) attributes {dimension_semantics = [#tpu.dimension_semantics<arbitrary>, #tpu.dimension_semantics<arbitrary>], iteration_bounds = array<i64: 2, 25>, scalar_prefetch = 0 : i64, scratch_operands = 0 : i64, tpu.core_type = #tpu.core_type<tc>, window_params = [{transform_indices = @transform_0, window_bounds = array<i64: 16, 6400>}, {transform_indices = @transform_1, window_bounds = array<i64: 16, 128>}, {transform_indices = @transform_2, window_bounds = array<i64: 1, 1, 128>}, {transform_indices = @transform_3, window_bounds = array<i64: 400, 128>}, {transform_indices = @transform_4, window_bounds = array<i64: 6400, 128>}, {transform_indices = @transform_5, window_bounds = array<i64: 400, 128>}]} {
    %get3A = arith.constant 0 : index
    %get3A_0 = arith.constant 0 : index
    %get3A_1 = vector.load %arg2[%get3A, %get3A_0] : memref<16x6400xf32, #tpu.memory_space<vmem>>, vector<16x6400xf32>
    %get3A_2 = arith.constant 0 : index
    %get3A_3 = arith.constant 0 : index
    %get3A_4 = vector.load %arg3[%get3A_2, %get3A_3] : memref<16x128xf32, #tpu.memory_space<vmem>>, vector<16x128xf32>
    %dot_general3A = arith.constant dense<0.000000e+00> : vector<6400x128xf32>
    %dot_general3A_5 = tpu.matmul %get3A_1, %get3A_4, %dot_general3A {dimension_numbers = #tpu.dot_dimension_numbers<[0], [0], [1], [1], [0, 1, 1, 1], [], []>, transpose_lhs_hint = false} : vector<16x6400xf32>, vector<16x128xf32>, vector<6400x128xf32> -> vector<6400x128xf32>
    %get3A_6 = arith.constant 0 : index
    %get3A_7 = arith.constant 0 : index
    %get3A_8 = arith.constant 0 : index
    %get3A_9 = vector.load %arg4[%get3A_6, %get3A_7, %get3A_8] : memref<1x1x128xf32, #tpu.memory_space<vmem>>, vector<1x1x128xf32>
    %get3A_10 = vector.shape_cast %get3A_9 : vector<1x1x128xf32> to vector<1x128xf32>
    %add3A = vector.broadcast %get3A_10 : vector<1x128xf32> to vector<6400x128xf32>
    %add3A_11 = arith.addf %dot_general3A_5, %add3A : vector<6400x128xf32>
    %swap3A = arith.constant 0 : index
    %swap3A_12 = arith.constant 0 : index
    %swap3A_13 = vector.load %arg6[%swap3A, %swap3A_12] : memref<6400x128xf32, #tpu.memory_space<vmem>>, vector<6400x128xf32>
    tpu.vector_store %arg6[%swap3A, %swap3A_12], %add3A_11 {strides = array<i32>} : memref<6400x128xf32, #tpu.memory_space<vmem>>, vector<6400x128xf32>,
    %get3A_14 = arith.constant 0 : index
    %get3A_15 = arith.constant 0 : index
    %get3A_16 = vector.load %arg5[%get3A_14, %get3A_15] : memref<400x128xf32, #tpu.memory_space<vmem>>, vector<400x128xf32>
    %swap3A_17 = arith.constant 0 : index
    %swap3A_18 = arith.constant 0 : index
    %swap3A_19 = vector.load %arg7[%swap3A_17, %swap3A_18] : memref<400x128xf32, #tpu.memory_space<vmem>>, vector<400x128xf32>
    tpu.vector_store %arg7[%swap3A_17, %swap3A_18], %get3A_16 {strides = array<i32>} : memref<400x128xf32, #tpu.memory_space<vmem>>, vector<400x128xf32>,
    return
  }
  func.func @transform_0(%arg0: i32, %arg1: i32) -> (i32, i32) {
    %c0_i32 = arith.constant 0 : i32
    %c0_i32_0 = arith.constant 0 : i32
    return %c0_i32, %arg1 : i32, i32
  }
  func.func @transform_1(%arg0: i32, %arg1: i32) -> (i32, i32) {
    %c0_i32 = arith.constant 0 : i32
    %c0_i32_0 = arith.constant 0 : i32
    return %c0_i32, %arg0 : i32, i32
  }
  func.func @transform_2(%arg0: i32, %arg1: i32) -> (i32, i32, i32) {
    %c0_i32 = arith.constant 0 : i32
    %c0_i32_0 = arith.constant 0 : i32
    %c0_i32_1 = arith.constant 0 : i32
    return %arg0, %c0_i32, %c0_i32_0 : i32, i32, i32
  }
  func.func @transform_3(%arg0: i32, %arg1: i32) -> (i32, i32) {
    %c0_i32 = arith.constant 0 : i32
    return %arg1, %arg0 : i32, i32
  }
  func.func @transform_4(%arg0: i32, %arg1: i32) -> (i32, i32) {
    %mul3A = arith.constant 25 : i32
    %mul3A_0 = arith.muli %arg0, %mul3A : i32
    %add3A = arith.addi %mul3A_0, %arg1 : i32
    %c0_i32 = arith.constant 0 : i32
    %c0_i32_1 = arith.constant 0 : i32
    return %add3A, %c0_i32 : i32, i32
  }
  func.func @transform_5(%arg0: i32, %arg1: i32) -> (i32, i32) {
    %mul3A = arith.constant 25 : i32
    %mul3A_0 = arith.muli %arg0, %mul3A : i32
    %add3A = arith.addi %mul3A_0, %arg1 : i32
    %c0_i32 = arith.constant 0 : i32
    %c0_i32_1 = arith.constant 0 : i32
    return %add3A, %c0_i32 : i32, i32
  }
}

module attributes {stable_mosaic.version = 14 : i64} {
  func.func @_mlp_body(%arg0: i32, %arg1: memref<1000x128xf32, #tpu.memory_space<vmem>>, %arg2: memref<1000x128xf32, #tpu.memory_space<vmem>>, %arg3: memref<256x512xf32, #tpu.memory_space<vmem>>, %arg4: memref<1x512xf32, #tpu.memory_space<vmem>>, %arg5: memref<512x256xf32, #tpu.memory_space<vmem>>, %arg6: memref<1x256xf32, #tpu.memory_space<vmem>>, %arg7: memref<1000x256xf32, #tpu.memory_space<vmem>>) attributes {dimension_semantics = [#tpu.dimension_semantics<arbitrary>], iteration_bounds = array<i64: 10>, scalar_prefetch = 0 : i64, scratch_operands = 0 : i64, tpu.core_type = #tpu.core_type<tc>, window_params = [{transform_indices = @transform_0, window_bounds = array<i64: 1000, 128>}, {transform_indices = @transform_1, window_bounds = array<i64: 1000, 128>}, {pipeline_mode = #tpu.pipeline_mode<synchronous>, transform_indices = @transform_2, window_bounds = array<i64: 256, 512>}, {pipeline_mode = #tpu.pipeline_mode<synchronous>, transform_indices = @transform_3, window_bounds = array<i64: 1, 512>}, {pipeline_mode = #tpu.pipeline_mode<synchronous>, transform_indices = @transform_4, window_bounds = array<i64: 512, 256>}, {pipeline_mode = #tpu.pipeline_mode<synchronous>, transform_indices = @transform_5, window_bounds = array<i64: 1, 256>}, {transform_indices = @transform_6, window_bounds = array<i64: 1000, 256>}]} {
    %get3A = arith.constant 0 : index
    %get3A_0 = arith.constant 0 : index
    %get3A_1 = vector.load %arg3[%get3A, %get3A_0] : memref<256x512xf32, #tpu.memory_space<vmem>>, vector<256x512xf32>
    %get3A_2 = arith.constant 0 : index
    %get3A_3 = arith.constant 0 : index
    %get3A_4 = vector.load %arg1[%get3A_2, %get3A_3] : memref<1000x128xf32, #tpu.memory_space<vmem>>, vector<1000x128xf32>
    %slice3A = vector.extract_strided_slice %get3A_1 {offsets = [0, 0], sizes = [128, 512], strides = [1, 1]} : vector<256x512xf32> to vector<128x512xf32>
    %dot_general3A = arith.constant dense<0.000000e+00> : vector<1000x512xf32>
    %dot_general3A_5 = tpu.matmul %get3A_4, %slice3A, %dot_general3A {dimension_numbers = #tpu.dot_dimension_numbers<[1], [0], [0], [1], [0, 0, 1, 1], [], []>, transpose_lhs_hint = false} : vector<1000x128xf32>, vector<128x512xf32>, vector<1000x512xf32> -> vector<1000x512xf32>
    %get3A_6 = arith.constant 0 : index
    %get3A_7 = arith.constant 0 : index
    %get3A_8 = vector.load %arg2[%get3A_6, %get3A_7] : memref<1000x128xf32, #tpu.memory_space<vmem>>, vector<1000x128xf32>
    %slice3A_9 = vector.extract_strided_slice %get3A_1 {offsets = [128, 0], sizes = [128, 512], strides = [1, 1]} : vector<256x512xf32> to vector<128x512xf32>
    %dot_general3A_10 = arith.constant dense<0.000000e+00> : vector<1000x512xf32>
    %dot_general3A_11 = tpu.matmul %get3A_8, %slice3A_9, %dot_general3A_10 {dimension_numbers = #tpu.dot_dimension_numbers<[1], [0], [0], [1], [0, 0, 1, 1], [], []>, transpose_lhs_hint = false} : vector<1000x128xf32>, vector<128x512xf32>, vector<1000x512xf32> -> vector<1000x512xf32>
    %add3A = arith.addf %dot_general3A_5, %dot_general3A_11 : vector<1000x512xf32>
    %get3A_12 = arith.constant 0 : index
    %get3A_13 = arith.constant 0 : index
    %get3A_14 = vector.load %arg4[%get3A_12, %get3A_13] : memref<1x512xf32, #tpu.memory_space<vmem>>, vector<1x512xf32>
    %add3A_15 = vector.broadcast %get3A_14 : vector<1x512xf32> to vector<1000x512xf32>
    %add3A_16 = arith.addf %add3A, %add3A_15 : vector<1000x512xf32>
    %max3A = arith.constant 0.000000e+00 : f32
    %max3A_17 = vector.broadcast %max3A : f32 to vector<1000x512xf32>
    %max3A_18 = arith.maximumf %add3A_16, %max3A_17 : vector<1000x512xf32>
    %get3A_19 = arith.constant 0 : index
    %get3A_20 = arith.constant 0 : index
    %get3A_21 = vector.load %arg5[%get3A_19, %get3A_20] : memref<512x256xf32, #tpu.memory_space<vmem>>, vector<512x256xf32>
    %dot_general3A_22 = arith.constant dense<0.000000e+00> : vector<1000x256xf32>
    %dot_general3A_23 = tpu.matmul %max3A_18, %get3A_21, %dot_general3A_22 {dimension_numbers = #tpu.dot_dimension_numbers<[1], [0], [0], [1], [0, 0, 1, 1], [], []>, transpose_lhs_hint = false} : vector<1000x512xf32>, vector<512x256xf32>, vector<1000x256xf32> -> vector<1000x256xf32>
    %get3A_24 = arith.constant 0 : index
    %get3A_25 = arith.constant 0 : index
    %get3A_26 = vector.load %arg6[%get3A_24, %get3A_25] : memref<1x256xf32, #tpu.memory_space<vmem>>, vector<1x256xf32>
    %add3A_27 = vector.broadcast %get3A_26 : vector<1x256xf32> to vector<1000x256xf32>
    %add3A_28 = arith.addf %dot_general3A_23, %add3A_27 : vector<1000x256xf32>
    %swap3A = arith.constant 0 : index
    %swap3A_29 = arith.constant 0 : index
    %swap3A_30 = vector.load %arg7[%swap3A, %swap3A_29] : memref<1000x256xf32, #tpu.memory_space<vmem>>, vector<1000x256xf32>
    tpu.vector_store %arg7[%swap3A, %swap3A_29], %add3A_28 {strides = array<i32>} : memref<1000x256xf32, #tpu.memory_space<vmem>>, vector<1000x256xf32>,
    return
  }
  func.func @transform_0(%arg0: i32) -> (i32, i32) {
    %c0_i32 = arith.constant 0 : i32
    %c0_i32_0 = arith.constant 0 : i32
    return %arg0, %c0_i32 : i32, i32
  }
  func.func @transform_1(%arg0: i32) -> (i32, i32) {
    %add3A = arith.constant 10 : i32
    %add3A_0 = arith.addi %add3A, %arg0 : i32
    %c0_i32 = arith.constant 0 : i32
    %c0_i32_1 = arith.constant 0 : i32
    return %add3A_0, %c0_i32 : i32, i32
  }
  func.func @transform_2(%arg0: i32) -> (i32, i32) {
    %c0_i32 = arith.constant 0 : i32
    %c0_i32_0 = arith.constant 0 : i32
    %c0_i32_1 = arith.constant 0 : i32
    return %c0_i32, %c0_i32_0 : i32, i32
  }
  func.func @transform_3(%arg0: i32) -> (i32, i32) {
    %c0_i32 = arith.constant 0 : i32
    %c0_i32_0 = arith.constant 0 : i32
    %c0_i32_1 = arith.constant 0 : i32
    return %c0_i32, %c0_i32_0 : i32, i32
  }
  func.func @transform_4(%arg0: i32) -> (i32, i32) {
    %c0_i32 = arith.constant 0 : i32
    %c0_i32_0 = arith.constant 0 : i32
    %c0_i32_1 = arith.constant 0 : i32
    return %c0_i32, %c0_i32_0 : i32, i32
  }
  func.func @transform_5(%arg0: i32) -> (i32, i32) {
    %c0_i32 = arith.constant 0 : i32
    %c0_i32_0 = arith.constant 0 : i32
    %c0_i32_1 = arith.constant 0 : i32
    return %c0_i32, %c0_i32_0 : i32, i32
  }
  func.func @transform_6(%arg0: i32) -> (i32, i32) {
    %c0_i32 = arith.constant 0 : i32
    %c0_i32_0 = arith.constant 0 : i32
    return %arg0, %c0_i32 : i32, i32
  }
}

</mosaic_0001>

<sc_bundles>
// kernel: kernel.5.cloned.1.call-start
scs
__scs_entry_jumppad:
0x0: {  	(pc) =	sbr.rel $0x88, $3  }
0x1: {  	(tag) =	ssettag $0x0;
	lr =	simm.s32 $0x1  }
0x2: {  	[smem:$0x3F98] =	sst lr;
	_ =	strace $0xD0000000  }
0x3: {  	_ = 	snop  }
0x4: {  	_ = 	snop  }
0x5: {  	_ = 	snop  }
0x6: {  	_ = 	snop  }
0x7: {  	_ = 	snop  }
__scs_overlays_trampoline_lowered:
0x8: {  	[smem:$0x3FA7] =	sst s0  }
0x9: {  	[smem:$0x3FA8] =	sst s1  }
0xa: {  	[smem:$0x3FA9] =	sst s2  }
0xb: {  	[smem:$0x3FAA] =	sst s3  }
0xc: {  	[smem:$0x3FAB] =	sst s4  }
0xd: {  	[smem:$0x3FAC] =	sst s5  }
0xe: {  	[smem:$0x3FAD] =	sst s6  }
0xf: {  	[smem:$0x3FAE] =	sst s7  }
0x10: {  	[smem:$0x3FAF] =	sst s8  }
0x11: {  	[smem:$0x3FB0] =	sst s9;
	s0 =	simm.s32 @!p0 $0x0  }
0x12: {  	s1 =	sld [smem:$0x3F96];
	s0 =	simm.s32 @p0 $0x1  }
0x13: {  	[smem:$0x3FB1] =	sst s0;
	s0 =	simm.s32 @!p1 $0x0  }
0x14: {  	s2 =	sld [smem:$0x3F95];
	s0 =	simm.s32 @p1 $0x1  }
0x15: {  	[smem:$0x3FB2] =	sst s0;
	s0 =	simm.s32 @!p2 $0x0  }
0x16: {  	s3 =	sld [smem:$0x3FDB];
	s0 =	simm.s32 @p2 $0x1  }
0x17: {  	s4 =	simm.s32 $0x1BF5;
	[smem:$0x3FB4] =	sst s0  }
0x18: {  	s0 =	sld [smem:$0x3F97];
	_ =	swait.ge [sflag:s4], $0x0  }
0x19: {  	s7 =	sld [smem:$0x3F98]  }
0x1a: {  	s8 =	sadd.s32 $0xFFFFE003, lr  }
0x1b: {  	s9 =	sadd.s32 $0xFFFFFEF7, lr;
	s5 =	simm.s32 $0xFFFFFFFF;
	p2 =	slt.u32 s8, $0xFFFFF086  }
0x1c: {  	p1 =	slt.u32 s9, $0xF7A;
	s5 =	simm.s32 @!p2 $0x0  }
0x1d: {  	s5 =	simm.s32 @p1 $0x1;
	p0 =	seq.s32 s7, s2  }
0x1e: {  	s7 =	smul.u32 @!p0 $0xF7A, s2;
	p2 =	seq.s32 @!p0 s5, $0x0  }
0x1f: {  	s9 =	smul.u32 $0xF7A, s1;
	s8 =	simm.s32 @!p0 $0x1BF5;
	p2 =	por !p2, p0  }
0x20: {  	[sflag:s8] =	ssyncset.s32 @!p0 $0xFFFFF086;
	s6 =	sadd.s32 @!p0 s3, s7;
	s7 =	simm.s32 @!p0 $0x108  }
0x21: {  	s3 =	sadd.s32 s3, s9;
	s6 =	sadd.s32 @!p0 $0x88, s6;
	s7 =	simm.s32 @p2 $0x1082  }
0x22: {  	[simem:s7], [sflag:s8] =	dma.local @!p0 [hbm:s6], $0xF7A  }
0x23: {  	s9 =	sor.u32 $0xD0000000, s2;
	s6 =	simm.s32 $0x108;
	_ =	swait.ge @!p0 [sflag:s8], $0x0  }
0x24: {  	s3 =	sadd.s32 $0x88, s3;
	s6 =	simm.s32 @!p1 $0x1082;
	[sflag:s4] =	ssyncset.s32 $0xFFFFF086  }
0x25: {  	[simem:s6], [sflag:s4] =	dma.local [hbm:s3], $0xF7A  }
0x26: {  	[smem:$0x3F98] =	sst s1;
	(tag) =	ssettag s2;
	_ =	strace s9  }
0x27: {  	s1 =	sld [smem:$0x3FA8]  }
0x28: {  	s2 =	sld [smem:$0x3FA9]  }
0x29: {  	s4 =	sld [smem:$0x3FAB]  }
0x2a: {  	p0 =	seq.s32 s5, $0x0;
	s5 =	sld [smem:$0x3FAC]  }
0x2b: {  	s6 =	sld [smem:$0x3FAD]  }
0x2c: {  	s7 =	sld [smem:$0x3FAE]  }
0x2d: {  	s3 =	simm.s32 $0x108;
	s8 =	sld [smem:$0x3FAF]  }
0x2e: {  	s3 =	simm.s32 @!p0 $0x1082;
	s9 =	sld [smem:$0x3FB0]  }
0x2f: {  	lr =	sadd.s32 s0, s3;
	s0 =	sld [smem:$0x3FA7]  }
0x30: {  	s3 =	sld [smem:$0x3FAA]  }
0x31: {  	[smem:$0x3FB3] =	sst s10  }
0x32: {  	s10 =	sld [smem:$0x3FB1];
	_ =	sdelay $0x3  }
0x33: {  	p0 =	seq.s32 s10, $0x1;
	s10 =	sld [smem:$0x3FB3];
	_ =	sdelay $0x3  }
0x34: {  	[smem:$0x3FB3] =	sst s10  }
0x35: {  	s10 =	sld [smem:$0x3FB2];
	_ =	sdelay $0x3  }
0x36: {  	p1 =	seq.s32 s10, $0x1;
	s10 =	sld [smem:$0x3FB3];
	_ =	sdelay $0x3  }
0x37: {  	[smem:$0x3FB3] =	sst s10  }
0x38: {  	s10 =	sld [smem:$0x3FB4]  }
0x39: {  	_ = 	snop;
	(pc) =	sbr.ind lr, $3  }
0x3a: {  	_ = 	snop  }
0x3b: {  	_ = 	snop  }
0x3c: {  	p2 =	seq.s32 s10, $0x1;
	s10 =	sld [smem:$0x3FB3]  }
0x3d: {  	_ =	shalt  }
0x3e: {  	_ =	shalt  }
0x3f: {  	_ =	shalt  }
0x40: {  	_ =	shalt  }
0x41: {  	_ =	shalt  }
0x42: {  	_ =	shalt  }
0x43: {  	_ =	shalt  }
0x44: {  	_ =	shalt  }
0x45: {  	_ =	shalt  }
0x46: {  	_ =	shalt  }
0x47: {  	_ =	shalt  }
0x48: {  	_ =	shalt  }
0x49: {  	_ =	shalt  }
0x4a: {  	_ =	shalt  }
0x4b: {  	_ =	shalt  }
0x4c: {  	_ =	shalt  }
0x4d: {  	_ =	shalt  }
0x4e: {  	_ =	shalt  }
0x4f: {  	_ =	shalt  }
0x50: {  	_ =	shalt  }
0x51: {  	_ =	shalt  }
0x52: {  	_ =	shalt  }
0x53: {  	_ =	shalt  }
0x54: {  	_ =	shalt  }
0x55: {  	_ =	shalt  }
0x56: {  	_ =	shalt  }
0x57: {  	_ =	shalt  }
0x58: {  	_ =	shalt  }
0x59: {  	_ =	shalt  }
0x5a: {  	_ =	shalt  }
0x5b: {  	_ =	shalt  }
0x5c: {  	_ =	shalt  }
0x5d: {  	_ =	shalt  }
0x5e: {  	_ =	shalt  }
0x5f: {  	_ =	shalt  }
0x60: {  	_ =	shalt  }
0x61: {  	_ =	shalt  }
0x62: {  	_ =	shalt  }
0x63: {  	_ =	shalt  }
0x64: {  	_ =	shalt  }
0x65: {  	_ =	shalt  }
0x66: {  	_ =	shalt  }
0x67: {  	_ =	shalt  }
0x68: {  	_ =	shalt  }
0x69: {  	_ =	shalt  }
0x6a: {  	_ =	shalt  }
0x6b: {  	_ =	shalt  }
0x6c: {  	_ =	shalt  }
0x6d: {  	_ =	shalt  }
0x6e: {  	_ =	shalt  }
0x6f: {  	_ =	shalt  }
0x70: {  	_ =	shalt  }
0x71: {  	_ =	shalt  }
0x72: {  	_ =	shalt  }
0x73: {  	_ =	shalt  }
0x74: {  	_ =	shalt  }
0x75: {  	_ =	shalt  }
0x76: {  	_ =	shalt  }
0x77: {  	_ =	shalt  }
0x78: {  	_ =	shalt  }
0x79: {  	_ =	shalt  }
0x7a: {  	_ =	shalt  }
0x7b: {  	_ =	shalt  }
0x7c: {  	_ =	shalt  }
0x7d: {  	_ =	shalt  }
0x7e: {  	_ =	shalt  }
0x7f: {  	_ =	shalt  }
0x80: {  	_ =	shalt  }
0x81: {  	_ =	shalt  }
0x82: {  	_ =	shalt  }
0x83: {  	_ =	shalt  }
0x84: {  	_ =	shalt  }
0x85: {  	_ =	shalt  }
0x86: {  	_ =	shalt  }
0x87: {  	_ =	shalt  }
.Lfunc_end0:
.L_simem_size_0:
called_computation_lowered:
.L_overlay_start_0:
0x88: {  	s2 =	sld [smem:$0x3FD9]  }
0x89: {  	s3 =	sld [smem:$0x3FFE];
	_ =	sdelay $0x1  }
0x8a: {  	s1 =	srdreg.scid  }
0x8b: {  	s0 =	sand.u32 $0x1, s1  }
0x8c: {  	s17 =	sshll.u32 s0, $0xA;
	s2 =	sadd.s32 s3, s2  }
0x8d: {  	s2 =	sadd.s32 s2, s17  }
0x8e: {  	[smem:$0x3FBF] =	sst s2  }
0x8f: {  	_ = 	snop  }
0x90: {  	s2 =	sld [smem:$0x3FD0];
	(tm) =	ssettm $0x1  }
0x91: {  	s18 =	sld [smem:$0x3FFB];
	_ =	sdelay $0x3  }
0x92: {  	_ =	strace s18  }
0x93: {  	s3 =	sld [smem:$0x3FFC];
	_ =	sdelay $0x3  }
0x94: {  	_ =	strace s3  }
0x95: {  	s3 =	sld [smem:$0x3FFD];
	_ =	sdelay $0x3  }
0x96: {  	_ =	strace s3  }
0x97: {  	_ =	strace $0x8FFFFFFF  }
0x98: {  	s19 =	sld [smem:$0x3FDB];
	_ =	sdelay $0x1  }
0x99: {  	s4 =	simm.s32 $_scs_section_size  }
0x9a: {  	s5 =	simm.s32 $_size__tile_overlayer_lowered;
	s6 =	simm.s32 $_tile_overlayer_lowered  }
0x9b: {  	s22 =	simm.s32 $0x1BFF;
	s21 =	sshll.u32 s6, $0x1;
	s3 =	sadd.s32 s4, s19  }
0x9c: {  	s7 =	simm.s32 $0x0;
	s20 =	sshll.u32 s5, $0x1;
	s5 =	sadd.s32 s21, s3  }
0x9d: {  	[timem:s7], [sflag:s22] =	dma.local [hbm:s5], s20  }
0x9e: {  	_ =	swait.ge [sflag:s22], s20  }
0x9f: {  	s4 =	ssub.s32 $0x0, s20;
	[sflag:s22] =	ssyncset.done $0x0  }
0xa0: {  	[sflag:s22] =	ssyncadd.s32 s4;
	_ =	sdelay $0x1  }
0xa1: {  	s23 =	simm.s32 $0x1B8B  }
0xa2: {  	_ =	swait.ge [sflag:s23], $0x1  }
0xa3: {  	[sflag:s23] =	ssyncset.done $0x0  }
0xa4: {  	s25 =	simm.s32 $0x1B8E;
	s24 =	sld [smem:$0x3FFE];
	[sflag:s23] =	ssyncadd.s32 $0xFFFFFFFF  }
0xa5: {  	s26 =	simm.s32 $execute0_lowered;
	[smem:$0x3FD2] =	sst s25  }
0xa6: {  	s5 =	sshll.u32 s26, $0x1;
	_ =	strace $0x80000046;
	[dreg:$0x1] =	wrdreg $0xFFFFFFFF  }
0xa7: {  	s28 =	simm.s32 $_size_execute0_lowered;
	s3 =	sadd.s32 s3, s5;
	[dreg:$0x0] =	wrdreg $0x0  }
0xa8: {  	s5 =	sshll.u32 s28, $0x1;
	[dreg:$0x2] =	wrdreg s3  }
0xa9: {  	[dreg:$0x3] =	wrdreg s5  }
0xaa: {  	[dreg:$0x4] =	wrdreg $0xC0  }
0xab: {  	_ =	task [dreg:s7], $0x5FFFF  }
0xac: {  	[dreg:$0x1] =	wrdreg $0xFFFFFFFF  }
0xad: {  	[dreg:$0x0] =	wrdreg $0x60  }
0xae: {  	[dreg:$0x2] =	wrdreg s2  }
0xaf: {  	[dreg:$0x3] =	wrdreg s24  }
0xb0: {  	[dreg:$0x4] =	wrdreg $0x0  }
0xb1: {  	[dreg:$0x5] =	wrdreg $0x9  }
0xb2: {  	_ =	task.clear_ibuf [dreg:s7], $0x6FFFF;
	_ =	strace $0x90000046  }
0xb3: {  	s29 =	simm.s32 $0x9;
	_ =	strace $0x80000048  }
0xb4: {  	_ =	swait.ge [sflag:s29], $0x1  }
0xb5: {  	[sflag:s29] =	ssyncadd.s32 $0xFFFFFFFF  }
0xb6: {  	_ =	strace $0x90000048  }
0xb7: {  	_ =	sfence  }
0xb8: {  	s30 =	sld [smem:$0x0];
	_ =	sdelay $0x2  }
0xb9: {  	s31 =	sshll.u32 s1, $0xD;
	s1 =	sshrl.u32 s1, $0x2  }
0xba: {  	s3 =	sand.u32 $0x4000, s31;
	s1 =	sadd.s32 s1, s30  }
0xbb: {  	s0 =	sor.u32 s3, s0;
	s1 =	sshll.u32 s1, $0x11  }
0xbc: {  	s0 =	sor.u32 s1, s0  }
0xbd: {  	s0 =	sadd.s32 $0x8F2B, s0  }
0xbe: {  	[sflag:s0] =	ssyncadd.remote.s32 $0x1  }
0xbf: {  	_ =	sfence.sel $0xFFFF  }
0xc0: {  	[dreg:$0x0] =	wrdreg $0xFFFFFFFF;
	(pc) =	sbr.abs _section_cstart, $3  }
0xc1: {  	[dreg:$0x1] =	wrdreg $0xFFFFFFFF  }
0xc2: {  	_ =	task.clear_ibuf [dreg:s7], $0x2FFFF;
	_ =	strace $0x9FFFFFFF  }
0xc3: {  	(tm) =	ssettm $0x7FFFFFFF  }
tec
execute0_lowered:
.L_overlay_start_1:
0x0: {  	(tag) =	ssettag $0x1  }
0x1: {  	s1 =	rddreg [dreg:$0x0]  }
0x2: {  	s0 =	rddreg [dreg:$0x1]  }
0x3: {  	s17 =	rddreg [dreg:$0x2]  }
0x4: {  	s4 =	simm.s32 $0x0;
	s2 =	srdreg.scid;
	s18 =	stileid.u32  }
0x5: {  	s28 =	simm.s32 $0xC;
	s31 =	simm.s32 $0x2;
	s30 =	simm.s32 $0x3  }
0x6: {  	[smem:$0x7FF] =	sst s4;
	s5 =	sadd.s32 $0xFE00, s0;
	s3 =	smul.u32 $0x278, s18  }
0x7: {  	s2 =	sand.u32 $0x1, s2;
	s6 =	sadd.s32 $0x6000, s0;
	s9 =	smul.u32 $0x4F000, s18  }
0x8: {  	s7 =	sadd.s32 $0x1000, s0;
	s0 =	sadd.s32 $0x4F1E00, s0;
	s13 =	smul.u32 $0x9C, s18  }
0x9: {  	p0 =	seq.s32 s18, $0xF;
	s8 =	ssub.s32 $0x2, s2;
	s11 =	smul.u32 $0x2710, s2  }
0xa: {  	p1 =	sgt.u32 s18, $0x3;
	s12 =	smul.u32 $0x138800, s2;
	s10 =	sshrl.u32 s8, $0x1  }
0xb: {  	_ =	strace $0x80000047;
	s9 =	sshrl.u32 s9, $0x2;
	s10 =	ssub.s32 s8, s10  }
0xc: {  	s3 =	sadd.s32 s3, s11;
	s8 =	smul.u32 $0x27100, s2;
	s21 =	sshrl.u32 s12, $0x3  }
0xd: {  	s11 =	smul.u32 $0x2700, s18;
	s9 =	sadd.s32 s9, s17;
	s2 =	sshll.u32 s3, $0x4  }
0xe: {  	[dreg:$0x4] =	wrdreg s9;
	s3 =	sadd.s32 $0x25080, s21;
	s22 =	sadd.s32 s1, s2  }
0xf: {  	s1 =	sadd.s32 s1, s3;
	s23 =	sadd.s32 s11, s8;
	s24 =	sor.u32 $0x40, s11  }
0x10: {  	s16 =	sshrl.u32 s11, $0x3;
	s20 =	sor.u32 $0x80, s11;
	[dreg:$0x5] =	wrdreg s22  }
0x11: {  	[dreg:$0x6] =	wrdreg s1;
	s14 =	sshrl.u32 s23, $0x3;
	s15 =	sadd.s32 s8, s24  }
0x12: {  	s9 =	sshll.u32 s23, $0x4;
	s19 =	sshrl.u32 s24, $0x3;
	s23 =	sadd.s32 s0, s2  }
0x13: {  	s22 =	sadd.s32 s8, s20;
	s0 =	sadd.s32 s0, s3;
	[dreg:$0xc] =	wrdreg s23  }
0x14: {  	s3 =	sshrl.u32 s20, $0x3;
	s25 =	sadd.s32 s6, s14;
	[dreg:$0xd] =	wrdreg s0  }
0x15: {  	s1 =	smov.u32 s17;
	s14 =	sadd.s32 s7, s16;
	[dreg:$0x7] =	wrdreg s25  }
0x16: {  	s26 =	sshrl.u32 s15, $0x3;
	s16 =	sadd.s32 s5, s9;
	[dreg:$0x9] =	wrdreg s14  }
0x17: {  	s21 =	sadd.s32 s7, s19;
	s24 =	sshrl.u32 s22, $0x3;
	[dreg:$0xa] =	wrdreg s16  }
0x18: {  	s12 =	sshll.u32 s22, $0x4;
	s29 =	sadd.s32 s6, s26;
	[dreg:$0xb] =	wrdreg s21  }
0x19: {  	s9 =	simm.s32 $0xE;
	s0 =	sadd.s32 s6, s24;
	[dreg:$0x8] =	wrdreg s29  }
0x1a: {  	s25 =	sor.u32 $0x3, s13;
	s14 =	sadd.s32 $0x100, s8;
	[dreg:$0xf] =	wrdreg s0  }
0x1b: {  	s26 =	sshll.u32 s15, $0x4;
	s16 =	sshll.u32 s18, $0x6;
	[dreg:$0x14] =	wrdreg s14  }
0x1c: {  	s18 =	simm.s32 $0x13900;
	s29 =	sshll.u32 s25, $0x6;
	[dreg:$0xe] =	wrdreg s25  }
0x1d: {  	s0 =	sadd.s32 s5, s26;
	s15 =	sshll.u32 s25, $0x3;
	[dreg:$0x15] =	wrdreg s16  }
0x1e: {  	s19 =	sor.u32 $0x27000, s16;
	s26 =	smax.u32 s10, $0x1;
	s10 =	simm.s32 $0x40  }
0x1f: {  	[dreg:$0x10] =	wrdreg s0;
	s2 =	sadd.s32 s8, s29;
	s0 =	sadd.s32 s7, s3  }
0x20: {  	s21 =	sadd.s32 s8, s19;
	s22 =	sshrl.u32 s19, $0x3;
	[dreg:$0x1c] =	wrdreg s26  }
0x21: {  	s29 =	sadd.s32 $0x128400, s17;
	s26 =	simm.s32 $0xA;
	s19 =	simm.s32 $0xF  }
0x22: {  	[dreg:$0x11] =	wrdreg s0;
	s13 =	sshrl.u32 s2, $0x3;
	s0 =	sadd.s32 s5, s12  }
0x23: {  	s20 =	sshll.u32 s2, $0x4;
	s23 =	sshrl.u32 s21, $0x3;
	s25 =	sshll.u32 s21, $0x4  }
0x24: {  	[dreg:$0x1d] =	wrdreg s29;
	s21 =	simm.s32 $0x1;
	s12 =	simm.s32 $0x6  }
0x25: {  	s3 =	sadd.s32 s6, s13;
	[dreg:$0x13] =	wrdreg s0;
	s0 =	sadd.s32 s11, s14  }
0x26: {  	s24 =	sadd.s32 s6, s23;
	s23 =	simm.s32 $0xD;
	s13 =	simm.s32 $0x9  }
0x27: {  	[dreg:$0x12] =	wrdreg s3;
	s3 =	sadd.s32 s7, s15;
	s0 =	sshrl.u32 s0, $0x3  }
0x28: {  	[dreg:$0x19] =	wrdreg s24;
	s24 =	simm.s32 $0x13A80;
	s15 =	simm.s32 $0xB  }
.Ltmp0:
0x29: {  	[dreg:$0x16] =	wrdreg s3;
	s0 =	sadd.s32 s6, s0;
	(pc) =	sbr.rel .LBB2_1-.Ltmp0, $4  }
0x2a: {  	s3 =	simm.s32 $0x0;
	[dreg:$0x17] =	wrdreg s0;
	s0 =	sadd.s32 s5, s20  }
0x2b: {  	s20 =	simm.s32 $0x7;
	[dreg:$0x18] =	wrdreg s0;
	s0 =	sadd.s32 s7, s22  }
0x2c: {  	s22 =	simm.s32 $0x4;
	[dreg:$0x1a] =	wrdreg s0;
	s0 =	sadd.s32 s5, s25  }
0x2d: {  	s25 =	simm.s32 $0x8;
	[dreg:$0x1b] =	wrdreg s0;
	s0 =	simm.s32 $0x5  }
.LBB2_21:
0x2e: {  	s2 =	rddreg [dreg:$0x1d]  }
0x2f: {  	s3 =	rddreg [dreg:$0xd]  }
0x30: {  	s11 =	simm.s32 $0x1FD0;
	s29 =	simm.s32 $0x10;
	s2 =	sshrl.u32 s2, $0x3  }
0x31: {  	[hbm:s3], [sflag:s11] =	dma.local [spmem:s2], $0x2080  }
0x32: {  	_ =	swait.ge [sflag:s29], $0x2080  }
0x33: {  	[sflag:s29] =	ssyncset.done $0x0  }
0x34: {  	s3 =	rddreg [dreg:$0x1e];
	[sflag:s29] =	ssyncadd.s32 $0xFFFFDF80  }
.LBB2_22:
0x35: {  	s3 =	sadd.s32 $0x1, s3;
	s2 =	rddreg [dreg:$0x1c]  }
0x36: {  	p2 =	sne.s32 s3, s2  }
.Ltmp1:
0x37: {  	_ = 	snop;
	(pc) =	sbr.rel @!p2 .LBB2_23-.Ltmp1, $1  }
0x38: {  	_ =	sdelay $0x3  }
.LBB2_1:
0x39: {  	[dreg:$0x1e] =	wrdreg s3  }
0x3a: {  	s2 =	rddreg [dreg:$0x1d]  }
0x3b: {  	s3 =	simm.s32 @p0 $0x1FD0;
	s11 =	rddreg [dreg:$0x6];
	s2 =	sshrl.u32 @p0 s2, $0x3  }
0x3c: {  	[spmem:s2], [sflag:s3] =	dma.local @p0 [hbm:s11], $0x2080  }
0x3d: {  	s2 =	simm.s32 @p0 $0x10  }
0x3e: {  	s3 =	stileid.u32;
	_ =	swait.ge @p0 [sflag:s2], $0x2080  }
0x3f: {  	s3 =	sshll.u32 @!p0 s3, $0x6;
	[sflag:s2] =	ssyncset.done @p0 $0x0  }
0x40: {  	[sflag:s2] =	ssyncadd.s32 @p0 $0xFFFFDF80;
	s2 =	sor.u32 @!p0 $0x1C10, s3;
	s3 =	rddreg [dreg:$0x4]  }
0x41: {  	s11 =	rddreg [dreg:$0x5];
	s3 =	sshrl.u32 @!p0 s3, $0x3  }
0x42: {  	[spmem:s3], [sflag:s2] =	dma.local @!p0 [hbm:s11], $0x2780  }
0x43: {  	s2 =	simm.s32 @!p0 $0x10  }
0x44: {  	_ =	swait.ge @!p0 [sflag:s2], $0x2780  }
0x45: {  	[sflag:s2] =	ssyncset.done @!p0 $0x0  }
0x46: {  	[sflag:s2] =	ssyncadd.s32 @!p0 $0xFFFFD880  }
0x47: {  	[bflag:$0x0] =	sbarrier.arrive $0xFFFF  }
0x48: {  	s3 =	simm.s32 $0x13880;
	s14 =	rddreg [dreg:$0x7]  }
0x49: {  	[tilespmem:s3], [sflag:$0xA] =	stream.linear.gather [hbm4b:s14+s4], $0x40, $0x38;
	[tilespmem:$0x1FB80] =	vst v63  }
0x4a: {  	s16 =	rddreg [dreg:$0x8]  }
0x4b: {  	[tilespmem:s18], [sflag:$0xB] =	stream.linear.gather [hbm4b:s16+s4], $0x40, $0x38;
	[tilespmem:$0x1FB80] =	vst v63  }
0x4c: {  	s29 =	simm.s32 $0x13A00;
	s17 =	rddreg [dreg:$0x9]  }
0x4d: {  	[tilespmem:s29], [sflag:$0xD] =	stream.linear.gather [hbm4b:s17+s4], $0x40, $0x38;
	[tilespmem:$0x1FB80] =	vst v63  }
0x4e: {  	_ =	swait.ge [sflag:s26], $0x40  }
0x4f: {  	[sflag:s26] =	ssyncset.done $0x0  }
0x50: {  	[sflag:s26] =	ssyncadd.s32 $0xFFFFFFC0  }
0x51: {  	s14 =	simm.s32 $0x13B80;
	s2 =	rddreg [dreg:$0x0]  }
0x52: {  	[tilespmem:s14], [sflag:$0x1] =	stream.indirect.gather [hbm4b:s2+s10], $0x80, s3, s10, $0xb8;
	[tilespmem:$0x1FB80] =	vst v63  }
0x53: {  	s17 =	simm.s32 $0x19B80;
	s16 =	rddreg [dreg:$0xa]  }
0x54: {  	[tilespmem:s17], [sflag:$0x4] =	stream.linear.gather [hbm4b:s16+s4], $0x2000, $0x38;
	[tilespmem:$0x1FB80] =	vst v63  }
0x55: {  	s29 =	rddreg [dreg:$0xb]  }
0x56: {  	[tilespmem:s24], [sflag:$0xE] =	stream.linear.gather [hbm4b:s29+s4], $0x40, $0x38;
	[tilespmem:$0x1FB80] =	vst v63  }
0x57: {  	s11 =	rddreg [dreg:$0xf];
	s14 =	simm.s32 $0x13980  }
0x58: {  	[tilespmem:s14], [sflag:$0xC] =	stream.linear.gather [hbm4b:s11+s4], $0x40, $0x38;
	[tilespmem:$0x1FB80] =	vst v63  }
0x59: {  	_ =	swait.ge [sflag:s15], $0x40  }
0x5a: {  	[sflag:s15] =	ssyncset.done $0x0  }
0x5b: {  	s16 =	simm.s32 $0x15B80;
	[sflag:s15] =	ssyncadd.s32 $0xFFFFFFC0  }
0x5c: {  	[tilespmem:s16], [sflag:$0x2] =	stream.indirect.gather [hbm4b:s2+s10], $0x80, s18, s10, $0xb8;
	[tilespmem:$0x1FB80] =	vst v63  }
0x5d: {  	s29 =	simm.s32 $0x1BB80;
	s17 =	rddreg [dreg:$0x10]  }
0x5e: {  	[tilespmem:s29], [sflag:$0x5] =	stream.linear.gather [hbm4b:s17+s4], $0x2000, $0x38;
	[tilespmem:$0x1FB80] =	vst v63  }
0x5f: {  	_ =	swait.ge [sflag:s21], $0x2000  }
0x60: {  	[sflag:s21] =	ssyncset.done $0x0  }
0x61: {  	[sflag:s21] =	ssyncadd.s32 $0xFFFFE000  }
0x62: {  	_ =	swait.ge [sflag:s22], $0x2000  }
0x63: {  	[sflag:s22] =	ssyncset.done $0x0  }
0x64: {  	s3 =	simm.s32 $0x13C80;
	[sflag:s22] =	ssyncadd.s32 $0xFFFFE000  }
0x65: {  	s14 =	simm.s32 $0x19C80;
	v0 =	vld [tilespmem:s3+$0x80]  }
0x66: {  	v1 =	vld [tilespmem:s14+$0x80]  }
0x67: {  	v2 =	vld [tilespmem:s14+$0xFFFFFF00]  }
0x68: {  	v3 =	vld [tilespmem:s3+$0xFFFFFF80]  }
0x69: {  	v4 =	vld [tilespmem:s14+$0xFFFFFF80]  }
0x6a: {  	v5 =	vld [tilespmem:s14+$0x0]  }
0x6b: {  	v0 =	vadd.f32 v1, v0;
	v1 =	vld [tilespmem:s3+$0x0]  }
0x6c: {  	v6 =	vld [tilespmem:s3+$0xFFFFFF00]  }
0x6d: {  	v0 =	vmax.f32 v0, $0.0e+00  }
0x6e: {  	v3 =	vadd.f32 v4, v3;
	[tilespmem:s3+$0x80] =	vst v0;
	v0 =	vld [tilespmem:s3+$0x90]  }
0x6f: {  	v7 =	vld [tilespmem:s14+$0x90]  }
0x70: {  	v8 =	vld [tilespmem:s3+$0xFFFFFF90];
	v3 =	vmax.f32 v3, $0.0e+00;
	v1 =	vadd.f32 v5, v1  }
0x71: {  	v4 =	vld [tilespmem:s3+$0xFFFFFF10];
	v2 =	vadd.f32 v2, v6;
	[tilespmem:s3+$0xFFFFFF80] =	vst v3  }
0x72: {  	v5 =	vld [tilespmem:s14+$0xFFFFFF90];
	v1 =	vmax.f32 v1, $0.0e+00  }
0x73: {  	v2 =	vmax.f32 v2, $0.0e+00;
	v3 =	vld [tilespmem:s3+$0x10];
	[tilespmem:s3+$0x0] =	vst v1  }
0x74: {  	[tilespmem:s3+$0xFFFFFF00] =	vst v2;
	v0 =	vadd.f32 v7, v0;
	v1 =	vld [tilespmem:s14+$0x10]  }
0x75: {  	v2 =	vld [tilespmem:s14+$0xFFFFFF10]  }
0x76: {  	v0 =	vmax.f32 v0, $0.0e+00  }
0x77: {  	v5 =	vadd.f32 v5, v8;
	[tilespmem:s3+$0x90] =	vst v0;
	v0 =	vld [tilespmem:s3+$0xA0]  }
0x78: {  	v7 =	vld [tilespmem:s14+$0xA0]  }
0x79: {  	v6 =	vld [tilespmem:s3+$0xFFFFFF20];
	v5 =	vmax.f32 v5, $0.0e+00;
	v1 =	vadd.f32 v1, v3  }
0x7a: {  	v2 =	vadd.f32 v2, v4;
	v8 =	vld [tilespmem:s3+$0xFFFFFFA0];
	[tilespmem:s3+$0xFFFFFF90] =	vst v5  }
0x7b: {  	v4 =	vld [tilespmem:s14+$0xFFFFFFA0];
	v1 =	vmax.f32 v1, $0.0e+00  }
0x7c: {  	v2 =	vmax.f32 v2, $0.0e+00;
	v3 =	vld [tilespmem:s3+$0x20];
	[tilespmem:s3+$0x10] =	vst v1  }
0x7d: {  	[tilespmem:s3+$0xFFFFFF10] =	vst v2;
	v0 =	vadd.f32 v7, v0;
	v1 =	vld [tilespmem:s14+$0x20]  }
0x7e: {  	v2 =	vld [tilespmem:s14+$0xFFFFFF20]  }
0x7f: {  	v0 =	vmax.f32 v0, $0.0e+00  }
0x80: {  	v4 =	vadd.f32 v4, v8;
	[tilespmem:s3+$0xA0] =	vst v0;
	v0 =	vld [tilespmem:s3+$0xB0]  }
0x81: {  	v7 =	vld [tilespmem:s14+$0xB0]  }
0x82: {  	v9 =	vld [tilespmem:s3+$0x30];
	v4 =	vmax.f32 v4, $0.0e+00;
	v1 =	vadd.f32 v1, v3  }
0x83: {  	v2 =	vadd.f32 v2, v6;
	v8 =	vld [tilespmem:s3+$0xFFFFFFB0];
	[tilespmem:s3+$0xFFFFFFA0] =	vst v4  }
0x84: {  	v3 =	vld [tilespmem:s14+$0xFFFFFFB0];
	v1 =	vmax.f32 v1, $0.0e+00  }
0x85: {  	v5 =	vld [tilespmem:s3+$0xFFFFFF30];
	[tilespmem:s3+$0x20] =	vst v1;
	v1 =	vmax.f32 v2, $0.0e+00  }
0x86: {  	v0 =	vadd.f32 v7, v0;
	[tilespmem:s3+$0xFFFFFF20] =	vst v1;
	v1 =	vld [tilespmem:s14+$0x30]  }
0x87: {  	v6 =	vld [tilespmem:s14+$0xFFFFFF30]  }
0x88: {  	v10 =	vld [tilespmem:s3+$0xFFFFFF40];
	v0 =	vmax.f32 v0, $0.0e+00  }
0x89: {  	v3 =	vadd.f32 v3, v8;
	[tilespmem:s3+$0xB0] =	vst v0;
	v0 =	vld [tilespmem:s3+$0xC0]  }
0x8a: {  	v7 =	vld [tilespmem:s14+$0xC0]  }
0x8b: {  	v11 =	vld [tilespmem:s3+$0xFFFFFFD0];
	v3 =	vmax.f32 v3, $0.0e+00;
	v1 =	vadd.f32 v1, v9  }
0x8c: {  	v4 =	vld [tilespmem:s3+$0xFFFFFFC0];
	[tilespmem:s3+$0xFFFFFFB0] =	vst v3;
	v5 =	vadd.f32 v6, v5  }
0x8d: {  	v6 =	vld [tilespmem:s14+$0xFFFFFFC0];
	v1 =	vmax.f32 v1, $0.0e+00  }
0x8e: {  	v2 =	vld [tilespmem:s3+$0x40];
	[tilespmem:s3+$0x30] =	vst v1;
	v1 =	vmax.f32 v5, $0.0e+00  }
0x8f: {  	v0 =	vadd.f32 v7, v0;
	v5 =	vld [tilespmem:s14+$0x40];
	[tilespmem:s3+$0xFFFFFF30] =	vst v1  }
0x90: {  	v1 =	vld [tilespmem:s14+$0xFFFFFF40]  }
0x91: {  	v8 =	vld [tilespmem:s3+$0xFFFFFF50];
	v0 =	vmax.f32 v0, $0.0e+00  }
0x92: {  	[tilespmem:s3+$0xC0] =	vst v0;
	v0 =	vadd.f32 v6, v4;
	v6 =	vld [tilespmem:s3+$0xD0]  }
0x93: {  	v7 =	vld [tilespmem:s14+$0xD0]  }
0x94: {  	v3 =	vld [tilespmem:s3+$0xFFFFFF60];
	v0 =	vmax.f32 v0, $0.0e+00;
	v2 =	vadd.f32 v5, v2  }
0x95: {  	v9 =	vld [tilespmem:s3+$0x50];
	[tilespmem:s3+$0xFFFFFFC0] =	vst v0;
	v0 =	vadd.f32 v1, v10  }
0x96: {  	v1 =	vld [tilespmem:s14+$0xFFFFFFD0];
	v2 =	vmax.f32 v2, $0.0e+00  }
0x97: {  	v4 =	vld [tilespmem:s3+$0xFFFFFFE0];
	[tilespmem:s3+$0x40] =	vst v2;
	v0 =	vmax.f32 v0, $0.0e+00  }
0x98: {  	v2 =	vld [tilespmem:s14+$0x50];
	v6 =	vadd.f32 v7, v6;
	[tilespmem:s3+$0xFFFFFF40] =	vst v0  }
0x99: {  	v0 =	vld [tilespmem:s14+$0xFFFFFF50]  }
0x9a: {  	v5 =	vld [tilespmem:s3+$0x60];
	v6 =	vmax.f32 v6, $0.0e+00  }
0x9b: {  	v1 =	vadd.f32 v1, v11;
	[tilespmem:s3+$0xD0] =	vst v6;
	v6 =	vld [tilespmem:s3+$0xE0]  }
0x9c: {  	v10 =	vld [tilespmem:s14+$0xE0]  }
0x9d: {  	v1 =	vmax.f32 v1, $0.0e+00;
	v7 =	vadd.f32 v2, v9;
	v2 =	vld [tilespmem:s3+$0xFFFFFF70]  }
0x9e: {  	[tilespmem:s3+$0xFFFFFFD0] =	vst v1;
	v0 =	vadd.f32 v0, v8;
	v1 =	vld [tilespmem:s3+$0xFFFFFFF0]  }
0x9f: {  	v8 =	vmax.f32 v7, $0.0e+00;
	v7 =	vld [tilespmem:s14+$0xFFFFFFE0]  }
0xa0: {  	[tilespmem:s3+$0x50] =	vst v8;
	v8 =	vmax.f32 v0, $0.0e+00;
	v0 =	vld [tilespmem:s3+$0x70]  }
0xa1: {  	[tilespmem:s3+$0xFFFFFF50] =	vst v8;
	v8 =	vld [tilespmem:s14+$0x60];
	v6 =	vadd.f32 v10, v6  }
0xa2: {  	v9 =	vld [tilespmem:s14+$0xFFFFFF60]  }
0xa3: {  	s11 =	simm.s32 $0x13E80;
	s16 =	simm.s32 $0x0;
	s17 =	simm.s32 $0x19C80;
	v10 =	vmax.f32 v6, $0.0e+00;
	v6 =	vld [tilespmem:s3+$0xF0]  }
.LBB2_2:
0xa4: {  	v11 =	vld [tilespmem:s11+$0x80];
	v4 =	vadd.f32 v7, v4;
	[tilespmem:s3+$0xE0] =	vst v10  }
0xa5: {  	s17 =	sadd.s32 $0x200, s17;
	v7 =	vld [tilespmem:s14+$0xF0]  }
0xa6: {  	s16 =	sadd.s32 $0x4, s16;
	v10 =	vld [tilespmem:s17+$0x80];
	v4 =	vmax.f32 v4, $0.0e+00;
	v5 =	vadd.f32 v8, v5  }
0xa7: {  	p2 =	slt.u32 s16, $0x3C;
	v8 =	vld [tilespmem:s17+$0xFFFFFF00];
	v3 =	vadd.f32 v9, v3;
	[tilespmem:s3+$0xFFFFFFE0] =	vst v4  }
0xa8: {  	v4 =	vld [tilespmem:s11+$0xFFFFFF80];
	v5 =	vmax.f32 v5, $0.0e+00  }
0xa9: {  	v9 =	vld [tilespmem:s17+$0xFFFFFF80];
	v3 =	vmax.f32 v3, $0.0e+00;
	[tilespmem:s3+$0x60] =	vst v5  }
0xaa: {  	v5 =	vld [tilespmem:s11+$0x0];
	[tilespmem:s3+$0xFFFFFF60] =	vst v3;
	v3 =	vadd.f32 v7, v6  }
0xab: {  	v6 =	vld [tilespmem:s17+$0x0];
	v7 =	vadd.f32 v10, v11  }
0xac: {  	v10 =	vld [tilespmem:s11+$0xFFFFFF00];
	v3 =	vmax.f32 v3, $0.0e+00  }
0xad: {  	v11 =	vld [tilespmem:s11+$0xFFFFFF10];
	v7 =	vmax.f32 v7, $0.0e+00;
	[tilespmem:s3+$0xF0] =	vst v3  }
0xae: {  	v3 =	vadd.f32 v9, v4;
	[tilespmem:s11+$0x80] =	vst v7;
	v4 =	vld [tilespmem:s11+$0x90]  }
0xaf: {  	v7 =	vld [tilespmem:s17+$0x90]  }
0xb0: {  	v3 =	vmax.f32 v3, $0.0e+00;
	v9 =	vld [tilespmem:s11+$0xFFFFFF90];
	v5 =	vadd.f32 v6, v5  }
0xb1: {  	v6 =	vadd.f32 v8, v10;
	[tilespmem:s11+$0xFFFFFF80] =	vst v3;
	v3 =	vld [tilespmem:s11+$0x10]  }
0xb2: {  	v8 =	vld [tilespmem:s17+$0xFFFFFF90];
	v5 =	vmax.f32 v5, $0.0e+00  }
0xb3: {  	v6 =	vmax.f32 v6, $0.0e+00;
	v10 =	vld [tilespmem:s11+$0xFFFFFF20];
	[tilespmem:s11+$0x0] =	vst v5  }
0xb4: {  	[tilespmem:s11+$0xFFFFFF00] =	vst v6;
	v5 =	vld [tilespmem:s17+$0x10];
	v4 =	vadd.f32 v7, v4  }
0xb5: {  	v6 =	vld [tilespmem:s17+$0xFFFFFF10]  }
0xb6: {  	v7 =	vld [tilespmem:s11+$0xFFFFFFA0];
	v4 =	vmax.f32 v4, $0.0e+00  }
0xb7: {  	v8 =	vadd.f32 v8, v9;
	[tilespmem:s11+$0x90] =	vst v4;
	v4 =	vld [tilespmem:s11+$0xA0]  }
0xb8: {  	v9 =	vld [tilespmem:s17+$0xA0]  }
0xb9: {  	v8 =	vmax.f32 v8, $0.0e+00;
	v3 =	vadd.f32 v5, v3;
	v5 =	vld [tilespmem:s11+$0x20]  }
0xba: {  	v6 =	vadd.f32 v6, v11;
	v11 =	vld [tilespmem:s11+$0xFFFFFF30];
	[tilespmem:s11+$0xFFFFFF90] =	vst v8  }
0xbb: {  	v8 =	vld [tilespmem:s17+$0xFFFFFFA0];
	v3 =	vmax.f32 v3, $0.0e+00  }
0xbc: {  	v6 =	vmax.f32 v6, $0.0e+00;
	v12 =	vld [tilespmem:s11+$0xFFFFFFB0];
	[tilespmem:s11+$0x10] =	vst v3  }
0xbd: {  	[tilespmem:s11+$0xFFFFFF10] =	vst v6;
	v3 =	vld [tilespmem:s17+$0x20];
	v4 =	vadd.f32 v9, v4  }
0xbe: {  	v6 =	vld [tilespmem:s17+$0xFFFFFF20]  }
0xbf: {  	v9 =	vld [tilespmem:s11+$0x30];
	v4 =	vmax.f32 v4, $0.0e+00  }
0xc0: {  	v7 =	vadd.f32 v8, v7;
	[tilespmem:s11+$0xA0] =	vst v4;
	v4 =	vld [tilespmem:s11+$0xB0]  }
0xc1: {  	v8 =	vld [tilespmem:s17+$0xB0]  }
0xc2: {  	v13 =	vld [tilespmem:s11+$0xFFFFFF40];
	v7 =	vmax.f32 v7, $0.0e+00;
	v3 =	vadd.f32 v3, v5  }
0xc3: {  	v5 =	vadd.f32 v6, v10;
	[tilespmem:s11+$0xFFFFFFA0] =	vst v7;
	v6 =	vld [tilespmem:s11+$0xFFFFFFC0]  }
0xc4: {  	v7 =	vld [tilespmem:s17+$0xFFFFFFB0];
	v3 =	vmax.f32 v3, $0.0e+00  }
0xc5: {  	v5 =	vmax.f32 v5, $0.0e+00;
	[tilespmem:s11+$0x20] =	vst v3;
	v10 =	vld [tilespmem:s11+$0x40]  }
0xc6: {  	[tilespmem:s11+$0xFFFFFF20] =	vst v5;
	v3 =	vld [tilespmem:s17+$0x30];
	v4 =	vadd.f32 v8, v4  }
0xc7: {  	v5 =	vld [tilespmem:s17+$0xFFFFFF30]  }
0xc8: {  	v8 =	vld [tilespmem:s11+$0xFFFFFF50];
	v4 =	vmax.f32 v4, $0.0e+00  }
0xc9: {  	v7 =	vadd.f32 v7, v12;
	[tilespmem:s11+$0xB0] =	vst v4;
	v4 =	vld [tilespmem:s11+$0xC0]  }
0xca: {  	v12 =	vld [tilespmem:s17+$0xC0]  }
0xcb: {  	v7 =	vmax.f32 v7, $0.0e+00;
	v14 =	vld [tilespmem:s11+$0xFFFFFFD0];
	v3 =	vadd.f32 v3, v9  }
0xcc: {  	v5 =	vadd.f32 v5, v11;
	[tilespmem:s11+$0xFFFFFFB0] =	vst v7;
	v7 =	vld [tilespmem:s11+$0x50]  }
0xcd: {  	v9 =	vld [tilespmem:s17+$0xFFFFFFC0];
	v11 =	vmax.f32 v3, $0.0e+00  }
0xce: {  	v5 =	vmax.f32 v5, $0.0e+00;
	v3 =	vld [tilespmem:s11+$0xFFFFFF60];
	[tilespmem:s11+$0x30] =	vst v11  }
0xcf: {  	[tilespmem:s11+$0xFFFFFF30] =	vst v5;
	v5 =	vld [tilespmem:s17+$0x40];
	v11 =	vadd.f32 v12, v4  }
0xd0: {  	v12 =	vld [tilespmem:s17+$0xFFFFFF40]  }
0xd1: {  	v4 =	vld [tilespmem:s11+$0xFFFFFFE0];
	v11 =	vmax.f32 v11, $0.0e+00  }
0xd2: {  	v6 =	vadd.f32 v9, v6;
	[tilespmem:s11+$0xC0] =	vst v11;
	v9 =	vld [tilespmem:s11+$0xD0]  }
0xd3: {  	v11 =	vld [tilespmem:s17+$0xD0]  }
0xd4: {  	v6 =	vmax.f32 v6, $0.0e+00;
	v10 =	vadd.f32 v5, v10;
	v5 =	vld [tilespmem:s11+$0x60]  }
0xd5: {  	v12 =	vadd.f32 v12, v13;
	[tilespmem:s11+$0xFFFFFFC0] =	vst v6;
	v6 =	vld [tilespmem:s14+$0xFFFFFF70]  }
0xd6: {  	v13 =	vld [tilespmem:s17+$0xFFFFFFD0];
	v10 =	vmax.f32 v10, $0.0e+00  }
0xd7: {  	v12 =	vmax.f32 v12, $0.0e+00;
	[tilespmem:s11+$0x40] =	vst v10;
	v10 =	vld [tilespmem:s14+$0xFFFFFFF0]  }
0xd8: {  	[tilespmem:s11+$0xFFFFFF40] =	vst v12;
	v12 =	vld [tilespmem:s17+$0x50];
	v9 =	vadd.f32 v11, v9  }
0xd9: {  	v11 =	vld [tilespmem:s17+$0xFFFFFF50]  }
0xda: {  	v9 =	vmax.f32 v9, $0.0e+00;
	v2 =	vadd.f32 v6, v2;
	v6 =	vld [tilespmem:s14+$0x70];
	s14 =	smov.u32 s17  }
0xdb: {  	v13 =	vadd.f32 v13, v14;
	[tilespmem:s11+$0xD0] =	vst v9;
	v9 =	vld [tilespmem:s11+$0xE0]  }
0xdc: {  	v14 =	vld [tilespmem:s17+$0xE0];
	v15 =	vmax.f32 v2, $0.0e+00;
	v10 =	vadd.f32 v10, v1  }
0xdd: {  	v2 =	vld [tilespmem:s11+$0xFFFFFF70];
	v1 =	vmax.f32 v13, $0.0e+00;
	v12 =	vadd.f32 v12, v7;
	[tilespmem:s3+$0xFFFFFF70] =	vst v15  }
0xde: {  	v8 =	vadd.f32 v11, v8;
	[tilespmem:s11+$0xFFFFFFD0] =	vst v1;
	v1 =	vld [tilespmem:s11+$0xFFFFFFF0];
	v10 =	vmax.f32 v10, $0.0e+00  }
.Ltmp2:
0xdf: {  	v7 =	vld [tilespmem:s17+$0xFFFFFFE0];
	v11 =	vmax.f32 v12, $0.0e+00;
	[tilespmem:s3+$0xFFFFFFF0] =	vst v10;
	v6 =	vadd.f32 v6, v0;
	(pc) =	sbr.rel @p2 .LBB2_2-.Ltmp2, $4  }
0xe0: {  	v8 =	vmax.f32 v8, $0.0e+00;
	[tilespmem:s11+$0x50] =	vst v11;
	v0 =	vld [tilespmem:s11+$0x70]  }
0xe1: {  	[tilespmem:s11+$0xFFFFFF50] =	vst v8;
	v8 =	vld [tilespmem:s17+$0x60];
	v10 =	vadd.f32 v14, v9;
	v6 =	vmax.f32 v6, $0.0e+00  }
0xe2: {  	v9 =	vld [tilespmem:s17+$0xFFFFFF60];
	[tilespmem:s3+$0x70] =	vst v6;
	s3 =	smov.u32 s11  }
0xe3: {  	s11 =	sadd.s32 $0x200, s11;
	v10 =	vmax.f32 v10, $0.0e+00;
	v6 =	vld [tilespmem:s3+$0xF0]  }
0xe4: {  	_ =	sdelay $0x2  }
0xe5: {  	v3 =	vadd.f32 v9, v3  }
0xe6: {  	v4 =	vadd.f32 v7, v4  }
0xe7: {  	[tilespmem:s3+$0xE0] =	vst v10;
	v5 =	vadd.f32 v8, v5;
	v3 =	vmax.f32 v3, $0.0e+00  }
0xe8: {  	v7 =	vld [tilespmem:s14+$0xF0];
	v4 =	vmax.f32 v4, $0.0e+00;
	[tilespmem:s3+$0xFFFFFF60] =	vst v3  }
0xe9: {  	[tilespmem:s3+$0xFFFFFFE0] =	vst v4;
	v3 =	vmax.f32 v5, $0.0e+00;
	v4 =	vld [tilespmem:s14+$0xFFFFFF70]  }
0xea: {  	[tilespmem:s3+$0x60] =	vst v3;
	v3 =	vld [tilespmem:s14+$0xFFFFFFF0]  }
0xeb: {  	v5 =	vld [tilespmem:s14+$0x70];
	_ =	sdelay $0x1  }
0xec: {  	v6 =	vadd.f32 v7, v6  }
0xed: {  	v2 =	vadd.f32 v4, v2  }
0xee: {  	v4 =	vmax.f32 v6, $0.0e+00;
	v1 =	vadd.f32 v3, v1  }
0xef: {  	[tilespmem:s3+$0xF0] =	vst v4;
	v0 =	vadd.f32 v5, v0;
	v2 =	vmax.f32 v2, $0.0e+00  }
0xf0: {  	v1 =	vmax.f32 v1, $0.0e+00;
	[tilespmem:s3+$0xFFFFFF70] =	vst v2  }
0xf1: {  	[tilespmem:s3+$0xFFFFFFF0] =	vst v1;
	v0 =	vmax.f32 v0, $0.0e+00  }
0xf2: {  	[tilespmem:s3+$0x70] =	vst v0  }
0xf3: {  	_ =	swait.ge [sflag:s23], $0x40  }
0xf4: {  	[sflag:s23] =	ssyncset.done $0x0  }
0xf5: {  	s2 =	simm.s32 $0x13A00;
	s16 =	simm.s32 $0x13B80;
	[sflag:s23] =	ssyncadd.s32 $0xFFFFFFC0  }
0xf6: {  	[spmem:s1] =	stream.indirect.scatter.add.f32 [tilespmem:s16], [sflag:$0x7], $0x80, s2, s10, $0xb8;
	[tilespmem:$0x1FB80] =	vst v63  }
0xf7: {  	s29 =	simm.s32 $0x13B00;
	s17 =	rddreg [dreg:$0x11]  }
0xf8: {  	[tilespmem:s29], [sflag:$0xF] =	stream.linear.gather [hbm4b:s17+s4], $0x40, $0x38;
	[tilespmem:$0x1FB80] =	vst v63  }
0xf9: {  	s11 =	simm.s32 $0x13880;
	s3 =	rddreg [dreg:$0x12]  }
0xfa: {  	[tilespmem:s11], [sflag:$0xA] =	stream.linear.gather [hbm4b:s3+s4], $0x40, $0x38;
	[tilespmem:$0x1FB80] =	vst v63  }
0xfb: {  	_ =	swait.ge [sflag:s28], $0x40  }
0xfc: {  	[sflag:s28] =	ssyncset.done $0x0  }
0xfd: {  	[sflag:s28] =	ssyncadd.s32 $0xFFFFFFC0  }
0xfe: {  	s16 =	simm.s32 $0x13980;
	s11 =	simm.s32 $0x17B80;
	s14 =	rddreg [dreg:$0x0]  }
0xff: {  	[tilespmem:s11], [sflag:$0x3] =	stream.indirect.gather [hbm4b:s14+s10], $0x80, s16, s10, $0xb8;
	[tilespmem:$0x1FB80] =	vst v63  }
0x100: {  	s29 =	simm.s32 $0x1DB80;
	s17 =	rddreg [dreg:$0x13]  }
0x101: {  	[tilespmem:s29], [sflag:$0x6] =	stream.linear.gather [hbm4b:s17+s4], $0x2000, $0x38;
	[tilespmem:$0x1FB80] =	vst v63  }
0x102: {  	_ =	swait.ge [sflag:s31], $0x2000  }
0x103: {  	[sflag:s31] =	ssyncset.done $0x0  }
0x104: {  	[sflag:s31] =	ssyncadd.s32 $0xFFFFE000  }
0x105: {  	_ =	swait.ge [sflag:s0], $0x2000  }
0x106: {  	[sflag:s0] =	ssyncset.done $0x0  }
0x107: {  	s3 =	simm.s32 $0x15C80;
	[sflag:s0] =	ssyncadd.s32 $0xFFFFE000  }
0x108: {  	s14 =	simm.s32 $0x1BC80;
	v0 =	vld [tilespmem:s3+$0x80]  }
0x109: {  	v1 =	vld [tilespmem:s14+$0x80]  }
0x10a: {  	v2 =	vld [tilespmem:s14+$0xFFFFFF00]  }
0x10b: {  	v3 =	vld [tilespmem:s3+$0xFFFFFF80]  }
0x10c: {  	v4 =	vld [tilespmem:s14+$0xFFFFFF80]  }
0x10d: {  	v5 =	vld [tilespmem:s14+$0x0]  }
0x10e: {  	v0 =	vadd.f32 v1, v0;
	v1 =	vld [tilespmem:s3+$0x0]  }
0x10f: {  	v6 =	vld [tilespmem:s3+$0xFFFFFF00]  }
0x110: {  	v0 =	vmax.f32 v0, $0.0e+00  }
0x111: {  	v3 =	vadd.f32 v4, v3;
	[tilespmem:s3+$0x80] =	vst v0;
	v0 =	vld [tilespmem:s3+$0x90]  }
0x112: {  	v7 =	vld [tilespmem:s14+$0x90]  }
0x113: {  	v8 =	vld [tilespmem:s3+$0xFFFFFF90];
	v3 =	vmax.f32 v3, $0.0e+00;
	v1 =	vadd.f32 v5, v1  }
0x114: {  	v4 =	vld [tilespmem:s3+$0xFFFFFF10];
	v2 =	vadd.f32 v2, v6;
	[tilespmem:s3+$0xFFFFFF80] =	vst v3  }
0x115: {  	v5 =	vld [tilespmem:s14+$0xFFFFFF90];
	v1 =	vmax.f32 v1, $0.0e+00  }
0x116: {  	v2 =	vmax.f32 v2, $0.0e+00;
	v3 =	vld [tilespmem:s3+$0x10];
	[tilespmem:s3+$0x0] =	vst v1  }
0x117: {  	[tilespmem:s3+$0xFFFFFF00] =	vst v2;
	v0 =	vadd.f32 v7, v0;
	v1 =	vld [tilespmem:s14+$0x10]  }
0x118: {  	v2 =	vld [tilespmem:s14+$0xFFFFFF10]  }
0x119: {  	v0 =	vmax.f32 v0, $0.0e+00  }
0x11a: {  	v5 =	vadd.f32 v5, v8;
	[tilespmem:s3+$0x90] =	vst v0;
	v0 =	vld [tilespmem:s3+$0xA0]  }
0x11b: {  	v7 =	vld [tilespmem:s14+$0xA0]  }
0x11c: {  	v6 =	vld [tilespmem:s3+$0xFFFFFF20];
	v5 =	vmax.f32 v5, $0.0e+00;
	v1 =	vadd.f32 v1, v3  }
0x11d: {  	v2 =	vadd.f32 v2, v4;
	v8 =	vld [tilespmem:s3+$0xFFFFFFA0];
	[tilespmem:s3+$0xFFFFFF90] =	vst v5  }
0x11e: {  	v4 =	vld [tilespmem:s14+$0xFFFFFFA0];
	v1 =	vmax.f32 v1, $0.0e+00  }
0x11f: {  	v2 =	vmax.f32 v2, $0.0e+00;
	v3 =	vld [tilespmem:s3+$0x20];
	[tilespmem:s3+$0x10] =	vst v1  }
0x120: {  	[tilespmem:s3+$0xFFFFFF10] =	vst v2;
	v0 =	vadd.f32 v7, v0;
	v1 =	vld [tilespmem:s14+$0x20]  }
0x121: {  	v2 =	vld [tilespmem:s14+$0xFFFFFF20]  }
0x122: {  	v0 =	vmax.f32 v0, $0.0e+00  }
0x123: {  	v4 =	vadd.f32 v4, v8;
	[tilespmem:s3+$0xA0] =	vst v0;
	v0 =	vld [tilespmem:s3+$0xB0]  }
0x124: {  	v7 =	vld [tilespmem:s14+$0xB0]  }
0x125: {  	v9 =	vld [tilespmem:s3+$0x30];
	v4 =	vmax.f32 v4, $0.0e+00;
	v1 =	vadd.f32 v1, v3  }
0x126: {  	v2 =	vadd.f32 v2, v6;
	v8 =	vld [tilespmem:s3+$0xFFFFFFB0];
	[tilespmem:s3+$0xFFFFFFA0] =	vst v4  }
0x127: {  	v3 =	vld [tilespmem:s14+$0xFFFFFFB0];
	v1 =	vmax.f32 v1, $0.0e+00  }
0x128: {  	v5 =	vld [tilespmem:s3+$0xFFFFFF30];
	[tilespmem:s3+$0x20] =	vst v1;
	v1 =	vmax.f32 v2, $0.0e+00  }
0x129: {  	v0 =	vadd.f32 v7, v0;
	[tilespmem:s3+$0xFFFFFF20] =	vst v1;
	v1 =	vld [tilespmem:s14+$0x30]  }
0x12a: {  	v6 =	vld [tilespmem:s14+$0xFFFFFF30]  }
0x12b: {  	v10 =	vld [tilespmem:s3+$0xFFFFFF40];
	v0 =	vmax.f32 v0, $0.0e+00  }
0x12c: {  	v3 =	vadd.f32 v3, v8;
	[tilespmem:s3+$0xB0] =	vst v0;
	v0 =	vld [tilespmem:s3+$0xC0]  }
0x12d: {  	v7 =	vld [tilespmem:s14+$0xC0]  }
0x12e: {  	v11 =	vld [tilespmem:s3+$0xFFFFFFD0];
	v3 =	vmax.f32 v3, $0.0e+00;
	v1 =	vadd.f32 v1, v9  }
0x12f: {  	v4 =	vld [tilespmem:s3+$0xFFFFFFC0];
	[tilespmem:s3+$0xFFFFFFB0] =	vst v3;
	v5 =	vadd.f32 v6, v5  }
0x130: {  	v6 =	vld [tilespmem:s14+$0xFFFFFFC0];
	v1 =	vmax.f32 v1, $0.0e+00  }
0x131: {  	v2 =	vld [tilespmem:s3+$0x40];
	[tilespmem:s3+$0x30] =	vst v1;
	v1 =	vmax.f32 v5, $0.0e+00  }
0x132: {  	v0 =	vadd.f32 v7, v0;
	v5 =	vld [tilespmem:s14+$0x40];
	[tilespmem:s3+$0xFFFFFF30] =	vst v1  }
0x133: {  	v1 =	vld [tilespmem:s14+$0xFFFFFF40]  }
0x134: {  	v8 =	vld [tilespmem:s3+$0xFFFFFF50];
	v0 =	vmax.f32 v0, $0.0e+00  }
0x135: {  	[tilespmem:s3+$0xC0] =	vst v0;
	v0 =	vadd.f32 v6, v4;
	v6 =	vld [tilespmem:s3+$0xD0]  }
0x136: {  	v7 =	vld [tilespmem:s14+$0xD0]  }
0x137: {  	v3 =	vld [tilespmem:s3+$0xFFFFFF60];
	v0 =	vmax.f32 v0, $0.0e+00;
	v2 =	vadd.f32 v5, v2  }
0x138: {  	v9 =	vld [tilespmem:s3+$0x50];
	[tilespmem:s3+$0xFFFFFFC0] =	vst v0;
	v0 =	vadd.f32 v1, v10  }
0x139: {  	v1 =	vld [tilespmem:s14+$0xFFFFFFD0];
	v2 =	vmax.f32 v2, $0.0e+00  }
0x13a: {  	v4 =	vld [tilespmem:s3+$0xFFFFFFE0];
	[tilespmem:s3+$0x40] =	vst v2;
	v0 =	vmax.f32 v0, $0.0e+00  }
0x13b: {  	v2 =	vld [tilespmem:s14+$0x50];
	v6 =	vadd.f32 v7, v6;
	[tilespmem:s3+$0xFFFFFF40] =	vst v0  }
0x13c: {  	v0 =	vld [tilespmem:s14+$0xFFFFFF50]  }
0x13d: {  	v5 =	vld [tilespmem:s3+$0x60];
	v6 =	vmax.f32 v6, $0.0e+00  }
0x13e: {  	v1 =	vadd.f32 v1, v11;
	[tilespmem:s3+$0xD0] =	vst v6;
	v6 =	vld [tilespmem:s3+$0xE0]  }
0x13f: {  	v10 =	vld [tilespmem:s14+$0xE0]  }
0x140: {  	v1 =	vmax.f32 v1, $0.0e+00;
	v7 =	vadd.f32 v2, v9;
	v2 =	vld [tilespmem:s3+$0xFFFFFF70]  }
0x141: {  	[tilespmem:s3+$0xFFFFFFD0] =	vst v1;
	v0 =	vadd.f32 v0, v8;
	v1 =	vld [tilespmem:s3+$0xFFFFFFF0]  }
0x142: {  	v8 =	vmax.f32 v7, $0.0e+00;
	v7 =	vld [tilespmem:s14+$0xFFFFFFE0]  }
0x143: {  	[tilespmem:s3+$0x50] =	vst v8;
	v8 =	vmax.f32 v0, $0.0e+00;
	v0 =	vld [tilespmem:s3+$0x70]  }
0x144: {  	[tilespmem:s3+$0xFFFFFF50] =	vst v8;
	v8 =	vld [tilespmem:s14+$0x60];
	v6 =	vadd.f32 v10, v6  }
0x145: {  	v9 =	vld [tilespmem:s14+$0xFFFFFF60]  }
0x146: {  	s16 =	simm.s32 $0x0;
	s11 =	simm.s32 $0x15E80;
	s17 =	simm.s32 $0x1BC80;
	v10 =	vmax.f32 v6, $0.0e+00;
	v6 =	vld [tilespmem:s3+$0xF0]  }
.LBB2_4:
0x147: {  	v11 =	vld [tilespmem:s11+$0x80];
	v4 =	vadd.f32 v7, v4;
	[tilespmem:s3+$0xE0] =	vst v10  }
0x148: {  	s17 =	sadd.s32 $0x200, s17;
	v7 =	vld [tilespmem:s14+$0xF0]  }
0x149: {  	s16 =	sadd.s32 $0x4, s16;
	v10 =	vld [tilespmem:s17+$0x80];
	v4 =	vmax.f32 v4, $0.0e+00;
	v5 =	vadd.f32 v8, v5  }
0x14a: {  	p2 =	slt.u32 s16, $0x3C;
	v8 =	vld [tilespmem:s17+$0xFFFFFF00];
	v3 =	vadd.f32 v9, v3;
	[tilespmem:s3+$0xFFFFFFE0] =	vst v4  }
0x14b: {  	v4 =	vld [tilespmem:s11+$0xFFFFFF80];
	v5 =	vmax.f32 v5, $0.0e+00  }
0x14c: {  	v9 =	vld [tilespmem:s17+$0xFFFFFF80];
	v3 =	vmax.f32 v3, $0.0e+00;
	[tilespmem:s3+$0x60] =	vst v5  }
0x14d: {  	v5 =	vld [tilespmem:s11+$0x0];
	[tilespmem:s3+$0xFFFFFF60] =	vst v3;
	v3 =	vadd.f32 v7, v6  }
0x14e: {  	v6 =	vld [tilespmem:s17+$0x0];
	v7 =	vadd.f32 v10, v11  }
0x14f: {  	v10 =	vld [tilespmem:s11+$0xFFFFFF00];
	v3 =	vmax.f32 v3, $0.0e+00  }
0x150: {  	v11 =	vld [tilespmem:s11+$0xFFFFFF10];
	v7 =	vmax.f32 v7, $0.0e+00;
	[tilespmem:s3+$0xF0] =	vst v3  }
0x151: {  	v3 =	vadd.f32 v9, v4;
	[tilespmem:s11+$0x80] =	vst v7;
	v4 =	vld [tilespmem:s11+$0x90]  }
0x152: {  	v7 =	vld [tilespmem:s17+$0x90]  }
0x153: {  	v3 =	vmax.f32 v3, $0.0e+00;
	v9 =	vld [tilespmem:s11+$0xFFFFFF90];
	v5 =	vadd.f32 v6, v5  }
0x154: {  	v6 =	vadd.f32 v8, v10;
	[tilespmem:s11+$0xFFFFFF80] =	vst v3;
	v3 =	vld [tilespmem:s11+$0x10]  }
0x155: {  	v8 =	vld [tilespmem:s17+$0xFFFFFF90];
	v5 =	vmax.f32 v5, $0.0e+00  }
0x156: {  	v6 =	vmax.f32 v6, $0.0e+00;
	v10 =	vld [tilespmem:s11+$0xFFFFFF20];
	[tilespmem:s11+$0x0] =	vst v5  }
0x157: {  	[tilespmem:s11+$0xFFFFFF00] =	vst v6;
	v5 =	vld [tilespmem:s17+$0x10];
	v4 =	vadd.f32 v7, v4  }
0x158: {  	v6 =	vld [tilespmem:s17+$0xFFFFFF10]  }
0x159: {  	v7 =	vld [tilespmem:s11+$0xFFFFFFA0];
	v4 =	vmax.f32 v4, $0.0e+00  }
0x15a: {  	v8 =	vadd.f32 v8, v9;
	[tilespmem:s11+$0x90] =	vst v4;
	v4 =	vld [tilespmem:s11+$0xA0]  }
0x15b: {  	v9 =	vld [tilespmem:s17+$0xA0]  }
0x15c: {  	v8 =	vmax.f32 v8, $0.0e+00;
	v3 =	vadd.f32 v5, v3;
	v5 =	vld [tilespmem:s11+$0x20]  }
0x15d: {  	v6 =	vadd.f32 v6, v11;
	v11 =	vld [tilespmem:s11+$0xFFFFFF30];
	[tilespmem:s11+$0xFFFFFF90] =	vst v8  }
0x15e: {  	v8 =	vld [tilespmem:s17+$0xFFFFFFA0];
	v3 =	vmax.f32 v3, $0.0e+00  }
0x15f: {  	v6 =	vmax.f32 v6, $0.0e+00;
	v12 =	vld [tilespmem:s11+$0xFFFFFFB0];
	[tilespmem:s11+$0x10] =	vst v3  }
0x160: {  	[tilespmem:s11+$0xFFFFFF10] =	vst v6;
	v3 =	vld [tilespmem:s17+$0x20];
	v4 =	vadd.f32 v9, v4  }
0x161: {  	v6 =	vld [tilespmem:s17+$0xFFFFFF20]  }
0x162: {  	v9 =	vld [tilespmem:s11+$0x30];
	v4 =	vmax.f32 v4, $0.0e+00  }
0x163: {  	v7 =	vadd.f32 v8, v7;
	[tilespmem:s11+$0xA0] =	vst v4;
	v4 =	vld [tilespmem:s11+$0xB0]  }
0x164: {  	v8 =	vld [tilespmem:s17+$0xB0]  }
0x165: {  	v13 =	vld [tilespmem:s11+$0xFFFFFF40];
	v7 =	vmax.f32 v7, $0.0e+00;
	v3 =	vadd.f32 v3, v5  }
0x166: {  	v5 =	vadd.f32 v6, v10;
	[tilespmem:s11+$0xFFFFFFA0] =	vst v7;
	v6 =	vld [tilespmem:s11+$0xFFFFFFC0]  }
0x167: {  	v7 =	vld [tilespmem:s17+$0xFFFFFFB0];
	v3 =	vmax.f32 v3, $0.0e+00  }
0x168: {  	v5 =	vmax.f32 v5, $0.0e+00;
	[tilespmem:s11+$0x20] =	vst v3;
	v10 =	vld [tilespmem:s11+$0x40]  }
0x169: {  	[tilespmem:s11+$0xFFFFFF20] =	vst v5;
	v3 =	vld [tilespmem:s17+$0x30];
	v4 =	vadd.f32 v8, v4  }
0x16a: {  	v5 =	vld [tilespmem:s17+$0xFFFFFF30]  }
0x16b: {  	v8 =	vld [tilespmem:s11+$0xFFFFFF50];
	v4 =	vmax.f32 v4, $0.0e+00  }
0x16c: {  	v7 =	vadd.f32 v7, v12;
	[tilespmem:s11+$0xB0] =	vst v4;
	v4 =	vld [tilespmem:s11+$0xC0]  }
0x16d: {  	v12 =	vld [tilespmem:s17+$0xC0]  }
0x16e: {  	v7 =	vmax.f32 v7, $0.0e+00;
	v14 =	vld [tilespmem:s11+$0xFFFFFFD0];
	v3 =	vadd.f32 v3, v9  }
0x16f: {  	v5 =	vadd.f32 v5, v11;
	[tilespmem:s11+$0xFFFFFFB0] =	vst v7;
	v7 =	vld [tilespmem:s11+$0x50]  }
0x170: {  	v9 =	vld [tilespmem:s17+$0xFFFFFFC0];
	v11 =	vmax.f32 v3, $0.0e+00  }
0x171: {  	v5 =	vmax.f32 v5, $0.0e+00;
	v3 =	vld [tilespmem:s11+$0xFFFFFF60];
	[tilespmem:s11+$0x30] =	vst v11  }
0x172: {  	[tilespmem:s11+$0xFFFFFF30] =	vst v5;
	v5 =	vld [tilespmem:s17+$0x40];
	v11 =	vadd.f32 v12, v4  }
0x173: {  	v12 =	vld [tilespmem:s17+$0xFFFFFF40]  }
0x174: {  	v4 =	vld [tilespmem:s11+$0xFFFFFFE0];
	v11 =	vmax.f32 v11, $0.0e+00  }
0x175: {  	v6 =	vadd.f32 v9, v6;
	[tilespmem:s11+$0xC0] =	vst v11;
	v9 =	vld [tilespmem:s11+$0xD0]  }
0x176: {  	v11 =	vld [tilespmem:s17+$0xD0]  }
0x177: {  	v6 =	vmax.f32 v6, $0.0e+00;
	v10 =	vadd.f32 v5, v10;
	v5 =	vld [tilespmem:s11+$0x60]  }
0x178: {  	v12 =	vadd.f32 v12, v13;
	[tilespmem:s11+$0xFFFFFFC0] =	vst v6;
	v6 =	vld [tilespmem:s14+$0xFFFFFF70]  }
0x179: {  	v13 =	vld [tilespmem:s17+$0xFFFFFFD0];
	v10 =	vmax.f32 v10, $0.0e+00  }
0x17a: {  	v12 =	vmax.f32 v12, $0.0e+00;
	[tilespmem:s11+$0x40] =	vst v10;
	v10 =	vld [tilespmem:s14+$0xFFFFFFF0]  }
0x17b: {  	[tilespmem:s11+$0xFFFFFF40] =	vst v12;
	v12 =	vld [tilespmem:s17+$0x50];
	v9 =	vadd.f32 v11, v9  }
0x17c: {  	v11 =	vld [tilespmem:s17+$0xFFFFFF50]  }
0x17d: {  	v9 =	vmax.f32 v9, $0.0e+00;
	v2 =	vadd.f32 v6, v2;
	v6 =	vld [tilespmem:s14+$0x70];
	s14 =	smov.u32 s17  }
0x17e: {  	v13 =	vadd.f32 v13, v14;
	[tilespmem:s11+$0xD0] =	vst v9;
	v9 =	vld [tilespmem:s11+$0xE0]  }
0x17f: {  	v14 =	vld [tilespmem:s17+$0xE0];
	v15 =	vmax.f32 v2, $0.0e+00;
	v10 =	vadd.f32 v10, v1  }
0x180: {  	v2 =	vld [tilespmem:s11+$0xFFFFFF70];
	v1 =	vmax.f32 v13, $0.0e+00;
	v12 =	vadd.f32 v12, v7;
	[tilespmem:s3+$0xFFFFFF70] =	vst v15  }
0x181: {  	v8 =	vadd.f32 v11, v8;
	[tilespmem:s11+$0xFFFFFFD0] =	vst v1;
	v1 =	vld [tilespmem:s11+$0xFFFFFFF0];
	v10 =	vmax.f32 v10, $0.0e+00  }
.Ltmp3:
0x182: {  	v7 =	vld [tilespmem:s17+$0xFFFFFFE0];
	v11 =	vmax.f32 v12, $0.0e+00;
	[tilespmem:s3+$0xFFFFFFF0] =	vst v10;
	v6 =	vadd.f32 v6, v0;
	(pc) =	sbr.rel @p2 .LBB2_4-.Ltmp3, $4  }
0x183: {  	v8 =	vmax.f32 v8, $0.0e+00;
	[tilespmem:s11+$0x50] =	vst v11;
	v0 =	vld [tilespmem:s11+$0x70]  }
0x184: {  	[tilespmem:s11+$0xFFFFFF50] =	vst v8;
	v8 =	vld [tilespmem:s17+$0x60];
	v10 =	vadd.f32 v14, v9;
	v6 =	vmax.f32 v6, $0.0e+00  }
0x185: {  	v9 =	vld [tilespmem:s17+$0xFFFFFF60];
	[tilespmem:s3+$0x70] =	vst v6;
	s3 =	smov.u32 s11  }
0x186: {  	s11 =	sadd.s32 $0x200, s11;
	v10 =	vmax.f32 v10, $0.0e+00;
	v6 =	vld [tilespmem:s3+$0xF0]  }
0x187: {  	_ =	sdelay $0x2  }
0x188: {  	v3 =	vadd.f32 v9, v3  }
0x189: {  	v4 =	vadd.f32 v7, v4  }
0x18a: {  	[tilespmem:s3+$0xE0] =	vst v10;
	v5 =	vadd.f32 v8, v5;
	v3 =	vmax.f32 v3, $0.0e+00  }
0x18b: {  	v7 =	vld [tilespmem:s14+$0xF0];
	v4 =	vmax.f32 v4, $0.0e+00;
	[tilespmem:s3+$0xFFFFFF60] =	vst v3  }
0x18c: {  	[tilespmem:s3+$0xFFFFFFE0] =	vst v4;
	v3 =	vmax.f32 v5, $0.0e+00;
	v4 =	vld [tilespmem:s14+$0xFFFFFF70]  }
0x18d: {  	[tilespmem:s3+$0x60] =	vst v3;
	v3 =	vld [tilespmem:s14+$0xFFFFFFF0]  }
0x18e: {  	v5 =	vld [tilespmem:s14+$0x70];
	_ =	sdelay $0x1  }
0x18f: {  	v6 =	vadd.f32 v7, v6  }
0x190: {  	v2 =	vadd.f32 v4, v2  }
0x191: {  	v4 =	vmax.f32 v6, $0.0e+00;
	v1 =	vadd.f32 v3, v1  }
0x192: {  	[tilespmem:s3+$0xF0] =	vst v4;
	v0 =	vadd.f32 v5, v0;
	v2 =	vmax.f32 v2, $0.0e+00  }
0x193: {  	v1 =	vmax.f32 v1, $0.0e+00;
	[tilespmem:s3+$0xFFFFFF70] =	vst v2  }
0x194: {  	[tilespmem:s3+$0xFFFFFFF0] =	vst v1;
	v0 =	vmax.f32 v0, $0.0e+00  }
0x195: {  	[tilespmem:s3+$0x70] =	vst v0  }
0x196: {  	_ =	swait.ge [sflag:s9], $0x40  }
0x197: {  	[sflag:s9] =	ssyncset.done $0x0  }
0x198: {  	s2 =	simm.s32 $0x15B80;
	[sflag:s9] =	ssyncadd.s32 $0xFFFFFFC0  }
0x199: {  	[spmem:s1] =	stream.indirect.scatter.add.f32 [tilespmem:s2], [sflag:$0x8], $0x80, s24, s10, $0xb8;
	[tilespmem:$0x1FB80] =	vst v63  }
0x19a: {  	_ =	swait.ge [sflag:s20], $0x2000  }
0x19b: {  	[sflag:s20] =	ssyncset.done $0x0  }
0x19c: {  	s29 =	simm.s32 $0x13A00;
	s17 =	rddreg [dreg:$0x16];
	[sflag:s20] =	ssyncadd.s32 $0xFFFFE000  }
0x19d: {  	[tilespmem:s29], [sflag:$0xD] =	stream.linear.gather [hbm4b:s17+s4], $0x40, $0x38;
	[tilespmem:$0x1FB80] =	vst v63  }
0x19e: {  	s11 =	rddreg [dreg:$0x17]  }
0x19f: {  	[tilespmem:s18], [sflag:$0xB] =	stream.linear.gather [hbm4b:s11+s4], $0x40, $0x38;
	[tilespmem:$0x1FB80] =	vst v63  }
0x1a0: {  	_ =	swait.ge [sflag:s26], $0x40  }
0x1a1: {  	[sflag:s26] =	ssyncset.done $0x0  }
0x1a2: {  	[sflag:s26] =	ssyncadd.s32 $0xFFFFFFC0  }
0x1a3: {  	s16 =	simm.s32 $0x13880;
	s11 =	simm.s32 $0x13B80;
	s14 =	rddreg [dreg:$0x0]  }
0x1a4: {  	[tilespmem:s11], [sflag:$0x1] =	stream.indirect.gather [hbm4b:s14+s10], $0x80, s16, s10, $0xb8;
	[tilespmem:$0x1FB80] =	vst v63  }
0x1a5: {  	s29 =	simm.s32 $0x19B80;
	s17 =	rddreg [dreg:$0x18]  }
0x1a6: {  	[tilespmem:s29], [sflag:$0x4] =	stream.linear.gather [hbm4b:s17+s4], $0x2000, $0x38;
	[tilespmem:$0x1FB80] =	vst v63  }
0x1a7: {  	_ =	swait.ge [sflag:s30], $0x2000  }
0x1a8: {  	[sflag:s30] =	ssyncset.done $0x0  }
0x1a9: {  	[sflag:s30] =	ssyncadd.s32 $0xFFFFE000  }
0x1aa: {  	_ =	swait.ge [sflag:s12], $0x2000  }
0x1ab: {  	[sflag:s12] =	ssyncset.done $0x0  }
0x1ac: {  	s3 =	simm.s32 $0x17C80;
	[sflag:s12] =	ssyncadd.s32 $0xFFFFE000  }
0x1ad: {  	s14 =	simm.s32 $0x1DC80;
	v0 =	vld [tilespmem:s3+$0x80]  }
0x1ae: {  	v1 =	vld [tilespmem:s14+$0x80]  }
0x1af: {  	v2 =	vld [tilespmem:s14+$0xFFFFFF00]  }
0x1b0: {  	v3 =	vld [tilespmem:s3+$0xFFFFFF80]  }
0x1b1: {  	v4 =	vld [tilespmem:s14+$0xFFFFFF80]  }
0x1b2: {  	v5 =	vld [tilespmem:s14+$0x0]  }
0x1b3: {  	v0 =	vadd.f32 v1, v0;
	v1 =	vld [tilespmem:s3+$0x0]  }
0x1b4: {  	v6 =	vld [tilespmem:s3+$0xFFFFFF00]  }
0x1b5: {  	v0 =	vmax.f32 v0, $0.0e+00  }
0x1b6: {  	v3 =	vadd.f32 v4, v3;
	[tilespmem:s3+$0x80] =	vst v0;
	v0 =	vld [tilespmem:s3+$0x90]  }
0x1b7: {  	v7 =	vld [tilespmem:s14+$0x90]  }
0x1b8: {  	v8 =	vld [tilespmem:s3+$0xFFFFFF90];
	v3 =	vmax.f32 v3, $0.0e+00;
	v1 =	vadd.f32 v5, v1  }
0x1b9: {  	v4 =	vld [tilespmem:s3+$0xFFFFFF10];
	v2 =	vadd.f32 v2, v6;
	[tilespmem:s3+$0xFFFFFF80] =	vst v3  }
0x1ba: {  	v5 =	vld [tilespmem:s14+$0xFFFFFF90];
	v1 =	vmax.f32 v1, $0.0e+00  }
0x1bb: {  	v2 =	vmax.f32 v2, $0.0e+00;
	v3 =	vld [tilespmem:s3+$0x10];
	[tilespmem:s3+$0x0] =	vst v1  }
0x1bc: {  	[tilespmem:s3+$0xFFFFFF00] =	vst v2;
	v0 =	vadd.f32 v7, v0;
	v1 =	vld [tilespmem:s14+$0x10]  }
0x1bd: {  	v2 =	vld [tilespmem:s14+$0xFFFFFF10]  }
0x1be: {  	v0 =	vmax.f32 v0, $0.0e+00  }
0x1bf: {  	v5 =	vadd.f32 v5, v8;
	[tilespmem:s3+$0x90] =	vst v0;
	v0 =	vld [tilespmem:s3+$0xA0]  }
0x1c0: {  	v7 =	vld [tilespmem:s14+$0xA0]  }
0x1c1: {  	v6 =	vld [tilespmem:s3+$0xFFFFFF20];
	v5 =	vmax.f32 v5, $0.0e+00;
	v1 =	vadd.f32 v1, v3  }
0x1c2: {  	v2 =	vadd.f32 v2, v4;
	v8 =	vld [tilespmem:s3+$0xFFFFFFA0];
	[tilespmem:s3+$0xFFFFFF90] =	vst v5  }
0x1c3: {  	v4 =	vld [tilespmem:s14+$0xFFFFFFA0];
	v1 =	vmax.f32 v1, $0.0e+00  }
0x1c4: {  	v2 =	vmax.f32 v2, $0.0e+00;
	v3 =	vld [tilespmem:s3+$0x20];
	[tilespmem:s3+$0x10] =	vst v1  }
0x1c5: {  	[tilespmem:s3+$0xFFFFFF10] =	vst v2;
	v0 =	vadd.f32 v7, v0;
	v1 =	vld [tilespmem:s14+$0x20]  }
0x1c6: {  	v2 =	vld [tilespmem:s14+$0xFFFFFF20]  }
0x1c7: {  	v0 =	vmax.f32 v0, $0.0e+00  }
0x1c8: {  	v4 =	vadd.f32 v4, v8;
	[tilespmem:s3+$0xA0] =	vst v0;
	v0 =	vld [tilespmem:s3+$0xB0]  }
0x1c9: {  	v7 =	vld [tilespmem:s14+$0xB0]  }
0x1ca: {  	v9 =	vld [tilespmem:s3+$0x30];
	v4 =	vmax.f32 v4, $0.0e+00;
	v1 =	vadd.f32 v1, v3  }
0x1cb: {  	v2 =	vadd.f32 v2, v6;
	v8 =	vld [tilespmem:s3+$0xFFFFFFB0];
	[tilespmem:s3+$0xFFFFFFA0] =	vst v4  }
0x1cc: {  	v3 =	vld [tilespmem:s14+$0xFFFFFFB0];
	v1 =	vmax.f32 v1, $0.0e+00  }
0x1cd: {  	v5 =	vld [tilespmem:s3+$0xFFFFFF30];
	[tilespmem:s3+$0x20] =	vst v1;
	v1 =	vmax.f32 v2, $0.0e+00  }
0x1ce: {  	v0 =	vadd.f32 v7, v0;
	[tilespmem:s3+$0xFFFFFF20] =	vst v1;
	v1 =	vld [tilespmem:s14+$0x30]  }
0x1cf: {  	v6 =	vld [tilespmem:s14+$0xFFFFFF30]  }
0x1d0: {  	v10 =	vld [tilespmem:s3+$0xFFFFFF40];
	v0 =	vmax.f32 v0, $0.0e+00  }
0x1d1: {  	v3 =	vadd.f32 v3, v8;
	[tilespmem:s3+$0xB0] =	vst v0;
	v0 =	vld [tilespmem:s3+$0xC0]  }
0x1d2: {  	v7 =	vld [tilespmem:s14+$0xC0]  }
0x1d3: {  	v11 =	vld [tilespmem:s3+$0xFFFFFFD0];
	v3 =	vmax.f32 v3, $0.0e+00;
	v1 =	vadd.f32 v1, v9  }
0x1d4: {  	v4 =	vld [tilespmem:s3+$0xFFFFFFC0];
	[tilespmem:s3+$0xFFFFFFB0] =	vst v3;
	v5 =	vadd.f32 v6, v5  }
0x1d5: {  	v6 =	vld [tilespmem:s14+$0xFFFFFFC0];
	v1 =	vmax.f32 v1, $0.0e+00  }
0x1d6: {  	v2 =	vld [tilespmem:s3+$0x40];
	[tilespmem:s3+$0x30] =	vst v1;
	v1 =	vmax.f32 v5, $0.0e+00  }
0x1d7: {  	v0 =	vadd.f32 v7, v0;
	v5 =	vld [tilespmem:s14+$0x40];
	[tilespmem:s3+$0xFFFFFF30] =	vst v1  }
0x1d8: {  	v1 =	vld [tilespmem:s14+$0xFFFFFF40]  }
0x1d9: {  	v8 =	vld [tilespmem:s3+$0xFFFFFF50];
	v0 =	vmax.f32 v0, $0.0e+00  }
0x1da: {  	[tilespmem:s3+$0xC0] =	vst v0;
	v0 =	vadd.f32 v6, v4;
	v6 =	vld [tilespmem:s3+$0xD0]  }
0x1db: {  	v7 =	vld [tilespmem:s14+$0xD0]  }
0x1dc: {  	v3 =	vld [tilespmem:s3+$0xFFFFFF60];
	v0 =	vmax.f32 v0, $0.0e+00;
	v2 =	vadd.f32 v5, v2  }
0x1dd: {  	v9 =	vld [tilespmem:s3+$0x50];
	[tilespmem:s3+$0xFFFFFFC0] =	vst v0;
	v0 =	vadd.f32 v1, v10  }
0x1de: {  	v1 =	vld [tilespmem:s14+$0xFFFFFFD0];
	v2 =	vmax.f32 v2, $0.0e+00  }
0x1df: {  	v4 =	vld [tilespmem:s3+$0xFFFFFFE0];
	[tilespmem:s3+$0x40] =	vst v2;
	v0 =	vmax.f32 v0, $0.0e+00  }
0x1e0: {  	v2 =	vld [tilespmem:s14+$0x50];
	v6 =	vadd.f32 v7, v6;
	[tilespmem:s3+$0xFFFFFF40] =	vst v0  }
0x1e1: {  	v0 =	vld [tilespmem:s14+$0xFFFFFF50]  }
0x1e2: {  	v5 =	vld [tilespmem:s3+$0x60];
	v6 =	vmax.f32 v6, $0.0e+00  }
0x1e3: {  	v1 =	vadd.f32 v1, v11;
	[tilespmem:s3+$0xD0] =	vst v6;
	v6 =	vld [tilespmem:s3+$0xE0]  }
0x1e4: {  	v10 =	vld [tilespmem:s14+$0xE0]  }
0x1e5: {  	v1 =	vmax.f32 v1, $0.0e+00;
	v7 =	vadd.f32 v2, v9;
	v2 =	vld [tilespmem:s3+$0xFFFFFF70]  }
0x1e6: {  	[tilespmem:s3+$0xFFFFFFD0] =	vst v1;
	v0 =	vadd.f32 v0, v8;
	v1 =	vld [tilespmem:s3+$0xFFFFFFF0]  }
0x1e7: {  	v8 =	vmax.f32 v7, $0.0e+00;
	v7 =	vld [tilespmem:s14+$0xFFFFFFE0]  }
0x1e8: {  	[tilespmem:s3+$0x50] =	vst v8;
	v8 =	vmax.f32 v0, $0.0e+00;
	v0 =	vld [tilespmem:s3+$0x70]  }
0x1e9: {  	[tilespmem:s3+$0xFFFFFF50] =	vst v8;
	v8 =	vld [tilespmem:s14+$0x60];
	v6 =	vadd.f32 v10, v6  }
0x1ea: {  	v9 =	vld [tilespmem:s14+$0xFFFFFF60]  }
0x1eb: {  	s16 =	simm.s32 $0x0;
	s11 =	simm.s32 $0x17E80;
	s17 =	simm.s32 $0x1DC80;
	v10 =	vmax.f32 v6, $0.0e+00;
	v6 =	vld [tilespmem:s3+$0xF0]  }
.LBB2_6:
0x1ec: {  	v11 =	vld [tilespmem:s11+$0x80];
	v4 =	vadd.f32 v7, v4;
	[tilespmem:s3+$0xE0] =	vst v10  }
0x1ed: {  	s17 =	sadd.s32 $0x200, s17;
	v7 =	vld [tilespmem:s14+$0xF0]  }
0x1ee: {  	s16 =	sadd.s32 $0x4, s16;
	v10 =	vld [tilespmem:s17+$0x80];
	v4 =	vmax.f32 v4, $0.0e+00;
	v5 =	vadd.f32 v8, v5  }
0x1ef: {  	p2 =	slt.u32 s16, $0x3C;
	v8 =	vld [tilespmem:s17+$0xFFFFFF00];
	v3 =	vadd.f32 v9, v3;
	[tilespmem:s3+$0xFFFFFFE0] =	vst v4  }
0x1f0: {  	v4 =	vld [tilespmem:s11+$0xFFFFFF80];
	v5 =	vmax.f32 v5, $0.0e+00  }
0x1f1: {  	v9 =	vld [tilespmem:s17+$0xFFFFFF80];
	v3 =	vmax.f32 v3, $0.0e+00;
	[tilespmem:s3+$0x60] =	vst v5  }
0x1f2: {  	v5 =	vld [tilespmem:s11+$0x0];
	[tilespmem:s3+$0xFFFFFF60] =	vst v3;
	v3 =	vadd.f32 v7, v6  }
0x1f3: {  	v6 =	vld [tilespmem:s17+$0x0];
	v7 =	vadd.f32 v10, v11  }
0x1f4: {  	v10 =	vld [tilespmem:s11+$0xFFFFFF00];
	v3 =	vmax.f32 v3, $0.0e+00  }
0x1f5: {  	v11 =	vld [tilespmem:s11+$0xFFFFFF10];
	v7 =	vmax.f32 v7, $0.0e+00;
	[tilespmem:s3+$0xF0] =	vst v3  }
0x1f6: {  	v3 =	vadd.f32 v9, v4;
	[tilespmem:s11+$0x80] =	vst v7;
	v4 =	vld [tilespmem:s11+$0x90]  }
0x1f7: {  	v7 =	vld [tilespmem:s17+$0x90]  }
0x1f8: {  	v3 =	vmax.f32 v3, $0.0e+00;
	v9 =	vld [tilespmem:s11+$0xFFFFFF90];
	v5 =	vadd.f32 v6, v5  }
0x1f9: {  	v6 =	vadd.f32 v8, v10;
	[tilespmem:s11+$0xFFFFFF80] =	vst v3;
	v3 =	vld [tilespmem:s11+$0x10]  }
0x1fa: {  	v8 =	vld [tilespmem:s17+$0xFFFFFF90];
	v5 =	vmax.f32 v5, $0.0e+00  }
0x1fb: {  	v6 =	vmax.f32 v6, $0.0e+00;
	v10 =	vld [tilespmem:s11+$0xFFFFFF20];
	[tilespmem:s11+$0x0] =	vst v5  }
0x1fc: {  	[tilespmem:s11+$0xFFFFFF00] =	vst v6;
	v5 =	vld [tilespmem:s17+$0x10];
	v4 =	vadd.f32 v7, v4  }
0x1fd: {  	v6 =	vld [tilespmem:s17+$0xFFFFFF10]  }
0x1fe: {  	v7 =	vld [tilespmem:s11+$0xFFFFFFA0];
	v4 =	vmax.f32 v4, $0.0e+00  }
0x1ff: {  	v8 =	vadd.f32 v8, v9;
	[tilespmem:s11+$0x90] =	vst v4;
	v4 =	vld [tilespmem:s11+$0xA0]  }
0x200: {  	v9 =	vld [tilespmem:s17+$0xA0]  }
0x201: {  	v8 =	vmax.f32 v8, $0.0e+00;
	v3 =	vadd.f32 v5, v3;
	v5 =	vld [tilespmem:s11+$0x20]  }
0x202: {  	v6 =	vadd.f32 v6, v11;
	v11 =	vld [tilespmem:s11+$0xFFFFFF30];
	[tilespmem:s11+$0xFFFFFF90] =	vst v8  }
0x203: {  	v8 =	vld [tilespmem:s17+$0xFFFFFFA0];
	v3 =	vmax.f32 v3, $0.0e+00  }
0x204: {  	v6 =	vmax.f32 v6, $0.0e+00;
	v12 =	vld [tilespmem:s11+$0xFFFFFFB0];
	[tilespmem:s11+$0x10] =	vst v3  }
0x205: {  	[tilespmem:s11+$0xFFFFFF10] =	vst v6;
	v3 =	vld [tilespmem:s17+$0x20];
	v4 =	vadd.f32 v9, v4  }
0x206: {  	v6 =	vld [tilespmem:s17+$0xFFFFFF20]  }
0x207: {  	v9 =	vld [tilespmem:s11+$0x30];
	v4 =	vmax.f32 v4, $0.0e+00  }
0x208: {  	v7 =	vadd.f32 v8, v7;
	[tilespmem:s11+$0xA0] =	vst v4;
	v4 =	vld [tilespmem:s11+$0xB0]  }
0x209: {  	v8 =	vld [tilespmem:s17+$0xB0]  }
0x20a: {  	v13 =	vld [tilespmem:s11+$0xFFFFFF40];
	v7 =	vmax.f32 v7, $0.0e+00;
	v3 =	vadd.f32 v3, v5  }
0x20b: {  	v5 =	vadd.f32 v6, v10;
	[tilespmem:s11+$0xFFFFFFA0] =	vst v7;
	v6 =	vld [tilespmem:s11+$0xFFFFFFC0]  }
0x20c: {  	v7 =	vld [tilespmem:s17+$0xFFFFFFB0];
	v3 =	vmax.f32 v3, $0.0e+00  }
0x20d: {  	v5 =	vmax.f32 v5, $0.0e+00;
	[tilespmem:s11+$0x20] =	vst v3;
	v10 =	vld [tilespmem:s11+$0x40]  }
0x20e: {  	[tilespmem:s11+$0xFFFFFF20] =	vst v5;
	v3 =	vld [tilespmem:s17+$0x30];
	v4 =	vadd.f32 v8, v4  }
0x20f: {  	v5 =	vld [tilespmem:s17+$0xFFFFFF30]  }
0x210: {  	v8 =	vld [tilespmem:s11+$0xFFFFFF50];
	v4 =	vmax.f32 v4, $0.0e+00  }
0x211: {  	v7 =	vadd.f32 v7, v12;
	[tilespmem:s11+$0xB0] =	vst v4;
	v4 =	vld [tilespmem:s11+$0xC0]  }
0x212: {  	v12 =	vld [tilespmem:s17+$0xC0]  }
0x213: {  	v7 =	vmax.f32 v7, $0.0e+00;
	v14 =	vld [tilespmem:s11+$0xFFFFFFD0];
	v3 =	vadd.f32 v3, v9  }
0x214: {  	v5 =	vadd.f32 v5, v11;
	[tilespmem:s11+$0xFFFFFFB0] =	vst v7;
	v7 =	vld [tilespmem:s11+$0x50]  }
0x215: {  	v9 =	vld [tilespmem:s17+$0xFFFFFFC0];
	v11 =	vmax.f32 v3, $0.0e+00  }
0x216: {  	v5 =	vmax.f32 v5, $0.0e+00;
	v3 =	vld [tilespmem:s11+$0xFFFFFF60];
	[tilespmem:s11+$0x30] =	vst v11  }
0x217: {  	[tilespmem:s11+$0xFFFFFF30] =	vst v5;
	v5 =	vld [tilespmem:s17+$0x40];
	v11 =	vadd.f32 v12, v4  }
0x218: {  	v12 =	vld [tilespmem:s17+$0xFFFFFF40]  }
0x219: {  	v4 =	vld [tilespmem:s11+$0xFFFFFFE0];
	v11 =	vmax.f32 v11, $0.0e+00  }
0x21a: {  	v6 =	vadd.f32 v9, v6;
	[tilespmem:s11+$0xC0] =	vst v11;
	v9 =	vld [tilespmem:s11+$0xD0]  }
0x21b: {  	v11 =	vld [tilespmem:s17+$0xD0]  }
0x21c: {  	v6 =	vmax.f32 v6, $0.0e+00;
	v10 =	vadd.f32 v5, v10;
	v5 =	vld [tilespmem:s11+$0x60]  }
0x21d: {  	v12 =	vadd.f32 v12, v13;
	[tilespmem:s11+$0xFFFFFFC0] =	vst v6;
	v6 =	vld [tilespmem:s14+$0xFFFFFF70]  }
0x21e: {  	v13 =	vld [tilespmem:s17+$0xFFFFFFD0];
	v10 =	vmax.f32 v10, $0.0e+00  }
0x21f: {  	v12 =	vmax.f32 v12, $0.0e+00;
	[tilespmem:s11+$0x40] =	vst v10;
	v10 =	vld [tilespmem:s14+$0xFFFFFFF0]  }
0x220: {  	[tilespmem:s11+$0xFFFFFF40] =	vst v12;
	v12 =	vld [tilespmem:s17+$0x50];
	v9 =	vadd.f32 v11, v9  }
0x221: {  	v11 =	vld [tilespmem:s17+$0xFFFFFF50]  }
0x222: {  	v9 =	vmax.f32 v9, $0.0e+00;
	v2 =	vadd.f32 v6, v2;
	v6 =	vld [tilespmem:s14+$0x70];
	s14 =	smov.u32 s17  }
0x223: {  	v13 =	vadd.f32 v13, v14;
	[tilespmem:s11+$0xD0] =	vst v9;
	v9 =	vld [tilespmem:s11+$0xE0]  }
0x224: {  	v14 =	vld [tilespmem:s17+$0xE0];
	v15 =	vmax.f32 v2, $0.0e+00;
	v10 =	vadd.f32 v10, v1  }
0x225: {  	v2 =	vld [tilespmem:s11+$0xFFFFFF70];
	v1 =	vmax.f32 v13, $0.0e+00;
	v12 =	vadd.f32 v12, v7;
	[tilespmem:s3+$0xFFFFFF70] =	vst v15  }
0x226: {  	v8 =	vadd.f32 v11, v8;
	[tilespmem:s11+$0xFFFFFFD0] =	vst v1;
	v1 =	vld [tilespmem:s11+$0xFFFFFFF0];
	v10 =	vmax.f32 v10, $0.0e+00  }
.Ltmp4:
0x227: {  	v7 =	vld [tilespmem:s17+$0xFFFFFFE0];
	v11 =	vmax.f32 v12, $0.0e+00;
	[tilespmem:s3+$0xFFFFFFF0] =	vst v10;
	v6 =	vadd.f32 v6, v0;
	(pc) =	sbr.rel @p2 .LBB2_6-.Ltmp4, $4  }
0x228: {  	v8 =	vmax.f32 v8, $0.0e+00;
	[tilespmem:s11+$0x50] =	vst v11;
	v0 =	vld [tilespmem:s11+$0x70]  }
0x229: {  	[tilespmem:s11+$0xFFFFFF50] =	vst v8;
	v8 =	vld [tilespmem:s17+$0x60];
	v10 =	vadd.f32 v14, v9;
	v6 =	vmax.f32 v6, $0.0e+00  }
0x22a: {  	v9 =	vld [tilespmem:s17+$0xFFFFFF60];
	[tilespmem:s3+$0x70] =	vst v6;
	s3 =	smov.u32 s11  }
0x22b: {  	s11 =	sadd.s32 $0x200, s11;
	v10 =	vmax.f32 v10, $0.0e+00;
	v6 =	vld [tilespmem:s3+$0xF0]  }
0x22c: {  	_ = 	snop  }
0x22d: {  	v4 =	vadd.f32 v7, v4  }
0x22e: {  	v5 =	vadd.f32 v8, v5  }
0x22f: {  	[tilespmem:s3+$0xE0] =	vst v10;
	v4 =	vmax.f32 v4, $0.0e+00;
	v3 =	vadd.f32 v9, v3  }
0x230: {  	v58 =	vld [tilespmem:s14+$0xF0];
	[tilespmem:s3+$0xFFFFFFE0] =	vst v4;
	v59 =	vmax.f32 v5, $0.0e+00  }
0x231: {  	v61 =	vld [tilespmem:s14+$0xFFFFFFF0];
	v3 =	vmax.f32 v3, $0.0e+00;
	[tilespmem:s3+$0x60] =	vst v59  }
0x232: {  	[tilespmem:s3+$0xFFFFFF60] =	vst v3;
	v62 =	vld [tilespmem:s14+$0x70]  }
0x233: {  	v60 =	vld [tilespmem:s14+$0xFFFFFF70];
	_ =	sdelay $0x1  }
0x234: {  	v6 =	vadd.f32 v58, v6  }
0x235: {  	v1 =	vadd.f32 v61, v1  }
0x236: {  	v63 =	vmax.f32 v6, $0.0e+00;
	v0 =	vadd.f32 v62, v0  }
0x237: {  	[tilespmem:s3+$0xF0] =	vst v63;
	v1 =	vmax.f32 v1, $0.0e+00;
	v2 =	vadd.f32 v60, v2  }
0x238: {  	[tilespmem:s3+$0xFFFFFFF0] =	vst v1;
	v0 =	vmax.f32 v0, $0.0e+00  }
0x239: {  	v2 =	vmax.f32 v2, $0.0e+00;
	[tilespmem:s3+$0x70] =	vst v0  }
0x23a: {  	[tilespmem:s3+$0xFFFFFF70] =	vst v2  }
0x23b: {  	_ =	swait.ge [sflag:s19], $0x40  }
0x23c: {  	s2 =	simm.s32 $0x13B00;
	[sflag:s19] =	ssyncset.done $0x0  }
0x23d: {  	s29 =	simm.s32 $0x17B80;
	s14 =	simm.s32 $0x0;
	[sflag:s19] =	ssyncadd.s32 $0xFFFFFFC0  }
0x23e: {  	[spmem:s1] =	stream.indirect.scatter.add.f32 [tilespmem:s29], [sflag:$0x9], $0x80, s2, s10, $0xb8;
	[tilespmem:$0x1FB80] =	vst v63  }
.LBB2_8:
0x23f: {  	s2 =	smul.u32 $0x3, s14  }
0x240: {  	s3 =	rddreg [dreg:$0xe]  }
0x241: {  	s2 =	sadd.s32 s3, s2  }
0x242: {  	s16 =	sshll.u32 s2, $0x6  }
0x243: {  	_ =	swait.ge [sflag:s25], $0x2000;
	s2 =	sadd.s32 $0x40, s16  }
0x244: {  	[sflag:s25] =	ssyncset.done $0x0;
	s11 =	sshrl.u32 s2, $0x3  }
0x245: {  	[sflag:s25] =	ssyncadd.s32 $0xFFFFE000;
	s29 =	sadd.s32 $0x80, s16;
	s3 =	sadd.s32 s7, s11  }
0x246: {  	[tilespmem:s24], [sflag:$0xE] =	stream.linear.gather [hbm4b:s3+s4], $0x40, $0x38;
	[tilespmem:$0x1FB80] =	vst v63  }
0x247: {  	s24 =	sadd.s32 s8, s29  }
0x248: {  	s17 =	sshrl.u32 s24, $0x3  }
0x249: {  	s11 =	simm.s32 $0x13980;
	s3 =	sadd.s32 s6, s17  }
0x24a: {  	[tilespmem:s11], [sflag:$0xC] =	stream.linear.gather [hbm4b:s3+s4], $0x40, $0x38;
	[tilespmem:$0x1FB80] =	vst v63  }
0x24b: {  	_ =	swait.ge [sflag:s15], $0x40  }
0x24c: {  	[sflag:s15] =	ssyncset.done $0x0  }
0x24d: {  	s2 =	sadd.s32 s8, s2;
	[sflag:s15] =	ssyncadd.s32 $0xFFFFFFC0  }
0x24e: {  	s2 =	sshll.u32 s2, $0x4;
	s17 =	simm.s32 $0x15B80;
	s11 =	rddreg [dreg:$0x0]  }
0x24f: {  	[tilespmem:s17], [sflag:$0x2] =	stream.indirect.gather [hbm4b:s11+s10], $0x80, s18, s10, $0xb8;
	[tilespmem:$0x1FB80] =	vst v63  }
0x250: {  	s2 =	sadd.s32 s5, s2;
	s18 =	simm.s32 $0x1BB80  }
0x251: {  	[tilespmem:s18], [sflag:$0x5] =	stream.linear.gather [hbm4b:s2+s4], $0x2000, $0x38;
	[tilespmem:$0x1FB80] =	vst v63  }
0x252: {  	_ =	swait.ge [sflag:s21], $0x2000  }
0x253: {  	[sflag:s21] =	ssyncset.done $0x0  }
0x254: {  	[sflag:s21] =	ssyncadd.s32 $0xFFFFE000  }
0x255: {  	_ =	swait.ge [sflag:s22], $0x2000  }
0x256: {  	[sflag:s22] =	ssyncset.done $0x0  }
0x257: {  	s3 =	simm.s32 $0x13C80;
	[sflag:s22] =	ssyncadd.s32 $0xFFFFE000  }
0x258: {  	s17 =	simm.s32 $0x19C80;
	v0 =	vld [tilespmem:s3+$0x80]  }
0x259: {  	v1 =	vld [tilespmem:s17+$0x80]  }
0x25a: {  	v2 =	vld [tilespmem:s17+$0xFFFFFF00]  }
0x25b: {  	v3 =	vld [tilespmem:s3+$0xFFFFFF80]  }
0x25c: {  	v4 =	vld [tilespmem:s17+$0xFFFFFF80]  }
0x25d: {  	v5 =	vld [tilespmem:s17+$0x0]  }
0x25e: {  	v0 =	vadd.f32 v1, v0;
	v1 =	vld [tilespmem:s3+$0x0]  }
0x25f: {  	v6 =	vld [tilespmem:s3+$0xFFFFFF00]  }
0x260: {  	v0 =	vmax.f32 v0, $0.0e+00  }
0x261: {  	v3 =	vadd.f32 v4, v3;
	[tilespmem:s3+$0x80] =	vst v0;
	v0 =	vld [tilespmem:s3+$0x90]  }
0x262: {  	v7 =	vld [tilespmem:s17+$0x90]  }
0x263: {  	v8 =	vld [tilespmem:s3+$0xFFFFFF90];
	v3 =	vmax.f32 v3, $0.0e+00;
	v1 =	vadd.f32 v5, v1  }
0x264: {  	v4 =	vld [tilespmem:s3+$0xFFFFFF10];
	v2 =	vadd.f32 v2, v6;
	[tilespmem:s3+$0xFFFFFF80] =	vst v3  }
0x265: {  	v5 =	vld [tilespmem:s17+$0xFFFFFF90];
	v1 =	vmax.f32 v1, $0.0e+00  }
0x266: {  	v2 =	vmax.f32 v2, $0.0e+00;
	v3 =	vld [tilespmem:s3+$0x10];
	[tilespmem:s3+$0x0] =	vst v1  }
0x267: {  	[tilespmem:s3+$0xFFFFFF00] =	vst v2;
	v0 =	vadd.f32 v7, v0;
	v1 =	vld [tilespmem:s17+$0x10]  }
0x268: {  	v2 =	vld [tilespmem:s17+$0xFFFFFF10]  }
0x269: {  	v0 =	vmax.f32 v0, $0.0e+00  }
0x26a: {  	v5 =	vadd.f32 v5, v8;
	[tilespmem:s3+$0x90] =	vst v0;
	v0 =	vld [tilespmem:s3+$0xA0]  }
0x26b: {  	v7 =	vld [tilespmem:s17+$0xA0]  }
0x26c: {  	v6 =	vld [tilespmem:s3+$0xFFFFFF20];
	v5 =	vmax.f32 v5, $0.0e+00;
	v1 =	vadd.f32 v1, v3  }
0x26d: {  	v2 =	vadd.f32 v2, v4;
	v8 =	vld [tilespmem:s3+$0xFFFFFFA0];
	[tilespmem:s3+$0xFFFFFF90] =	vst v5  }
0x26e: {  	v4 =	vld [tilespmem:s17+$0xFFFFFFA0];
	v1 =	vmax.f32 v1, $0.0e+00  }
0x26f: {  	v2 =	vmax.f32 v2, $0.0e+00;
	v3 =	vld [tilespmem:s3+$0x20];
	[tilespmem:s3+$0x10] =	vst v1  }
0x270: {  	[tilespmem:s3+$0xFFFFFF10] =	vst v2;
	v0 =	vadd.f32 v7, v0;
	v1 =	vld [tilespmem:s17+$0x20]  }
0x271: {  	v2 =	vld [tilespmem:s17+$0xFFFFFF20]  }
0x272: {  	v0 =	vmax.f32 v0, $0.0e+00  }
0x273: {  	v4 =	vadd.f32 v4, v8;
	[tilespmem:s3+$0xA0] =	vst v0;
	v0 =	vld [tilespmem:s3+$0xB0]  }
0x274: {  	v7 =	vld [tilespmem:s17+$0xB0]  }
0x275: {  	v9 =	vld [tilespmem:s3+$0x30];
	v4 =	vmax.f32 v4, $0.0e+00;
	v1 =	vadd.f32 v1, v3  }
0x276: {  	v2 =	vadd.f32 v2, v6;
	v8 =	vld [tilespmem:s3+$0xFFFFFFB0];
	[tilespmem:s3+$0xFFFFFFA0] =	vst v4  }
0x277: {  	v3 =	vld [tilespmem:s17+$0xFFFFFFB0];
	v1 =	vmax.f32 v1, $0.0e+00  }
0x278: {  	v5 =	vld [tilespmem:s3+$0xFFFFFF30];
	[tilespmem:s3+$0x20] =	vst v1;
	v1 =	vmax.f32 v2, $0.0e+00  }
0x279: {  	v0 =	vadd.f32 v7, v0;
	[tilespmem:s3+$0xFFFFFF20] =	vst v1;
	v1 =	vld [tilespmem:s17+$0x30]  }
0x27a: {  	v6 =	vld [tilespmem:s17+$0xFFFFFF30]  }
0x27b: {  	v10 =	vld [tilespmem:s3+$0xFFFFFF40];
	v0 =	vmax.f32 v0, $0.0e+00  }
0x27c: {  	v3 =	vadd.f32 v3, v8;
	[tilespmem:s3+$0xB0] =	vst v0;
	v0 =	vld [tilespmem:s3+$0xC0]  }
0x27d: {  	v7 =	vld [tilespmem:s17+$0xC0]  }
0x27e: {  	v11 =	vld [tilespmem:s3+$0xFFFFFFD0];
	v3 =	vmax.f32 v3, $0.0e+00;
	v1 =	vadd.f32 v1, v9  }
0x27f: {  	v4 =	vld [tilespmem:s3+$0xFFFFFFC0];
	[tilespmem:s3+$0xFFFFFFB0] =	vst v3;
	v5 =	vadd.f32 v6, v5  }
0x280: {  	v6 =	vld [tilespmem:s17+$0xFFFFFFC0];
	v1 =	vmax.f32 v1, $0.0e+00  }
0x281: {  	v2 =	vld [tilespmem:s3+$0x40];
	[tilespmem:s3+$0x30] =	vst v1;
	v1 =	vmax.f32 v5, $0.0e+00  }
0x282: {  	v0 =	vadd.f32 v7, v0;
	v5 =	vld [tilespmem:s17+$0x40];
	[tilespmem:s3+$0xFFFFFF30] =	vst v1  }
0x283: {  	v1 =	vld [tilespmem:s17+$0xFFFFFF40]  }
0x284: {  	v8 =	vld [tilespmem:s3+$0xFFFFFF50];
	v0 =	vmax.f32 v0, $0.0e+00  }
0x285: {  	[tilespmem:s3+$0xC0] =	vst v0;
	v0 =	vadd.f32 v6, v4;
	v6 =	vld [tilespmem:s3+$0xD0]  }
0x286: {  	v7 =	vld [tilespmem:s17+$0xD0]  }
0x287: {  	v3 =	vld [tilespmem:s3+$0xFFFFFF60];
	v0 =	vmax.f32 v0, $0.0e+00;
	v2 =	vadd.f32 v5, v2  }
0x288: {  	v9 =	vld [tilespmem:s3+$0x50];
	[tilespmem:s3+$0xFFFFFFC0] =	vst v0;
	v0 =	vadd.f32 v1, v10  }
0x289: {  	v1 =	vld [tilespmem:s17+$0xFFFFFFD0];
	v2 =	vmax.f32 v2, $0.0e+00  }
0x28a: {  	v4 =	vld [tilespmem:s3+$0xFFFFFFE0];
	[tilespmem:s3+$0x40] =	vst v2;
	v0 =	vmax.f32 v0, $0.0e+00  }
0x28b: {  	v2 =	vld [tilespmem:s17+$0x50];
	v6 =	vadd.f32 v7, v6;
	[tilespmem:s3+$0xFFFFFF40] =	vst v0  }
0x28c: {  	v0 =	vld [tilespmem:s17+$0xFFFFFF50]  }
0x28d: {  	v5 =	vld [tilespmem:s3+$0x60];
	v6 =	vmax.f32 v6, $0.0e+00  }
0x28e: {  	v1 =	vadd.f32 v1, v11;
	[tilespmem:s3+$0xD0] =	vst v6;
	v6 =	vld [tilespmem:s3+$0xE0]  }
0x28f: {  	v10 =	vld [tilespmem:s17+$0xE0]  }
0x290: {  	v1 =	vmax.f32 v1, $0.0e+00;
	v7 =	vadd.f32 v2, v9;
	v2 =	vld [tilespmem:s3+$0xFFFFFF70]  }
0x291: {  	[tilespmem:s3+$0xFFFFFFD0] =	vst v1;
	v0 =	vadd.f32 v0, v8;
	v1 =	vld [tilespmem:s3+$0xFFFFFFF0]  }
0x292: {  	v8 =	vmax.f32 v7, $0.0e+00;
	v7 =	vld [tilespmem:s17+$0xFFFFFFE0]  }
0x293: {  	[tilespmem:s3+$0x50] =	vst v8;
	v8 =	vmax.f32 v0, $0.0e+00;
	v0 =	vld [tilespmem:s3+$0x70]  }
0x294: {  	[tilespmem:s3+$0xFFFFFF50] =	vst v8;
	v8 =	vld [tilespmem:s17+$0x60];
	v6 =	vadd.f32 v10, v6  }
0x295: {  	v9 =	vld [tilespmem:s17+$0xFFFFFF60]  }
0x296: {  	s11 =	simm.s32 $0x0;
	s18 =	simm.s32 $0x13E80;
	s2 =	simm.s32 $0x19C80;
	v10 =	vmax.f32 v6, $0.0e+00;
	v6 =	vld [tilespmem:s3+$0xF0]  }
.LBB2_9:
0x297: {  	v11 =	vld [tilespmem:s18+$0x80];
	v4 =	vadd.f32 v7, v4;
	[tilespmem:s3+$0xE0] =	vst v10  }
0x298: {  	s2 =	sadd.s32 $0x200, s2;
	v7 =	vld [tilespmem:s17+$0xF0]  }
0x299: {  	s11 =	sadd.s32 $0x4, s11;
	v10 =	vld [tilespmem:s2+$0x80];
	v4 =	vmax.f32 v4, $0.0e+00;
	v5 =	vadd.f32 v8, v5  }
0x29a: {  	p2 =	slt.u32 s11, $0x3C;
	v8 =	vld [tilespmem:s2+$0xFFFFFF00];
	v3 =	vadd.f32 v9, v3;
	[tilespmem:s3+$0xFFFFFFE0] =	vst v4  }
0x29b: {  	v4 =	vld [tilespmem:s18+$0xFFFFFF80];
	v5 =	vmax.f32 v5, $0.0e+00  }
0x29c: {  	v9 =	vld [tilespmem:s2+$0xFFFFFF80];
	v3 =	vmax.f32 v3, $0.0e+00;
	[tilespmem:s3+$0x60] =	vst v5  }
0x29d: {  	v5 =	vld [tilespmem:s18+$0x0];
	[tilespmem:s3+$0xFFFFFF60] =	vst v3;
	v3 =	vadd.f32 v7, v6  }
0x29e: {  	v6 =	vld [tilespmem:s2+$0x0];
	v7 =	vadd.f32 v10, v11  }
0x29f: {  	v10 =	vld [tilespmem:s18+$0xFFFFFF00];
	v3 =	vmax.f32 v3, $0.0e+00  }
0x2a0: {  	v11 =	vld [tilespmem:s18+$0xFFFFFF10];
	v7 =	vmax.f32 v7, $0.0e+00;
	[tilespmem:s3+$0xF0] =	vst v3  }
0x2a1: {  	v3 =	vadd.f32 v9, v4;
	[tilespmem:s18+$0x80] =	vst v7;
	v4 =	vld [tilespmem:s18+$0x90]  }
0x2a2: {  	v7 =	vld [tilespmem:s2+$0x90]  }
0x2a3: {  	v3 =	vmax.f32 v3, $0.0e+00;
	v9 =	vld [tilespmem:s18+$0xFFFFFF90];
	v5 =	vadd.f32 v6, v5  }
0x2a4: {  	v6 =	vadd.f32 v8, v10;
	[tilespmem:s18+$0xFFFFFF80] =	vst v3;
	v3 =	vld [tilespmem:s18+$0x10]  }
0x2a5: {  	v8 =	vld [tilespmem:s2+$0xFFFFFF90];
	v5 =	vmax.f32 v5, $0.0e+00  }
0x2a6: {  	v6 =	vmax.f32 v6, $0.0e+00;
	v10 =	vld [tilespmem:s18+$0xFFFFFF20];
	[tilespmem:s18+$0x0] =	vst v5  }
0x2a7: {  	[tilespmem:s18+$0xFFFFFF00] =	vst v6;
	v5 =	vld [tilespmem:s2+$0x10];
	v4 =	vadd.f32 v7, v4  }
0x2a8: {  	v6 =	vld [tilespmem:s2+$0xFFFFFF10]  }
0x2a9: {  	v7 =	vld [tilespmem:s18+$0xFFFFFFA0];
	v4 =	vmax.f32 v4, $0.0e+00  }
0x2aa: {  	v8 =	vadd.f32 v8, v9;
	[tilespmem:s18+$0x90] =	vst v4;
	v4 =	vld [tilespmem:s18+$0xA0]  }
0x2ab: {  	v9 =	vld [tilespmem:s2+$0xA0]  }
0x2ac: {  	v8 =	vmax.f32 v8, $0.0e+00;
	v3 =	vadd.f32 v5, v3;
	v5 =	vld [tilespmem:s18+$0x20]  }
0x2ad: {  	v6 =	vadd.f32 v6, v11;
	v11 =	vld [tilespmem:s18+$0xFFFFFF30];
	[tilespmem:s18+$0xFFFFFF90] =	vst v8  }
0x2ae: {  	v8 =	vld [tilespmem:s2+$0xFFFFFFA0];
	v3 =	vmax.f32 v3, $0.0e+00  }
0x2af: {  	v6 =	vmax.f32 v6, $0.0e+00;
	v12 =	vld [tilespmem:s18+$0xFFFFFFB0];
	[tilespmem:s18+$0x10] =	vst v3  }
0x2b0: {  	[tilespmem:s18+$0xFFFFFF10] =	vst v6;
	v3 =	vld [tilespmem:s2+$0x20];
	v4 =	vadd.f32 v9, v4  }
0x2b1: {  	v6 =	vld [tilespmem:s2+$0xFFFFFF20]  }
0x2b2: {  	v9 =	vld [tilespmem:s18+$0x30];
	v4 =	vmax.f32 v4, $0.0e+00  }
0x2b3: {  	v7 =	vadd.f32 v8, v7;
	[tilespmem:s18+$0xA0] =	vst v4;
	v4 =	vld [tilespmem:s18+$0xB0]  }
0x2b4: {  	v8 =	vld [tilespmem:s2+$0xB0]  }
0x2b5: {  	v13 =	vld [tilespmem:s18+$0xFFFFFF40];
	v7 =	vmax.f32 v7, $0.0e+00;
	v3 =	vadd.f32 v3, v5  }
0x2b6: {  	v5 =	vadd.f32 v6, v10;
	[tilespmem:s18+$0xFFFFFFA0] =	vst v7;
	v6 =	vld [tilespmem:s18+$0xFFFFFFC0]  }
0x2b7: {  	v7 =	vld [tilespmem:s2+$0xFFFFFFB0];
	v3 =	vmax.f32 v3, $0.0e+00  }
0x2b8: {  	v5 =	vmax.f32 v5, $0.0e+00;
	[tilespmem:s18+$0x20] =	vst v3;
	v10 =	vld [tilespmem:s18+$0x40]  }
0x2b9: {  	[tilespmem:s18+$0xFFFFFF20] =	vst v5;
	v3 =	vld [tilespmem:s2+$0x30];
	v4 =	vadd.f32 v8, v4  }
0x2ba: {  	v5 =	vld [tilespmem:s2+$0xFFFFFF30]  }
0x2bb: {  	v8 =	vld [tilespmem:s18+$0xFFFFFF50];
	v4 =	vmax.f32 v4, $0.0e+00  }
0x2bc: {  	v7 =	vadd.f32 v7, v12;
	[tilespmem:s18+$0xB0] =	vst v4;
	v4 =	vld [tilespmem:s18+$0xC0]  }
0x2bd: {  	v12 =	vld [tilespmem:s2+$0xC0]  }
0x2be: {  	v7 =	vmax.f32 v7, $0.0e+00;
	v14 =	vld [tilespmem:s18+$0xFFFFFFD0];
	v3 =	vadd.f32 v3, v9  }
0x2bf: {  	v5 =	vadd.f32 v5, v11;
	[tilespmem:s18+$0xFFFFFFB0] =	vst v7;
	v7 =	vld [tilespmem:s18+$0x50]  }
0x2c0: {  	v9 =	vld [tilespmem:s2+$0xFFFFFFC0];
	v11 =	vmax.f32 v3, $0.0e+00  }
0x2c1: {  	v5 =	vmax.f32 v5, $0.0e+00;
	v3 =	vld [tilespmem:s18+$0xFFFFFF60];
	[tilespmem:s18+$0x30] =	vst v11  }
0x2c2: {  	[tilespmem:s18+$0xFFFFFF30] =	vst v5;
	v5 =	vld [tilespmem:s2+$0x40];
	v11 =	vadd.f32 v12, v4  }
0x2c3: {  	v12 =	vld [tilespmem:s2+$0xFFFFFF40]  }
0x2c4: {  	v4 =	vld [tilespmem:s18+$0xFFFFFFE0];
	v11 =	vmax.f32 v11, $0.0e+00  }
0x2c5: {  	v6 =	vadd.f32 v9, v6;
	[tilespmem:s18+$0xC0] =	vst v11;
	v9 =	vld [tilespmem:s18+$0xD0]  }
0x2c6: {  	v11 =	vld [tilespmem:s2+$0xD0]  }
0x2c7: {  	v6 =	vmax.f32 v6, $0.0e+00;
	v10 =	vadd.f32 v5, v10;
	v5 =	vld [tilespmem:s18+$0x60]  }
0x2c8: {  	v12 =	vadd.f32 v12, v13;
	[tilespmem:s18+$0xFFFFFFC0] =	vst v6;
	v6 =	vld [tilespmem:s17+$0xFFFFFF70]  }
0x2c9: {  	v13 =	vld [tilespmem:s2+$0xFFFFFFD0];
	v10 =	vmax.f32 v10, $0.0e+00  }
0x2ca: {  	v12 =	vmax.f32 v12, $0.0e+00;
	[tilespmem:s18+$0x40] =	vst v10;
	v10 =	vld [tilespmem:s17+$0xFFFFFFF0]  }
0x2cb: {  	[tilespmem:s18+$0xFFFFFF40] =	vst v12;
	v12 =	vld [tilespmem:s2+$0x50];
	v9 =	vadd.f32 v11, v9  }
0x2cc: {  	v11 =	vld [tilespmem:s2+$0xFFFFFF50]  }
0x2cd: {  	v9 =	vmax.f32 v9, $0.0e+00;
	v2 =	vadd.f32 v6, v2;
	v6 =	vld [tilespmem:s17+$0x70];
	s17 =	smov.u32 s2  }
0x2ce: {  	v13 =	vadd.f32 v13, v14;
	[tilespmem:s18+$0xD0] =	vst v9;
	v9 =	vld [tilespmem:s18+$0xE0]  }
0x2cf: {  	v14 =	vld [tilespmem:s2+$0xE0];
	v15 =	vmax.f32 v2, $0.0e+00;
	v10 =	vadd.f32 v10, v1  }
0x2d0: {  	v2 =	vld [tilespmem:s18+$0xFFFFFF70];
	v1 =	vmax.f32 v13, $0.0e+00;
	v12 =	vadd.f32 v12, v7;
	[tilespmem:s3+$0xFFFFFF70] =	vst v15  }
0x2d1: {  	v8 =	vadd.f32 v11, v8;
	[tilespmem:s18+$0xFFFFFFD0] =	vst v1;
	v1 =	vld [tilespmem:s18+$0xFFFFFFF0];
	v10 =	vmax.f32 v10, $0.0e+00  }
.Ltmp5:
0x2d2: {  	v7 =	vld [tilespmem:s2+$0xFFFFFFE0];
	v11 =	vmax.f32 v12, $0.0e+00;
	[tilespmem:s3+$0xFFFFFFF0] =	vst v10;
	v6 =	vadd.f32 v6, v0;
	(pc) =	sbr.rel @p2 .LBB2_9-.Ltmp5, $4  }
0x2d3: {  	v8 =	vmax.f32 v8, $0.0e+00;
	[tilespmem:s18+$0x50] =	vst v11;
	v0 =	vld [tilespmem:s18+$0x70]  }
0x2d4: {  	[tilespmem:s18+$0xFFFFFF50] =	vst v8;
	v8 =	vld [tilespmem:s2+$0x60];
	v10 =	vadd.f32 v14, v9;
	v6 =	vmax.f32 v6, $0.0e+00  }
0x2d5: {  	v9 =	vld [tilespmem:s2+$0xFFFFFF60];
	[tilespmem:s3+$0x70] =	vst v6;
	s3 =	smov.u32 s18  }
0x2d6: {  	s18 =	sadd.s32 $0x200, s18;
	v10 =	vmax.f32 v10, $0.0e+00;
	v6 =	vld [tilespmem:s3+$0xF0]  }
0x2d7: {  	_ =	sdelay $0x2  }
0x2d8: {  	v3 =	vadd.f32 v9, v3  }
0x2d9: {  	v4 =	vadd.f32 v7, v4  }
0x2da: {  	[tilespmem:s3+$0xE0] =	vst v10;
	v5 =	vadd.f32 v8, v5;
	v3 =	vmax.f32 v3, $0.0e+00  }
0x2db: {  	v7 =	vld [tilespmem:s17+$0xF0];
	v4 =	vmax.f32 v4, $0.0e+00;
	[tilespmem:s3+$0xFFFFFF60] =	vst v3  }
0x2dc: {  	[tilespmem:s3+$0xFFFFFFE0] =	vst v4;
	v3 =	vmax.f32 v5, $0.0e+00;
	v4 =	vld [tilespmem:s17+$0xFFFFFF70]  }
0x2dd: {  	[tilespmem:s3+$0x60] =	vst v3;
	v3 =	vld [tilespmem:s17+$0xFFFFFFF0]  }
0x2de: {  	v5 =	vld [tilespmem:s17+$0x70];
	_ =	sdelay $0x1  }
0x2df: {  	v6 =	vadd.f32 v7, v6  }
0x2e0: {  	v2 =	vadd.f32 v4, v2  }
0x2e1: {  	v4 =	vmax.f32 v6, $0.0e+00;
	v1 =	vadd.f32 v3, v1  }
0x2e2: {  	[tilespmem:s3+$0xF0] =	vst v4;
	v0 =	vadd.f32 v5, v0;
	v2 =	vmax.f32 v2, $0.0e+00  }
0x2e3: {  	v1 =	vmax.f32 v1, $0.0e+00;
	[tilespmem:s3+$0xFFFFFF70] =	vst v2  }
0x2e4: {  	[tilespmem:s3+$0xFFFFFFF0] =	vst v1;
	v0 =	vmax.f32 v0, $0.0e+00  }
0x2e5: {  	[tilespmem:s3+$0x70] =	vst v0  }
0x2e6: {  	_ =	swait.ge [sflag:s23], $0x40  }
0x2e7: {  	[sflag:s23] =	ssyncset.done $0x0  }
0x2e8: {  	s2 =	simm.s32 $0x13A00;
	s18 =	simm.s32 $0x13B80;
	[sflag:s23] =	ssyncadd.s32 $0xFFFFFFC0  }
0x2e9: {  	[spmem:s1] =	stream.indirect.scatter.add.f32 [tilespmem:s18], [sflag:$0x7], $0x80, s2, s10, $0xb8;
	[tilespmem:$0x1FB80] =	vst v63  }
0x2ea: {  	s11 =	sshrl.u32 s29, $0x3;
	s3 =	sadd.s32 $0xC0, s16;
	_ =	swait.ge [sflag:s13], $0x2000  }
0x2eb: {  	s17 =	simm.s32 $0x13B00;
	s29 =	sadd.s32 s8, s3;
	[sflag:s13] =	ssyncset.done $0x0  }
0x2ec: {  	s2 =	sadd.s32 s7, s11;
	s18 =	sshrl.u32 s29, $0x3;
	[sflag:s13] =	ssyncadd.s32 $0xFFFFE000  }
0x2ed: {  	[tilespmem:s17], [sflag:$0xF] =	stream.linear.gather [hbm4b:s2+s4], $0x40, $0x38;
	[tilespmem:$0x1FB80] =	vst v63  }
0x2ee: {  	s11 =	simm.s32 $0x13880;
	s2 =	sadd.s32 s6, s18  }
0x2ef: {  	[tilespmem:s11], [sflag:$0xA] =	stream.linear.gather [hbm4b:s2+s4], $0x40, $0x38;
	[tilespmem:$0x1FB80] =	vst v63  }
0x2f0: {  	_ =	swait.ge [sflag:s28], $0x40  }
0x2f1: {  	[sflag:s28] =	ssyncset.done $0x0  }
0x2f2: {  	[sflag:s28] =	ssyncadd.s32 $0xFFFFFFC0  }
0x2f3: {  	s17 =	simm.s32 $0x13980;
	s18 =	simm.s32 $0x17B80;
	s11 =	rddreg [dreg:$0x0]  }
0x2f4: {  	[tilespmem:s18], [sflag:$0x3] =	stream.indirect.gather [hbm4b:s11+s10], $0x80, s17, s10, $0xb8;
	[tilespmem:$0x1FB80] =	vst v63  }
0x2f5: {  	s18 =	sshll.u32 s24, $0x4  }
0x2f6: {  	s24 =	simm.s32 $0x1DB80;
	s2 =	sadd.s32 s5, s18  }
0x2f7: {  	[tilespmem:s24], [sflag:$0x6] =	stream.linear.gather [hbm4b:s2+s4], $0x2000, $0x38;
	[tilespmem:$0x1FB80] =	vst v63  }
0x2f8: {  	_ =	swait.ge [sflag:s31], $0x2000  }
0x2f9: {  	[sflag:s31] =	ssyncset.done $0x0  }
0x2fa: {  	[sflag:s31] =	ssyncadd.s32 $0xFFFFE000  }
0x2fb: {  	_ =	swait.ge [sflag:s0], $0x2000  }
0x2fc: {  	[sflag:s0] =	ssyncset.done $0x0  }
0x2fd: {  	s24 =	simm.s32 $0x15C80;
	[sflag:s0] =	ssyncadd.s32 $0xFFFFE000  }
0x2fe: {  	s17 =	simm.s32 $0x1BC80;
	v0 =	vld [tilespmem:s24+$0x80]  }
0x2ff: {  	v1 =	vld [tilespmem:s17+$0x80]  }
0x300: {  	v2 =	vld [tilespmem:s17+$0xFFFFFF00]  }
0x301: {  	v3 =	vld [tilespmem:s24+$0xFFFFFF80]  }
0x302: {  	v4 =	vld [tilespmem:s17+$0xFFFFFF80]  }
0x303: {  	v5 =	vld [tilespmem:s17+$0x0]  }
0x304: {  	v0 =	vadd.f32 v1, v0;
	v1 =	vld [tilespmem:s24+$0x0]  }
0x305: {  	v6 =	vld [tilespmem:s24+$0xFFFFFF00]  }
0x306: {  	v0 =	vmax.f32 v0, $0.0e+00  }
0x307: {  	v3 =	vadd.f32 v4, v3;
	[tilespmem:s24+$0x80] =	vst v0;
	v0 =	vld [tilespmem:s24+$0x90]  }
0x308: {  	v7 =	vld [tilespmem:s17+$0x90]  }
0x309: {  	v8 =	vld [tilespmem:s24+$0xFFFFFF90];
	v3 =	vmax.f32 v3, $0.0e+00;
	v1 =	vadd.f32 v5, v1  }
0x30a: {  	v4 =	vld [tilespmem:s24+$0xFFFFFF10];
	v2 =	vadd.f32 v2, v6;
	[tilespmem:s24+$0xFFFFFF80] =	vst v3  }
0x30b: {  	v5 =	vld [tilespmem:s17+$0xFFFFFF90];
	v1 =	vmax.f32 v1, $0.0e+00  }
0x30c: {  	v2 =	vmax.f32 v2, $0.0e+00;
	v3 =	vld [tilespmem:s24+$0x10];
	[tilespmem:s24+$0x0] =	vst v1  }
0x30d: {  	[tilespmem:s24+$0xFFFFFF00] =	vst v2;
	v0 =	vadd.f32 v7, v0;
	v1 =	vld [tilespmem:s17+$0x10]  }
0x30e: {  	v2 =	vld [tilespmem:s17+$0xFFFFFF10]  }
0x30f: {  	v0 =	vmax.f32 v0, $0.0e+00  }
0x310: {  	v5 =	vadd.f32 v5, v8;
	[tilespmem:s24+$0x90] =	vst v0;
	v0 =	vld [tilespmem:s24+$0xA0]  }
0x311: {  	v7 =	vld [tilespmem:s17+$0xA0]  }
0x312: {  	v6 =	vld [tilespmem:s24+$0xFFFFFF20];
	v5 =	vmax.f32 v5, $0.0e+00;
	v1 =	vadd.f32 v1, v3  }
0x313: {  	v2 =	vadd.f32 v2, v4;
	v8 =	vld [tilespmem:s24+$0xFFFFFFA0];
	[tilespmem:s24+$0xFFFFFF90] =	vst v5  }
0x314: {  	v4 =	vld [tilespmem:s17+$0xFFFFFFA0];
	v1 =	vmax.f32 v1, $0.0e+00  }
0x315: {  	v2 =	vmax.f32 v2, $0.0e+00;
	v3 =	vld [tilespmem:s24+$0x20];
	[tilespmem:s24+$0x10] =	vst v1  }
0x316: {  	[tilespmem:s24+$0xFFFFFF10] =	vst v2;
	v0 =	vadd.f32 v7, v0;
	v1 =	vld [tilespmem:s17+$0x20]  }
0x317: {  	v2 =	vld [tilespmem:s17+$0xFFFFFF20]  }
0x318: {  	v0 =	vmax.f32 v0, $0.0e+00  }
0x319: {  	v4 =	vadd.f32 v4, v8;
	[tilespmem:s24+$0xA0] =	vst v0;
	v0 =	vld [tilespmem:s24+$0xB0]  }
0x31a: {  	v7 =	vld [tilespmem:s17+$0xB0]  }
0x31b: {  	v9 =	vld [tilespmem:s24+$0x30];
	v4 =	vmax.f32 v4, $0.0e+00;
	v1 =	vadd.f32 v1, v3  }
0x31c: {  	v2 =	vadd.f32 v2, v6;
	v8 =	vld [tilespmem:s24+$0xFFFFFFB0];
	[tilespmem:s24+$0xFFFFFFA0] =	vst v4  }
0x31d: {  	v3 =	vld [tilespmem:s17+$0xFFFFFFB0];
	v1 =	vmax.f32 v1, $0.0e+00  }
0x31e: {  	v5 =	vld [tilespmem:s24+$0xFFFFFF30];
	[tilespmem:s24+$0x20] =	vst v1;
	v1 =	vmax.f32 v2, $0.0e+00  }
0x31f: {  	v0 =	vadd.f32 v7, v0;
	[tilespmem:s24+$0xFFFFFF20] =	vst v1;
	v1 =	vld [tilespmem:s17+$0x30]  }
0x320: {  	v6 =	vld [tilespmem:s17+$0xFFFFFF30]  }
0x321: {  	v10 =	vld [tilespmem:s24+$0xFFFFFF40];
	v0 =	vmax.f32 v0, $0.0e+00  }
0x322: {  	v3 =	vadd.f32 v3, v8;
	[tilespmem:s24+$0xB0] =	vst v0;
	v0 =	vld [tilespmem:s24+$0xC0]  }
0x323: {  	v7 =	vld [tilespmem:s17+$0xC0]  }
0x324: {  	v11 =	vld [tilespmem:s24+$0xFFFFFFD0];
	v3 =	vmax.f32 v3, $0.0e+00;
	v1 =	vadd.f32 v1, v9  }
0x325: {  	v4 =	vld [tilespmem:s24+$0xFFFFFFC0];
	[tilespmem:s24+$0xFFFFFFB0] =	vst v3;
	v5 =	vadd.f32 v6, v5  }
0x326: {  	v6 =	vld [tilespmem:s17+$0xFFFFFFC0];
	v1 =	vmax.f32 v1, $0.0e+00  }
0x327: {  	v2 =	vld [tilespmem:s24+$0x40];
	[tilespmem:s24+$0x30] =	vst v1;
	v1 =	vmax.f32 v5, $0.0e+00  }
0x328: {  	v0 =	vadd.f32 v7, v0;
	v5 =	vld [tilespmem:s17+$0x40];
	[tilespmem:s24+$0xFFFFFF30] =	vst v1  }
0x329: {  	v1 =	vld [tilespmem:s17+$0xFFFFFF40]  }
0x32a: {  	v8 =	vld [tilespmem:s24+$0xFFFFFF50];
	v0 =	vmax.f32 v0, $0.0e+00  }
0x32b: {  	[tilespmem:s24+$0xC0] =	vst v0;
	v0 =	vadd.f32 v6, v4;
	v6 =	vld [tilespmem:s24+$0xD0]  }
0x32c: {  	v7 =	vld [tilespmem:s17+$0xD0]  }
0x32d: {  	v3 =	vld [tilespmem:s24+$0xFFFFFF60];
	v0 =	vmax.f32 v0, $0.0e+00;
	v2 =	vadd.f32 v5, v2  }
0x32e: {  	v9 =	vld [tilespmem:s24+$0x50];
	[tilespmem:s24+$0xFFFFFFC0] =	vst v0;
	v0 =	vadd.f32 v1, v10  }
0x32f: {  	v1 =	vld [tilespmem:s17+$0xFFFFFFD0];
	v2 =	vmax.f32 v2, $0.0e+00  }
0x330: {  	v4 =	vld [tilespmem:s24+$0xFFFFFFE0];
	[tilespmem:s24+$0x40] =	vst v2;
	v0 =	vmax.f32 v0, $0.0e+00  }
0x331: {  	v2 =	vld [tilespmem:s17+$0x50];
	v6 =	vadd.f32 v7, v6;
	[tilespmem:s24+$0xFFFFFF40] =	vst v0  }
0x332: {  	v0 =	vld [tilespmem:s17+$0xFFFFFF50]  }
0x333: {  	v5 =	vld [tilespmem:s24+$0x60];
	v6 =	vmax.f32 v6, $0.0e+00  }
0x334: {  	v1 =	vadd.f32 v1, v11;
	[tilespmem:s24+$0xD0] =	vst v6;
	v6 =	vld [tilespmem:s24+$0xE0]  }
0x335: {  	v10 =	vld [tilespmem:s17+$0xE0]  }
0x336: {  	v1 =	vmax.f32 v1, $0.0e+00;
	v7 =	vadd.f32 v2, v9;
	v2 =	vld [tilespmem:s24+$0xFFFFFF70]  }
0x337: {  	[tilespmem:s24+$0xFFFFFFD0] =	vst v1;
	v0 =	vadd.f32 v0, v8;
	v1 =	vld [tilespmem:s24+$0xFFFFFFF0]  }
0x338: {  	v8 =	vmax.f32 v7, $0.0e+00;
	v7 =	vld [tilespmem:s17+$0xFFFFFFE0]  }
0x339: {  	[tilespmem:s24+$0x50] =	vst v8;
	v8 =	vmax.f32 v0, $0.0e+00;
	v0 =	vld [tilespmem:s24+$0x70]  }
0x33a: {  	[tilespmem:s24+$0xFFFFFF50] =	vst v8;
	v8 =	vld [tilespmem:s17+$0x60];
	v6 =	vadd.f32 v10, v6  }
0x33b: {  	v9 =	vld [tilespmem:s17+$0xFFFFFF60]  }
0x33c: {  	s11 =	simm.s32 $0x0;
	s18 =	simm.s32 $0x15E80;
	s2 =	simm.s32 $0x1BC80;
	v10 =	vmax.f32 v6, $0.0e+00;
	v6 =	vld [tilespmem:s24+$0xF0]  }
.LBB2_11:
0x33d: {  	v11 =	vld [tilespmem:s18+$0x80];
	v4 =	vadd.f32 v7, v4;
	[tilespmem:s24+$0xE0] =	vst v10  }
0x33e: {  	s2 =	sadd.s32 $0x200, s2;
	v7 =	vld [tilespmem:s17+$0xF0]  }
0x33f: {  	s11 =	sadd.s32 $0x4, s11;
	v10 =	vld [tilespmem:s2+$0x80];
	v4 =	vmax.f32 v4, $0.0e+00;
	v5 =	vadd.f32 v8, v5  }
0x340: {  	p2 =	slt.u32 s11, $0x3C;
	v8 =	vld [tilespmem:s2+$0xFFFFFF00];
	v3 =	vadd.f32 v9, v3;
	[tilespmem:s24+$0xFFFFFFE0] =	vst v4  }
0x341: {  	v4 =	vld [tilespmem:s18+$0xFFFFFF80];
	v5 =	vmax.f32 v5, $0.0e+00  }
0x342: {  	v9 =	vld [tilespmem:s2+$0xFFFFFF80];
	v3 =	vmax.f32 v3, $0.0e+00;
	[tilespmem:s24+$0x60] =	vst v5  }
0x343: {  	v5 =	vld [tilespmem:s18+$0x0];
	[tilespmem:s24+$0xFFFFFF60] =	vst v3;
	v3 =	vadd.f32 v7, v6  }
0x344: {  	v6 =	vld [tilespmem:s2+$0x0];
	v7 =	vadd.f32 v10, v11  }
0x345: {  	v10 =	vld [tilespmem:s18+$0xFFFFFF00];
	v3 =	vmax.f32 v3, $0.0e+00  }
0x346: {  	v11 =	vld [tilespmem:s18+$0xFFFFFF10];
	v7 =	vmax.f32 v7, $0.0e+00;
	[tilespmem:s24+$0xF0] =	vst v3  }
0x347: {  	v3 =	vadd.f32 v9, v4;
	[tilespmem:s18+$0x80] =	vst v7;
	v4 =	vld [tilespmem:s18+$0x90]  }
0x348: {  	v7 =	vld [tilespmem:s2+$0x90]  }
0x349: {  	v3 =	vmax.f32 v3, $0.0e+00;
	v9 =	vld [tilespmem:s18+$0xFFFFFF90];
	v5 =	vadd.f32 v6, v5  }
0x34a: {  	v6 =	vadd.f32 v8, v10;
	[tilespmem:s18+$0xFFFFFF80] =	vst v3;
	v3 =	vld [tilespmem:s18+$0x10]  }
0x34b: {  	v8 =	vld [tilespmem:s2+$0xFFFFFF90];
	v5 =	vmax.f32 v5, $0.0e+00  }
0x34c: {  	v6 =	vmax.f32 v6, $0.0e+00;
	v10 =	vld [tilespmem:s18+$0xFFFFFF20];
	[tilespmem:s18+$0x0] =	vst v5  }
0x34d: {  	[tilespmem:s18+$0xFFFFFF00] =	vst v6;
	v5 =	vld [tilespmem:s2+$0x10];
	v4 =	vadd.f32 v7, v4  }
0x34e: {  	v6 =	vld [tilespmem:s2+$0xFFFFFF10]  }
0x34f: {  	v7 =	vld [tilespmem:s18+$0xFFFFFFA0];
	v4 =	vmax.f32 v4, $0.0e+00  }
0x350: {  	v8 =	vadd.f32 v8, v9;
	[tilespmem:s18+$0x90] =	vst v4;
	v4 =	vld [tilespmem:s18+$0xA0]  }
0x351: {  	v9 =	vld [tilespmem:s2+$0xA0]  }
0x352: {  	v8 =	vmax.f32 v8, $0.0e+00;
	v3 =	vadd.f32 v5, v3;
	v5 =	vld [tilespmem:s18+$0x20]  }
0x353: {  	v6 =	vadd.f32 v6, v11;
	v11 =	vld [tilespmem:s18+$0xFFFFFF30];
	[tilespmem:s18+$0xFFFFFF90] =	vst v8  }
0x354: {  	v8 =	vld [tilespmem:s2+$0xFFFFFFA0];
	v3 =	vmax.f32 v3, $0.0e+00  }
0x355: {  	v6 =	vmax.f32 v6, $0.0e+00;
	v12 =	vld [tilespmem:s18+$0xFFFFFFB0];
	[tilespmem:s18+$0x10] =	vst v3  }
0x356: {  	[tilespmem:s18+$0xFFFFFF10] =	vst v6;
	v3 =	vld [tilespmem:s2+$0x20];
	v4 =	vadd.f32 v9, v4  }
0x357: {  	v6 =	vld [tilespmem:s2+$0xFFFFFF20]  }
0x358: {  	v9 =	vld [tilespmem:s18+$0x30];
	v4 =	vmax.f32 v4, $0.0e+00  }
0x359: {  	v7 =	vadd.f32 v8, v7;
	[tilespmem:s18+$0xA0] =	vst v4;
	v4 =	vld [tilespmem:s18+$0xB0]  }
0x35a: {  	v8 =	vld [tilespmem:s2+$0xB0]  }
0x35b: {  	v13 =	vld [tilespmem:s18+$0xFFFFFF40];
	v7 =	vmax.f32 v7, $0.0e+00;
	v3 =	vadd.f32 v3, v5  }
0x35c: {  	v5 =	vadd.f32 v6, v10;
	[tilespmem:s18+$0xFFFFFFA0] =	vst v7;
	v6 =	vld [tilespmem:s18+$0xFFFFFFC0]  }
0x35d: {  	v7 =	vld [tilespmem:s2+$0xFFFFFFB0];
	v3 =	vmax.f32 v3, $0.0e+00  }
0x35e: {  	v5 =	vmax.f32 v5, $0.0e+00;
	[tilespmem:s18+$0x20] =	vst v3;
	v10 =	vld [tilespmem:s18+$0x40]  }
0x35f: {  	[tilespmem:s18+$0xFFFFFF20] =	vst v5;
	v3 =	vld [tilespmem:s2+$0x30];
	v4 =	vadd.f32 v8, v4  }
0x360: {  	v5 =	vld [tilespmem:s2+$0xFFFFFF30]  }
0x361: {  	v8 =	vld [tilespmem:s18+$0xFFFFFF50];
	v4 =	vmax.f32 v4, $0.0e+00  }
0x362: {  	v7 =	vadd.f32 v7, v12;
	[tilespmem:s18+$0xB0] =	vst v4;
	v4 =	vld [tilespmem:s18+$0xC0]  }
0x363: {  	v12 =	vld [tilespmem:s2+$0xC0]  }
0x364: {  	v7 =	vmax.f32 v7, $0.0e+00;
	v14 =	vld [tilespmem:s18+$0xFFFFFFD0];
	v3 =	vadd.f32 v3, v9  }
0x365: {  	v5 =	vadd.f32 v5, v11;
	[tilespmem:s18+$0xFFFFFFB0] =	vst v7;
	v7 =	vld [tilespmem:s18+$0x50]  }
0x366: {  	v9 =	vld [tilespmem:s2+$0xFFFFFFC0];
	v11 =	vmax.f32 v3, $0.0e+00  }
0x367: {  	v5 =	vmax.f32 v5, $0.0e+00;
	v3 =	vld [tilespmem:s18+$0xFFFFFF60];
	[tilespmem:s18+$0x30] =	vst v11  }
0x368: {  	[tilespmem:s18+$0xFFFFFF30] =	vst v5;
	v5 =	vld [tilespmem:s2+$0x40];
	v11 =	vadd.f32 v12, v4  }
0x369: {  	v12 =	vld [tilespmem:s2+$0xFFFFFF40]  }
0x36a: {  	v4 =	vld [tilespmem:s18+$0xFFFFFFE0];
	v11 =	vmax.f32 v11, $0.0e+00  }
0x36b: {  	v6 =	vadd.f32 v9, v6;
	[tilespmem:s18+$0xC0] =	vst v11;
	v9 =	vld [tilespmem:s18+$0xD0]  }
0x36c: {  	v11 =	vld [tilespmem:s2+$0xD0]  }
0x36d: {  	v6 =	vmax.f32 v6, $0.0e+00;
	v10 =	vadd.f32 v5, v10;
	v5 =	vld [tilespmem:s18+$0x60]  }
0x36e: {  	v12 =	vadd.f32 v12, v13;
	[tilespmem:s18+$0xFFFFFFC0] =	vst v6;
	v6 =	vld [tilespmem:s17+$0xFFFFFF70]  }
0x36f: {  	v13 =	vld [tilespmem:s2+$0xFFFFFFD0];
	v10 =	vmax.f32 v10, $0.0e+00  }
0x370: {  	v12 =	vmax.f32 v12, $0.0e+00;
	[tilespmem:s18+$0x40] =	vst v10;
	v10 =	vld [tilespmem:s17+$0xFFFFFFF0]  }
0x371: {  	[tilespmem:s18+$0xFFFFFF40] =	vst v12;
	v12 =	vld [tilespmem:s2+$0x50];
	v9 =	vadd.f32 v11, v9  }
0x372: {  	v11 =	vld [tilespmem:s2+$0xFFFFFF50]  }
0x373: {  	v9 =	vmax.f32 v9, $0.0e+00;
	v2 =	vadd.f32 v6, v2;
	v6 =	vld [tilespmem:s17+$0x70];
	s17 =	smov.u32 s2  }
0x374: {  	v13 =	vadd.f32 v13, v14;
	[tilespmem:s18+$0xD0] =	vst v9;
	v9 =	vld [tilespmem:s18+$0xE0]  }
0x375: {  	v14 =	vld [tilespmem:s2+$0xE0];
	v15 =	vmax.f32 v2, $0.0e+00;
	v10 =	vadd.f32 v10, v1  }
0x376: {  	v2 =	vld [tilespmem:s18+$0xFFFFFF70];
	v1 =	vmax.f32 v13, $0.0e+00;
	v12 =	vadd.f32 v12, v7;
	[tilespmem:s24+$0xFFFFFF70] =	vst v15  }
0x377: {  	v8 =	vadd.f32 v11, v8;
	[tilespmem:s18+$0xFFFFFFD0] =	vst v1;
	v1 =	vld [tilespmem:s18+$0xFFFFFFF0];
	v10 =	vmax.f32 v10, $0.0e+00  }
.Ltmp6:
0x378: {  	v7 =	vld [tilespmem:s2+$0xFFFFFFE0];
	v11 =	vmax.f32 v12, $0.0e+00;
	[tilespmem:s24+$0xFFFFFFF0] =	vst v10;
	v6 =	vadd.f32 v6, v0;
	(pc) =	sbr.rel @p2 .LBB2_11-.Ltmp6, $4  }
0x379: {  	v8 =	vmax.f32 v8, $0.0e+00;
	[tilespmem:s18+$0x50] =	vst v11;
	v0 =	vld [tilespmem:s18+$0x70]  }
0x37a: {  	[tilespmem:s18+$0xFFFFFF50] =	vst v8;
	v8 =	vld [tilespmem:s2+$0x60];
	v10 =	vadd.f32 v14, v9;
	v6 =	vmax.f32 v6, $0.0e+00  }
0x37b: {  	v9 =	vld [tilespmem:s2+$0xFFFFFF60];
	[tilespmem:s24+$0x70] =	vst v6;
	s24 =	smov.u32 s18  }
0x37c: {  	s18 =	sadd.s32 $0x200, s18;
	v10 =	vmax.f32 v10, $0.0e+00;
	v6 =	vld [tilespmem:s24+$0xF0]  }
0x37d: {  	_ =	sdelay $0x2  }
0x37e: {  	v3 =	vadd.f32 v9, v3  }
0x37f: {  	v4 =	vadd.f32 v7, v4  }
0x380: {  	[tilespmem:s24+$0xE0] =	vst v10;
	v5 =	vadd.f32 v8, v5;
	v3 =	vmax.f32 v3, $0.0e+00  }
0x381: {  	v7 =	vld [tilespmem:s17+$0xF0];
	v4 =	vmax.f32 v4, $0.0e+00;
	[tilespmem:s24+$0xFFFFFF60] =	vst v3  }
0x382: {  	[tilespmem:s24+$0xFFFFFFE0] =	vst v4;
	v3 =	vmax.f32 v5, $0.0e+00;
	v4 =	vld [tilespmem:s17+$0xFFFFFF70]  }
0x383: {  	[tilespmem:s24+$0x60] =	vst v3;
	v3 =	vld [tilespmem:s17+$0xFFFFFFF0]  }
0x384: {  	v5 =	vld [tilespmem:s17+$0x70];
	_ =	sdelay $0x1  }
0x385: {  	v6 =	vadd.f32 v7, v6  }
0x386: {  	v2 =	vadd.f32 v4, v2  }
0x387: {  	v4 =	vmax.f32 v6, $0.0e+00;
	v1 =	vadd.f32 v3, v1  }
0x388: {  	[tilespmem:s24+$0xF0] =	vst v4;
	v0 =	vadd.f32 v5, v0;
	v2 =	vmax.f32 v2, $0.0e+00  }
0x389: {  	v1 =	vmax.f32 v1, $0.0e+00;
	[tilespmem:s24+$0xFFFFFF70] =	vst v2  }
0x38a: {  	[tilespmem:s24+$0xFFFFFFF0] =	vst v1;
	v0 =	vmax.f32 v0, $0.0e+00  }
0x38b: {  	[tilespmem:s24+$0x70] =	vst v0  }
0x38c: {  	_ =	swait.ge [sflag:s9], $0x40  }
0x38d: {  	[sflag:s9] =	ssyncset.done $0x0  }
0x38e: {  	s2 =	simm.s32 $0x15B80;
	s24 =	simm.s32 $0x13A80;
	[sflag:s9] =	ssyncadd.s32 $0xFFFFFFC0  }
0x38f: {  	[spmem:s1] =	stream.indirect.scatter.add.f32 [tilespmem:s2], [sflag:$0x8], $0x80, s24, s10, $0xb8;
	[tilespmem:$0x1FB80] =	vst v63  }
0x390: {  	_ =	swait.ge [sflag:s20], $0x2000  }
0x391: {  	s11 =	sshrl.u32 s3, $0x3;
	s17 =	simm.s32 $0x13A00;
	[sflag:s20] =	ssyncset.done $0x0  }
0x392: {  	s2 =	sadd.s32 s7, s11;
	s18 =	rddreg [dreg:$0x14];
	[sflag:s20] =	ssyncadd.s32 $0xFFFFE000  }
0x393: {  	[tilespmem:s17], [sflag:$0xD] =	stream.linear.gather [hbm4b:s2+s4], $0x40, $0x38;
	[tilespmem:$0x1FB80] =	vst v63  }
0x394: {  	s2 =	sadd.s32 s16, s18  }
0x395: {  	s2 =	sshrl.u32 s2, $0x3  }
0x396: {  	s18 =	simm.s32 $0x13900;
	s2 =	sadd.s32 s6, s2  }
0x397: {  	[tilespmem:s18], [sflag:$0xB] =	stream.linear.gather [hbm4b:s2+s4], $0x40, $0x38;
	[tilespmem:$0x1FB80] =	vst v63  }
0x398: {  	_ =	swait.ge [sflag:s26], $0x40  }
0x399: {  	[sflag:s26] =	ssyncset.done $0x0  }
0x39a: {  	s11 =	simm.s32 $0x13B80;
	[sflag:s26] =	ssyncadd.s32 $0xFFFFFFC0  }
0x39b: {  	s16 =	simm.s32 $0x13880;
	s17 =	sshll.u32 s29, $0x4;
	s3 =	rddreg [dreg:$0x0]  }
0x39c: {  	[tilespmem:s11], [sflag:$0x1] =	stream.indirect.gather [hbm4b:s3+s10], $0x80, s16, s10, $0xb8;
	[tilespmem:$0x1FB80] =	vst v63  }
0x39d: {  	s29 =	simm.s32 $0x19B80;
	s2 =	sadd.s32 s5, s17  }
0x39e: {  	[tilespmem:s29], [sflag:$0x4] =	stream.linear.gather [hbm4b:s2+s4], $0x2000, $0x38;
	[tilespmem:$0x1FB80] =	vst v63  }
0x39f: {  	_ =	swait.ge [sflag:s30], $0x2000  }
0x3a0: {  	[sflag:s30] =	ssyncset.done $0x0  }
0x3a1: {  	[sflag:s30] =	ssyncadd.s32 $0xFFFFE000  }
0x3a2: {  	_ =	swait.ge [sflag:s12], $0x2000  }
0x3a3: {  	[sflag:s12] =	ssyncset.done $0x0  }
0x3a4: {  	s3 =	simm.s32 $0x17C80;
	[sflag:s12] =	ssyncadd.s32 $0xFFFFE000  }
0x3a5: {  	s16 =	simm.s32 $0x1DC80;
	v0 =	vld [tilespmem:s3+$0x80]  }
0x3a6: {  	v1 =	vld [tilespmem:s16+$0x80]  }
0x3a7: {  	v2 =	vld [tilespmem:s16+$0xFFFFFF00]  }
0x3a8: {  	v3 =	vld [tilespmem:s3+$0xFFFFFF80]  }
0x3a9: {  	v4 =	vld [tilespmem:s16+$0xFFFFFF80]  }
0x3aa: {  	v5 =	vld [tilespmem:s16+$0x0]  }
0x3ab: {  	v0 =	vadd.f32 v1, v0;
	v1 =	vld [tilespmem:s3+$0x0]  }
0x3ac: {  	v6 =	vld [tilespmem:s3+$0xFFFFFF00]  }
0x3ad: {  	v0 =	vmax.f32 v0, $0.0e+00  }
0x3ae: {  	v3 =	vadd.f32 v4, v3;
	[tilespmem:s3+$0x80] =	vst v0;
	v0 =	vld [tilespmem:s3+$0x90]  }
0x3af: {  	v7 =	vld [tilespmem:s16+$0x90]  }
0x3b0: {  	v8 =	vld [tilespmem:s3+$0xFFFFFF90];
	v3 =	vmax.f32 v3, $0.0e+00;
	v1 =	vadd.f32 v5, v1  }
0x3b1: {  	v4 =	vld [tilespmem:s3+$0xFFFFFF10];
	v2 =	vadd.f32 v2, v6;
	[tilespmem:s3+$0xFFFFFF80] =	vst v3  }
0x3b2: {  	v5 =	vld [tilespmem:s16+$0xFFFFFF90];
	v1 =	vmax.f32 v1, $0.0e+00  }
0x3b3: {  	v2 =	vmax.f32 v2, $0.0e+00;
	v3 =	vld [tilespmem:s3+$0x10];
	[tilespmem:s3+$0x0] =	vst v1  }
0x3b4: {  	[tilespmem:s3+$0xFFFFFF00] =	vst v2;
	v0 =	vadd.f32 v7, v0;
	v1 =	vld [tilespmem:s16+$0x10]  }
0x3b5: {  	v2 =	vld [tilespmem:s16+$0xFFFFFF10]  }
0x3b6: {  	v0 =	vmax.f32 v0, $0.0e+00  }
0x3b7: {  	v5 =	vadd.f32 v5, v8;
	[tilespmem:s3+$0x90] =	vst v0;
	v0 =	vld [tilespmem:s3+$0xA0]  }
0x3b8: {  	v7 =	vld [tilespmem:s16+$0xA0]  }
0x3b9: {  	v6 =	vld [tilespmem:s3+$0xFFFFFF20];
	v5 =	vmax.f32 v5, $0.0e+00;
	v1 =	vadd.f32 v1, v3  }
0x3ba: {  	v2 =	vadd.f32 v2, v4;
	v8 =	vld [tilespmem:s3+$0xFFFFFFA0];
	[tilespmem:s3+$0xFFFFFF90] =	vst v5  }
0x3bb: {  	v4 =	vld [tilespmem:s16+$0xFFFFFFA0];
	v1 =	vmax.f32 v1, $0.0e+00  }
0x3bc: {  	v2 =	vmax.f32 v2, $0.0e+00;
	v3 =	vld [tilespmem:s3+$0x20];
	[tilespmem:s3+$0x10] =	vst v1  }
0x3bd: {  	[tilespmem:s3+$0xFFFFFF10] =	vst v2;
	v0 =	vadd.f32 v7, v0;
	v1 =	vld [tilespmem:s16+$0x20]  }
0x3be: {  	v2 =	vld [tilespmem:s16+$0xFFFFFF20]  }
0x3bf: {  	v0 =	vmax.f32 v0, $0.0e+00  }
0x3c0: {  	v4 =	vadd.f32 v4, v8;
	[tilespmem:s3+$0xA0] =	vst v0;
	v0 =	vld [tilespmem:s3+$0xB0]  }
0x3c1: {  	v7 =	vld [tilespmem:s16+$0xB0]  }
0x3c2: {  	v9 =	vld [tilespmem:s3+$0x30];
	v4 =	vmax.f32 v4, $0.0e+00;
	v1 =	vadd.f32 v1, v3  }
0x3c3: {  	v2 =	vadd.f32 v2, v6;
	v8 =	vld [tilespmem:s3+$0xFFFFFFB0];
	[tilespmem:s3+$0xFFFFFFA0] =	vst v4  }
0x3c4: {  	v3 =	vld [tilespmem:s16+$0xFFFFFFB0];
	v1 =	vmax.f32 v1, $0.0e+00  }
0x3c5: {  	v5 =	vld [tilespmem:s3+$0xFFFFFF30];
	[tilespmem:s3+$0x20] =	vst v1;
	v1 =	vmax.f32 v2, $0.0e+00  }
0x3c6: {  	v0 =	vadd.f32 v7, v0;
	[tilespmem:s3+$0xFFFFFF20] =	vst v1;
	v1 =	vld [tilespmem:s16+$0x30]  }
0x3c7: {  	v6 =	vld [tilespmem:s16+$0xFFFFFF30]  }
0x3c8: {  	v10 =	vld [tilespmem:s3+$0xFFFFFF40];
	v0 =	vmax.f32 v0, $0.0e+00  }
0x3c9: {  	v3 =	vadd.f32 v3, v8;
	[tilespmem:s3+$0xB0] =	vst v0;
	v0 =	vld [tilespmem:s3+$0xC0]  }
0x3ca: {  	v7 =	vld [tilespmem:s16+$0xC0]  }
0x3cb: {  	v11 =	vld [tilespmem:s3+$0xFFFFFFD0];
	v3 =	vmax.f32 v3, $0.0e+00;
	v1 =	vadd.f32 v1, v9  }
0x3cc: {  	v4 =	vld [tilespmem:s3+$0xFFFFFFC0];
	[tilespmem:s3+$0xFFFFFFB0] =	vst v3;
	v5 =	vadd.f32 v6, v5  }
0x3cd: {  	v6 =	vld [tilespmem:s16+$0xFFFFFFC0];
	v1 =	vmax.f32 v1, $0.0e+00  }
0x3ce: {  	v2 =	vld [tilespmem:s3+$0x40];
	[tilespmem:s3+$0x30] =	vst v1;
	v1 =	vmax.f32 v5, $0.0e+00  }
0x3cf: {  	v0 =	vadd.f32 v7, v0;
	v5 =	vld [tilespmem:s16+$0x40];
	[tilespmem:s3+$0xFFFFFF30] =	vst v1  }
0x3d0: {  	v1 =	vld [tilespmem:s16+$0xFFFFFF40]  }
0x3d1: {  	v8 =	vld [tilespmem:s3+$0xFFFFFF50];
	v0 =	vmax.f32 v0, $0.0e+00  }
0x3d2: {  	[tilespmem:s3+$0xC0] =	vst v0;
	v0 =	vadd.f32 v6, v4;
	v6 =	vld [tilespmem:s3+$0xD0]  }
0x3d3: {  	v7 =	vld [tilespmem:s16+$0xD0]  }
0x3d4: {  	v3 =	vld [tilespmem:s3+$0xFFFFFF60];
	v0 =	vmax.f32 v0, $0.0e+00;
	v2 =	vadd.f32 v5, v2  }
0x3d5: {  	v9 =	vld [tilespmem:s3+$0x50];
	[tilespmem:s3+$0xFFFFFFC0] =	vst v0;
	v0 =	vadd.f32 v1, v10  }
0x3d6: {  	v1 =	vld [tilespmem:s16+$0xFFFFFFD0];
	v2 =	vmax.f32 v2, $0.0e+00  }
0x3d7: {  	v4 =	vld [tilespmem:s3+$0xFFFFFFE0];
	[tilespmem:s3+$0x40] =	vst v2;
	v0 =	vmax.f32 v0, $0.0e+00  }
0x3d8: {  	v2 =	vld [tilespmem:s16+$0x50];
	v6 =	vadd.f32 v7, v6;
	[tilespmem:s3+$0xFFFFFF40] =	vst v0  }
0x3d9: {  	v0 =	vld [tilespmem:s16+$0xFFFFFF50]  }
0x3da: {  	v5 =	vld [tilespmem:s3+$0x60];
	v6 =	vmax.f32 v6, $0.0e+00  }
0x3db: {  	v1 =	vadd.f32 v1, v11;
	[tilespmem:s3+$0xD0] =	vst v6;
	v6 =	vld [tilespmem:s3+$0xE0]  }
0x3dc: {  	v10 =	vld [tilespmem:s16+$0xE0]  }
0x3dd: {  	v1 =	vmax.f32 v1, $0.0e+00;
	v7 =	vadd.f32 v2, v9;
	v2 =	vld [tilespmem:s3+$0xFFFFFF70]  }
0x3de: {  	[tilespmem:s3+$0xFFFFFFD0] =	vst v1;
	v0 =	vadd.f32 v0, v8;
	v1 =	vld [tilespmem:s3+$0xFFFFFFF0]  }
0x3df: {  	v8 =	vmax.f32 v7, $0.0e+00;
	v7 =	vld [tilespmem:s16+$0xFFFFFFE0]  }
0x3e0: {  	[tilespmem:s3+$0x50] =	vst v8;
	v8 =	vmax.f32 v0, $0.0e+00;
	v0 =	vld [tilespmem:s3+$0x70]  }
0x3e1: {  	[tilespmem:s3+$0xFFFFFF50] =	vst v8;
	v8 =	vld [tilespmem:s16+$0x60];
	v6 =	vadd.f32 v10, v6  }
0x3e2: {  	v9 =	vld [tilespmem:s16+$0xFFFFFF60]  }
0x3e3: {  	s17 =	simm.s32 $0x17E80;
	s11 =	simm.s32 $0x0;
	s2 =	simm.s32 $0x1DC80;
	v10 =	vmax.f32 v6, $0.0e+00;
	v6 =	vld [tilespmem:s3+$0xF0]  }
.LBB2_13:
0x3e4: {  	v11 =	vld [tilespmem:s17+$0x80];
	v4 =	vadd.f32 v7, v4;
	[tilespmem:s3+$0xE0] =	vst v10  }
0x3e5: {  	s2 =	sadd.s32 $0x200, s2;
	v7 =	vld [tilespmem:s16+$0xF0]  }
0x3e6: {  	s11 =	sadd.s32 $0x4, s11;
	v10 =	vld [tilespmem:s2+$0x80];
	v4 =	vmax.f32 v4, $0.0e+00;
	v5 =	vadd.f32 v8, v5  }
0x3e7: {  	p2 =	slt.u32 s11, $0x3C;
	v8 =	vld [tilespmem:s2+$0xFFFFFF00];
	v3 =	vadd.f32 v9, v3;
	[tilespmem:s3+$0xFFFFFFE0] =	vst v4  }
0x3e8: {  	v4 =	vld [tilespmem:s17+$0xFFFFFF80];
	v5 =	vmax.f32 v5, $0.0e+00  }
0x3e9: {  	v9 =	vld [tilespmem:s2+$0xFFFFFF80];
	v3 =	vmax.f32 v3, $0.0e+00;
	[tilespmem:s3+$0x60] =	vst v5  }
0x3ea: {  	v5 =	vld [tilespmem:s17+$0x0];
	[tilespmem:s3+$0xFFFFFF60] =	vst v3;
	v3 =	vadd.f32 v7, v6  }
0x3eb: {  	v6 =	vld [tilespmem:s2+$0x0];
	v7 =	vadd.f32 v10, v11  }
0x3ec: {  	v10 =	vld [tilespmem:s17+$0xFFFFFF00];
	v3 =	vmax.f32 v3, $0.0e+00  }
0x3ed: {  	v11 =	vld [tilespmem:s17+$0xFFFFFF10];
	v7 =	vmax.f32 v7, $0.0e+00;
	[tilespmem:s3+$0xF0] =	vst v3  }
0x3ee: {  	v3 =	vadd.f32 v9, v4;
	[tilespmem:s17+$0x80] =	vst v7;
	v4 =	vld [tilespmem:s17+$0x90]  }
0x3ef: {  	v7 =	vld [tilespmem:s2+$0x90]  }
0x3f0: {  	v3 =	vmax.f32 v3, $0.0e+00;
	v9 =	vld [tilespmem:s17+$0xFFFFFF90];
	v5 =	vadd.f32 v6, v5  }
0x3f1: {  	v6 =	vadd.f32 v8, v10;
	[tilespmem:s17+$0xFFFFFF80] =	vst v3;
	v3 =	vld [tilespmem:s17+$0x10]  }
0x3f2: {  	v8 =	vld [tilespmem:s2+$0xFFFFFF90];
	v5 =	vmax.f32 v5, $0.0e+00  }
0x3f3: {  	v6 =	vmax.f32 v6, $0.0e+00;
	v10 =	vld [tilespmem:s17+$0xFFFFFF20];
	[tilespmem:s17+$0x0] =	vst v5  }
0x3f4: {  	[tilespmem:s17+$0xFFFFFF00] =	vst v6;
	v5 =	vld [tilespmem:s2+$0x10];
	v4 =	vadd.f32 v7, v4  }
0x3f5: {  	v6 =	vld [tilespmem:s2+$0xFFFFFF10]  }
0x3f6: {  	v7 =	vld [tilespmem:s17+$0xFFFFFFA0];
	v4 =	vmax.f32 v4, $0.0e+00  }
0x3f7: {  	v8 =	vadd.f32 v8, v9;
	[tilespmem:s17+$0x90] =	vst v4;
	v4 =	vld [tilespmem:s17+$0xA0]  }
0x3f8: {  	v9 =	vld [tilespmem:s2+$0xA0]  }
0x3f9: {  	v8 =	vmax.f32 v8, $0.0e+00;
	v3 =	vadd.f32 v5, v3;
	v5 =	vld [tilespmem:s17+$0x20]  }
0x3fa: {  	v6 =	vadd.f32 v6, v11;
	v11 =	vld [tilespmem:s17+$0xFFFFFF30];
	[tilespmem:s17+$0xFFFFFF90] =	vst v8  }
0x3fb: {  	v8 =	vld [tilespmem:s2+$0xFFFFFFA0];
	v3 =	vmax.f32 v3, $0.0e+00  }
0x3fc: {  	v6 =	vmax.f32 v6, $0.0e+00;
	v12 =	vld [tilespmem:s17+$0xFFFFFFB0];
	[tilespmem:s17+$0x10] =	vst v3  }
0x3fd: {  	[tilespmem:s17+$0xFFFFFF10] =	vst v6;
	v3 =	vld [tilespmem:s2+$0x20];
	v4 =	vadd.f32 v9, v4  }
0x3fe: {  	v6 =	vld [tilespmem:s2+$0xFFFFFF20]  }
0x3ff: {  	v9 =	vld [tilespmem:s17+$0x30];
	v4 =	vmax.f32 v4, $0.0e+00  }
0x400: {  	v7 =	vadd.f32 v8, v7;
	[tilespmem:s17+$0xA0] =	vst v4;
	v4 =	vld [tilespmem:s17+$0xB0]  }
0x401: {  	v8 =	vld [tilespmem:s2+$0xB0]  }
0x402: {  	v13 =	vld [tilespmem:s17+$0xFFFFFF40];
	v7 =	vmax.f32 v7, $0.0e+00;
	v3 =	vadd.f32 v3, v5  }
0x403: {  	v5 =	vadd.f32 v6, v10;
	[tilespmem:s17+$0xFFFFFFA0] =	vst v7;
	v6 =	vld [tilespmem:s17+$0xFFFFFFC0]  }
0x404: {  	v7 =	vld [tilespmem:s2+$0xFFFFFFB0];
	v3 =	vmax.f32 v3, $0.0e+00  }
0x405: {  	v5 =	vmax.f32 v5, $0.0e+00;
	[tilespmem:s17+$0x20] =	vst v3;
	v10 =	vld [tilespmem:s17+$0x40]  }
0x406: {  	[tilespmem:s17+$0xFFFFFF20] =	vst v5;
	v3 =	vld [tilespmem:s2+$0x30];
	v4 =	vadd.f32 v8, v4  }
0x407: {  	v5 =	vld [tilespmem:s2+$0xFFFFFF30]  }
0x408: {  	v8 =	vld [tilespmem:s17+$0xFFFFFF50];
	v4 =	vmax.f32 v4, $0.0e+00  }
0x409: {  	v7 =	vadd.f32 v7, v12;
	[tilespmem:s17+$0xB0] =	vst v4;
	v4 =	vld [tilespmem:s17+$0xC0]  }
0x40a: {  	v12 =	vld [tilespmem:s2+$0xC0]  }
0x40b: {  	v7 =	vmax.f32 v7, $0.0e+00;
	v14 =	vld [tilespmem:s17+$0xFFFFFFD0];
	v3 =	vadd.f32 v3, v9  }
0x40c: {  	v5 =	vadd.f32 v5, v11;
	[tilespmem:s17+$0xFFFFFFB0] =	vst v7;
	v7 =	vld [tilespmem:s17+$0x50]  }
0x40d: {  	v9 =	vld [tilespmem:s2+$0xFFFFFFC0];
	v11 =	vmax.f32 v3, $0.0e+00  }
0x40e: {  	v5 =	vmax.f32 v5, $0.0e+00;
	v3 =	vld [tilespmem:s17+$0xFFFFFF60];
	[tilespmem:s17+$0x30] =	vst v11  }
0x40f: {  	[tilespmem:s17+$0xFFFFFF30] =	vst v5;
	v5 =	vld [tilespmem:s2+$0x40];
	v11 =	vadd.f32 v12, v4  }
0x410: {  	v12 =	vld [tilespmem:s2+$0xFFFFFF40]  }
0x411: {  	v4 =	vld [tilespmem:s17+$0xFFFFFFE0];
	v11 =	vmax.f32 v11, $0.0e+00  }
0x412: {  	v6 =	vadd.f32 v9, v6;
	[tilespmem:s17+$0xC0] =	vst v11;
	v9 =	vld [tilespmem:s17+$0xD0]  }
0x413: {  	v11 =	vld [tilespmem:s2+$0xD0]  }
0x414: {  	v6 =	vmax.f32 v6, $0.0e+00;
	v10 =	vadd.f32 v5, v10;
	v5 =	vld [tilespmem:s17+$0x60]  }
0x415: {  	v12 =	vadd.f32 v12, v13;
	[tilespmem:s17+$0xFFFFFFC0] =	vst v6;
	v6 =	vld [tilespmem:s16+$0xFFFFFF70]  }
0x416: {  	v13 =	vld [tilespmem:s2+$0xFFFFFFD0];
	v10 =	vmax.f32 v10, $0.0e+00  }
0x417: {  	v12 =	vmax.f32 v12, $0.0e+00;
	[tilespmem:s17+$0x40] =	vst v10;
	v10 =	vld [tilespmem:s16+$0xFFFFFFF0]  }
0x418: {  	[tilespmem:s17+$0xFFFFFF40] =	vst v12;
	v12 =	vld [tilespmem:s2+$0x50];
	v9 =	vadd.f32 v11, v9  }
0x419: {  	v11 =	vld [tilespmem:s2+$0xFFFFFF50]  }
0x41a: {  	v9 =	vmax.f32 v9, $0.0e+00;
	v2 =	vadd.f32 v6, v2;
	v6 =	vld [tilespmem:s16+$0x70];
	s16 =	smov.u32 s2  }
0x41b: {  	v13 =	vadd.f32 v13, v14;
	[tilespmem:s17+$0xD0] =	vst v9;
	v9 =	vld [tilespmem:s17+$0xE0]  }
0x41c: {  	v14 =	vld [tilespmem:s2+$0xE0];
	v15 =	vmax.f32 v2, $0.0e+00;
	v10 =	vadd.f32 v10, v1  }
0x41d: {  	v2 =	vld [tilespmem:s17+$0xFFFFFF70];
	v1 =	vmax.f32 v13, $0.0e+00;
	v12 =	vadd.f32 v12, v7;
	[tilespmem:s3+$0xFFFFFF70] =	vst v15  }
0x41e: {  	v8 =	vadd.f32 v11, v8;
	[tilespmem:s17+$0xFFFFFFD0] =	vst v1;
	v1 =	vld [tilespmem:s17+$0xFFFFFFF0];
	v10 =	vmax.f32 v10, $0.0e+00  }
.Ltmp7:
0x41f: {  	v7 =	vld [tilespmem:s2+$0xFFFFFFE0];
	v11 =	vmax.f32 v12, $0.0e+00;
	[tilespmem:s3+$0xFFFFFFF0] =	vst v10;
	v6 =	vadd.f32 v6, v0;
	(pc) =	sbr.rel @p2 .LBB2_13-.Ltmp7, $4  }
0x420: {  	v8 =	vmax.f32 v8, $0.0e+00;
	[tilespmem:s17+$0x50] =	vst v11;
	v0 =	vld [tilespmem:s17+$0x70]  }
0x421: {  	[tilespmem:s17+$0xFFFFFF50] =	vst v8;
	v8 =	vld [tilespmem:s2+$0x60];
	v10 =	vadd.f32 v14, v9;
	v6 =	vmax.f32 v6, $0.0e+00  }
0x422: {  	v9 =	vld [tilespmem:s2+$0xFFFFFF60];
	[tilespmem:s3+$0x70] =	vst v6;
	s3 =	smov.u32 s17  }
0x423: {  	s17 =	sadd.s32 $0x200, s17;
	v10 =	vmax.f32 v10, $0.0e+00;
	v6 =	vld [tilespmem:s3+$0xF0]  }
0x424: {  	_ = 	snop  }
0x425: {  	v4 =	vadd.f32 v7, v4  }
0x426: {  	v5 =	vadd.f32 v8, v5  }
0x427: {  	[tilespmem:s3+$0xE0] =	vst v10;
	v4 =	vmax.f32 v4, $0.0e+00;
	v3 =	vadd.f32 v9, v3  }
0x428: {  	v58 =	vld [tilespmem:s16+$0xF0];
	[tilespmem:s3+$0xFFFFFFE0] =	vst v4;
	v59 =	vmax.f32 v5, $0.0e+00  }
0x429: {  	v61 =	vld [tilespmem:s16+$0xFFFFFFF0];
	v3 =	vmax.f32 v3, $0.0e+00;
	[tilespmem:s3+$0x60] =	vst v59  }
0x42a: {  	[tilespmem:s3+$0xFFFFFF60] =	vst v3;
	v62 =	vld [tilespmem:s16+$0x70]  }
0x42b: {  	v60 =	vld [tilespmem:s16+$0xFFFFFF70];
	_ =	sdelay $0x1  }
0x42c: {  	v6 =	vadd.f32 v58, v6  }
0x42d: {  	v1 =	vadd.f32 v61, v1  }
0x42e: {  	v63 =	vmax.f32 v6, $0.0e+00;
	v0 =	vadd.f32 v62, v0  }
0x42f: {  	[tilespmem:s3+$0xF0] =	vst v63;
	v1 =	vmax.f32 v1, $0.0e+00;
	v2 =	vadd.f32 v60, v2  }
0x430: {  	s14 =	sadd.s32 $0x1, s14;
	[tilespmem:s3+$0xFFFFFFF0] =	vst v1;
	v0 =	vmax.f32 v0, $0.0e+00  }
0x431: {  	p2 =	sne.s32 s14, $0x33;
	v2 =	vmax.f32 v2, $0.0e+00;
	[tilespmem:s3+$0x70] =	vst v0  }
.Ltmp8:
0x432: {  	[tilespmem:s3+$0xFFFFFF70] =	vst v2;
	(pc) =	sbr.rel @p2 .LBB2_8-.Ltmp8, $4  }
0x433: {  	_ =	swait.ge [sflag:s19], $0x40  }
0x434: {  	[sflag:s19] =	ssyncset.done $0x0  }
0x435: {  	s2 =	simm.s32 $0x13B00;
	s29 =	simm.s32 $0x17B80;
	[sflag:s19] =	ssyncadd.s32 $0xFFFFFFC0  }
0x436: {  	[spmem:s1] =	stream.indirect.scatter.add.f32 [tilespmem:s29], [sflag:$0x9], $0x80, s2, s10, $0xb8;
	[tilespmem:$0x1FB80] =	vst v63  }
0x437: {  	_ =	swait.ge [sflag:s25], $0x2000  }
0x438: {  	[sflag:s25] =	ssyncset.done $0x0  }
0x439: {  	[sflag:s25] =	ssyncadd.s32 $0xFFFFE000  }
0x43a: {  	_ =	swait.ge [sflag:s13], $0x2000  }
0x43b: {  	[sflag:s13] =	ssyncset.done $0x0  }
0x43c: {  	[sflag:s13] =	ssyncadd.s32 $0xFFFFE000  }
0x43d: {  	_ =	swait.ge [sflag:s21], $0x2000  }
0x43e: {  	[sflag:s21] =	ssyncset.done $0x0  }
0x43f: {  	[sflag:s21] =	ssyncadd.s32 $0xFFFFE000  }
0x440: {  	_ =	swait.ge [sflag:s22], $0x2000  }
0x441: {  	[sflag:s22] =	ssyncset.done $0x0  }
0x442: {  	[sflag:s22] =	ssyncadd.s32 $0xFFFFE000  }
0x443: {  	_ =	swait.ge [sflag:s23], $0x40  }
.Ltmp9:
0x444: {  	[sflag:s23] =	ssyncset.done $0x0;
	(pc) =	sbr.rel @p1 .LBB2_19-.Ltmp9, $4  }
0x445: {  	[sflag:s23] =	ssyncadd.s32 $0xFFFFFFC0  }
0x446: {  	_ =	swait.ge [sflag:s15], $0x40  }
0x447: {  	[sflag:s15] =	ssyncset.done $0x0  }
0x448: {  	[sflag:s15] =	ssyncadd.s32 $0xFFFFFFC0  }
0x449: {  	s2 =	rddreg [dreg:$0x19];
	s3 =	simm.s32 $0x13880  }
0x44a: {  	[tilespmem:s3], [sflag:$0xA] =	stream.linear.gather [hbm4b:s2+s4], $0x40, $0x38;
	[tilespmem:$0x1FB80] =	vst v63  }
0x44b: {  	s29 =	rddreg [dreg:$0x1a];
	s11 =	simm.s32 $0x13A00  }
0x44c: {  	[tilespmem:s11], [sflag:$0xD] =	stream.linear.gather [hbm4b:s29+s4], $0x40, $0x38;
	[tilespmem:$0x1FB80] =	vst v63  }
0x44d: {  	_ =	swait.ge [sflag:s26], $0x40  }
0x44e: {  	[sflag:s26] =	ssyncset.done $0x0  }
0x44f: {  	[sflag:s26] =	ssyncadd.s32 $0xFFFFFFC0  }
0x450: {  	s16 =	simm.s32 $0x13B80;
	s14 =	rddreg [dreg:$0x0]  }
0x451: {  	[tilespmem:s16], [sflag:$0x1] =	stream.indirect.gather [hbm4b:s14+s10], $0x80, s3, s10, $0xb8;
	[tilespmem:$0x1FB80] =	vst v63  }
0x452: {  	s29 =	simm.s32 $0x19B80;
	s17 =	rddreg [dreg:$0x1b]  }
0x453: {  	[tilespmem:s29], [sflag:$0x4] =	stream.linear.gather [hbm4b:s17+s4], $0x2000, $0x38;
	[tilespmem:$0x1FB80] =	vst v63  }
0x454: {  	_ =	swait.ge [sflag:s21], $0x2000  }
0x455: {  	[sflag:s21] =	ssyncset.done $0x0  }
0x456: {  	[sflag:s21] =	ssyncadd.s32 $0xFFFFE000  }
0x457: {  	_ =	swait.ge [sflag:s22], $0x2000  }
0x458: {  	[sflag:s22] =	ssyncset.done $0x0  }
0x459: {  	s3 =	simm.s32 $0x13C80;
	[sflag:s22] =	ssyncadd.s32 $0xFFFFE000  }
0x45a: {  	s14 =	simm.s32 $0x19C80;
	v0 =	vld [tilespmem:s3+$0x80]  }
0x45b: {  	v1 =	vld [tilespmem:s14+$0x80]  }
0x45c: {  	v2 =	vld [tilespmem:s14+$0xFFFFFF00]  }
0x45d: {  	v3 =	vld [tilespmem:s3+$0xFFFFFF80]  }
0x45e: {  	v4 =	vld [tilespmem:s14+$0xFFFFFF80]  }
0x45f: {  	v5 =	vld [tilespmem:s14+$0x0]  }
0x460: {  	v0 =	vadd.f32 v1, v0;
	v1 =	vld [tilespmem:s3+$0x0]  }
0x461: {  	v6 =	vld [tilespmem:s3+$0xFFFFFF00]  }
0x462: {  	v0 =	vmax.f32 v0, $0.0e+00  }
0x463: {  	v3 =	vadd.f32 v4, v3;
	[tilespmem:s3+$0x80] =	vst v0;
	v0 =	vld [tilespmem:s3+$0x90]  }
0x464: {  	v7 =	vld [tilespmem:s14+$0x90]  }
0x465: {  	v8 =	vld [tilespmem:s3+$0xFFFFFF90];
	v3 =	vmax.f32 v3, $0.0e+00;
	v1 =	vadd.f32 v5, v1  }
0x466: {  	v4 =	vld [tilespmem:s3+$0xFFFFFF10];
	v2 =	vadd.f32 v2, v6;
	[tilespmem:s3+$0xFFFFFF80] =	vst v3  }
0x467: {  	v5 =	vld [tilespmem:s14+$0xFFFFFF90];
	v1 =	vmax.f32 v1, $0.0e+00  }
0x468: {  	v2 =	vmax.f32 v2, $0.0e+00;
	v3 =	vld [tilespmem:s3+$0x10];
	[tilespmem:s3+$0x0] =	vst v1  }
0x469: {  	[tilespmem:s3+$0xFFFFFF00] =	vst v2;
	v0 =	vadd.f32 v7, v0;
	v1 =	vld [tilespmem:s14+$0x10]  }
0x46a: {  	v2 =	vld [tilespmem:s14+$0xFFFFFF10]  }
0x46b: {  	v0 =	vmax.f32 v0, $0.0e+00  }
0x46c: {  	v5 =	vadd.f32 v5, v8;
	[tilespmem:s3+$0x90] =	vst v0;
	v0 =	vld [tilespmem:s3+$0xA0]  }
0x46d: {  	v7 =	vld [tilespmem:s14+$0xA0]  }
0x46e: {  	v6 =	vld [tilespmem:s3+$0xFFFFFF20];
	v5 =	vmax.f32 v5, $0.0e+00;
	v1 =	vadd.f32 v1, v3  }
0x46f: {  	v2 =	vadd.f32 v2, v4;
	v8 =	vld [tilespmem:s3+$0xFFFFFFA0];
	[tilespmem:s3+$0xFFFFFF90] =	vst v5  }
0x470: {  	v4 =	vld [tilespmem:s14+$0xFFFFFFA0];
	v1 =	vmax.f32 v1, $0.0e+00  }
0x471: {  	v2 =	vmax.f32 v2, $0.0e+00;
	v3 =	vld [tilespmem:s3+$0x20];
	[tilespmem:s3+$0x10] =	vst v1  }
0x472: {  	[tilespmem:s3+$0xFFFFFF10] =	vst v2;
	v0 =	vadd.f32 v7, v0;
	v1 =	vld [tilespmem:s14+$0x20]  }
0x473: {  	v2 =	vld [tilespmem:s14+$0xFFFFFF20]  }
0x474: {  	v0 =	vmax.f32 v0, $0.0e+00  }
0x475: {  	v4 =	vadd.f32 v4, v8;
	[tilespmem:s3+$0xA0] =	vst v0;
	v0 =	vld [tilespmem:s3+$0xB0]  }
0x476: {  	v7 =	vld [tilespmem:s14+$0xB0]  }
0x477: {  	v9 =	vld [tilespmem:s3+$0x30];
	v4 =	vmax.f32 v4, $0.0e+00;
	v1 =	vadd.f32 v1, v3  }
0x478: {  	v2 =	vadd.f32 v2, v6;
	v8 =	vld [tilespmem:s3+$0xFFFFFFB0];
	[tilespmem:s3+$0xFFFFFFA0] =	vst v4  }
0x479: {  	v3 =	vld [tilespmem:s14+$0xFFFFFFB0];
	v1 =	vmax.f32 v1, $0.0e+00  }
0x47a: {  	v5 =	vld [tilespmem:s3+$0xFFFFFF30];
	[tilespmem:s3+$0x20] =	vst v1;
	v1 =	vmax.f32 v2, $0.0e+00  }
0x47b: {  	v0 =	vadd.f32 v7, v0;
	[tilespmem:s3+$0xFFFFFF20] =	vst v1;
	v1 =	vld [tilespmem:s14+$0x30]  }
0x47c: {  	v6 =	vld [tilespmem:s14+$0xFFFFFF30]  }
0x47d: {  	v10 =	vld [tilespmem:s3+$0xFFFFFF40];
	v0 =	vmax.f32 v0, $0.0e+00  }
0x47e: {  	v3 =	vadd.f32 v3, v8;
	[tilespmem:s3+$0xB0] =	vst v0;
	v0 =	vld [tilespmem:s3+$0xC0]  }
0x47f: {  	v7 =	vld [tilespmem:s14+$0xC0]  }
0x480: {  	v11 =	vld [tilespmem:s3+$0xFFFFFFD0];
	v3 =	vmax.f32 v3, $0.0e+00;
	v1 =	vadd.f32 v1, v9  }
0x481: {  	v4 =	vld [tilespmem:s3+$0xFFFFFFC0];
	[tilespmem:s3+$0xFFFFFFB0] =	vst v3;
	v5 =	vadd.f32 v6, v5  }
0x482: {  	v6 =	vld [tilespmem:s14+$0xFFFFFFC0];
	v1 =	vmax.f32 v1, $0.0e+00  }
0x483: {  	v2 =	vld [tilespmem:s3+$0x40];
	[tilespmem:s3+$0x30] =	vst v1;
	v1 =	vmax.f32 v5, $0.0e+00  }
0x484: {  	v0 =	vadd.f32 v7, v0;
	v5 =	vld [tilespmem:s14+$0x40];
	[tilespmem:s3+$0xFFFFFF30] =	vst v1  }
0x485: {  	v1 =	vld [tilespmem:s14+$0xFFFFFF40]  }
0x486: {  	v8 =	vld [tilespmem:s3+$0xFFFFFF50];
	v0 =	vmax.f32 v0, $0.0e+00  }
0x487: {  	[tilespmem:s3+$0xC0] =	vst v0;
	v0 =	vadd.f32 v6, v4;
	v6 =	vld [tilespmem:s3+$0xD0]  }
0x488: {  	v7 =	vld [tilespmem:s14+$0xD0]  }
0x489: {  	v3 =	vld [tilespmem:s3+$0xFFFFFF60];
	v0 =	vmax.f32 v0, $0.0e+00;
	v2 =	vadd.f32 v5, v2  }
0x48a: {  	v9 =	vld [tilespmem:s3+$0x50];
	[tilespmem:s3+$0xFFFFFFC0] =	vst v0;
	v0 =	vadd.f32 v1, v10  }
0x48b: {  	v1 =	vld [tilespmem:s14+$0xFFFFFFD0];
	v2 =	vmax.f32 v2, $0.0e+00  }
0x48c: {  	v4 =	vld [tilespmem:s3+$0xFFFFFFE0];
	[tilespmem:s3+$0x40] =	vst v2;
	v0 =	vmax.f32 v0, $0.0e+00  }
0x48d: {  	v2 =	vld [tilespmem:s14+$0x50];
	v6 =	vadd.f32 v7, v6;
	[tilespmem:s3+$0xFFFFFF40] =	vst v0  }
0x48e: {  	v0 =	vld [tilespmem:s14+$0xFFFFFF50]  }
0x48f: {  	v5 =	vld [tilespmem:s3+$0x60];
	v6 =	vmax.f32 v6, $0.0e+00  }
0x490: {  	v1 =	vadd.f32 v1, v11;
	[tilespmem:s3+$0xD0] =	vst v6;
	v6 =	vld [tilespmem:s3+$0xE0]  }
0x491: {  	v10 =	vld [tilespmem:s14+$0xE0]  }
0x492: {  	v1 =	vmax.f32 v1, $0.0e+00;
	v7 =	vadd.f32 v2, v9;
	v2 =	vld [tilespmem:s3+$0xFFFFFF70]  }
0x493: {  	[tilespmem:s3+$0xFFFFFFD0] =	vst v1;
	v0 =	vadd.f32 v0, v8;
	v1 =	vld [tilespmem:s3+$0xFFFFFFF0]  }
0x494: {  	v8 =	vmax.f32 v7, $0.0e+00;
	v7 =	vld [tilespmem:s14+$0xFFFFFFE0]  }
0x495: {  	[tilespmem:s3+$0x50] =	vst v8;
	v8 =	vmax.f32 v0, $0.0e+00;
	v0 =	vld [tilespmem:s3+$0x70]  }
0x496: {  	[tilespmem:s3+$0xFFFFFF50] =	vst v8;
	v8 =	vld [tilespmem:s14+$0x60];
	v6 =	vadd.f32 v10, v6  }
0x497: {  	v9 =	vld [tilespmem:s14+$0xFFFFFF60]  }
0x498: {  	s2 =	simm.s32 $0x19C80;
	s11 =	simm.s32 $0x0;
	s16 =	simm.s32 $0x13E80;
	v10 =	vmax.f32 v6, $0.0e+00;
	v6 =	vld [tilespmem:s3+$0xF0]  }
.LBB2_17:
0x499: {  	v11 =	vld [tilespmem:s16+$0x80];
	v4 =	vadd.f32 v7, v4;
	[tilespmem:s3+$0xE0] =	vst v10  }
0x49a: {  	s2 =	sadd.s32 $0x200, s2;
	v7 =	vld [tilespmem:s14+$0xF0]  }
0x49b: {  	s11 =	sadd.s32 $0x4, s11;
	v10 =	vld [tilespmem:s2+$0x80];
	v4 =	vmax.f32 v4, $0.0e+00;
	v5 =	vadd.f32 v8, v5  }
0x49c: {  	p2 =	slt.u32 s11, $0x3C;
	v8 =	vld [tilespmem:s2+$0xFFFFFF00];
	v3 =	vadd.f32 v9, v3;
	[tilespmem:s3+$0xFFFFFFE0] =	vst v4  }
0x49d: {  	v4 =	vld [tilespmem:s16+$0xFFFFFF80];
	v5 =	vmax.f32 v5, $0.0e+00  }
0x49e: {  	v9 =	vld [tilespmem:s2+$0xFFFFFF80];
	v3 =	vmax.f32 v3, $0.0e+00;
	[tilespmem:s3+$0x60] =	vst v5  }
0x49f: {  	v5 =	vld [tilespmem:s16+$0x0];
	[tilespmem:s3+$0xFFFFFF60] =	vst v3;
	v3 =	vadd.f32 v7, v6  }
0x4a0: {  	v6 =	vld [tilespmem:s2+$0x0];
	v7 =	vadd.f32 v10, v11  }
0x4a1: {  	v10 =	vld [tilespmem:s16+$0xFFFFFF00];
	v3 =	vmax.f32 v3, $0.0e+00  }
0x4a2: {  	v11 =	vld [tilespmem:s16+$0xFFFFFF10];
	v7 =	vmax.f32 v7, $0.0e+00;
	[tilespmem:s3+$0xF0] =	vst v3  }
0x4a3: {  	v3 =	vadd.f32 v9, v4;
	[tilespmem:s16+$0x80] =	vst v7;
	v4 =	vld [tilespmem:s16+$0x90]  }
0x4a4: {  	v7 =	vld [tilespmem:s2+$0x90]  }
0x4a5: {  	v3 =	vmax.f32 v3, $0.0e+00;
	v9 =	vld [tilespmem:s16+$0xFFFFFF90];
	v5 =	vadd.f32 v6, v5  }
0x4a6: {  	v6 =	vadd.f32 v8, v10;
	[tilespmem:s16+$0xFFFFFF80] =	vst v3;
	v3 =	vld [tilespmem:s16+$0x10]  }
0x4a7: {  	v8 =	vld [tilespmem:s2+$0xFFFFFF90];
	v5 =	vmax.f32 v5, $0.0e+00  }
0x4a8: {  	v6 =	vmax.f32 v6, $0.0e+00;
	v10 =	vld [tilespmem:s16+$0xFFFFFF20];
	[tilespmem:s16+$0x0] =	vst v5  }
0x4a9: {  	[tilespmem:s16+$0xFFFFFF00] =	vst v6;
	v5 =	vld [tilespmem:s2+$0x10];
	v4 =	vadd.f32 v7, v4  }
0x4aa: {  	v6 =	vld [tilespmem:s2+$0xFFFFFF10]  }
0x4ab: {  	v7 =	vld [tilespmem:s16+$0xFFFFFFA0];
	v4 =	vmax.f32 v4, $0.0e+00  }
0x4ac: {  	v8 =	vadd.f32 v8, v9;
	[tilespmem:s16+$0x90] =	vst v4;
	v4 =	vld [tilespmem:s16+$0xA0]  }
0x4ad: {  	v9 =	vld [tilespmem:s2+$0xA0]  }
0x4ae: {  	v8 =	vmax.f32 v8, $0.0e+00;
	v3 =	vadd.f32 v5, v3;
	v5 =	vld [tilespmem:s16+$0x20]  }
0x4af: {  	v6 =	vadd.f32 v6, v11;
	v11 =	vld [tilespmem:s16+$0xFFFFFF30];
	[tilespmem:s16+$0xFFFFFF90] =	vst v8  }
0x4b0: {  	v8 =	vld [tilespmem:s2+$0xFFFFFFA0];
	v3 =	vmax.f32 v3, $0.0e+00  }
0x4b1: {  	v6 =	vmax.f32 v6, $0.0e+00;
	v12 =	vld [tilespmem:s16+$0xFFFFFFB0];
	[tilespmem:s16+$0x10] =	vst v3  }
0x4b2: {  	[tilespmem:s16+$0xFFFFFF10] =	vst v6;
	v3 =	vld [tilespmem:s2+$0x20];
	v4 =	vadd.f32 v9, v4  }
0x4b3: {  	v6 =	vld [tilespmem:s2+$0xFFFFFF20]  }
0x4b4: {  	v9 =	vld [tilespmem:s16+$0x30];
	v4 =	vmax.f32 v4, $0.0e+00  }
0x4b5: {  	v7 =	vadd.f32 v8, v7;
	[tilespmem:s16+$0xA0] =	vst v4;
	v4 =	vld [tilespmem:s16+$0xB0]  }
0x4b6: {  	v8 =	vld [tilespmem:s2+$0xB0]  }
0x4b7: {  	v13 =	vld [tilespmem:s16+$0xFFFFFF40];
	v7 =	vmax.f32 v7, $0.0e+00;
	v3 =	vadd.f32 v3, v5  }
0x4b8: {  	v5 =	vadd.f32 v6, v10;
	[tilespmem:s16+$0xFFFFFFA0] =	vst v7;
	v6 =	vld [tilespmem:s16+$0xFFFFFFC0]  }
0x4b9: {  	v7 =	vld [tilespmem:s2+$0xFFFFFFB0];
	v3 =	vmax.f32 v3, $0.0e+00  }
0x4ba: {  	v5 =	vmax.f32 v5, $0.0e+00;
	[tilespmem:s16+$0x20] =	vst v3;
	v10 =	vld [tilespmem:s16+$0x40]  }
0x4bb: {  	[tilespmem:s16+$0xFFFFFF20] =	vst v5;
	v3 =	vld [tilespmem:s2+$0x30];
	v4 =	vadd.f32 v8, v4  }
0x4bc: {  	v5 =	vld [tilespmem:s2+$0xFFFFFF30]  }
0x4bd: {  	v8 =	vld [tilespmem:s16+$0xFFFFFF50];
	v4 =	vmax.f32 v4, $0.0e+00  }
0x4be: {  	v7 =	vadd.f32 v7, v12;
	[tilespmem:s16+$0xB0] =	vst v4;
	v4 =	vld [tilespmem:s16+$0xC0]  }
0x4bf: {  	v12 =	vld [tilespmem:s2+$0xC0]  }
0x4c0: {  	v7 =	vmax.f32 v7, $0.0e+00;
	v14 =	vld [tilespmem:s16+$0xFFFFFFD0];
	v3 =	vadd.f32 v3, v9  }
0x4c1: {  	v5 =	vadd.f32 v5, v11;
	[tilespmem:s16+$0xFFFFFFB0] =	vst v7;
	v7 =	vld [tilespmem:s16+$0x50]  }
0x4c2: {  	v9 =	vld [tilespmem:s2+$0xFFFFFFC0];
	v11 =	vmax.f32 v3, $0.0e+00  }
0x4c3: {  	v5 =	vmax.f32 v5, $0.0e+00;
	v3 =	vld [tilespmem:s16+$0xFFFFFF60];
	[tilespmem:s16+$0x30] =	vst v11  }
0x4c4: {  	[tilespmem:s16+$0xFFFFFF30] =	vst v5;
	v5 =	vld [tilespmem:s2+$0x40];
	v11 =	vadd.f32 v12, v4  }
0x4c5: {  	v12 =	vld [tilespmem:s2+$0xFFFFFF40]  }
0x4c6: {  	v4 =	vld [tilespmem:s16+$0xFFFFFFE0];
	v11 =	vmax.f32 v11, $0.0e+00  }
0x4c7: {  	v6 =	vadd.f32 v9, v6;
	[tilespmem:s16+$0xC0] =	vst v11;
	v9 =	vld [tilespmem:s16+$0xD0]  }
0x4c8: {  	v11 =	vld [tilespmem:s2+$0xD0]  }
0x4c9: {  	v6 =	vmax.f32 v6, $0.0e+00;
	v10 =	vadd.f32 v5, v10;
	v5 =	vld [tilespmem:s16+$0x60]  }
0x4ca: {  	v12 =	vadd.f32 v12, v13;
	[tilespmem:s16+$0xFFFFFFC0] =	vst v6;
	v6 =	vld [tilespmem:s14+$0xFFFFFF70]  }
0x4cb: {  	v13 =	vld [tilespmem:s2+$0xFFFFFFD0];
	v10 =	vmax.f32 v10, $0.0e+00  }
0x4cc: {  	v12 =	vmax.f32 v12, $0.0e+00;
	[tilespmem:s16+$0x40] =	vst v10;
	v10 =	vld [tilespmem:s14+$0xFFFFFFF0]  }
0x4cd: {  	[tilespmem:s16+$0xFFFFFF40] =	vst v12;
	v12 =	vld [tilespmem:s2+$0x50];
	v9 =	vadd.f32 v11, v9  }
0x4ce: {  	v11 =	vld [tilespmem:s2+$0xFFFFFF50]  }
0x4cf: {  	v9 =	vmax.f32 v9, $0.0e+00;
	v2 =	vadd.f32 v6, v2;
	v6 =	vld [tilespmem:s14+$0x70];
	s14 =	smov.u32 s2  }
0x4d0: {  	v13 =	vadd.f32 v13, v14;
	[tilespmem:s16+$0xD0] =	vst v9;
	v9 =	vld [tilespmem:s16+$0xE0]  }
0x4d1: {  	v14 =	vld [tilespmem:s2+$0xE0];
	v15 =	vmax.f32 v2, $0.0e+00;
	v10 =	vadd.f32 v10, v1  }
0x4d2: {  	v2 =	vld [tilespmem:s16+$0xFFFFFF70];
	v1 =	vmax.f32 v13, $0.0e+00;
	v12 =	vadd.f32 v12, v7;
	[tilespmem:s3+$0xFFFFFF70] =	vst v15  }
0x4d3: {  	v8 =	vadd.f32 v11, v8;
	[tilespmem:s16+$0xFFFFFFD0] =	vst v1;
	v1 =	vld [tilespmem:s16+$0xFFFFFFF0];
	v10 =	vmax.f32 v10, $0.0e+00  }
.Ltmp10:
0x4d4: {  	v7 =	vld [tilespmem:s2+$0xFFFFFFE0];
	v11 =	vmax.f32 v12, $0.0e+00;
	[tilespmem:s3+$0xFFFFFFF0] =	vst v10;
	v6 =	vadd.f32 v6, v0;
	(pc) =	sbr.rel @p2 .LBB2_17-.Ltmp10, $4  }
0x4d5: {  	v8 =	vmax.f32 v8, $0.0e+00;
	[tilespmem:s16+$0x50] =	vst v11;
	v0 =	vld [tilespmem:s16+$0x70]  }
0x4d6: {  	[tilespmem:s16+$0xFFFFFF50] =	vst v8;
	v8 =	vld [tilespmem:s2+$0x60];
	v10 =	vadd.f32 v14, v9;
	v6 =	vmax.f32 v6, $0.0e+00  }
0x4d7: {  	v9 =	vld [tilespmem:s2+$0xFFFFFF60];
	[tilespmem:s3+$0x70] =	vst v6;
	s3 =	smov.u32 s16  }
0x4d8: {  	s16 =	sadd.s32 $0x200, s16;
	v10 =	vmax.f32 v10, $0.0e+00;
	v6 =	vld [tilespmem:s3+$0xF0]  }
0x4d9: {  	_ = 	snop  }
0x4da: {  	v4 =	vadd.f32 v7, v4  }
0x4db: {  	v5 =	vadd.f32 v8, v5  }
0x4dc: {  	[tilespmem:s3+$0xE0] =	vst v10;
	v4 =	vmax.f32 v4, $0.0e+00;
	v3 =	vadd.f32 v9, v3  }
0x4dd: {  	v58 =	vld [tilespmem:s14+$0xF0];
	[tilespmem:s3+$0xFFFFFFE0] =	vst v4;
	v59 =	vmax.f32 v5, $0.0e+00  }
0x4de: {  	v61 =	vld [tilespmem:s14+$0xFFFFFFF0];
	v3 =	vmax.f32 v3, $0.0e+00;
	[tilespmem:s3+$0x60] =	vst v59  }
0x4df: {  	[tilespmem:s3+$0xFFFFFF60] =	vst v3;
	v62 =	vld [tilespmem:s14+$0x70]  }
0x4e0: {  	v60 =	vld [tilespmem:s14+$0xFFFFFF70];
	_ =	sdelay $0x1  }
0x4e1: {  	v6 =	vadd.f32 v58, v6  }
0x4e2: {  	v1 =	vadd.f32 v61, v1  }
0x4e3: {  	v63 =	vmax.f32 v6, $0.0e+00;
	v0 =	vadd.f32 v62, v0  }
0x4e4: {  	[tilespmem:s3+$0xF0] =	vst v63;
	v1 =	vmax.f32 v1, $0.0e+00;
	v2 =	vadd.f32 v60, v2  }
0x4e5: {  	[tilespmem:s3+$0xFFFFFFF0] =	vst v1;
	v0 =	vmax.f32 v0, $0.0e+00  }
0x4e6: {  	v2 =	vmax.f32 v2, $0.0e+00;
	[tilespmem:s3+$0x70] =	vst v0  }
0x4e7: {  	[tilespmem:s3+$0xFFFFFF70] =	vst v2  }
0x4e8: {  	_ =	swait.ge [sflag:s23], $0x40  }
0x4e9: {  	[sflag:s23] =	ssyncset.done $0x0  }
0x4ea: {  	s2 =	simm.s32 $0x13A00;
	s29 =	simm.s32 $0x13B80;
	[sflag:s23] =	ssyncadd.s32 $0xFFFFFFC0  }
0x4eb: {  	[spmem:s1] =	stream.indirect.scatter.add.f32 [tilespmem:s29], [sflag:$0x7], $0x80, s2, s10, $0xb8;
	[tilespmem:$0x1FB80] =	vst v63  }
.Ltmp11:
0x4ec: {  	_ =	swait.ge [sflag:s20], $0x2000;
	(pc) =	sbr.rel .LBB2_20-.Ltmp11, $3  }
0x4ed: {  	[sflag:s20] =	ssyncset.done $0x0  }
0x4ee: {  	[sflag:s20] =	ssyncadd.s32 $0xFFFFE000  }
0x4ef: {  	[bflag:$0x0] =	sbarrier.arrive $0xFFFF;
	_ =	sdelay $0x1  }
.LBB2_19:
.Ltmp12:
0x4f0: {  	(pc) =	sbr.rel @p0 .LBB2_21-.Ltmp12, $2  }
0x4f1: {  	_ =	sdelay $0x1  }
0x4f2: {  	[bflag:$0x0] =	sbarrier.arrive $0xFFFF;
	_ =	sdelay $0x1  }
.LBB2_20:
0x4f3: {  	s2 =	rddreg [dreg:$0x15]  }
0x4f4: {  	s3 =	rddreg [dreg:$0x4]  }
0x4f5: {  	s11 =	rddreg [dreg:$0xc];
	s29 =	simm.s32 $0x10  }
.Ltmp13:
0x4f6: {  	s2 =	sor.u32 $0x1C10, s2;
	s3 =	sshrl.u32 s3, $0x3;
	(pc) =	sbr.rel .LBB2_22-.Ltmp13, $4  }
0x4f7: {  	[hbm:s11], [sflag:s2] =	dma.local [spmem:s3], $0x2780  }
0x4f8: {  	_ =	swait.ge [sflag:s29], $0x2780  }
0x4f9: {  	[sflag:s29] =	ssyncset.done $0x0  }
0x4fa: {  	s3 =	rddreg [dreg:$0x1e];
	[sflag:s29] =	ssyncadd.s32 $0xFFFFD880  }
.LBB2_23:
0x4fb: {  	_ =	sfence.sel $0x180000  }
0x4fc: {  	[bflag:$0x0] =	sbarrier.arrive $0xFFFF  }
0x4fd: {  	_ =	strace $0x90000047  }
0x4fe: {  	s0 =	stileid.u32;
	[bflag:$0x2] =	sbarrier.arrive $0xFFFF  }
0x4ff: {  	p0 =	sne.s32 s0, $0x0;
	s0 =	rddreg [dreg:$0x3]  }
0x500: {  	s0 =	sadd.s32 @!p0 $0x100000, s0  }
0x501: {  	[sflag:s0] =	ssyncadd.tile.s32 @!p0 $0x1;
	_ =	shalt  }
.Lfunc_end2:
_tile_overlayer_lowered:
.L_overlay_start_2:
0x502: {  	(tag) =	ssettag $0x2  }
0x503: {  	s0 =	rddreg [dreg:$0x0];
	s2 =	stileid.u32  }
0x504: {  	s1 =	rddreg [dreg:$0x1];
	p0 =	sne.s32 s2, $0x0  }
0x505: {  	s3 =	rddreg [dreg:$0x2];
	[bflag:$0x3] =	sbarrier.arrive $0xFFFF;
	s2 =	simm.s32 @!p0 $0x1C10  }
0x506: {  	[timem:s3], [sflag:s2] =	dma.local @!p0 [hbm:s0], s1  }
0x507: {  	s0 =	simm.s32 @!p0 $0x10  }
0x508: {  	_ =	swait.ge @!p0 [sflag:s0], s1  }
0x509: {  	s1 =	ssub.s32 @!p0 $0x0, s1;
	[sflag:s0] =	ssyncset.done @!p0 $0x0  }
0x50a: {  	[sflag:s0] =	ssyncadd.s32 @!p0 s1  }
0x50b: {  	[bflag:$0x3] =	sbarrier.arrive $0xFFFF  }
0x50c: {  	_ =	shalt  }

</sc_bundles>
